<compile_context>
chip_gen: v7x
topology: tpu7x:2x2x1
jax: 0.10.2.dev20260603
libtpu: 0.0.44.dev20260713+nightly
codegen_flags: <defaults>
</compile_context>

<pallas_src>
import functools

import jax
import jax.numpy as jnp
from jax import lax
from jax.experimental import pallas as pl
from jax.experimental.pallas import tpu as pltpu
from jax.experimental.pallas import tpu_sc as plsc

N_KENN_LAYERS = 3
NC = 2
NS = 16
NW = NC * NS
L = 16

RPW = 384
NCH = RPW // 128



def _mlp_body(x_ref, w1_ref, b1_ref, w2_ref, b2_ref, o0_ref, o1_ref, o2_ref):
    h = jnp.maximum(
        jnp.dot(x_ref[...], w1_ref[...], preferred_element_type=jnp.float32)
        + b1_ref[...],
        0.0,
    )
    res = jax.lax.dot_general(
        w2_ref[...], h, (((0,), (1,)), ((), ())),
        preferred_element_type=jnp.float32,
    ) + b2_ref[...]
    o0_ref[...] = res[0]
    o1_ref[...] = res[1]
    o2_ref[...] = res[2]


def _mlp_cols(features, W1, b1, W2, b2):
    n, d = features.shape
    blk = 1024
    grid = (n + blk - 1) // blk
    col = jax.ShapeDtypeStruct((n,), jnp.float32)
    return pl.pallas_call(
        _mlp_body,
        grid=(grid,),
        in_specs=[
            pl.BlockSpec((blk, d), lambda i: (i, 0)),
            pl.BlockSpec((d, W1.shape[1]), lambda i: (0, 0)),
            pl.BlockSpec((1, W1.shape[1]), lambda i: (0, 0)),
            pl.BlockSpec((W1.shape[1], W2.shape[1]), lambda i: (0, 0)),
            pl.BlockSpec((W2.shape[1], 1), lambda i: (0, 0)),
        ],
        out_specs=[
            pl.BlockSpec((blk,), lambda i: (i,)),
            pl.BlockSpec((blk,), lambda i: (i,)),
            pl.BlockSpec((blk,), lambda i: (i,)),
        ],
        out_shape=[col, col, col],
        compiler_params=pltpu.CompilerParams(
            dimension_semantics=("arbitrary",),
        ),
    )(features, W1, b1.reshape(1, -1), W2, b2.reshape(-1, 1))



def _make_winner_kernel(E, M, N):
    EPW = E // NW
    mesh = plsc.VectorSubcoreMesh(
        core_axis_name="c", subcore_axis_name="s", num_cores=NC, num_subcores=NS
    )

    @functools.partial(
        pl.kernel,
        out_type=jax.ShapeDtypeStruct((NW * N,), jnp.int32),
        mesh=mesh,
        compiler_params=pltpu.CompilerParams(needs_layout_passes=False),
        scratch_types=[
            pltpu.VMEM((EPW,), jnp.int32),
            pltpu.VMEM((N,), jnp.int32),
            pltpu.VMEM((EPW + L,), jnp.int32),
            pltpu.VMEM((EPW + L,), jnp.int32),
            pltpu.SemaphoreType.DMA,
        ],
    )
    def winner_kernel(idxxz_hbm, win_hbm, idx_v, win_v, rowc, evc, sem):
        wid = lax.axis_index("s") * NC + lax.axis_index("c")
        pltpu.async_copy(idxxz_hbm.at[pl.ds(wid * EPW, EPW)], idx_v, sem).wait()

        neg1 = jnp.full((L,), -1, jnp.int32)

        def init_body(i, _):
            win_v[pl.ds(i * L, L)] = neg1
            return 0

        lax.fori_loop(0, N // L, init_body, 0)

        lanes = lax.iota(jnp.int32, L)
        ebase = wid * EPW

        def compact_body(i, off):
            v = idx_v[pl.ds(i * L, L)]
            msk = v >= M
            evec = (ebase + i * L) + lanes
            plsc.store_compressed(rowc.at[pl.ds(off, L)], v - M, mask=msk)
            plsc.store_compressed(evc.at[pl.ds(off, L)], evec, mask=msk)
            return off + plsc.all_reduce_population_count(msk)[0]

        total = lax.fori_loop(0, EPW // L, compact_body, 0)

        def settle_body(j, _):
            rows = rowc[pl.ds(j * L, L)]
            evec = evc[pl.ds(j * L, L)]
            lanemask = (j * L + lanes) < total

            def w_cond(b):
                return jnp.max(b) > 0

            def w_body(b):
                plsc.store_scatter(win_v, [rows], evec, mask=b != 0)
                g = plsc.load_gather(win_v, [rows], mask=lanemask)
                return (lanemask & (g < evec)).astype(jnp.int32)

            lax.while_loop(w_cond, w_body, lanemask.astype(jnp.int32))
            return 0

        lax.fori_loop(0, (total + L - 1) // L, settle_body, 0)
        pltpu.sync_copy(win_v, win_hbm.at[pl.ds(wid * N, N)])

    return winner_kernel



def _make_bmerged_kernel(E, M, N):
    mesh = plsc.VectorSubcoreMesh(
        core_axis_name="c", subcore_axis_name="s", num_cores=NC, num_subcores=NS
    )

    @functools.partial(
        pl.kernel,
        out_type=(
            jax.ShapeDtypeStruct((N, 3), jnp.float32),
            jax.ShapeDtypeStruct((N, 3), jnp.float32),
        ),
        mesh=mesh,
        compiler_params=pltpu.CompilerParams(needs_layout_passes=False),
        scratch_types=[
            pltpu.VMEM((NW * RPW,), jnp.int32),
            pltpu.VMEM((RPW,), jnp.int32),
            pltpu.VMEM((RPW,), jnp.int32),
            pltpu.VMEM((RPW,), jnp.int32),
            pltpu.VMEM((RPW,), jnp.int32),
            pltpu.VMEM((RPW,), jnp.float32),
            pltpu.VMEM((RPW,), jnp.float32),
            pltpu.VMEM((RPW,), jnp.float32),
            pltpu.VMEM((RPW,), jnp.float32),
            pltpu.VMEM((RPW,), jnp.float32),
            pltpu.VMEM((RPW,), jnp.float32),
            pltpu.VMEM((RPW,), jnp.float32),
            pltpu.VMEM((RPW,), jnp.float32),
            pltpu.VMEM((RPW,), jnp.float32),
            pltpu.VMEM((RPW, 3), jnp.float32),
            pltpu.VMEM((RPW, 3), jnp.float32),
            pltpu.VMEM((L,), jnp.float32),
            pltpu.SemaphoreType.DMA,
            pltpu.SemaphoreType.DMA,
            pltpu.SemaphoreType.DMA,
        ],
    )
    def b_kernel(win_hbm, ixy_hbm, iyz_hbm, p0_hbm, p1_hbm, p2_hbm, wsp_hbm,
                 out_hbm, soft_hbm,
                 winb, winv, ebuf, gxy, gyz,
                 xy0, xy1, xy2, yz0, yz1, yz2, xz0, xz1, xz2,
                 obf, sbf, wv, sem1, sem2, sem3):
        wid = lax.axis_index("s") * NC + lax.axis_index("c")
        base = jnp.minimum(wid * RPW, N - RPW)
        pcols = (p0_hbm, p1_hbm, p2_hbm)
        xys = (xy0, xy1, xy2)
        yzs = (yz0, yz1, yz2)
        xzs = (xz0, xz1, xz2)

        ds0 = [
            pltpu.async_copy(win_hbm.at[pl.ds(t * N + base, RPW)],
                             winb.at[pl.ds(t * RPW, RPW)], sem1)
            for t in range(NW)
        ]
        ds0.append(pltpu.async_copy(wsp_hbm, wv, sem1))
        for c in range(3):
            ds0.append(pltpu.async_copy(pcols[c].at[pl.ds(M + base, RPW)],
                                        xzs[c], sem1))
        for d in ds0:
            d.wait()

        def red_body(i, _):
            acc = jnp.full((L,), -1, jnp.int32)
            for t in range(NW):
                acc = jnp.maximum(acc, winb[pl.ds(t * RPW + i * L, L)])
            winv[pl.ds(i * L, L)] = acc
            ebuf[pl.ds(i * L, L)] = jnp.maximum(acc, 0)
            return 0

        lax.fori_loop(0, RPW // L, red_body, 0)

        ds1 = []
        for j in range(NCH):
            sl = pl.ds(j * 128, 128)
            ds1.append(pltpu.async_copy(ixy_hbm.at[ebuf.at[sl]], gxy.at[sl], sem2))
            ds1.append(pltpu.async_copy(iyz_hbm.at[ebuf.at[sl]], gyz.at[sl], sem2))
        for d in ds1:
            d.wait()

        chunk_descs = []
        for j in range(NCH):
            sl = pl.ds(j * 128, 128)
            cds = []
            for c in range(3):
                cds.append(pltpu.async_copy(pcols[c].at[gxy.at[sl]],
                                            xys[c].at[sl], sem3))
                cds.append(pltpu.async_copy(pcols[c].at[gyz.at[sl]],
                                            yzs[c].at[sl], sem3))
            chunk_descs.append(cds)

        wvec = wv[...]
        ws = [wvec[k] for k in range(N_KENN_LAYERS * 3)]
        lanes = lax.iota(jnp.int32, L)
        vec_per_chunk = 128 // L

        def compute_body(i, _):
            sl = pl.ds(i * L, L)
            rows16 = i * L + lanes
            has = winv[sl] >= 0
            xy = [xys[c][sl] for c in range(3)]
            yz = [yzs[c][sl] for c in range(3)]
            xz = [xzs[c][sl] for c in range(3)]
            xz_orig = list(xz)
            for l in range(N_KENN_LAYERS):
                for c in range(3):
                    a, b, dd = -xy[c], -yz[c], xz[c]
                    w = ws[l * 3 + c]
                    win0 = (a >= b) & (a >= dd)
                    win1 = (~win0) & (b >= dd)
                    win2 = ~(win0 | win1)
                    xy[c] = xy[c] - jnp.where(win0, w, 0.0)
                    yz[c] = yz[c] - jnp.where(win1, w, 0.0)
                    xz[c] = xz[c] + jnp.where(win2, w, 0.0)
            o = [jnp.where(has, xz[c], xz_orig[c]) for c in range(3)]
            m = jnp.maximum(jnp.maximum(o[0], o[1]), o[2])
            ex = [jnp.exp(o[c] - m) for c in range(3)]
            ssum = ex[0] + ex[1] + ex[2]
            for c in range(3):
                cvec = jnp.full((L,), c, jnp.int32)
                plsc.store_scatter(obf, [rows16, cvec], o[c])
                plsc.store_scatter(sbf, [rows16, cvec], ex[c] / ssum)
            return 0

        for j in range(NCH):
            for d in chunk_descs[j]:
                d.wait()
            lax.fori_loop(j * vec_per_chunk, (j + 1) * vec_per_chunk,
                          compute_body, 0)

        pltpu.sync_copy(obf, out_hbm.at[pl.ds(base, RPW), :])
        pltpu.sync_copy(sbf, soft_hbm.at[pl.ds(base, RPW), :])

    return b_kernel



def kernel(features, within_preactivations, index_xy, index_yz, index_xz,
           W1, b1, W2, b2, clause_weights):
    M = within_preactivations.shape[0]
    N = features.shape[0]
    E = index_xz.shape[0]

    a0, a1, a2 = _mlp_cols(features, W1, b1, W2, b2)
    p0 = jnp.concatenate([within_preactivations[:, 0], a0])
    p1 = jnp.concatenate([within_preactivations[:, 1], a1])
    p2 = jnp.concatenate([within_preactivations[:, 2], a2])

    wsp = jax.nn.softplus(clause_weights).reshape(-1)
    wsp16 = jnp.zeros((L,), jnp.float32).at[: wsp.shape[0]].set(wsp)

    winners = _make_winner_kernel(E, M, N)(index_xz)
    out, soft = _make_bmerged_kernel(E, M, N)(
        winners, index_xy, index_yz, p0, p1, p2, wsp16
    )
    return (out, soft)

# --- scband reference (transcript-rebuilt; emitter-appended) ---
"""Pipeline reference for scband-kenn-across-29661044146692 (READ-ONLY COPY).

The authoritative reference and input builder live on the scoring server;
editing this copy changes nothing except your own understanding.
"""

import jax, jax.numpy as jnp
import numpy as np

N_LAYERS = 3


def _kenn_layer(unary, cw):
    # unary: [E, 9] = [xy(3) | yz(3) | xz(3)] preactivations
    # One transitivity clause per class c: (NOT xy_c) OR (NOT yz_c) OR (xz_c).
    # Godel boost residuum: boost only the literal with the highest
    # truth preactivation by the (positive) clause weight.
    signs = jnp.array([-1.0, -1.0, 1.0], dtype=jnp.float32)
    delta = jnp.zeros_like(unary)
    for c in range(3):
        cols = jnp.array([c, 3 + c, 6 + c])
        lits = unary[:, cols] * signs  # literal preactivations
        w = jax.nn.softplus(cw[c])
        onehot = jax.nn.one_hot(jnp.argmax(lits, axis=1), 3, dtype=unary.dtype)
        d = onehot * w * signs  # back to preactivation space
        delta = delta.at[:, cols].add(d)
    return unary + delta


def _mlp_preact(x, W1, b1, W2, b2):
    # MLP_across.preactivations; dropout is identity in eval mode
    h = jax.nn.relu(x @ W1 + b1)
    return h @ W2 + b2


def setup_inputs(seed: int = 0) -> dict:
    key = jax.random.key(seed)
    ks = jax.random.split(key, 10)
    N, M, E, D = 10000, 100000, 320000, 128
    features = jax.random.normal(ks[0], (N, D), dtype=jnp.float32)
    within = jax.random.normal(ks[1], (M, 3), dtype=jnp.float32)
    idx_xy = jax.random.randint(ks[2], (E,), 0, M + N)
    idx_yz = jax.random.randint(ks[3], (E,), 0, M + N)
    idx_xz = jax.random.randint(ks[4], (E,), 0, M + N)
    W1 = jax.random.normal(ks[5], (D, 1024), dtype=jnp.float32) / np.sqrt(D)
    b1 = jnp.zeros((1024,), dtype=jnp.float32)
    W2 = jax.random.normal(ks[6], (1024, 3), dtype=jnp.float32) / np.sqrt(1024.0)
    b2 = jnp.zeros((3,), dtype=jnp.float32)
    cw = jax.random.uniform(ks[7], (N_LAYERS, 3), dtype=jnp.float32)
    return {"features": features, "within_preactivations": within,
            "index_xy": idx_xy, "index_yz": idx_yz, "index_xz": idx_xz,
            "W1": W1, "b1": b1, "W2": W2, "b2": b2, "clause_weights": cw}


def reference(features, within_preactivations, index_xy, index_yz, index_xz,
              W1, b1, W2, b2, clause_weights):
    across = _mlp_preact(features, W1, b1, W2, b2)
    pre = jnp.concatenate([within_preactivations[:, :3], across], axis=0)
    xy = pre[index_xy]
    yz = pre[index_yz]
    xz = pre[index_xz]
    unary = jnp.concatenate([xy, yz, xz], axis=1)
    for l in range(N_LAYERS):
        unary = _kenn_layer(unary, clause_weights[l])
    pre = pre.at[index_xz].set(unary[:, 6:])
    M = within_preactivations.shape[0]
    out = pre[M:]
    return (out, jax.nn.softmax(out, axis=1))

if __name__ == "__main__":
    import jax
    _d = setup_inputs()
    print(jax.jit(kernel)(*tuple(_d.values())))

</pallas_src>

<mosaic_0001>
#map = affine_map<(d0, d1) -> (0)>
module attributes {stable_mosaic.version = 14 : i64} {
  func.func @winner_kernel(%arg0: i32, %arg1: i32, %arg2: memref<320000xi32, #tpu.memory_space<hbm>>, %arg3: memref<320000xi32, #tpu.memory_space<hbm>>, %arg4: memref<10000xi32, #tpu.memory_space<vmem>>, %arg5: memref<10000xi32, #tpu.memory_space<vmem>>, %arg6: memref<10016xi32, #tpu.memory_space<vmem>>, %arg7: memref<10016xi32, #tpu.memory_space<vmem>>, %arg8: memref<!tpu.dma_semaphore, #tpu.memory_space<semaphore_mem>>) attributes {dimension_semantics = [#tpu.dimension_semantics<core_parallel>, #tpu.dimension_semantics<subcore_parallel>], iteration_bounds = array<i64: 2, 16>, scalar_prefetch = 0 : i64, scratch_operands = 5 : i64, tpu.core_type = #tpu.core_type<sc_vector_subcore>, window_params = [{transform_indices = #map}, {transform_indices = #map}]} {
    %mul3A = arith.constant 2 : i32
    %mul3A_0 = arith.muli %arg1, %mul3A : i32
    %add3A = arith.addi %mul3A_0, %arg0 : i32
    %mul3A_1 = arith.constant 10000 : i32
    %mul3A_2 = arith.muli %add3A, %mul3A_1 : i32
    %dma_start3A = tpu.memref_slice %arg2[%mul3A_2] : memref<320000xi32, #tpu.memory_space<hbm>> -> memref<10000xi32, #tpu.memory_space<hbm>>
    %dma_start3A_3 = tpu.memref_slice %arg2[%mul3A_2] : memref<320000xi32, #tpu.memory_space<hbm>> -> memref<10000xi32, #tpu.memory_space<hbm>>
    tpu.enqueue_dma source(%dma_start3A_3 : memref<10000xi32, #tpu.memory_space<hbm>>) target(%arg4 : memref<10000xi32, #tpu.memory_space<vmem>>) target_semaphore(%arg8 : memref<!tpu.dma_semaphore, #tpu.memory_space<semaphore_mem>>)
    %dma_wait3A = tpu.memref_slice %arg2[%mul3A_2] : memref<320000xi32, #tpu.memory_space<hbm>> -> memref<10000xi32, #tpu.memory_space<hbm>>
    %dma_wait3A_4 = tpu.memref_slice %arg2[%mul3A_2] : memref<320000xi32, #tpu.memory_space<hbm>> -> memref<10000xi32, #tpu.memory_space<hbm>>
    tpu.wait_dma2 semaphore(%arg8 : memref<!tpu.dma_semaphore, #tpu.memory_space<semaphore_mem>>) src(%dma_wait3A_4 : memref<10000xi32, #tpu.memory_space<hbm>>) dst(%arg4 : memref<10000xi32, #tpu.memory_space<vmem>>)
    %broadcast_in_dim3A = arith.constant -1 : i32
    %broadcast_in_dim3A_5 = vector.broadcast %broadcast_in_dim3A : i32 to vector<16xi32>
    %scan3A = arith.constant 0 : i32
    %scan3A_6 = arith.constant 0 : i32
    %scan3A_7 = arith.constant 625 : i32
    %scan3A_8 = arith.addi %scan3A_6, %scan3A_7 : i32
    %scan3A_9 = arith.constant 1 : i32
    %scan3A_10 = scf.for %scan3A_54 = %scan3A_6 to %scan3A_8 step %scan3A_9 iter_args(%scan3A_55 = %scan3A) -> (i32)  : i32 {
      %mul3A_56 = arith.constant 16 : i32
      %mul3A_57 = arith.muli %scan3A_54, %mul3A_56 : i32
      %swap3A = arith.index_cast %mul3A_57 : i32 to index
      %swap3A_58 = tpu.vector_load %arg5[%swap3A] {strides = array<i32>} : memref<10000xi32, #tpu.memory_space<vmem>>, vector<16xi32>,
      tpu.vector_store %arg5[%swap3A], %broadcast_in_dim3A_5 {strides = array<i32>} : memref<10000xi32, #tpu.memory_space<vmem>>, vector<16xi32>,
      %scan3A_59 = arith.constant 0 : i32
      scf.yield %scan3A_59 : i32
    }
    %scan3A_11 = arith.constant 625 : i32
    %iota3A = tpu.iota {dimensions = array<i32: 0>} : vector<16xi32>
    %mul3A_12 = arith.constant 10000 : i32
    %mul3A_13 = arith.muli %add3A, %mul3A_12 : i32
    %scan3A_14 = arith.constant 0 : i32
    %scan3A_15 = arith.constant 0 : i32
    %scan3A_16 = arith.constant 625 : i32
    %scan3A_17 = arith.addi %scan3A_15, %scan3A_16 : i32
    %scan3A_18 = arith.constant 1 : i32
    %scan3A_19 = scf.for %scan3A_54 = %scan3A_15 to %scan3A_17 step %scan3A_18 iter_args(%scan3A_55 = %scan3A_14) -> (i32)  : i32 {
      %mul3A_56 = arith.constant 16 : i32
      %mul3A_57 = arith.muli %scan3A_54, %mul3A_56 : i32
      %get3A = arith.index_cast %mul3A_57 : i32 to index
      %get3A_58 = tpu.vector_load %arg4[%get3A] {strides = array<i32>} : memref<10000xi32, #tpu.memory_space<vmem>>, vector<16xi32>,
      %ge3A = arith.constant 100000 : i32
      %ge3A_59 = vector.broadcast %ge3A : i32 to vector<16xi32>
      %ge3A_60 = arith.cmpi sge, %get3A_58, %ge3A_59 : vector<16xi32>
      %mul3A_61 = arith.constant 16 : i32
      %mul3A_62 = arith.muli %scan3A_54, %mul3A_61 : i32
      %add3A_63 = arith.addi %mul3A_13, %mul3A_62 : i32
      %add3A_64 = vector.broadcast %add3A_63 : i32 to vector<16xi32>
      %add3A_65 = arith.addi %add3A_64, %iota3A : vector<16xi32>
      %sub3A_66 = arith.constant 100000 : i32
      %sub3A_67 = vector.broadcast %sub3A_66 : i32 to vector<16xi32>
      %sub3A_68 = arith.subi %get3A_58, %sub3A_67 : vector<16xi32>
      %swap3A = arith.index_cast %scan3A_55 : i32 to index
      %swap3A_69 = tpu.vector_load %arg6[%swap3A] masked %ge3A_60 {strides = array<i32>} : memref<10016xi32, #tpu.memory_space<vmem>>, vector<16xi32>, vector<16xi1>
      tpu.vector_store %arg6[%swap3A], %sub3A_68 masked %ge3A_60 {strides = array<i32>} : memref<10016xi32, #tpu.memory_space<vmem>>, vector<16xi32>, vector<16xi1>
      %swap3A_70 = arith.index_cast %scan3A_55 : i32 to index
      %swap3A_71 = tpu.vector_load %arg7[%swap3A_70] masked %ge3A_60 {strides = array<i32>} : memref<10016xi32, #tpu.memory_space<vmem>>, vector<16xi32>, vector<16xi1>
      tpu.vector_store %arg7[%swap3A_70], %add3A_65 masked %ge3A_60 {strides = array<i32>} : memref<10016xi32, #tpu.memory_space<vmem>>, vector<16xi32>, vector<16xi1>
      %all_reduce_population_count3A = tpu.all_reduce %ge3A_60 {dim = 0 : i64, kind = #tpu.reduction_kind<sum>} : vector<16xi1> -> vector<16xi32>
      %slice3A = vector.extract_strided_slice %all_reduce_population_count3A {offsets = [0], sizes = [1], strides = [1]} : vector<16xi32> to vector<1xi32>
      %squeeze3A = vector.extract %slice3A[0] : i32 from vector<1xi32>
      %add3A_72 = arith.addi %scan3A_55, %squeeze3A : i32
      scf.yield %add3A_72 : i32
    }
    %scan3A_20 = arith.constant 625 : i32
    %add3A_21 = arith.constant 16 : i32
    %add3A_22 = arith.addi %scan3A_19, %add3A_21 : i32
    %sub3A = arith.constant 1 : i32
    %sub3A_23 = arith.subi %add3A_22, %sub3A : i32
    %jit3A = arith.constant 16 : i32
    %div3A = arith.divsi %sub3A_23, %jit3A : i32
    %sign3A = arith.constant 0 : i32
    %sign3A_24 = arith.cmpi sgt, %sub3A_23, %sign3A : i32
    %sign3A_25 = arith.extui %sign3A_24 : i1 to i32
    %sign3A_26 = arith.constant 0 : i32
    %sign3A_27 = arith.cmpi slt, %sub3A_23, %sign3A_26 : i32
    %sign3A_28 = arith.extui %sign3A_27 : i1 to i32
    %sign3A_29 = arith.subi %sign3A_25, %sign3A_28 : i32
    %sign3A_30 = arith.constant 0 : i32
    %sign3A_31 = arith.cmpi sgt, %jit3A, %sign3A_30 : i32
    %sign3A_32 = arith.extui %sign3A_31 : i1 to i32
    %sign3A_33 = arith.constant 0 : i32
    %sign3A_34 = arith.cmpi slt, %jit3A, %sign3A_33 : i32
    %sign3A_35 = arith.extui %sign3A_34 : i1 to i32
    %sign3A_36 = arith.subi %sign3A_32, %sign3A_35 : i32
    %ne3A = arith.cmpi ne, %sign3A_29, %sign3A_36 : i32
    %rem3A = arith.remsi %sub3A_23, %jit3A : i32
    %ne3A_37 = arith.constant 0 : i32
    %ne3A_38 = arith.cmpi ne, %rem3A, %ne3A_37 : i32
    %and3A = arith.andi %ne3A, %ne3A_38 : i1
    %sub3A_39 = arith.constant 1 : i32
    %sub3A_40 = arith.subi %div3A, %sub3A_39 : i32
    %select_n3A = arith.select %and3A, %sub3A_40, %div3A : i32
    %while3A = arith.constant 0 : i32
    %while3A_41 = arith.constant 0 : i32
    %while3A_42 = arith.subi %select_n3A, %while3A : i32
    %while3A_43 = arith.addi %while3A, %while3A_42 : i32
    %while3A_44 = arith.constant 1 : i32
    %while3A_45 = arith.divsi %while3A_42, %while3A_44 : i32
    %while3A_46 = arith.muli %while3A_45, %while3A_44 : i32
    %while3A_47 = arith.addi %while3A, %while3A_46 : i32
    %while3A_48 = arith.constant 1 : i32
    %while3A_49 = scf.for %while3A_54 = %while3A to %while3A_47 step %while3A_48 iter_args(%while3A_55 = %while3A_41) -> (i32)  : i32 {
      %mul3A_56 = arith.constant 16 : i32
      %mul3A_57 = arith.muli %while3A_54, %mul3A_56 : i32
      %get3A = arith.index_cast %mul3A_57 : i32 to index
      %get3A_58 = tpu.vector_load %arg6[%get3A] {strides = array<i32>} : memref<10016xi32, #tpu.memory_space<vmem>>, vector<16xi32>,
      %mul3A_59 = arith.constant 16 : i32
      %mul3A_60 = arith.muli %while3A_54, %mul3A_59 : i32
      %get3A_61 = arith.index_cast %mul3A_60 : i32 to index
      %get3A_62 = tpu.vector_load %arg7[%get3A_61] {strides = array<i32>} : memref<10016xi32, #tpu.memory_space<vmem>>, vector<16xi32>,
      %mul3A_63 = arith.constant 16 : i32
      %mul3A_64 = arith.muli %while3A_54, %mul3A_63 : i32
      %add3A_65 = vector.broadcast %mul3A_64 : i32 to vector<16xi32>
      %add3A_66 = arith.addi %add3A_65, %iota3A : vector<16xi32>
      %lt3A = vector.broadcast %scan3A_19 : i32 to vector<16xi32>
      %lt3A_67 = arith.cmpi slt, %add3A_66, %lt3A : vector<16xi32>
      %convert_element_type3A = arith.extui %lt3A_67 : vector<16xi1> to vector<16xi32>
      %while3A_68 = scf.while (%while3A_70 = %convert_element_type3A) : (vector<16xi32>) -> vector<16xi32> {
        %reduce_max3A = arith.constant true
        %reduce_max3A_71 = vector.broadcast %reduce_max3A : i1 to vector<16xi1>
        %reduce_max3A_72 = arith.constant -2147483648 : i32
        %reduce_max3A_73 = vector.broadcast %reduce_max3A_72 : i32 to vector<16xi32>
        %reduce_max3A_74 = arith.xori %while3A_70, %reduce_max3A_73 : vector<16xi32>
        %reduce_max3A_75 = tpu.scan <max>, %reduce_max3A_74 masked %reduce_max3A_71 : vector<16xi32>, vector<16xi1> -> vector<16xi32>
        %reduce_max3A_76 = arith.xori %reduce_max3A_75, %reduce_max3A_73 : vector<16xi32>
        %reduce_max3A_77 = vector.extract %reduce_max3A_76[15] : i32 from vector<16xi32>
        %gt3A = arith.constant 0 : i32
        %gt3A_78 = arith.cmpi sgt, %reduce_max3A_77, %gt3A : i32
        scf.condition(%gt3A_78) %while3A_70 : vector<16xi32>
      } do {
      ^bb0(%while3A_70: vector<16xi32>):
        %ne3A_71 = arith.constant 0 : i32
        %ne3A_72 = vector.broadcast %ne3A_71 : i32 to vector<16xi32>
        %ne3A_73 = arith.cmpi ne, %while3A_70, %ne3A_72 : vector<16xi32>
        tpu.vector_store_idx %arg5[%get3A_58], %get3A_62 masked %ne3A_73 : memref<10000xi32, #tpu.memory_space<vmem>>[vector<16xi32>], vector<16xi32>, vector<16xi1>
        %gather3A = tpu.vector_load_idx %arg5[%get3A_58] masked %lt3A_67 : memref<10000xi32, #tpu.memory_space<vmem>>[vector<16xi32>], vector<16xi32>, vector<16xi1>
        %lt3A_74 = arith.cmpi slt, %gather3A, %get3A_62 : vector<16xi32>
        %and3A_75 = arith.andi %lt3A_67, %lt3A_74 : vector<16xi1>
        %convert_element_type3A_76 = arith.extui %and3A_75 : vector<16xi1> to vector<16xi32>
        scf.yield %convert_element_type3A_76 : vector<16xi32>
      }
      %while3A_69 = arith.constant 0 : i32
      scf.yield %while3A_69 : i32
    }
    %while3A_50 = arith.constant 1 : i32
    %while3A_51 = scf.for %while3A_54 = %while3A_47 to %while3A_43 step %while3A_50 iter_args(%while3A_55 = %while3A_49) -> (i32)  : i32 {
      %mul3A_56 = arith.constant 16 : i32
      %mul3A_57 = arith.muli %while3A_54, %mul3A_56 : i32
      %get3A = arith.index_cast %mul3A_57 : i32 to index
      %get3A_58 = tpu.vector_load %arg6[%get3A] {strides = array<i32>} : memref<10016xi32, #tpu.memory_space<vmem>>, vector<16xi32>,
      %mul3A_59 = arith.constant 16 : i32
      %mul3A_60 = arith.muli %while3A_54, %mul3A_59 : i32
      %get3A_61 = arith.index_cast %mul3A_60 : i32 to index
      %get3A_62 = tpu.vector_load %arg7[%get3A_61] {strides = array<i32>} : memref<10016xi32, #tpu.memory_space<vmem>>, vector<16xi32>,
      %mul3A_63 = arith.constant 16 : i32
      %mul3A_64 = arith.muli %while3A_54, %mul3A_63 : i32
      %add3A_65 = vector.broadcast %mul3A_64 : i32 to vector<16xi32>
      %add3A_66 = arith.addi %add3A_65, %iota3A : vector<16xi32>
      %lt3A = vector.broadcast %scan3A_19 : i32 to vector<16xi32>
      %lt3A_67 = arith.cmpi slt, %add3A_66, %lt3A : vector<16xi32>
      %convert_element_type3A = arith.extui %lt3A_67 : vector<16xi1> to vector<16xi32>
      %while3A_68 = scf.while (%while3A_70 = %convert_element_type3A) : (vector<16xi32>) -> vector<16xi32> {
        %reduce_max3A = arith.constant true
        %reduce_max3A_71 = vector.broadcast %reduce_max3A : i1 to vector<16xi1>
        %reduce_max3A_72 = arith.constant -2147483648 : i32
        %reduce_max3A_73 = vector.broadcast %reduce_max3A_72 : i32 to vector<16xi32>
        %reduce_max3A_74 = arith.xori %while3A_70, %reduce_max3A_73 : vector<16xi32>
        %reduce_max3A_75 = tpu.scan <max>, %reduce_max3A_74 masked %reduce_max3A_71 : vector<16xi32>, vector<16xi1> -> vector<16xi32>
        %reduce_max3A_76 = arith.xori %reduce_max3A_75, %reduce_max3A_73 : vector<16xi32>
        %reduce_max3A_77 = vector.extract %reduce_max3A_76[15] : i32 from vector<16xi32>
        %gt3A = arith.constant 0 : i32
        %gt3A_78 = arith.cmpi sgt, %reduce_max3A_77, %gt3A : i32
        scf.condition(%gt3A_78) %while3A_70 : vector<16xi32>
      } do {
      ^bb0(%while3A_70: vector<16xi32>):
        %ne3A_71 = arith.constant 0 : i32
        %ne3A_72 = vector.broadcast %ne3A_71 : i32 to vector<16xi32>
        %ne3A_73 = arith.cmpi ne, %while3A_70, %ne3A_72 : vector<16xi32>
        tpu.vector_store_idx %arg5[%get3A_58], %get3A_62 masked %ne3A_73 : memref<10000xi32, #tpu.memory_space<vmem>>[vector<16xi32>], vector<16xi32>, vector<16xi1>
        %gather3A = tpu.vector_load_idx %arg5[%get3A_58] masked %lt3A_67 : memref<10000xi32, #tpu.memory_space<vmem>>[vector<16xi32>], vector<16xi32>, vector<16xi1>
        %lt3A_74 = arith.cmpi slt, %gather3A, %get3A_62 : vector<16xi32>
        %and3A_75 = arith.andi %lt3A_67, %lt3A_74 : vector<16xi1>
        %convert_element_type3A_76 = arith.extui %and3A_75 : vector<16xi1> to vector<16xi32>
        scf.yield %convert_element_type3A_76 : vector<16xi32>
      }
      %while3A_69 = arith.constant 0 : i32
      scf.yield %while3A_69 : i32
    }
    %mul3A_52 = arith.constant 10000 : i32
    %mul3A_53 = arith.muli %add3A, %mul3A_52 : i32
    "tpu.region"() ({
      %run_scoped3A = tpu.sem_alloc : memref<!tpu.dma_semaphore, #tpu.memory_space<semaphore_mem>>
      %dma_start3A_54 = tpu.memref_slice %arg3[%mul3A_53] : memref<320000xi32, #tpu.memory_space<hbm>> -> memref<10000xi32, #tpu.memory_space<hbm>>
      %dma_start3A_55 = tpu.memref_slice %arg3[%mul3A_53] : memref<320000xi32, #tpu.memory_space<hbm>> -> memref<10000xi32, #tpu.memory_space<hbm>>
      tpu.enqueue_dma source(%arg5 : memref<10000xi32, #tpu.memory_space<vmem>>) target(%dma_start3A_55 : memref<10000xi32, #tpu.memory_space<hbm>>) target_semaphore(%run_scoped3A : memref<!tpu.dma_semaphore, #tpu.memory_space<semaphore_mem>>)
      %dma_wait3A_56 = tpu.memref_slice %arg3[%mul3A_53] : memref<320000xi32, #tpu.memory_space<hbm>> -> memref<10000xi32, #tpu.memory_space<hbm>>
      %dma_wait3A_57 = tpu.memref_slice %arg3[%mul3A_53] : memref<320000xi32, #tpu.memory_space<hbm>> -> memref<10000xi32, #tpu.memory_space<hbm>>
      tpu.wait_dma2 semaphore(%run_scoped3A : memref<!tpu.dma_semaphore, #tpu.memory_space<semaphore_mem>>) src(%arg5 : memref<10000xi32, #tpu.memory_space<vmem>>) dst(%dma_wait3A_57 : memref<10000xi32, #tpu.memory_space<hbm>>)
      tpu.yield
    }) : () -> ()
    return
  }
}

#map = affine_map<(d0, d1) -> (0)>
#map1 = affine_map<(d0, d1) -> (0, 0)>
module attributes {stable_mosaic.version = 14 : i64} {
  func.func @b_kernel(%arg0: i32, %arg1: i32, %arg2: memref<320000xi32, #tpu.memory_space<hbm>>, %arg3: memref<320000xi32, #tpu.memory_space<hbm>>, %arg4: memref<320000xi32, #tpu.memory_space<hbm>>, %arg5: memref<110000xf32, #tpu.memory_space<hbm>>, %arg6: memref<110000xf32, #tpu.memory_space<hbm>>, %arg7: memref<110000xf32, #tpu.memory_space<hbm>>, %arg8: memref<16xf32, #tpu.memory_space<hbm>>, %arg9: memref<10000x3xf32, #tpu.memory_space<hbm>>, %arg10: memref<10000x3xf32, #tpu.memory_space<hbm>>, %arg11: memref<12288xi32, #tpu.memory_space<vmem>>, %arg12: memref<384xi32, #tpu.memory_space<vmem>>, %arg13: memref<384xi32, #tpu.memory_space<vmem>>, %arg14: memref<384xi32, #tpu.memory_space<vmem>>, %arg15: memref<384xi32, #tpu.memory_space<vmem>>, %arg16: memref<384xf32, #tpu.memory_space<vmem>>, %arg17: memref<384xf32, #tpu.memory_space<vmem>>, %arg18: memref<384xf32, #tpu.memory_space<vmem>>, %arg19: memref<384xf32, #tpu.memory_space<vmem>>, %arg20: memref<384xf32, #tpu.memory_space<vmem>>, %arg21: memref<384xf32, #tpu.memory_space<vmem>>, %arg22: memref<384xf32, #tpu.memory_space<vmem>>, %arg23: memref<384xf32, #tpu.memory_space<vmem>>, %arg24: memref<384xf32, #tpu.memory_space<vmem>>, %arg25: memref<384x3xf32, #tpu.memory_space<vmem>>, %arg26: memref<384x3xf32, #tpu.memory_space<vmem>>, %arg27: memref<16xf32, #tpu.memory_space<vmem>>, %arg28: memref<!tpu.dma_semaphore, #tpu.memory_space<semaphore_mem>>, %arg29: memref<!tpu.dma_semaphore, #tpu.memory_space<semaphore_mem>>, %arg30: memref<!tpu.dma_semaphore, #tpu.memory_space<semaphore_mem>>) attributes {dimension_semantics = [#tpu.dimension_semantics<core_parallel>, #tpu.dimension_semantics<subcore_parallel>], iteration_bounds = array<i64: 2, 16>, scalar_prefetch = 0 : i64, scratch_operands = 20 : i64, tpu.core_type = #tpu.core_type<sc_vector_subcore>, window_params = [{transform_indices = #map}, {transform_indices = #map}, {transform_indices = #map}, {transform_indices = #map}, {transform_indices = #map}, {transform_indices = #map}, {transform_indices = #map}, {transform_indices = #map1}, {transform_indices = #map1}]} {
    %mul3A = arith.constant 2 : i32
    %mul3A_0 = arith.muli %arg1, %mul3A : i32
    %add3A = arith.addi %mul3A_0, %arg0 : i32
    %mul3A_1 = arith.constant 384 : i32
    %mul3A_2 = arith.muli %add3A, %mul3A_1 : i32
    %min3A = arith.constant 9616 : i32
    %min3A_3 = arith.minsi %mul3A_2, %min3A : i32
    %add3A_4 = arith.constant 0 : i32
    %add3A_5 = arith.addi %add3A_4, %min3A_3 : i32
    %dma_start3A = arith.constant 0 : i32
    %dma_start3A_6 = tpu.memref_slice %arg11[%dma_start3A] : memref<12288xi32, #tpu.memory_space<vmem>> -> memref<384xi32, #tpu.memory_space<vmem>>
    %dma_start3A_7 = tpu.memref_slice %arg2[%add3A_5] : memref<320000xi32, #tpu.memory_space<hbm>> -> memref<384xi32, #tpu.memory_space<hbm>>
    %dma_start3A_8 = arith.constant 0 : i32
    %dma_start3A_9 = tpu.memref_slice %arg11[%dma_start3A_8] : memref<12288xi32, #tpu.memory_space<vmem>> -> memref<384xi32, #tpu.memory_space<vmem>>
    %dma_start3A_10 = tpu.memref_slice %arg2[%add3A_5] : memref<320000xi32, #tpu.memory_space<hbm>> -> memref<384xi32, #tpu.memory_space<hbm>>
    tpu.enqueue_dma source(%dma_start3A_10 : memref<384xi32, #tpu.memory_space<hbm>>) target(%dma_start3A_9 : memref<384xi32, #tpu.memory_space<vmem>>) target_semaphore(%arg28 : memref<!tpu.dma_semaphore, #tpu.memory_space<semaphore_mem>>)
    %add3A_11 = arith.constant 10000 : i32
    %add3A_12 = arith.addi %add3A_11, %min3A_3 : i32
    %dma_start3A_13 = arith.constant 384 : i32
    %dma_start3A_14 = tpu.memref_slice %arg11[%dma_start3A_13] : memref<12288xi32, #tpu.memory_space<vmem>> -> memref<384xi32, #tpu.memory_space<vmem>>
    %dma_start3A_15 = tpu.memref_slice %arg2[%add3A_12] : memref<320000xi32, #tpu.memory_space<hbm>> -> memref<384xi32, #tpu.memory_space<hbm>>
    %dma_start3A_16 = arith.constant 384 : i32
    %dma_start3A_17 = tpu.memref_slice %arg11[%dma_start3A_16] : memref<12288xi32, #tpu.memory_space<vmem>> -> memref<384xi32, #tpu.memory_space<vmem>>
    %dma_start3A_18 = tpu.memref_slice %arg2[%add3A_12] : memref<320000xi32, #tpu.memory_space<hbm>> -> memref<384xi32, #tpu.memory_space<hbm>>
    tpu.enqueue_dma source(%dma_start3A_18 : memref<384xi32, #tpu.memory_space<hbm>>) target(%dma_start3A_17 : memref<384xi32, #tpu.memory_space<vmem>>) target_semaphore(%arg28 : memref<!tpu.dma_semaphore, #tpu.memory_space<semaphore_mem>>)
    %add3A_19 = arith.constant 20000 : i32
    %add3A_20 = arith.addi %add3A_19, %min3A_3 : i32
    %dma_start3A_21 = arith.constant 768 : i32
    %dma_start3A_22 = tpu.memref_slice %arg11[%dma_start3A_21] : memref<12288xi32, #tpu.memory_space<vmem>> -> memref<384xi32, #tpu.memory_space<vmem>>
    %dma_start3A_23 = tpu.memref_slice %arg2[%add3A_20] : memref<320000xi32, #tpu.memory_space<hbm>> -> memref<384xi32, #tpu.memory_space<hbm>>
    %dma_start3A_24 = arith.constant 768 : i32
    %dma_start3A_25 = tpu.memref_slice %arg11[%dma_start3A_24] : memref<12288xi32, #tpu.memory_space<vmem>> -> memref<384xi32, #tpu.memory_space<vmem>>
    %dma_start3A_26 = tpu.memref_slice %arg2[%add3A_20] : memref<320000xi32, #tpu.memory_space<hbm>> -> memref<384xi32, #tpu.memory_space<hbm>>
    tpu.enqueue_dma source(%dma_start3A_26 : memref<384xi32, #tpu.memory_space<hbm>>) target(%dma_start3A_25 : memref<384xi32, #tpu.memory_space<vmem>>) target_semaphore(%arg28 : memref<!tpu.dma_semaphore, #tpu.memory_space<semaphore_mem>>)
    %add3A_27 = arith.constant 30000 : i32
    %add3A_28 = arith.addi %add3A_27, %min3A_3 : i32
    %dma_start3A_29 = arith.constant 1152 : i32
    %dma_start3A_30 = tpu.memref_slice %arg11[%dma_start3A_29] : memref<12288xi32, #tpu.memory_space<vmem>> -> memref<384xi32, #tpu.memory_space<vmem>>
    %dma_start3A_31 = tpu.memref_slice %arg2[%add3A_28] : memref<320000xi32, #tpu.memory_space<hbm>> -> memref<384xi32, #tpu.memory_space<hbm>>
    %dma_start3A_32 = arith.constant 1152 : i32
    %dma_start3A_33 = tpu.memref_slice %arg11[%dma_start3A_32] : memref<12288xi32, #tpu.memory_space<vmem>> -> memref<384xi32, #tpu.memory_space<vmem>>
    %dma_start3A_34 = tpu.memref_slice %arg2[%add3A_28] : memref<320000xi32, #tpu.memory_space<hbm>> -> memref<384xi32, #tpu.memory_space<hbm>>
    tpu.enqueue_dma source(%dma_start3A_34 : memref<384xi32, #tpu.memory_space<hbm>>) target(%dma_start3A_33 : memref<384xi32, #tpu.memory_space<vmem>>) target_semaphore(%arg28 : memref<!tpu.dma_semaphore, #tpu.memory_space<semaphore_mem>>)
    %add3A_35 = arith.constant 40000 : i32
    %add3A_36 = arith.addi %add3A_35, %min3A_3 : i32
    %dma_start3A_37 = arith.constant 1536 : i32
    %dma_start3A_38 = tpu.memref_slice %arg11[%dma_start3A_37] : memref<12288xi32, #tpu.memory_space<vmem>> -> memref<384xi32, #tpu.memory_space<vmem>>
    %dma_start3A_39 = tpu.memref_slice %arg2[%add3A_36] : memref<320000xi32, #tpu.memory_space<hbm>> -> memref<384xi32, #tpu.memory_space<hbm>>
    %dma_start3A_40 = arith.constant 1536 : i32
    %dma_start3A_41 = tpu.memref_slice %arg11[%dma_start3A_40] : memref<12288xi32, #tpu.memory_space<vmem>> -> memref<384xi32, #tpu.memory_space<vmem>>
    %dma_start3A_42 = tpu.memref_slice %arg2[%add3A_36] : memref<320000xi32, #tpu.memory_space<hbm>> -> memref<384xi32, #tpu.memory_space<hbm>>
    tpu.enqueue_dma source(%dma_start3A_42 : memref<384xi32, #tpu.memory_space<hbm>>) target(%dma_start3A_41 : memref<384xi32, #tpu.memory_space<vmem>>) target_semaphore(%arg28 : memref<!tpu.dma_semaphore, #tpu.memory_space<semaphore_mem>>)
    %add3A_43 = arith.constant 50000 : i32
    %add3A_44 = arith.addi %add3A_43, %min3A_3 : i32
    %dma_start3A_45 = arith.constant 1920 : i32
    %dma_start3A_46 = tpu.memref_slice %arg11[%dma_start3A_45] : memref<12288xi32, #tpu.memory_space<vmem>> -> memref<384xi32, #tpu.memory_space<vmem>>
    %dma_start3A_47 = tpu.memref_slice %arg2[%add3A_44] : memref<320000xi32, #tpu.memory_space<hbm>> -> memref<384xi32, #tpu.memory_space<hbm>>
    %dma_start3A_48 = arith.constant 1920 : i32
    %dma_start3A_49 = tpu.memref_slice %arg11[%dma_start3A_48] : memref<12288xi32, #tpu.memory_space<vmem>> -> memref<384xi32, #tpu.memory_space<vmem>>
    %dma_start3A_50 = tpu.memref_slice %arg2[%add3A_44] : memref<320000xi32, #tpu.memory_space<hbm>> -> memref<384xi32, #tpu.memory_space<hbm>>
    tpu.enqueue_dma source(%dma_start3A_50 : memref<384xi32, #tpu.memory_space<hbm>>) target(%dma_start3A_49 : memref<384xi32, #tpu.memory_space<vmem>>) target_semaphore(%arg28 : memref<!tpu.dma_semaphore, #tpu.memory_space<semaphore_mem>>)
    %add3A_51 = arith.constant 60000 : i32
    %add3A_52 = arith.addi %add3A_51, %min3A_3 : i32
    %dma_start3A_53 = arith.constant 2304 : i32
    %dma_start3A_54 = tpu.memref_slice %arg11[%dma_start3A_53] : memref<12288xi32, #tpu.memory_space<vmem>> -> memref<384xi32, #tpu.memory_space<vmem>>
    %dma_start3A_55 = tpu.memref_slice %arg2[%add3A_52] : memref<320000xi32, #tpu.memory_space<hbm>> -> memref<384xi32, #tpu.memory_space<hbm>>
    %dma_start3A_56 = arith.constant 2304 : i32
    %dma_start3A_57 = tpu.memref_slice %arg11[%dma_start3A_56] : memref<12288xi32, #tpu.memory_space<vmem>> -> memref<384xi32, #tpu.memory_space<vmem>>
    %dma_start3A_58 = tpu.memref_slice %arg2[%add3A_52] : memref<320000xi32, #tpu.memory_space<hbm>> -> memref<384xi32, #tpu.memory_space<hbm>>
    tpu.enqueue_dma source(%dma_start3A_58 : memref<384xi32, #tpu.memory_space<hbm>>) target(%dma_start3A_57 : memref<384xi32, #tpu.memory_space<vmem>>) target_semaphore(%arg28 : memref<!tpu.dma_semaphore, #tpu.memory_space<semaphore_mem>>)
    %add3A_59 = arith.constant 70000 : i32
    %add3A_60 = arith.addi %add3A_59, %min3A_3 : i32
    %dma_start3A_61 = arith.constant 2688 : i32
    %dma_start3A_62 = tpu.memref_slice %arg11[%dma_start3A_61] : memref<12288xi32, #tpu.memory_space<vmem>> -> memref<384xi32, #tpu.memory_space<vmem>>
    %dma_start3A_63 = tpu.memref_slice %arg2[%add3A_60] : memref<320000xi32, #tpu.memory_space<hbm>> -> memref<384xi32, #tpu.memory_space<hbm>>
    %dma_start3A_64 = arith.constant 2688 : i32
    %dma_start3A_65 = tpu.memref_slice %arg11[%dma_start3A_64] : memref<12288xi32, #tpu.memory_space<vmem>> -> memref<384xi32, #tpu.memory_space<vmem>>
    %dma_start3A_66 = tpu.memref_slice %arg2[%add3A_60] : memref<320000xi32, #tpu.memory_space<hbm>> -> memref<384xi32, #tpu.memory_space<hbm>>
    tpu.enqueue_dma source(%dma_start3A_66 : memref<384xi32, #tpu.memory_space<hbm>>) target(%dma_start3A_65 : memref<384xi32, #tpu.memory_space<vmem>>) target_semaphore(%arg28 : memref<!tpu.dma_semaphore, #tpu.memory_space<semaphore_mem>>)
    %add3A_67 = arith.constant 80000 : i32
    %add3A_68 = arith.addi %add3A_67, %min3A_3 : i32
    %dma_start3A_69 = arith.constant 3072 : i32
    %dma_start3A_70 = tpu.memref_slice %arg11[%dma_start3A_69] : memref<12288xi32, #tpu.memory_space<vmem>> -> memref<384xi32, #tpu.memory_space<vmem>>
    %dma_start3A_71 = tpu.memref_slice %arg2[%add3A_68] : memref<320000xi32, #tpu.memory_space<hbm>> -> memref<384xi32, #tpu.memory_space<hbm>>
    %dma_start3A_72 = arith.constant 3072 : i32
    %dma_start3A_73 = tpu.memref_slice %arg11[%dma_start3A_72] : memref<12288xi32, #tpu.memory_space<vmem>> -> memref<384xi32, #tpu.memory_space<vmem>>
    %dma_start3A_74 = tpu.memref_slice %arg2[%add3A_68] : memref<320000xi32, #tpu.memory_space<hbm>> -> memref<384xi32, #tpu.memory_space<hbm>>
    tpu.enqueue_dma source(%dma_start3A_74 : memref<384xi32, #tpu.memory_space<hbm>>) target(%dma_start3A_73 : memref<384xi32, #tpu.memory_space<vmem>>) target_semaphore(%arg28 : memref<!tpu.dma_semaphore, #tpu.memory_space<semaphore_mem>>)
    %add3A_75 = arith.constant 90000 : i32
    %add3A_76 = arith.addi %add3A_75, %min3A_3 : i32
    %dma_start3A_77 = arith.constant 3456 : i32
    %dma_start3A_78 = tpu.memref_slice %arg11[%dma_start3A_77] : memref<12288xi32, #tpu.memory_space<vmem>> -> memref<384xi32, #tpu.memory_space<vmem>>
    %dma_start3A_79 = tpu.memref_slice %arg2[%add3A_76] : memref<320000xi32, #tpu.memory_space<hbm>> -> memref<384xi32, #tpu.memory_space<hbm>>
    %dma_start3A_80 = arith.constant 3456 : i32
    %dma_start3A_81 = tpu.memref_slice %arg11[%dma_start3A_80] : memref<12288xi32, #tpu.memory_space<vmem>> -> memref<384xi32, #tpu.memory_space<vmem>>
    %dma_start3A_82 = tpu.memref_slice %arg2[%add3A_76] : memref<320000xi32, #tpu.memory_space<hbm>> -> memref<384xi32, #tpu.memory_space<hbm>>
    tpu.enqueue_dma source(%dma_start3A_82 : memref<384xi32, #tpu.memory_space<hbm>>) target(%dma_start3A_81 : memref<384xi32, #tpu.memory_space<vmem>>) target_semaphore(%arg28 : memref<!tpu.dma_semaphore, #tpu.memory_space<semaphore_mem>>)
    %add3A_83 = arith.constant 100000 : i32
    %add3A_84 = arith.addi %add3A_83, %min3A_3 : i32
    %dma_start3A_85 = arith.constant 3840 : i32
    %dma_start3A_86 = tpu.memref_slice %arg11[%dma_start3A_85] : memref<12288xi32, #tpu.memory_space<vmem>> -> memref<384xi32, #tpu.memory_space<vmem>>
    %dma_start3A_87 = tpu.memref_slice %arg2[%add3A_84] : memref<320000xi32, #tpu.memory_space<hbm>> -> memref<384xi32, #tpu.memory_space<hbm>>
    %dma_start3A_88 = arith.constant 3840 : i32
    %dma_start3A_89 = tpu.memref_slice %arg11[%dma_start3A_88] : memref<12288xi32, #tpu.memory_space<vmem>> -> memref<384xi32, #tpu.memory_space<vmem>>
    %dma_start3A_90 = tpu.memref_slice %arg2[%add3A_84] : memref<320000xi32, #tpu.memory_space<hbm>> -> memref<384xi32, #tpu.memory_space<hbm>>
    tpu.enqueue_dma source(%dma_start3A_90 : memref<384xi32, #tpu.memory_space<hbm>>) target(%dma_start3A_89 : memref<384xi32, #tpu.memory_space<vmem>>) target_semaphore(%arg28 : memref<!tpu.dma_semaphore, #tpu.memory_space<semaphore_mem>>)
    %add3A_91 = arith.constant 110000 : i32
    %add3A_92 = arith.addi %add3A_91, %min3A_3 : i32
    %dma_start3A_93 = arith.constant 4224 : i32
    %dma_start3A_94 = tpu.memref_slice %arg11[%dma_start3A_93] : memref<12288xi32, #tpu.memory_space<vmem>> -> memref<384xi32, #tpu.memory_space<vmem>>
    %dma_start3A_95 = tpu.memref_slice %arg2[%add3A_92] : memref<320000xi32, #tpu.memory_space<hbm>> -> memref<384xi32, #tpu.memory_space<hbm>>
    %dma_start3A_96 = arith.constant 4224 : i32
    %dma_start3A_97 = tpu.memref_slice %arg11[%dma_start3A_96] : memref<12288xi32, #tpu.memory_space<vmem>> -> memref<384xi32, #tpu.memory_space<vmem>>
    %dma_start3A_98 = tpu.memref_slice %arg2[%add3A_92] : memref<320000xi32, #tpu.memory_space<hbm>> -> memref<384xi32, #tpu.memory_space<hbm>>
    tpu.enqueue_dma source(%dma_start3A_98 : memref<384xi32, #tpu.memory_space<hbm>>) target(%dma_start3A_97 : memref<384xi32, #tpu.memory_space<vmem>>) target_semaphore(%arg28 : memref<!tpu.dma_semaphore, #tpu.memory_space<semaphore_mem>>)
    %add3A_99 = arith.constant 120000 : i32
    %add3A_100 = arith.addi %add3A_99, %min3A_3 : i32
    %dma_start3A_101 = arith.constant 4608 : i32
    %dma_start3A_102 = tpu.memref_slice %arg11[%dma_start3A_101] : memref<12288xi32, #tpu.memory_space<vmem>> -> memref<384xi32, #tpu.memory_space<vmem>>
    %dma_start3A_103 = tpu.memref_slice %arg2[%add3A_100] : memref<320000xi32, #tpu.memory_space<hbm>> -> memref<384xi32, #tpu.memory_space<hbm>>
    %dma_start3A_104 = arith.constant 4608 : i32
    %dma_start3A_105 = tpu.memref_slice %arg11[%dma_start3A_104] : memref<12288xi32, #tpu.memory_space<vmem>> -> memref<384xi32, #tpu.memory_space<vmem>>
    %dma_start3A_106 = tpu.memref_slice %arg2[%add3A_100] : memref<320000xi32, #tpu.memory_space<hbm>> -> memref<384xi32, #tpu.memory_space<hbm>>
    tpu.enqueue_dma source(%dma_start3A_106 : memref<384xi32, #tpu.memory_space<hbm>>) target(%dma_start3A_105 : memref<384xi32, #tpu.memory_space<vmem>>) target_semaphore(%arg28 : memref<!tpu.dma_semaphore, #tpu.memory_space<semaphore_mem>>)
    %add3A_107 = arith.constant 130000 : i32
    %add3A_108 = arith.addi %add3A_107, %min3A_3 : i32
    %dma_start3A_109 = arith.constant 4992 : i32
    %dma_start3A_110 = tpu.memref_slice %arg11[%dma_start3A_109] : memref<12288xi32, #tpu.memory_space<vmem>> -> memref<384xi32, #tpu.memory_space<vmem>>
    %dma_start3A_111 = tpu.memref_slice %arg2[%add3A_108] : memref<320000xi32, #tpu.memory_space<hbm>> -> memref<384xi32, #tpu.memory_space<hbm>>
    %dma_start3A_112 = arith.constant 4992 : i32
    %dma_start3A_113 = tpu.memref_slice %arg11[%dma_start3A_112] : memref<12288xi32, #tpu.memory_space<vmem>> -> memref<384xi32, #tpu.memory_space<vmem>>
    %dma_start3A_114 = tpu.memref_slice %arg2[%add3A_108] : memref<320000xi32, #tpu.memory_space<hbm>> -> memref<384xi32, #tpu.memory_space<hbm>>
    tpu.enqueue_dma source(%dma_start3A_114 : memref<384xi32, #tpu.memory_space<hbm>>) target(%dma_start3A_113 : memref<384xi32, #tpu.memory_space<vmem>>) target_semaphore(%arg28 : memref<!tpu.dma_semaphore, #tpu.memory_space<semaphore_mem>>)
    %add3A_115 = arith.constant 140000 : i32
    %add3A_116 = arith.addi %add3A_115, %min3A_3 : i32
    %dma_start3A_117 = arith.constant 5376 : i32
    %dma_start3A_118 = tpu.memref_slice %arg11[%dma_start3A_117] : memref<12288xi32, #tpu.memory_space<vmem>> -> memref<384xi32, #tpu.memory_space<vmem>>
    %dma_start3A_119 = tpu.memref_slice %arg2[%add3A_116] : memref<320000xi32, #tpu.memory_space<hbm>> -> memref<384xi32, #tpu.memory_space<hbm>>
    %dma_start3A_120 = arith.constant 5376 : i32
    %dma_start3A_121 = tpu.memref_slice %arg11[%dma_start3A_120] : memref<12288xi32, #tpu.memory_space<vmem>> -> memref<384xi32, #tpu.memory_space<vmem>>
    %dma_start3A_122 = tpu.memref_slice %arg2[%add3A_116] : memref<320000xi32, #tpu.memory_space<hbm>> -> memref<384xi32, #tpu.memory_space<hbm>>
    tpu.enqueue_dma source(%dma_start3A_122 : memref<384xi32, #tpu.memory_space<hbm>>) target(%dma_start3A_121 : memref<384xi32, #tpu.memory_space<vmem>>) target_semaphore(%arg28 : memref<!tpu.dma_semaphore, #tpu.memory_space<semaphore_mem>>)
    %add3A_123 = arith.constant 150000 : i32
    %add3A_124 = arith.addi %add3A_123, %min3A_3 : i32
    %dma_start3A_125 = arith.constant 5760 : i32
    %dma_start3A_126 = tpu.memref_slice %arg11[%dma_start3A_125] : memref<12288xi32, #tpu.memory_space<vmem>> -> memref<384xi32, #tpu.memory_space<vmem>>
    %dma_start3A_127 = tpu.memref_slice %arg2[%add3A_124] : memref<320000xi32, #tpu.memory_space<hbm>> -> memref<384xi32, #tpu.memory_space<hbm>>
    %dma_start3A_128 = arith.constant 5760 : i32
    %dma_start3A_129 = tpu.memref_slice %arg11[%dma_start3A_128] : memref<12288xi32, #tpu.memory_space<vmem>> -> memref<384xi32, #tpu.memory_space<vmem>>
    %dma_start3A_130 = tpu.memref_slice %arg2[%add3A_124] : memref<320000xi32, #tpu.memory_space<hbm>> -> memref<384xi32, #tpu.memory_space<hbm>>
    tpu.enqueue_dma source(%dma_start3A_130 : memref<384xi32, #tpu.memory_space<hbm>>) target(%dma_start3A_129 : memref<384xi32, #tpu.memory_space<vmem>>) target_semaphore(%arg28 : memref<!tpu.dma_semaphore, #tpu.memory_space<semaphore_mem>>)
    %add3A_131 = arith.constant 160000 : i32
    %add3A_132 = arith.addi %add3A_131, %min3A_3 : i32
    %dma_start3A_133 = arith.constant 6144 : i32
    %dma_start3A_134 = tpu.memref_slice %arg11[%dma_start3A_133] : memref<12288xi32, #tpu.memory_space<vmem>> -> memref<384xi32, #tpu.memory_space<vmem>>
    %dma_start3A_135 = tpu.memref_slice %arg2[%add3A_132] : memref<320000xi32, #tpu.memory_space<hbm>> -> memref<384xi32, #tpu.memory_space<hbm>>
    %dma_start3A_136 = arith.constant 6144 : i32
    %dma_start3A_137 = tpu.memref_slice %arg11[%dma_start3A_136] : memref<12288xi32, #tpu.memory_space<vmem>> -> memref<384xi32, #tpu.memory_space<vmem>>
    %dma_start3A_138 = tpu.memref_slice %arg2[%add3A_132] : memref<320000xi32, #tpu.memory_space<hbm>> -> memref<384xi32, #tpu.memory_space<hbm>>
    tpu.enqueue_dma source(%dma_start3A_138 : memref<384xi32, #tpu.memory_space<hbm>>) target(%dma_start3A_137 : memref<384xi32, #tpu.memory_space<vmem>>) target_semaphore(%arg28 : memref<!tpu.dma_semaphore, #tpu.memory_space<semaphore_mem>>)
    %add3A_139 = arith.constant 170000 : i32
    %add3A_140 = arith.addi %add3A_139, %min3A_3 : i32
    %dma_start3A_141 = arith.constant 6528 : i32
    %dma_start3A_142 = tpu.memref_slice %arg11[%dma_start3A_141] : memref<12288xi32, #tpu.memory_space<vmem>> -> memref<384xi32, #tpu.memory_space<vmem>>
    %dma_start3A_143 = tpu.memref_slice %arg2[%add3A_140] : memref<320000xi32, #tpu.memory_space<hbm>> -> memref<384xi32, #tpu.memory_space<hbm>>
    %dma_start3A_144 = arith.constant 6528 : i32
    %dma_start3A_145 = tpu.memref_slice %arg11[%dma_start3A_144] : memref<12288xi32, #tpu.memory_space<vmem>> -> memref<384xi32, #tpu.memory_space<vmem>>
    %dma_start3A_146 = tpu.memref_slice %arg2[%add3A_140] : memref<320000xi32, #tpu.memory_space<hbm>> -> memref<384xi32, #tpu.memory_space<hbm>>
    tpu.enqueue_dma source(%dma_start3A_146 : memref<384xi32, #tpu.memory_space<hbm>>) target(%dma_start3A_145 : memref<384xi32, #tpu.memory_space<vmem>>) target_semaphore(%arg28 : memref<!tpu.dma_semaphore, #tpu.memory_space<semaphore_mem>>)
    %add3A_147 = arith.constant 180000 : i32
    %add3A_148 = arith.addi %add3A_147, %min3A_3 : i32
    %dma_start3A_149 = arith.constant 6912 : i32
    %dma_start3A_150 = tpu.memref_slice %arg11[%dma_start3A_149] : memref<12288xi32, #tpu.memory_space<vmem>> -> memref<384xi32, #tpu.memory_space<vmem>>
    %dma_start3A_151 = tpu.memref_slice %arg2[%add3A_148] : memref<320000xi32, #tpu.memory_space<hbm>> -> memref<384xi32, #tpu.memory_space<hbm>>
    %dma_start3A_152 = arith.constant 6912 : i32
    %dma_start3A_153 = tpu.memref_slice %arg11[%dma_start3A_152] : memref<12288xi32, #tpu.memory_space<vmem>> -> memref<384xi32, #tpu.memory_space<vmem>>
    %dma_start3A_154 = tpu.memref_slice %arg2[%add3A_148] : memref<320000xi32, #tpu.memory_space<hbm>> -> memref<384xi32, #tpu.memory_space<hbm>>
    tpu.enqueue_dma source(%dma_start3A_154 : memref<384xi32, #tpu.memory_space<hbm>>) target(%dma_start3A_153 : memref<384xi32, #tpu.memory_space<vmem>>) target_semaphore(%arg28 : memref<!tpu.dma_semaphore, #tpu.memory_space<semaphore_mem>>)
    %add3A_155 = arith.constant 190000 : i32
    %add3A_156 = arith.addi %add3A_155, %min3A_3 : i32
    %dma_start3A_157 = arith.constant 7296 : i32
    %dma_start3A_158 = tpu.memref_slice %arg11[%dma_start3A_157] : memref<12288xi32, #tpu.memory_space<vmem>> -> memref<384xi32, #tpu.memory_space<vmem>>
    %dma_start3A_159 = tpu.memref_slice %arg2[%add3A_156] : memref<320000xi32, #tpu.memory_space<hbm>> -> memref<384xi32, #tpu.memory_space<hbm>>
    %dma_start3A_160 = arith.constant 7296 : i32
    %dma_start3A_161 = tpu.memref_slice %arg11[%dma_start3A_160] : memref<12288xi32, #tpu.memory_space<vmem>> -> memref<384xi32, #tpu.memory_space<vmem>>
    %dma_start3A_162 = tpu.memref_slice %arg2[%add3A_156] : memref<320000xi32, #tpu.memory_space<hbm>> -> memref<384xi32, #tpu.memory_space<hbm>>
    tpu.enqueue_dma source(%dma_start3A_162 : memref<384xi32, #tpu.memory_space<hbm>>) target(%dma_start3A_161 : memref<384xi32, #tpu.memory_space<vmem>>) target_semaphore(%arg28 : memref<!tpu.dma_semaphore, #tpu.memory_space<semaphore_mem>>)
    %add3A_163 = arith.constant 200000 : i32
    %add3A_164 = arith.addi %add3A_163, %min3A_3 : i32
    %dma_start3A_165 = arith.constant 7680 : i32
    %dma_start3A_166 = tpu.memref_slice %arg11[%dma_start3A_165] : memref<12288xi32, #tpu.memory_space<vmem>> -> memref<384xi32, #tpu.memory_space<vmem>>
    %dma_start3A_167 = tpu.memref_slice %arg2[%add3A_164] : memref<320000xi32, #tpu.memory_space<hbm>> -> memref<384xi32, #tpu.memory_space<hbm>>
    %dma_start3A_168 = arith.constant 7680 : i32
    %dma_start3A_169 = tpu.memref_slice %arg11[%dma_start3A_168] : memref<12288xi32, #tpu.memory_space<vmem>> -> memref<384xi32, #tpu.memory_space<vmem>>
    %dma_start3A_170 = tpu.memref_slice %arg2[%add3A_164] : memref<320000xi32, #tpu.memory_space<hbm>> -> memref<384xi32, #tpu.memory_space<hbm>>
    tpu.enqueue_dma source(%dma_start3A_170 : memref<384xi32, #tpu.memory_space<hbm>>) target(%dma_start3A_169 : memref<384xi32, #tpu.memory_space<vmem>>) target_semaphore(%arg28 : memref<!tpu.dma_semaphore, #tpu.memory_space<semaphore_mem>>)
    %add3A_171 = arith.constant 210000 : i32
    %add3A_172 = arith.addi %add3A_171, %min3A_3 : i32
    %dma_start3A_173 = arith.constant 8064 : i32
    %dma_start3A_174 = tpu.memref_slice %arg11[%dma_start3A_173] : memref<12288xi32, #tpu.memory_space<vmem>> -> memref<384xi32, #tpu.memory_space<vmem>>
    %dma_start3A_175 = tpu.memref_slice %arg2[%add3A_172] : memref<320000xi32, #tpu.memory_space<hbm>> -> memref<384xi32, #tpu.memory_space<hbm>>
    %dma_start3A_176 = arith.constant 8064 : i32
    %dma_start3A_177 = tpu.memref_slice %arg11[%dma_start3A_176] : memref<12288xi32, #tpu.memory_space<vmem>> -> memref<384xi32, #tpu.memory_space<vmem>>
    %dma_start3A_178 = tpu.memref_slice %arg2[%add3A_172] : memref<320000xi32, #tpu.memory_space<hbm>> -> memref<384xi32, #tpu.memory_space<hbm>>
    tpu.enqueue_dma source(%dma_start3A_178 : memref<384xi32, #tpu.memory_space<hbm>>) target(%dma_start3A_177 : memref<384xi32, #tpu.memory_space<vmem>>) target_semaphore(%arg28 : memref<!tpu.dma_semaphore, #tpu.memory_space<semaphore_mem>>)
    %add3A_179 = arith.constant 220000 : i32
    %add3A_180 = arith.addi %add3A_179, %min3A_3 : i32
    %dma_start3A_181 = arith.constant 8448 : i32
    %dma_start3A_182 = tpu.memref_slice %arg11[%dma_start3A_181] : memref<12288xi32, #tpu.memory_space<vmem>> -> memref<384xi32, #tpu.memory_space<vmem>>
    %dma_start3A_183 = tpu.memref_slice %arg2[%add3A_180] : memref<320000xi32, #tpu.memory_space<hbm>> -> memref<384xi32, #tpu.memory_space<hbm>>
    %dma_start3A_184 = arith.constant 8448 : i32
    %dma_start3A_185 = tpu.memref_slice %arg11[%dma_start3A_184] : memref<12288xi32, #tpu.memory_space<vmem>> -> memref<384xi32, #tpu.memory_space<vmem>>
    %dma_start3A_186 = tpu.memref_slice %arg2[%add3A_180] : memref<320000xi32, #tpu.memory_space<hbm>> -> memref<384xi32, #tpu.memory_space<hbm>>
    tpu.enqueue_dma source(%dma_start3A_186 : memref<384xi32, #tpu.memory_space<hbm>>) target(%dma_start3A_185 : memref<384xi32, #tpu.memory_space<vmem>>) target_semaphore(%arg28 : memref<!tpu.dma_semaphore, #tpu.memory_space<semaphore_mem>>)
    %add3A_187 = arith.constant 230000 : i32
    %add3A_188 = arith.addi %add3A_187, %min3A_3 : i32
    %dma_start3A_189 = arith.constant 8832 : i32
    %dma_start3A_190 = tpu.memref_slice %arg11[%dma_start3A_189] : memref<12288xi32, #tpu.memory_space<vmem>> -> memref<384xi32, #tpu.memory_space<vmem>>
    %dma_start3A_191 = tpu.memref_slice %arg2[%add3A_188] : memref<320000xi32, #tpu.memory_space<hbm>> -> memref<384xi32, #tpu.memory_space<hbm>>
    %dma_start3A_192 = arith.constant 8832 : i32
    %dma_start3A_193 = tpu.memref_slice %arg11[%dma_start3A_192] : memref<12288xi32, #tpu.memory_space<vmem>> -> memref<384xi32, #tpu.memory_space<vmem>>
    %dma_start3A_194 = tpu.memref_slice %arg2[%add3A_188] : memref<320000xi32, #tpu.memory_space<hbm>> -> memref<384xi32, #tpu.memory_space<hbm>>
    tpu.enqueue_dma source(%dma_start3A_194 : memref<384xi32, #tpu.memory_space<hbm>>) target(%dma_start3A_193 : memref<384xi32, #tpu.memory_space<vmem>>) target_semaphore(%arg28 : memref<!tpu.dma_semaphore, #tpu.memory_space<semaphore_mem>>)
    %add3A_195 = arith.constant 240000 : i32
    %add3A_196 = arith.addi %add3A_195, %min3A_3 : i32
    %dma_start3A_197 = arith.constant 9216 : i32
    %dma_start3A_198 = tpu.memref_slice %arg11[%dma_start3A_197] : memref<12288xi32, #tpu.memory_space<vmem>> -> memref<384xi32, #tpu.memory_space<vmem>>
    %dma_start3A_199 = tpu.memref_slice %arg2[%add3A_196] : memref<320000xi32, #tpu.memory_space<hbm>> -> memref<384xi32, #tpu.memory_space<hbm>>
    %dma_start3A_200 = arith.constant 9216 : i32
    %dma_start3A_201 = tpu.memref_slice %arg11[%dma_start3A_200] : memref<12288xi32, #tpu.memory_space<vmem>> -> memref<384xi32, #tpu.memory_space<vmem>>
    %dma_start3A_202 = tpu.memref_slice %arg2[%add3A_196] : memref<320000xi32, #tpu.memory_space<hbm>> -> memref<384xi32, #tpu.memory_space<hbm>>
    tpu.enqueue_dma source(%dma_start3A_202 : memref<384xi32, #tpu.memory_space<hbm>>) target(%dma_start3A_201 : memref<384xi32, #tpu.memory_space<vmem>>) target_semaphore(%arg28 : memref<!tpu.dma_semaphore, #tpu.memory_space<semaphore_mem>>)
    %add3A_203 = arith.constant 250000 : i32
    %add3A_204 = arith.addi %add3A_203, %min3A_3 : i32
    %dma_start3A_205 = arith.constant 9600 : i32
    %dma_start3A_206 = tpu.memref_slice %arg11[%dma_start3A_205] : memref<12288xi32, #tpu.memory_space<vmem>> -> memref<384xi32, #tpu.memory_space<vmem>>
    %dma_start3A_207 = tpu.memref_slice %arg2[%add3A_204] : memref<320000xi32, #tpu.memory_space<hbm>> -> memref<384xi32, #tpu.memory_space<hbm>>
    %dma_start3A_208 = arith.constant 9600 : i32
    %dma_start3A_209 = tpu.memref_slice %arg11[%dma_start3A_208] : memref<12288xi32, #tpu.memory_space<vmem>> -> memref<384xi32, #tpu.memory_space<vmem>>
    %dma_start3A_210 = tpu.memref_slice %arg2[%add3A_204] : memref<320000xi32, #tpu.memory_space<hbm>> -> memref<384xi32, #tpu.memory_space<hbm>>
    tpu.enqueue_dma source(%dma_start3A_210 : memref<384xi32, #tpu.memory_space<hbm>>) target(%dma_start3A_209 : memref<384xi32, #tpu.memory_space<vmem>>) target_semaphore(%arg28 : memref<!tpu.dma_semaphore, #tpu.memory_space<semaphore_mem>>)
    %add3A_211 = arith.constant 260000 : i32
    %add3A_212 = arith.addi %add3A_211, %min3A_3 : i32
    %dma_start3A_213 = arith.constant 9984 : i32
    %dma_start3A_214 = tpu.memref_slice %arg11[%dma_start3A_213] : memref<12288xi32, #tpu.memory_space<vmem>> -> memref<384xi32, #tpu.memory_space<vmem>>
    %dma_start3A_215 = tpu.memref_slice %arg2[%add3A_212] : memref<320000xi32, #tpu.memory_space<hbm>> -> memref<384xi32, #tpu.memory_space<hbm>>
    %dma_start3A_216 = arith.constant 9984 : i32
    %dma_start3A_217 = tpu.memref_slice %arg11[%dma_start3A_216] : memref<12288xi32, #tpu.memory_space<vmem>> -> memref<384xi32, #tpu.memory_space<vmem>>
    %dma_start3A_218 = tpu.memref_slice %arg2[%add3A_212] : memref<320000xi32, #tpu.memory_space<hbm>> -> memref<384xi32, #tpu.memory_space<hbm>>
    tpu.enqueue_dma source(%dma_start3A_218 : memref<384xi32, #tpu.memory_space<hbm>>) target(%dma_start3A_217 : memref<384xi32, #tpu.memory_space<vmem>>) target_semaphore(%arg28 : memref<!tpu.dma_semaphore, #tpu.memory_space<semaphore_mem>>)
    %add3A_219 = arith.constant 270000 : i32
    %add3A_220 = arith.addi %add3A_219, %min3A_3 : i32
    %dma_start3A_221 = arith.constant 10368 : i32
    %dma_start3A_222 = tpu.memref_slice %arg11[%dma_start3A_221] : memref<12288xi32, #tpu.memory_space<vmem>> -> memref<384xi32, #tpu.memory_space<vmem>>
    %dma_start3A_223 = tpu.memref_slice %arg2[%add3A_220] : memref<320000xi32, #tpu.memory_space<hbm>> -> memref<384xi32, #tpu.memory_space<hbm>>
    %dma_start3A_224 = arith.constant 10368 : i32
    %dma_start3A_225 = tpu.memref_slice %arg11[%dma_start3A_224] : memref<12288xi32, #tpu.memory_space<vmem>> -> memref<384xi32, #tpu.memory_space<vmem>>
    %dma_start3A_226 = tpu.memref_slice %arg2[%add3A_220] : memref<320000xi32, #tpu.memory_space<hbm>> -> memref<384xi32, #tpu.memory_space<hbm>>
    tpu.enqueue_dma source(%dma_start3A_226 : memref<384xi32, #tpu.memory_space<hbm>>) target(%dma_start3A_225 : memref<384xi32, #tpu.memory_space<vmem>>) target_semaphore(%arg28 : memref<!tpu.dma_semaphore, #tpu.memory_space<semaphore_mem>>)
    %add3A_227 = arith.constant 280000 : i32
    %add3A_228 = arith.addi %add3A_227, %min3A_3 : i32
    %dma_start3A_229 = arith.constant 10752 : i32
    %dma_start3A_230 = tpu.memref_slice %arg11[%dma_start3A_229] : memref<12288xi32, #tpu.memory_space<vmem>> -> memref<384xi32, #tpu.memory_space<vmem>>
    %dma_start3A_231 = tpu.memref_slice %arg2[%add3A_228] : memref<320000xi32, #tpu.memory_space<hbm>> -> memref<384xi32, #tpu.memory_space<hbm>>
    %dma_start3A_232 = arith.constant 10752 : i32
    %dma_start3A_233 = tpu.memref_slice %arg11[%dma_start3A_232] : memref<12288xi32, #tpu.memory_space<vmem>> -> memref<384xi32, #tpu.memory_space<vmem>>
    %dma_start3A_234 = tpu.memref_slice %arg2[%add3A_228] : memref<320000xi32, #tpu.memory_space<hbm>> -> memref<384xi32, #tpu.memory_space<hbm>>
    tpu.enqueue_dma source(%dma_start3A_234 : memref<384xi32, #tpu.memory_space<hbm>>) target(%dma_start3A_233 : memref<384xi32, #tpu.memory_space<vmem>>) target_semaphore(%arg28 : memref<!tpu.dma_semaphore, #tpu.memory_space<semaphore_mem>>)
    %add3A_235 = arith.constant 290000 : i32
    %add3A_236 = arith.addi %add3A_235, %min3A_3 : i32
    %dma_start3A_237 = arith.constant 11136 : i32
    %dma_start3A_238 = tpu.memref_slice %arg11[%dma_start3A_237] : memref<12288xi32, #tpu.memory_space<vmem>> -> memref<384xi32, #tpu.memory_space<vmem>>
    %dma_start3A_239 = tpu.memref_slice %arg2[%add3A_236] : memref<320000xi32, #tpu.memory_space<hbm>> -> memref<384xi32, #tpu.memory_space<hbm>>
    %dma_start3A_240 = arith.constant 11136 : i32
    %dma_start3A_241 = tpu.memref_slice %arg11[%dma_start3A_240] : memref<12288xi32, #tpu.memory_space<vmem>> -> memref<384xi32, #tpu.memory_space<vmem>>
    %dma_start3A_242 = tpu.memref_slice %arg2[%add3A_236] : memref<320000xi32, #tpu.memory_space<hbm>> -> memref<384xi32, #tpu.memory_space<hbm>>
    tpu.enqueue_dma source(%dma_start3A_242 : memref<384xi32, #tpu.memory_space<hbm>>) target(%dma_start3A_241 : memref<384xi32, #tpu.memory_space<vmem>>) target_semaphore(%arg28 : memref<!tpu.dma_semaphore, #tpu.memory_space<semaphore_mem>>)
    %add3A_243 = arith.constant 300000 : i32
    %add3A_244 = arith.addi %add3A_243, %min3A_3 : i32
    %dma_start3A_245 = arith.constant 11520 : i32
    %dma_start3A_246 = tpu.memref_slice %arg11[%dma_start3A_245] : memref<12288xi32, #tpu.memory_space<vmem>> -> memref<384xi32, #tpu.memory_space<vmem>>
    %dma_start3A_247 = tpu.memref_slice %arg2[%add3A_244] : memref<320000xi32, #tpu.memory_space<hbm>> -> memref<384xi32, #tpu.memory_space<hbm>>
    %dma_start3A_248 = arith.constant 11520 : i32
    %dma_start3A_249 = tpu.memref_slice %arg11[%dma_start3A_248] : memref<12288xi32, #tpu.memory_space<vmem>> -> memref<384xi32, #tpu.memory_space<vmem>>
    %dma_start3A_250 = tpu.memref_slice %arg2[%add3A_244] : memref<320000xi32, #tpu.memory_space<hbm>> -> memref<384xi32, #tpu.memory_space<hbm>>
    tpu.enqueue_dma source(%dma_start3A_250 : memref<384xi32, #tpu.memory_space<hbm>>) target(%dma_start3A_249 : memref<384xi32, #tpu.memory_space<vmem>>) target_semaphore(%arg28 : memref<!tpu.dma_semaphore, #tpu.memory_space<semaphore_mem>>)
    %add3A_251 = arith.constant 310000 : i32
    %add3A_252 = arith.addi %add3A_251, %min3A_3 : i32
    %dma_start3A_253 = arith.constant 11904 : i32
    %dma_start3A_254 = tpu.memref_slice %arg11[%dma_start3A_253] : memref<12288xi32, #tpu.memory_space<vmem>> -> memref<384xi32, #tpu.memory_space<vmem>>
    %dma_start3A_255 = tpu.memref_slice %arg2[%add3A_252] : memref<320000xi32, #tpu.memory_space<hbm>> -> memref<384xi32, #tpu.memory_space<hbm>>
    %dma_start3A_256 = arith.constant 11904 : i32
    %dma_start3A_257 = tpu.memref_slice %arg11[%dma_start3A_256] : memref<12288xi32, #tpu.memory_space<vmem>> -> memref<384xi32, #tpu.memory_space<vmem>>
    %dma_start3A_258 = tpu.memref_slice %arg2[%add3A_252] : memref<320000xi32, #tpu.memory_space<hbm>> -> memref<384xi32, #tpu.memory_space<hbm>>
    tpu.enqueue_dma source(%dma_start3A_258 : memref<384xi32, #tpu.memory_space<hbm>>) target(%dma_start3A_257 : memref<384xi32, #tpu.memory_space<vmem>>) target_semaphore(%arg28 : memref<!tpu.dma_semaphore, #tpu.memory_space<semaphore_mem>>)
    tpu.enqueue_dma source(%arg8 : memref<16xf32, #tpu.memory_space<hbm>>) target(%arg27 : memref<16xf32, #tpu.memory_space<vmem>>) target_semaphore(%arg28 : memref<!tpu.dma_semaphore, #tpu.memory_space<semaphore_mem>>)
    %add3A_259 = arith.constant 100000 : i32
    %add3A_260 = arith.addi %add3A_259, %min3A_3 : i32
    %dma_start3A_261 = tpu.memref_slice %arg5[%add3A_260] : memref<110000xf32, #tpu.memory_space<hbm>> -> memref<384xf32, #tpu.memory_space<hbm>>
    %dma_start3A_262 = tpu.memref_slice %arg5[%add3A_260] : memref<110000xf32, #tpu.memory_space<hbm>> -> memref<384xf32, #tpu.memory_space<hbm>>
    tpu.enqueue_dma source(%dma_start3A_262 : memref<384xf32, #tpu.memory_space<hbm>>) target(%arg22 : memref<384xf32, #tpu.memory_space<vmem>>) target_semaphore(%arg28 : memref<!tpu.dma_semaphore, #tpu.memory_space<semaphore_mem>>)
    %add3A_263 = arith.constant 100000 : i32
    %add3A_264 = arith.addi %add3A_263, %min3A_3 : i32
    %dma_start3A_265 = tpu.memref_slice %arg6[%add3A_264] : memref<110000xf32, #tpu.memory_space<hbm>> -> memref<384xf32, #tpu.memory_space<hbm>>
    %dma_start3A_266 = tpu.memref_slice %arg6[%add3A_264] : memref<110000xf32, #tpu.memory_space<hbm>> -> memref<384xf32, #tpu.memory_space<hbm>>
    tpu.enqueue_dma source(%dma_start3A_266 : memref<384xf32, #tpu.memory_space<hbm>>) target(%arg23 : memref<384xf32, #tpu.memory_space<vmem>>) target_semaphore(%arg28 : memref<!tpu.dma_semaphore, #tpu.memory_space<semaphore_mem>>)
    %add3A_267 = arith.constant 100000 : i32
    %add3A_268 = arith.addi %add3A_267, %min3A_3 : i32
    %dma_start3A_269 = tpu.memref_slice %arg7[%add3A_268] : memref<110000xf32, #tpu.memory_space<hbm>> -> memref<384xf32, #tpu.memory_space<hbm>>
    %dma_start3A_270 = tpu.memref_slice %arg7[%add3A_268] : memref<110000xf32, #tpu.memory_space<hbm>> -> memref<384xf32, #tpu.memory_space<hbm>>
    tpu.enqueue_dma source(%dma_start3A_270 : memref<384xf32, #tpu.memory_space<hbm>>) target(%arg24 : memref<384xf32, #tpu.memory_space<vmem>>) target_semaphore(%arg28 : memref<!tpu.dma_semaphore, #tpu.memory_space<semaphore_mem>>)
    %dma_wait3A = arith.constant 0 : i32
    %dma_wait3A_271 = tpu.memref_slice %arg11[%dma_wait3A] : memref<12288xi32, #tpu.memory_space<vmem>> -> memref<384xi32, #tpu.memory_space<vmem>>
    %dma_wait3A_272 = tpu.memref_slice %arg2[%add3A_5] : memref<320000xi32, #tpu.memory_space<hbm>> -> memref<384xi32, #tpu.memory_space<hbm>>
    %dma_wait3A_273 = arith.constant 0 : i32
    %dma_wait3A_274 = tpu.memref_slice %arg11[%dma_wait3A_273] : memref<12288xi32, #tpu.memory_space<vmem>> -> memref<384xi32, #tpu.memory_space<vmem>>
    %dma_wait3A_275 = tpu.memref_slice %arg2[%add3A_5] : memref<320000xi32, #tpu.memory_space<hbm>> -> memref<384xi32, #tpu.memory_space<hbm>>
    tpu.wait_dma2 semaphore(%arg28 : memref<!tpu.dma_semaphore, #tpu.memory_space<semaphore_mem>>) src(%dma_wait3A_275 : memref<384xi32, #tpu.memory_space<hbm>>) dst(%dma_wait3A_274 : memref<384xi32, #tpu.memory_space<vmem>>)
    %dma_wait3A_276 = arith.constant 384 : i32
    %dma_wait3A_277 = tpu.memref_slice %arg11[%dma_wait3A_276] : memref<12288xi32, #tpu.memory_space<vmem>> -> memref<384xi32, #tpu.memory_space<vmem>>
    %dma_wait3A_278 = tpu.memref_slice %arg2[%add3A_12] : memref<320000xi32, #tpu.memory_space<hbm>> -> memref<384xi32, #tpu.memory_space<hbm>>
    %dma_wait3A_279 = arith.constant 384 : i32
    %dma_wait3A_280 = tpu.memref_slice %arg11[%dma_wait3A_279] : memref<12288xi32, #tpu.memory_space<vmem>> -> memref<384xi32, #tpu.memory_space<vmem>>
    %dma_wait3A_281 = tpu.memref_slice %arg2[%add3A_12] : memref<320000xi32, #tpu.memory_space<hbm>> -> memref<384xi32, #tpu.memory_space<hbm>>
    tpu.wait_dma2 semaphore(%arg28 : memref<!tpu.dma_semaphore, #tpu.memory_space<semaphore_mem>>) src(%dma_wait3A_281 : memref<384xi32, #tpu.memory_space<hbm>>) dst(%dma_wait3A_280 : memref<384xi32, #tpu.memory_space<vmem>>)
    %dma_wait3A_282 = arith.constant 768 : i32
    %dma_wait3A_283 = tpu.memref_slice %arg11[%dma_wait3A_282] : memref<12288xi32, #tpu.memory_space<vmem>> -> memref<384xi32, #tpu.memory_space<vmem>>
    %dma_wait3A_284 = tpu.memref_slice %arg2[%add3A_20] : memref<320000xi32, #tpu.memory_space<hbm>> -> memref<384xi32, #tpu.memory_space<hbm>>
    %dma_wait3A_285 = arith.constant 768 : i32
    %dma_wait3A_286 = tpu.memref_slice %arg11[%dma_wait3A_285] : memref<12288xi32, #tpu.memory_space<vmem>> -> memref<384xi32, #tpu.memory_space<vmem>>
    %dma_wait3A_287 = tpu.memref_slice %arg2[%add3A_20] : memref<320000xi32, #tpu.memory_space<hbm>> -> memref<384xi32, #tpu.memory_space<hbm>>
    tpu.wait_dma2 semaphore(%arg28 : memref<!tpu.dma_semaphore, #tpu.memory_space<semaphore_mem>>) src(%dma_wait3A_287 : memref<384xi32, #tpu.memory_space<hbm>>) dst(%dma_wait3A_286 : memref<384xi32, #tpu.memory_space<vmem>>)
    %dma_wait3A_288 = arith.constant 1152 : i32
    %dma_wait3A_289 = tpu.memref_slice %arg11[%dma_wait3A_288] : memref<12288xi32, #tpu.memory_space<vmem>> -> memref<384xi32, #tpu.memory_space<vmem>>
    %dma_wait3A_290 = tpu.memref_slice %arg2[%add3A_28] : memref<320000xi32, #tpu.memory_space<hbm>> -> memref<384xi32, #tpu.memory_space<hbm>>
    %dma_wait3A_291 = arith.constant 1152 : i32
    %dma_wait3A_292 = tpu.memref_slice %arg11[%dma_wait3A_291] : memref<12288xi32, #tpu.memory_space<vmem>> -> memref<384xi32, #tpu.memory_space<vmem>>
    %dma_wait3A_293 = tpu.memref_slice %arg2[%add3A_28] : memref<320000xi32, #tpu.memory_space<hbm>> -> memref<384xi32, #tpu.memory_space<hbm>>
    tpu.wait_dma2 semaphore(%arg28 : memref<!tpu.dma_semaphore, #tpu.memory_space<semaphore_mem>>) src(%dma_wait3A_293 : memref<384xi32, #tpu.memory_space<hbm>>) dst(%dma_wait3A_292 : memref<384xi32, #tpu.memory_space<vmem>>)
    %dma_wait3A_294 = arith.constant 1536 : i32
    %dma_wait3A_295 = tpu.memref_slice %arg11[%dma_wait3A_294] : memref<12288xi32, #tpu.memory_space<vmem>> -> memref<384xi32, #tpu.memory_space<vmem>>
    %dma_wait3A_296 = tpu.memref_slice %arg2[%add3A_36] : memref<320000xi32, #tpu.memory_space<hbm>> -> memref<384xi32, #tpu.memory_space<hbm>>
    %dma_wait3A_297 = arith.constant 1536 : i32
    %dma_wait3A_298 = tpu.memref_slice %arg11[%dma_wait3A_297] : memref<12288xi32, #tpu.memory_space<vmem>> -> memref<384xi32, #tpu.memory_space<vmem>>
    %dma_wait3A_299 = tpu.memref_slice %arg2[%add3A_36] : memref<320000xi32, #tpu.memory_space<hbm>> -> memref<384xi32, #tpu.memory_space<hbm>>
    tpu.wait_dma2 semaphore(%arg28 : memref<!tpu.dma_semaphore, #tpu.memory_space<semaphore_mem>>) src(%dma_wait3A_299 : memref<384xi32, #tpu.memory_space<hbm>>) dst(%dma_wait3A_298 : memref<384xi32, #tpu.memory_space<vmem>>)
    %dma_wait3A_300 = arith.constant 1920 : i32
    %dma_wait3A_301 = tpu.memref_slice %arg11[%dma_wait3A_300] : memref<12288xi32, #tpu.memory_space<vmem>> -> memref<384xi32, #tpu.memory_space<vmem>>
    %dma_wait3A_302 = tpu.memref_slice %arg2[%add3A_44] : memref<320000xi32, #tpu.memory_space<hbm>> -> memref<384xi32, #tpu.memory_space<hbm>>
    %dma_wait3A_303 = arith.constant 1920 : i32
    %dma_wait3A_304 = tpu.memref_slice %arg11[%dma_wait3A_303] : memref<12288xi32, #tpu.memory_space<vmem>> -> memref<384xi32, #tpu.memory_space<vmem>>
    %dma_wait3A_305 = tpu.memref_slice %arg2[%add3A_44] : memref<320000xi32, #tpu.memory_space<hbm>> -> memref<384xi32, #tpu.memory_space<hbm>>
    tpu.wait_dma2 semaphore(%arg28 : memref<!tpu.dma_semaphore, #tpu.memory_space<semaphore_mem>>) src(%dma_wait3A_305 : memref<384xi32, #tpu.memory_space<hbm>>) dst(%dma_wait3A_304 : memref<384xi32, #tpu.memory_space<vmem>>)
    %dma_wait3A_306 = arith.constant 2304 : i32
    %dma_wait3A_307 = tpu.memref_slice %arg11[%dma_wait3A_306] : memref<12288xi32, #tpu.memory_space<vmem>> -> memref<384xi32, #tpu.memory_space<vmem>>
    %dma_wait3A_308 = tpu.memref_slice %arg2[%add3A_52] : memref<320000xi32, #tpu.memory_space<hbm>> -> memref<384xi32, #tpu.memory_space<hbm>>
    %dma_wait3A_309 = arith.constant 2304 : i32
    %dma_wait3A_310 = tpu.memref_slice %arg11[%dma_wait3A_309] : memref<12288xi32, #tpu.memory_space<vmem>> -> memref<384xi32, #tpu.memory_space<vmem>>
    %dma_wait3A_311 = tpu.memref_slice %arg2[%add3A_52] : memref<320000xi32, #tpu.memory_space<hbm>> -> memref<384xi32, #tpu.memory_space<hbm>>
    tpu.wait_dma2 semaphore(%arg28 : memref<!tpu.dma_semaphore, #tpu.memory_space<semaphore_mem>>) src(%dma_wait3A_311 : memref<384xi32, #tpu.memory_space<hbm>>) dst(%dma_wait3A_310 : memref<384xi32, #tpu.memory_space<vmem>>)
    %dma_wait3A_312 = arith.constant 2688 : i32
    %dma_wait3A_313 = tpu.memref_slice %arg11[%dma_wait3A_312] : memref<12288xi32, #tpu.memory_space<vmem>> -> memref<384xi32, #tpu.memory_space<vmem>>
    %dma_wait3A_314 = tpu.memref_slice %arg2[%add3A_60] : memref<320000xi32, #tpu.memory_space<hbm>> -> memref<384xi32, #tpu.memory_space<hbm>>
    %dma_wait3A_315 = arith.constant 2688 : i32
    %dma_wait3A_316 = tpu.memref_slice %arg11[%dma_wait3A_315] : memref<12288xi32, #tpu.memory_space<vmem>> -> memref<384xi32, #tpu.memory_space<vmem>>
    %dma_wait3A_317 = tpu.memref_slice %arg2[%add3A_60] : memref<320000xi32, #tpu.memory_space<hbm>> -> memref<384xi32, #tpu.memory_space<hbm>>
    tpu.wait_dma2 semaphore(%arg28 : memref<!tpu.dma_semaphore, #tpu.memory_space<semaphore_mem>>) src(%dma_wait3A_317 : memref<384xi32, #tpu.memory_space<hbm>>) dst(%dma_wait3A_316 : memref<384xi32, #tpu.memory_space<vmem>>)
    %dma_wait3A_318 = arith.constant 3072 : i32
    %dma_wait3A_319 = tpu.memref_slice %arg11[%dma_wait3A_318] : memref<12288xi32, #tpu.memory_space<vmem>> -> memref<384xi32, #tpu.memory_space<vmem>>
    %dma_wait3A_320 = tpu.memref_slice %arg2[%add3A_68] : memref<320000xi32, #tpu.memory_space<hbm>> -> memref<384xi32, #tpu.memory_space<hbm>>
    %dma_wait3A_321 = arith.constant 3072 : i32
    %dma_wait3A_322 = tpu.memref_slice %arg11[%dma_wait3A_321] : memref<12288xi32, #tpu.memory_space<vmem>> -> memref<384xi32, #tpu.memory_space<vmem>>
    %dma_wait3A_323 = tpu.memref_slice %arg2[%add3A_68] : memref<320000xi32, #tpu.memory_space<hbm>> -> memref<384xi32, #tpu.memory_space<hbm>>
    tpu.wait_dma2 semaphore(%arg28 : memref<!tpu.dma_semaphore, #tpu.memory_space<semaphore_mem>>) src(%dma_wait3A_323 : memref<384xi32, #tpu.memory_space<hbm>>) dst(%dma_wait3A_322 : memref<384xi32, #tpu.memory_space<vmem>>)
    %dma_wait3A_324 = arith.constant 3456 : i32
    %dma_wait3A_325 = tpu.memref_slice %arg11[%dma_wait3A_324] : memref<12288xi32, #tpu.memory_space<vmem>> -> memref<384xi32, #tpu.memory_space<vmem>>
    %dma_wait3A_326 = tpu.memref_slice %arg2[%add3A_76] : memref<320000xi32, #tpu.memory_space<hbm>> -> memref<384xi32, #tpu.memory_space<hbm>>
    %dma_wait3A_327 = arith.constant 3456 : i32
    %dma_wait3A_328 = tpu.memref_slice %arg11[%dma_wait3A_327] : memref<12288xi32, #tpu.memory_space<vmem>> -> memref<384xi32, #tpu.memory_space<vmem>>
    %dma_wait3A_329 = tpu.memref_slice %arg2[%add3A_76] : memref<320000xi32, #tpu.memory_space<hbm>> -> memref<384xi32, #tpu.memory_space<hbm>>
    tpu.wait_dma2 semaphore(%arg28 : memref<!tpu.dma_semaphore, #tpu.memory_space<semaphore_mem>>) src(%dma_wait3A_329 : memref<384xi32, #tpu.memory_space<hbm>>) dst(%dma_wait3A_328 : memref<384xi32, #tpu.memory_space<vmem>>)
    %dma_wait3A_330 = arith.constant 3840 : i32
    %dma_wait3A_331 = tpu.memref_slice %arg11[%dma_wait3A_330] : memref<12288xi32, #tpu.memory_space<vmem>> -> memref<384xi32, #tpu.memory_space<vmem>>
    %dma_wait3A_332 = tpu.memref_slice %arg2[%add3A_84] : memref<320000xi32, #tpu.memory_space<hbm>> -> memref<384xi32, #tpu.memory_space<hbm>>
    %dma_wait3A_333 = arith.constant 3840 : i32
    %dma_wait3A_334 = tpu.memref_slice %arg11[%dma_wait3A_333] : memref<12288xi32, #tpu.memory_space<vmem>> -> memref<384xi32, #tpu.memory_space<vmem>>
    %dma_wait3A_335 = tpu.memref_slice %arg2[%add3A_84] : memref<320000xi32, #tpu.memory_space<hbm>> -> memref<384xi32, #tpu.memory_space<hbm>>
    tpu.wait_dma2 semaphore(%arg28 : memref<!tpu.dma_semaphore, #tpu.memory_space<semaphore_mem>>) src(%dma_wait3A_335 : memref<384xi32, #tpu.memory_space<hbm>>) dst(%dma_wait3A_334 : memref<384xi32, #tpu.memory_space<vmem>>)
    %dma_wait3A_336 = arith.constant 4224 : i32
    %dma_wait3A_337 = tpu.memref_slice %arg11[%dma_wait3A_336] : memref<12288xi32, #tpu.memory_space<vmem>> -> memref<384xi32, #tpu.memory_space<vmem>>
    %dma_wait3A_338 = tpu.memref_slice %arg2[%add3A_92] : memref<320000xi32, #tpu.memory_space<hbm>> -> memref<384xi32, #tpu.memory_space<hbm>>
    %dma_wait3A_339 = arith.constant 4224 : i32
    %dma_wait3A_340 = tpu.memref_slice %arg11[%dma_wait3A_339] : memref<12288xi32, #tpu.memory_space<vmem>> -> memref<384xi32, #tpu.memory_space<vmem>>
    %dma_wait3A_341 = tpu.memref_slice %arg2[%add3A_92] : memref<320000xi32, #tpu.memory_space<hbm>> -> memref<384xi32, #tpu.memory_space<hbm>>
    tpu.wait_dma2 semaphore(%arg28 : memref<!tpu.dma_semaphore, #tpu.memory_space<semaphore_mem>>) src(%dma_wait3A_341 : memref<384xi32, #tpu.memory_space<hbm>>) dst(%dma_wait3A_340 : memref<384xi32, #tpu.memory_space<vmem>>)
    %dma_wait3A_342 = arith.constant 4608 : i32
    %dma_wait3A_343 = tpu.memref_slice %arg11[%dma_wait3A_342] : memref<12288xi32, #tpu.memory_space<vmem>> -> memref<384xi32, #tpu.memory_space<vmem>>
    %dma_wait3A_344 = tpu.memref_slice %arg2[%add3A_100] : memref<320000xi32, #tpu.memory_space<hbm>> -> memref<384xi32, #tpu.memory_space<hbm>>
    %dma_wait3A_345 = arith.constant 4608 : i32
    %dma_wait3A_346 = tpu.memref_slice %arg11[%dma_wait3A_345] : memref<12288xi32, #tpu.memory_space<vmem>> -> memref<384xi32, #tpu.memory_space<vmem>>
    %dma_wait3A_347 = tpu.memref_slice %arg2[%add3A_100] : memref<320000xi32, #tpu.memory_space<hbm>> -> memref<384xi32, #tpu.memory_space<hbm>>
    tpu.wait_dma2 semaphore(%arg28 : memref<!tpu.dma_semaphore, #tpu.memory_space<semaphore_mem>>) src(%dma_wait3A_347 : memref<384xi32, #tpu.memory_space<hbm>>) dst(%dma_wait3A_346 : memref<384xi32, #tpu.memory_space<vmem>>)
    %dma_wait3A_348 = arith.constant 4992 : i32
    %dma_wait3A_349 = tpu.memref_slice %arg11[%dma_wait3A_348] : memref<12288xi32, #tpu.memory_space<vmem>> -> memref<384xi32, #tpu.memory_space<vmem>>
    %dma_wait3A_350 = tpu.memref_slice %arg2[%add3A_108] : memref<320000xi32, #tpu.memory_space<hbm>> -> memref<384xi32, #tpu.memory_space<hbm>>
    %dma_wait3A_351 = arith.constant 4992 : i32
    %dma_wait3A_352 = tpu.memref_slice %arg11[%dma_wait3A_351] : memref<12288xi32, #tpu.memory_space<vmem>> -> memref<384xi32, #tpu.memory_space<vmem>>
    %dma_wait3A_353 = tpu.memref_slice %arg2[%add3A_108] : memref<320000xi32, #tpu.memory_space<hbm>> -> memref<384xi32, #tpu.memory_space<hbm>>
    tpu.wait_dma2 semaphore(%arg28 : memref<!tpu.dma_semaphore, #tpu.memory_space<semaphore_mem>>) src(%dma_wait3A_353 : memref<384xi32, #tpu.memory_space<hbm>>) dst(%dma_wait3A_352 : memref<384xi32, #tpu.memory_space<vmem>>)
    %dma_wait3A_354 = arith.constant 5376 : i32
    %dma_wait3A_355 = tpu.memref_slice %arg11[%dma_wait3A_354] : memref<12288xi32, #tpu.memory_space<vmem>> -> memref<384xi32, #tpu.memory_space<vmem>>
    %dma_wait3A_356 = tpu.memref_slice %arg2[%add3A_116] : memref<320000xi32, #tpu.memory_space<hbm>> -> memref<384xi32, #tpu.memory_space<hbm>>
    %dma_wait3A_357 = arith.constant 5376 : i32
    %dma_wait3A_358 = tpu.memref_slice %arg11[%dma_wait3A_357] : memref<12288xi32, #tpu.memory_space<vmem>> -> memref<384xi32, #tpu.memory_space<vmem>>
    %dma_wait3A_359 = tpu.memref_slice %arg2[%add3A_116] : memref<320000xi32, #tpu.memory_space<hbm>> -> memref<384xi32, #tpu.memory_space<hbm>>
    tpu.wait_dma2 semaphore(%arg28 : memref<!tpu.dma_semaphore, #tpu.memory_space<semaphore_mem>>) src(%dma_wait3A_359 : memref<384xi32, #tpu.memory_space<hbm>>) dst(%dma_wait3A_358 : memref<384xi32, #tpu.memory_space<vmem>>)
    %dma_wait3A_360 = arith.constant 5760 : i32
    %dma_wait3A_361 = tpu.memref_slice %arg11[%dma_wait3A_360] : memref<12288xi32, #tpu.memory_space<vmem>> -> memref<384xi32, #tpu.memory_space<vmem>>
    %dma_wait3A_362 = tpu.memref_slice %arg2[%add3A_124] : memref<320000xi32, #tpu.memory_space<hbm>> -> memref<384xi32, #tpu.memory_space<hbm>>
    %dma_wait3A_363 = arith.constant 5760 : i32
    %dma_wait3A_364 = tpu.memref_slice %arg11[%dma_wait3A_363] : memref<12288xi32, #tpu.memory_space<vmem>> -> memref<384xi32, #tpu.memory_space<vmem>>
    %dma_wait3A_365 = tpu.memref_slice %arg2[%add3A_124] : memref<320000xi32, #tpu.memory_space<hbm>> -> memref<384xi32, #tpu.memory_space<hbm>>
    tpu.wait_dma2 semaphore(%arg28 : memref<!tpu.dma_semaphore, #tpu.memory_space<semaphore_mem>>) src(%dma_wait3A_365 : memref<384xi32, #tpu.memory_space<hbm>>) dst(%dma_wait3A_364 : memref<384xi32, #tpu.memory_space<vmem>>)
    %dma_wait3A_366 = arith.constant 6144 : i32
    %dma_wait3A_367 = tpu.memref_slice %arg11[%dma_wait3A_366] : memref<12288xi32, #tpu.memory_space<vmem>> -> memref<384xi32, #tpu.memory_space<vmem>>
    %dma_wait3A_368 = tpu.memref_slice %arg2[%add3A_132] : memref<320000xi32, #tpu.memory_space<hbm>> -> memref<384xi32, #tpu.memory_space<hbm>>
    %dma_wait3A_369 = arith.constant 6144 : i32
    %dma_wait3A_370 = tpu.memref_slice %arg11[%dma_wait3A_369] : memref<12288xi32, #tpu.memory_space<vmem>> -> memref<384xi32, #tpu.memory_space<vmem>>
    %dma_wait3A_371 = tpu.memref_slice %arg2[%add3A_132] : memref<320000xi32, #tpu.memory_space<hbm>> -> memref<384xi32, #tpu.memory_space<hbm>>
    tpu.wait_dma2 semaphore(%arg28 : memref<!tpu.dma_semaphore, #tpu.memory_space<semaphore_mem>>) src(%dma_wait3A_371 : memref<384xi32, #tpu.memory_space<hbm>>) dst(%dma_wait3A_370 : memref<384xi32, #tpu.memory_space<vmem>>)
    %dma_wait3A_372 = arith.constant 6528 : i32
    %dma_wait3A_373 = tpu.memref_slice %arg11[%dma_wait3A_372] : memref<12288xi32, #tpu.memory_space<vmem>> -> memref<384xi32, #tpu.memory_space<vmem>>
    %dma_wait3A_374 = tpu.memref_slice %arg2[%add3A_140] : memref<320000xi32, #tpu.memory_space<hbm>> -> memref<384xi32, #tpu.memory_space<hbm>>
    %dma_wait3A_375 = arith.constant 6528 : i32
    %dma_wait3A_376 = tpu.memref_slice %arg11[%dma_wait3A_375] : memref<12288xi32, #tpu.memory_space<vmem>> -> memref<384xi32, #tpu.memory_space<vmem>>
    %dma_wait3A_377 = tpu.memref_slice %arg2[%add3A_140] : memref<320000xi32, #tpu.memory_space<hbm>> -> memref<384xi32, #tpu.memory_space<hbm>>
    tpu.wait_dma2 semaphore(%arg28 : memref<!tpu.dma_semaphore, #tpu.memory_space<semaphore_mem>>) src(%dma_wait3A_377 : memref<384xi32, #tpu.memory_space<hbm>>) dst(%dma_wait3A_376 : memref<384xi32, #tpu.memory_space<vmem>>)
    %dma_wait3A_378 = arith.constant 6912 : i32
    %dma_wait3A_379 = tpu.memref_slice %arg11[%dma_wait3A_378] : memref<12288xi32, #tpu.memory_space<vmem>> -> memref<384xi32, #tpu.memory_space<vmem>>
    %dma_wait3A_380 = tpu.memref_slice %arg2[%add3A_148] : memref<320000xi32, #tpu.memory_space<hbm>> -> memref<384xi32, #tpu.memory_space<hbm>>
    %dma_wait3A_381 = arith.constant 6912 : i32
    %dma_wait3A_382 = tpu.memref_slice %arg11[%dma_wait3A_381] : memref<12288xi32, #tpu.memory_space<vmem>> -> memref<384xi32, #tpu.memory_space<vmem>>
    %dma_wait3A_383 = tpu.memref_slice %arg2[%add3A_148] : memref<320000xi32, #tpu.memory_space<hbm>> -> memref<384xi32, #tpu.memory_space<hbm>>
    tpu.wait_dma2 semaphore(%arg28 : memref<!tpu.dma_semaphore, #tpu.memory_space<semaphore_mem>>) src(%dma_wait3A_383 : memref<384xi32, #tpu.memory_space<hbm>>) dst(%dma_wait3A_382 : memref<384xi32, #tpu.memory_space<vmem>>)
    %dma_wait3A_384 = arith.constant 7296 : i32
    %dma_wait3A_385 = tpu.memref_slice %arg11[%dma_wait3A_384] : memref<12288xi32, #tpu.memory_space<vmem>> -> memref<384xi32, #tpu.memory_space<vmem>>
    %dma_wait3A_386 = tpu.memref_slice %arg2[%add3A_156] : memref<320000xi32, #tpu.memory_space<hbm>> -> memref<384xi32, #tpu.memory_space<hbm>>
    %dma_wait3A_387 = arith.constant 7296 : i32
    %dma_wait3A_388 = tpu.memref_slice %arg11[%dma_wait3A_387] : memref<12288xi32, #tpu.memory_space<vmem>> -> memref<384xi32, #tpu.memory_space<vmem>>
    %dma_wait3A_389 = tpu.memref_slice %arg2[%add3A_156] : memref<320000xi32, #tpu.memory_space<hbm>> -> memref<384xi32, #tpu.memory_space<hbm>>
    tpu.wait_dma2 semaphore(%arg28 : memref<!tpu.dma_semaphore, #tpu.memory_space<semaphore_mem>>) src(%dma_wait3A_389 : memref<384xi32, #tpu.memory_space<hbm>>) dst(%dma_wait3A_388 : memref<384xi32, #tpu.memory_space<vmem>>)
    %dma_wait3A_390 = arith.constant 7680 : i32
    %dma_wait3A_391 = tpu.memref_slice %arg11[%dma_wait3A_390] : memref<12288xi32, #tpu.memory_space<vmem>> -> memref<384xi32, #tpu.memory_space<vmem>>
    %dma_wait3A_392 = tpu.memref_slice %arg2[%add3A_164] : memref<320000xi32, #tpu.memory_space<hbm>> -> memref<384xi32, #tpu.memory_space<hbm>>
    %dma_wait3A_393 = arith.constant 7680 : i32
    %dma_wait3A_394 = tpu.memref_slice %arg11[%dma_wait3A_393] : memref<12288xi32, #tpu.memory_space<vmem>> -> memref<384xi32, #tpu.memory_space<vmem>>
    %dma_wait3A_395 = tpu.memref_slice %arg2[%add3A_164] : memref<320000xi32, #tpu.memory_space<hbm>> -> memref<384xi32, #tpu.memory_space<hbm>>
    tpu.wait_dma2 semaphore(%arg28 : memref<!tpu.dma_semaphore, #tpu.memory_space<semaphore_mem>>) src(%dma_wait3A_395 : memref<384xi32, #tpu.memory_space<hbm>>) dst(%dma_wait3A_394 : memref<384xi32, #tpu.memory_space<vmem>>)
    %dma_wait3A_396 = arith.constant 8064 : i32
    %dma_wait3A_397 = tpu.memref_slice %arg11[%dma_wait3A_396] : memref<12288xi32, #tpu.memory_space<vmem>> -> memref<384xi32, #tpu.memory_space<vmem>>
    %dma_wait3A_398 = tpu.memref_slice %arg2[%add3A_172] : memref<320000xi32, #tpu.memory_space<hbm>> -> memref<384xi32, #tpu.memory_space<hbm>>
    %dma_wait3A_399 = arith.constant 8064 : i32
    %dma_wait3A_400 = tpu.memref_slice %arg11[%dma_wait3A_399] : memref<12288xi32, #tpu.memory_space<vmem>> -> memref<384xi32, #tpu.memory_space<vmem>>
    %dma_wait3A_401 = tpu.memref_slice %arg2[%add3A_172] : memref<320000xi32, #tpu.memory_space<hbm>> -> memref<384xi32, #tpu.memory_space<hbm>>
    tpu.wait_dma2 semaphore(%arg28 : memref<!tpu.dma_semaphore, #tpu.memory_space<semaphore_mem>>) src(%dma_wait3A_401 : memref<384xi32, #tpu.memory_space<hbm>>) dst(%dma_wait3A_400 : memref<384xi32, #tpu.memory_space<vmem>>)
    %dma_wait3A_402 = arith.constant 8448 : i32
    %dma_wait3A_403 = tpu.memref_slice %arg11[%dma_wait3A_402] : memref<12288xi32, #tpu.memory_space<vmem>> -> memref<384xi32, #tpu.memory_space<vmem>>
    %dma_wait3A_404 = tpu.memref_slice %arg2[%add3A_180] : memref<320000xi32, #tpu.memory_space<hbm>> -> memref<384xi32, #tpu.memory_space<hbm>>
    %dma_wait3A_405 = arith.constant 8448 : i32
    %dma_wait3A_406 = tpu.memref_slice %arg11[%dma_wait3A_405] : memref<12288xi32, #tpu.memory_space<vmem>> -> memref<384xi32, #tpu.memory_space<vmem>>
    %dma_wait3A_407 = tpu.memref_slice %arg2[%add3A_180] : memref<320000xi32, #tpu.memory_space<hbm>> -> memref<384xi32, #tpu.memory_space<hbm>>
    tpu.wait_dma2 semaphore(%arg28 : memref<!tpu.dma_semaphore, #tpu.memory_space<semaphore_mem>>) src(%dma_wait3A_407 : memref<384xi32, #tpu.memory_space<hbm>>) dst(%dma_wait3A_406 : memref<384xi32, #tpu.memory_space<vmem>>)
    %dma_wait3A_408 = arith.constant 8832 : i32
    %dma_wait3A_409 = tpu.memref_slice %arg11[%dma_wait3A_408] : memref<12288xi32, #tpu.memory_space<vmem>> -> memref<384xi32, #tpu.memory_space<vmem>>
    %dma_wait3A_410 = tpu.memref_slice %arg2[%add3A_188] : memref<320000xi32, #tpu.memory_space<hbm>> -> memref<384xi32, #tpu.memory_space<hbm>>
    %dma_wait3A_411 = arith.constant 8832 : i32
    %dma_wait3A_412 = tpu.memref_slice %arg11[%dma_wait3A_411] : memref<12288xi32, #tpu.memory_space<vmem>> -> memref<384xi32, #tpu.memory_space<vmem>>
    %dma_wait3A_413 = tpu.memref_slice %arg2[%add3A_188] : memref<320000xi32, #tpu.memory_space<hbm>> -> memref<384xi32, #tpu.memory_space<hbm>>
    tpu.wait_dma2 semaphore(%arg28 : memref<!tpu.dma_semaphore, #tpu.memory_space<semaphore_mem>>) src(%dma_wait3A_413 : memref<384xi32, #tpu.memory_space<hbm>>) dst(%dma_wait3A_412 : memref<384xi32, #tpu.memory_space<vmem>>)
    %dma_wait3A_414 = arith.constant 9216 : i32
    %dma_wait3A_415 = tpu.memref_slice %arg11[%dma_wait3A_414] : memref<12288xi32, #tpu.memory_space<vmem>> -> memref<384xi32, #tpu.memory_space<vmem>>
    %dma_wait3A_416 = tpu.memref_slice %arg2[%add3A_196] : memref<320000xi32, #tpu.memory_space<hbm>> -> memref<384xi32, #tpu.memory_space<hbm>>
    %dma_wait3A_417 = arith.constant 9216 : i32
    %dma_wait3A_418 = tpu.memref_slice %arg11[%dma_wait3A_417] : memref<12288xi32, #tpu.memory_space<vmem>> -> memref<384xi32, #tpu.memory_space<vmem>>
    %dma_wait3A_419 = tpu.memref_slice %arg2[%add3A_196] : memref<320000xi32, #tpu.memory_space<hbm>> -> memref<384xi32, #tpu.memory_space<hbm>>
    tpu.wait_dma2 semaphore(%arg28 : memref<!tpu.dma_semaphore, #tpu.memory_space<semaphore_mem>>) src(%dma_wait3A_419 : memref<384xi32, #tpu.memory_space<hbm>>) dst(%dma_wait3A_418 : memref<384xi32, #tpu.memory_space<vmem>>)
    %dma_wait3A_420 = arith.constant 9600 : i32
    %dma_wait3A_421 = tpu.memref_slice %arg11[%dma_wait3A_420] : memref<12288xi32, #tpu.memory_space<vmem>> -> memref<384xi32, #tpu.memory_space<vmem>>
    %dma_wait3A_422 = tpu.memref_slice %arg2[%add3A_204] : memref<320000xi32, #tpu.memory_space<hbm>> -> memref<384xi32, #tpu.memory_space<hbm>>
    %dma_wait3A_423 = arith.constant 9600 : i32
    %dma_wait3A_424 = tpu.memref_slice %arg11[%dma_wait3A_423] : memref<12288xi32, #tpu.memory_space<vmem>> -> memref<384xi32, #tpu.memory_space<vmem>>
    %dma_wait3A_425 = tpu.memref_slice %arg2[%add3A_204] : memref<320000xi32, #tpu.memory_space<hbm>> -> memref<384xi32, #tpu.memory_space<hbm>>
    tpu.wait_dma2 semaphore(%arg28 : memref<!tpu.dma_semaphore, #tpu.memory_space<semaphore_mem>>) src(%dma_wait3A_425 : memref<384xi32, #tpu.memory_space<hbm>>) dst(%dma_wait3A_424 : memref<384xi32, #tpu.memory_space<vmem>>)
    %dma_wait3A_426 = arith.constant 9984 : i32
    %dma_wait3A_427 = tpu.memref_slice %arg11[%dma_wait3A_426] : memref<12288xi32, #tpu.memory_space<vmem>> -> memref<384xi32, #tpu.memory_space<vmem>>
    %dma_wait3A_428 = tpu.memref_slice %arg2[%add3A_212] : memref<320000xi32, #tpu.memory_space<hbm>> -> memref<384xi32, #tpu.memory_space<hbm>>
    %dma_wait3A_429 = arith.constant 9984 : i32
    %dma_wait3A_430 = tpu.memref_slice %arg11[%dma_wait3A_429] : memref<12288xi32, #tpu.memory_space<vmem>> -> memref<384xi32, #tpu.memory_space<vmem>>
    %dma_wait3A_431 = tpu.memref_slice %arg2[%add3A_212] : memref<320000xi32, #tpu.memory_space<hbm>> -> memref<384xi32, #tpu.memory_space<hbm>>
    tpu.wait_dma2 semaphore(%arg28 : memref<!tpu.dma_semaphore, #tpu.memory_space<semaphore_mem>>) src(%dma_wait3A_431 : memref<384xi32, #tpu.memory_space<hbm>>) dst(%dma_wait3A_430 : memref<384xi32, #tpu.memory_space<vmem>>)
    %dma_wait3A_432 = arith.constant 10368 : i32
    %dma_wait3A_433 = tpu.memref_slice %arg11[%dma_wait3A_432] : memref<12288xi32, #tpu.memory_space<vmem>> -> memref<384xi32, #tpu.memory_space<vmem>>
    %dma_wait3A_434 = tpu.memref_slice %arg2[%add3A_220] : memref<320000xi32, #tpu.memory_space<hbm>> -> memref<384xi32, #tpu.memory_space<hbm>>
    %dma_wait3A_435 = arith.constant 10368 : i32
    %dma_wait3A_436 = tpu.memref_slice %arg11[%dma_wait3A_435] : memref<12288xi32, #tpu.memory_space<vmem>> -> memref<384xi32, #tpu.memory_space<vmem>>
    %dma_wait3A_437 = tpu.memref_slice %arg2[%add3A_220] : memref<320000xi32, #tpu.memory_space<hbm>> -> memref<384xi32, #tpu.memory_space<hbm>>
    tpu.wait_dma2 semaphore(%arg28 : memref<!tpu.dma_semaphore, #tpu.memory_space<semaphore_mem>>) src(%dma_wait3A_437 : memref<384xi32, #tpu.memory_space<hbm>>) dst(%dma_wait3A_436 : memref<384xi32, #tpu.memory_space<vmem>>)
    %dma_wait3A_438 = arith.constant 10752 : i32
    %dma_wait3A_439 = tpu.memref_slice %arg11[%dma_wait3A_438] : memref<12288xi32, #tpu.memory_space<vmem>> -> memref<384xi32, #tpu.memory_space<vmem>>
    %dma_wait3A_440 = tpu.memref_slice %arg2[%add3A_228] : memref<320000xi32, #tpu.memory_space<hbm>> -> memref<384xi32, #tpu.memory_space<hbm>>
    %dma_wait3A_441 = arith.constant 10752 : i32
    %dma_wait3A_442 = tpu.memref_slice %arg11[%dma_wait3A_441] : memref<12288xi32, #tpu.memory_space<vmem>> -> memref<384xi32, #tpu.memory_space<vmem>>
    %dma_wait3A_443 = tpu.memref_slice %arg2[%add3A_228] : memref<320000xi32, #tpu.memory_space<hbm>> -> memref<384xi32, #tpu.memory_space<hbm>>
    tpu.wait_dma2 semaphore(%arg28 : memref<!tpu.dma_semaphore, #tpu.memory_space<semaphore_mem>>) src(%dma_wait3A_443 : memref<384xi32, #tpu.memory_space<hbm>>) dst(%dma_wait3A_442 : memref<384xi32, #tpu.memory_space<vmem>>)
    %dma_wait3A_444 = arith.constant 11136 : i32
    %dma_wait3A_445 = tpu.memref_slice %arg11[%dma_wait3A_444] : memref<12288xi32, #tpu.memory_space<vmem>> -> memref<384xi32, #tpu.memory_space<vmem>>
    %dma_wait3A_446 = tpu.memref_slice %arg2[%add3A_236] : memref<320000xi32, #tpu.memory_space<hbm>> -> memref<384xi32, #tpu.memory_space<hbm>>
    %dma_wait3A_447 = arith.constant 11136 : i32
    %dma_wait3A_448 = tpu.memref_slice %arg11[%dma_wait3A_447] : memref<12288xi32, #tpu.memory_space<vmem>> -> memref<384xi32, #tpu.memory_space<vmem>>
    %dma_wait3A_449 = tpu.memref_slice %arg2[%add3A_236] : memref<320000xi32, #tpu.memory_space<hbm>> -> memref<384xi32, #tpu.memory_space<hbm>>
    tpu.wait_dma2 semaphore(%arg28 : memref<!tpu.dma_semaphore, #tpu.memory_space<semaphore_mem>>) src(%dma_wait3A_449 : memref<384xi32, #tpu.memory_space<hbm>>) dst(%dma_wait3A_448 : memref<384xi32, #tpu.memory_space<vmem>>)
    %dma_wait3A_450 = arith.constant 11520 : i32
    %dma_wait3A_451 = tpu.memref_slice %arg11[%dma_wait3A_450] : memref<12288xi32, #tpu.memory_space<vmem>> -> memref<384xi32, #tpu.memory_space<vmem>>
    %dma_wait3A_452 = tpu.memref_slice %arg2[%add3A_244] : memref<320000xi32, #tpu.memory_space<hbm>> -> memref<384xi32, #tpu.memory_space<hbm>>
    %dma_wait3A_453 = arith.constant 11520 : i32
    %dma_wait3A_454 = tpu.memref_slice %arg11[%dma_wait3A_453] : memref<12288xi32, #tpu.memory_space<vmem>> -> memref<384xi32, #tpu.memory_space<vmem>>
    %dma_wait3A_455 = tpu.memref_slice %arg2[%add3A_244] : memref<320000xi32, #tpu.memory_space<hbm>> -> memref<384xi32, #tpu.memory_space<hbm>>
    tpu.wait_dma2 semaphore(%arg28 : memref<!tpu.dma_semaphore, #tpu.memory_space<semaphore_mem>>) src(%dma_wait3A_455 : memref<384xi32, #tpu.memory_space<hbm>>) dst(%dma_wait3A_454 : memref<384xi32, #tpu.memory_space<vmem>>)
    %dma_wait3A_456 = arith.constant 11904 : i32
    %dma_wait3A_457 = tpu.memref_slice %arg11[%dma_wait3A_456] : memref<12288xi32, #tpu.memory_space<vmem>> -> memref<384xi32, #tpu.memory_space<vmem>>
    %dma_wait3A_458 = tpu.memref_slice %arg2[%add3A_252] : memref<320000xi32, #tpu.memory_space<hbm>> -> memref<384xi32, #tpu.memory_space<hbm>>
    %dma_wait3A_459 = arith.constant 11904 : i32
    %dma_wait3A_460 = tpu.memref_slice %arg11[%dma_wait3A_459] : memref<12288xi32, #tpu.memory_space<vmem>> -> memref<384xi32, #tpu.memory_space<vmem>>
    %dma_wait3A_461 = tpu.memref_slice %arg2[%add3A_252] : memref<320000xi32, #tpu.memory_space<hbm>> -> memref<384xi32, #tpu.memory_space<hbm>>
    tpu.wait_dma2 semaphore(%arg28 : memref<!tpu.dma_semaphore, #tpu.memory_space<semaphore_mem>>) src(%dma_wait3A_461 : memref<384xi32, #tpu.memory_space<hbm>>) dst(%dma_wait3A_460 : memref<384xi32, #tpu.memory_space<vmem>>)
    tpu.wait_dma2 semaphore(%arg28 : memref<!tpu.dma_semaphore, #tpu.memory_space<semaphore_mem>>) src(%arg8 : memref<16xf32, #tpu.memory_space<hbm>>) dst(%arg27 : memref<16xf32, #tpu.memory_space<vmem>>)
    %dma_wait3A_462 = tpu.memref_slice %arg5[%add3A_260] : memref<110000xf32, #tpu.memory_space<hbm>> -> memref<384xf32, #tpu.memory_space<hbm>>
    %dma_wait3A_463 = tpu.memref_slice %arg5[%add3A_260] : memref<110000xf32, #tpu.memory_space<hbm>> -> memref<384xf32, #tpu.memory_space<hbm>>
    tpu.wait_dma2 semaphore(%arg28 : memref<!tpu.dma_semaphore, #tpu.memory_space<semaphore_mem>>) src(%dma_wait3A_463 : memref<384xf32, #tpu.memory_space<hbm>>) dst(%arg22 : memref<384xf32, #tpu.memory_space<vmem>>)
    %dma_wait3A_464 = tpu.memref_slice %arg6[%add3A_264] : memref<110000xf32, #tpu.memory_space<hbm>> -> memref<384xf32, #tpu.memory_space<hbm>>
    %dma_wait3A_465 = tpu.memref_slice %arg6[%add3A_264] : memref<110000xf32, #tpu.memory_space<hbm>> -> memref<384xf32, #tpu.memory_space<hbm>>
    tpu.wait_dma2 semaphore(%arg28 : memref<!tpu.dma_semaphore, #tpu.memory_space<semaphore_mem>>) src(%dma_wait3A_465 : memref<384xf32, #tpu.memory_space<hbm>>) dst(%arg23 : memref<384xf32, #tpu.memory_space<vmem>>)
    %dma_wait3A_466 = tpu.memref_slice %arg7[%add3A_268] : memref<110000xf32, #tpu.memory_space<hbm>> -> memref<384xf32, #tpu.memory_space<hbm>>
    %dma_wait3A_467 = tpu.memref_slice %arg7[%add3A_268] : memref<110000xf32, #tpu.memory_space<hbm>> -> memref<384xf32, #tpu.memory_space<hbm>>
    tpu.wait_dma2 semaphore(%arg28 : memref<!tpu.dma_semaphore, #tpu.memory_space<semaphore_mem>>) src(%dma_wait3A_467 : memref<384xf32, #tpu.memory_space<hbm>>) dst(%arg24 : memref<384xf32, #tpu.memory_space<vmem>>)
    %scan3A = arith.constant 0 : i32
    %scan3A_468 = arith.constant 0 : i32
    %scan3A_469 = arith.constant 24 : i32
    %scan3A_470 = arith.addi %scan3A_468, %scan3A_469 : i32
    %scan3A_471 = arith.constant 1 : i32
    %scan3A_472 = scf.for %scan3A_800 = %scan3A_468 to %scan3A_470 step %scan3A_471 iter_args(%scan3A_801 = %scan3A) -> (i32)  : i32 {
      %broadcast_in_dim3A = arith.constant -1 : i32
      %broadcast_in_dim3A_802 = vector.broadcast %broadcast_in_dim3A : i32 to vector<16xi32>
      %mul3A_803 = arith.constant 16 : i32
      %mul3A_804 = arith.muli %scan3A_800, %mul3A_803 : i32
      %add3A_805 = arith.constant 0 : i32
      %add3A_806 = arith.addi %add3A_805, %mul3A_804 : i32
      %get3A_807 = arith.index_cast %add3A_806 : i32 to index
      %get3A_808 = tpu.vector_load %arg11[%get3A_807] {strides = array<i32>} : memref<12288xi32, #tpu.memory_space<vmem>>, vector<16xi32>,
      %max3A = arith.maxsi %broadcast_in_dim3A_802, %get3A_808 : vector<16xi32>
      %mul3A_809 = arith.constant 16 : i32
      %mul3A_810 = arith.muli %scan3A_800, %mul3A_809 : i32
      %add3A_811 = arith.constant 384 : i32
      %add3A_812 = arith.addi %add3A_811, %mul3A_810 : i32
      %get3A_813 = arith.index_cast %add3A_812 : i32 to index
      %get3A_814 = tpu.vector_load %arg11[%get3A_813] {strides = array<i32>} : memref<12288xi32, #tpu.memory_space<vmem>>, vector<16xi32>,
      %max3A_815 = arith.maxsi %max3A, %get3A_814 : vector<16xi32>
      %mul3A_816 = arith.constant 16 : i32
      %mul3A_817 = arith.muli %scan3A_800, %mul3A_816 : i32
      %add3A_818 = arith.constant 768 : i32
      %add3A_819 = arith.addi %add3A_818, %mul3A_817 : i32
      %get3A_820 = arith.index_cast %add3A_819 : i32 to index
      %get3A_821 = tpu.vector_load %arg11[%get3A_820] {strides = array<i32>} : memref<12288xi32, #tpu.memory_space<vmem>>, vector<16xi32>,
      %max3A_822 = arith.maxsi %max3A_815, %get3A_821 : vector<16xi32>
      %mul3A_823 = arith.constant 16 : i32
      %mul3A_824 = arith.muli %scan3A_800, %mul3A_823 : i32
      %add3A_825 = arith.constant 1152 : i32
      %add3A_826 = arith.addi %add3A_825, %mul3A_824 : i32
      %get3A_827 = arith.index_cast %add3A_826 : i32 to index
      %get3A_828 = tpu.vector_load %arg11[%get3A_827] {strides = array<i32>} : memref<12288xi32, #tpu.memory_space<vmem>>, vector<16xi32>,
      %max3A_829 = arith.maxsi %max3A_822, %get3A_828 : vector<16xi32>
      %mul3A_830 = arith.constant 16 : i32
      %mul3A_831 = arith.muli %scan3A_800, %mul3A_830 : i32
      %add3A_832 = arith.constant 1536 : i32
      %add3A_833 = arith.addi %add3A_832, %mul3A_831 : i32
      %get3A_834 = arith.index_cast %add3A_833 : i32 to index
      %get3A_835 = tpu.vector_load %arg11[%get3A_834] {strides = array<i32>} : memref<12288xi32, #tpu.memory_space<vmem>>, vector<16xi32>,
      %max3A_836 = arith.maxsi %max3A_829, %get3A_835 : vector<16xi32>
      %mul3A_837 = arith.constant 16 : i32
      %mul3A_838 = arith.muli %scan3A_800, %mul3A_837 : i32
      %add3A_839 = arith.constant 1920 : i32
      %add3A_840 = arith.addi %add3A_839, %mul3A_838 : i32
      %get3A_841 = arith.index_cast %add3A_840 : i32 to index
      %get3A_842 = tpu.vector_load %arg11[%get3A_841] {strides = array<i32>} : memref<12288xi32, #tpu.memory_space<vmem>>, vector<16xi32>,
      %max3A_843 = arith.maxsi %max3A_836, %get3A_842 : vector<16xi32>
      %mul3A_844 = arith.constant 16 : i32
      %mul3A_845 = arith.muli %scan3A_800, %mul3A_844 : i32
      %add3A_846 = arith.constant 2304 : i32
      %add3A_847 = arith.addi %add3A_846, %mul3A_845 : i32
      %get3A_848 = arith.index_cast %add3A_847 : i32 to index
      %get3A_849 = tpu.vector_load %arg11[%get3A_848] {strides = array<i32>} : memref<12288xi32, #tpu.memory_space<vmem>>, vector<16xi32>,
      %max3A_850 = arith.maxsi %max3A_843, %get3A_849 : vector<16xi32>
      %mul3A_851 = arith.constant 16 : i32
      %mul3A_852 = arith.muli %scan3A_800, %mul3A_851 : i32
      %add3A_853 = arith.constant 2688 : i32
      %add3A_854 = arith.addi %add3A_853, %mul3A_852 : i32
      %get3A_855 = arith.index_cast %add3A_854 : i32 to index
      %get3A_856 = tpu.vector_load %arg11[%get3A_855] {strides = array<i32>} : memref<12288xi32, #tpu.memory_space<vmem>>, vector<16xi32>,
      %max3A_857 = arith.maxsi %max3A_850, %get3A_856 : vector<16xi32>
      %mul3A_858 = arith.constant 16 : i32
      %mul3A_859 = arith.muli %scan3A_800, %mul3A_858 : i32
      %add3A_860 = arith.constant 3072 : i32
      %add3A_861 = arith.addi %add3A_860, %mul3A_859 : i32
      %get3A_862 = arith.index_cast %add3A_861 : i32 to index
      %get3A_863 = tpu.vector_load %arg11[%get3A_862] {strides = array<i32>} : memref<12288xi32, #tpu.memory_space<vmem>>, vector<16xi32>,
      %max3A_864 = arith.maxsi %max3A_857, %get3A_863 : vector<16xi32>
      %mul3A_865 = arith.constant 16 : i32
      %mul3A_866 = arith.muli %scan3A_800, %mul3A_865 : i32
      %add3A_867 = arith.constant 3456 : i32
      %add3A_868 = arith.addi %add3A_867, %mul3A_866 : i32
      %get3A_869 = arith.index_cast %add3A_868 : i32 to index
      %get3A_870 = tpu.vector_load %arg11[%get3A_869] {strides = array<i32>} : memref<12288xi32, #tpu.memory_space<vmem>>, vector<16xi32>,
      %max3A_871 = arith.maxsi %max3A_864, %get3A_870 : vector<16xi32>
      %mul3A_872 = arith.constant 16 : i32
      %mul3A_873 = arith.muli %scan3A_800, %mul3A_872 : i32
      %add3A_874 = arith.constant 3840 : i32
      %add3A_875 = arith.addi %add3A_874, %mul3A_873 : i32
      %get3A_876 = arith.index_cast %add3A_875 : i32 to index
      %get3A_877 = tpu.vector_load %arg11[%get3A_876] {strides = array<i32>} : memref<12288xi32, #tpu.memory_space<vmem>>, vector<16xi32>,
      %max3A_878 = arith.maxsi %max3A_871, %get3A_877 : vector<16xi32>
      %mul3A_879 = arith.constant 16 : i32
      %mul3A_880 = arith.muli %scan3A_800, %mul3A_879 : i32
      %add3A_881 = arith.constant 4224 : i32
      %add3A_882 = arith.addi %add3A_881, %mul3A_880 : i32
      %get3A_883 = arith.index_cast %add3A_882 : i32 to index
      %get3A_884 = tpu.vector_load %arg11[%get3A_883] {strides = array<i32>} : memref<12288xi32, #tpu.memory_space<vmem>>, vector<16xi32>,
      %max3A_885 = arith.maxsi %max3A_878, %get3A_884 : vector<16xi32>
      %mul3A_886 = arith.constant 16 : i32
      %mul3A_887 = arith.muli %scan3A_800, %mul3A_886 : i32
      %add3A_888 = arith.constant 4608 : i32
      %add3A_889 = arith.addi %add3A_888, %mul3A_887 : i32
      %get3A_890 = arith.index_cast %add3A_889 : i32 to index
      %get3A_891 = tpu.vector_load %arg11[%get3A_890] {strides = array<i32>} : memref<12288xi32, #tpu.memory_space<vmem>>, vector<16xi32>,
      %max3A_892 = arith.maxsi %max3A_885, %get3A_891 : vector<16xi32>
      %mul3A_893 = arith.constant 16 : i32
      %mul3A_894 = arith.muli %scan3A_800, %mul3A_893 : i32
      %add3A_895 = arith.constant 4992 : i32
      %add3A_896 = arith.addi %add3A_895, %mul3A_894 : i32
      %get3A_897 = arith.index_cast %add3A_896 : i32 to index
      %get3A_898 = tpu.vector_load %arg11[%get3A_897] {strides = array<i32>} : memref<12288xi32, #tpu.memory_space<vmem>>, vector<16xi32>,
      %max3A_899 = arith.maxsi %max3A_892, %get3A_898 : vector<16xi32>
      %mul3A_900 = arith.constant 16 : i32
      %mul3A_901 = arith.muli %scan3A_800, %mul3A_900 : i32
      %add3A_902 = arith.constant 5376 : i32
      %add3A_903 = arith.addi %add3A_902, %mul3A_901 : i32
      %get3A_904 = arith.index_cast %add3A_903 : i32 to index
      %get3A_905 = tpu.vector_load %arg11[%get3A_904] {strides = array<i32>} : memref<12288xi32, #tpu.memory_space<vmem>>, vector<16xi32>,
      %max3A_906 = arith.maxsi %max3A_899, %get3A_905 : vector<16xi32>
      %mul3A_907 = arith.constant 16 : i32
      %mul3A_908 = arith.muli %scan3A_800, %mul3A_907 : i32
      %add3A_909 = arith.constant 5760 : i32
      %add3A_910 = arith.addi %add3A_909, %mul3A_908 : i32
      %get3A_911 = arith.index_cast %add3A_910 : i32 to index
      %get3A_912 = tpu.vector_load %arg11[%get3A_911] {strides = array<i32>} : memref<12288xi32, #tpu.memory_space<vmem>>, vector<16xi32>,
      %max3A_913 = arith.maxsi %max3A_906, %get3A_912 : vector<16xi32>
      %mul3A_914 = arith.constant 16 : i32
      %mul3A_915 = arith.muli %scan3A_800, %mul3A_914 : i32
      %add3A_916 = arith.constant 6144 : i32
      %add3A_917 = arith.addi %add3A_916, %mul3A_915 : i32
      %get3A_918 = arith.index_cast %add3A_917 : i32 to index
      %get3A_919 = tpu.vector_load %arg11[%get3A_918] {strides = array<i32>} : memref<12288xi32, #tpu.memory_space<vmem>>, vector<16xi32>,
      %max3A_920 = arith.maxsi %max3A_913, %get3A_919 : vector<16xi32>
      %mul3A_921 = arith.constant 16 : i32
      %mul3A_922 = arith.muli %scan3A_800, %mul3A_921 : i32
      %add3A_923 = arith.constant 6528 : i32
      %add3A_924 = arith.addi %add3A_923, %mul3A_922 : i32
      %get3A_925 = arith.index_cast %add3A_924 : i32 to index
      %get3A_926 = tpu.vector_load %arg11[%get3A_925] {strides = array<i32>} : memref<12288xi32, #tpu.memory_space<vmem>>, vector<16xi32>,
      %max3A_927 = arith.maxsi %max3A_920, %get3A_926 : vector<16xi32>
      %mul3A_928 = arith.constant 16 : i32
      %mul3A_929 = arith.muli %scan3A_800, %mul3A_928 : i32
      %add3A_930 = arith.constant 6912 : i32
      %add3A_931 = arith.addi %add3A_930, %mul3A_929 : i32
      %get3A_932 = arith.index_cast %add3A_931 : i32 to index
      %get3A_933 = tpu.vector_load %arg11[%get3A_932] {strides = array<i32>} : memref<12288xi32, #tpu.memory_space<vmem>>, vector<16xi32>,
      %max3A_934 = arith.maxsi %max3A_927, %get3A_933 : vector<16xi32>
      %mul3A_935 = arith.constant 16 : i32
      %mul3A_936 = arith.muli %scan3A_800, %mul3A_935 : i32
      %add3A_937 = arith.constant 7296 : i32
      %add3A_938 = arith.addi %add3A_937, %mul3A_936 : i32
      %get3A_939 = arith.index_cast %add3A_938 : i32 to index
      %get3A_940 = tpu.vector_load %arg11[%get3A_939] {strides = array<i32>} : memref<12288xi32, #tpu.memory_space<vmem>>, vector<16xi32>,
      %max3A_941 = arith.maxsi %max3A_934, %get3A_940 : vector<16xi32>
      %mul3A_942 = arith.constant 16 : i32
      %mul3A_943 = arith.muli %scan3A_800, %mul3A_942 : i32
      %add3A_944 = arith.constant 7680 : i32
      %add3A_945 = arith.addi %add3A_944, %mul3A_943 : i32
      %get3A_946 = arith.index_cast %add3A_945 : i32 to index
      %get3A_947 = tpu.vector_load %arg11[%get3A_946] {strides = array<i32>} : memref<12288xi32, #tpu.memory_space<vmem>>, vector<16xi32>,
      %max3A_948 = arith.maxsi %max3A_941, %get3A_947 : vector<16xi32>
      %mul3A_949 = arith.constant 16 : i32
      %mul3A_950 = arith.muli %scan3A_800, %mul3A_949 : i32
      %add3A_951 = arith.constant 8064 : i32
      %add3A_952 = arith.addi %add3A_951, %mul3A_950 : i32
      %get3A_953 = arith.index_cast %add3A_952 : i32 to index
      %get3A_954 = tpu.vector_load %arg11[%get3A_953] {strides = array<i32>} : memref<12288xi32, #tpu.memory_space<vmem>>, vector<16xi32>,
      %max3A_955 = arith.maxsi %max3A_948, %get3A_954 : vector<16xi32>
      %mul3A_956 = arith.constant 16 : i32
      %mul3A_957 = arith.muli %scan3A_800, %mul3A_956 : i32
      %add3A_958 = arith.constant 8448 : i32
      %add3A_959 = arith.addi %add3A_958, %mul3A_957 : i32
      %get3A_960 = arith.index_cast %add3A_959 : i32 to index
      %get3A_961 = tpu.vector_load %arg11[%get3A_960] {strides = array<i32>} : memref<12288xi32, #tpu.memory_space<vmem>>, vector<16xi32>,
      %max3A_962 = arith.maxsi %max3A_955, %get3A_961 : vector<16xi32>
      %mul3A_963 = arith.constant 16 : i32
      %mul3A_964 = arith.muli %scan3A_800, %mul3A_963 : i32
      %add3A_965 = arith.constant 8832 : i32
      %add3A_966 = arith.addi %add3A_965, %mul3A_964 : i32
      %get3A_967 = arith.index_cast %add3A_966 : i32 to index
      %get3A_968 = tpu.vector_load %arg11[%get3A_967] {strides = array<i32>} : memref<12288xi32, #tpu.memory_space<vmem>>, vector<16xi32>,
      %max3A_969 = arith.maxsi %max3A_962, %get3A_968 : vector<16xi32>
      %mul3A_970 = arith.constant 16 : i32
      %mul3A_971 = arith.muli %scan3A_800, %mul3A_970 : i32
      %add3A_972 = arith.constant 9216 : i32
      %add3A_973 = arith.addi %add3A_972, %mul3A_971 : i32
      %get3A_974 = arith.index_cast %add3A_973 : i32 to index
      %get3A_975 = tpu.vector_load %arg11[%get3A_974] {strides = array<i32>} : memref<12288xi32, #tpu.memory_space<vmem>>, vector<16xi32>,
      %max3A_976 = arith.maxsi %max3A_969, %get3A_975 : vector<16xi32>
      %mul3A_977 = arith.constant 16 : i32
      %mul3A_978 = arith.muli %scan3A_800, %mul3A_977 : i32
      %add3A_979 = arith.constant 9600 : i32
      %add3A_980 = arith.addi %add3A_979, %mul3A_978 : i32
      %get3A_981 = arith.index_cast %add3A_980 : i32 to index
      %get3A_982 = tpu.vector_load %arg11[%get3A_981] {strides = array<i32>} : memref<12288xi32, #tpu.memory_space<vmem>>, vector<16xi32>,
      %max3A_983 = arith.maxsi %max3A_976, %get3A_982 : vector<16xi32>
      %mul3A_984 = arith.constant 16 : i32
      %mul3A_985 = arith.muli %scan3A_800, %mul3A_984 : i32
      %add3A_986 = arith.constant 9984 : i32
      %add3A_987 = arith.addi %add3A_986, %mul3A_985 : i32
      %get3A_988 = arith.index_cast %add3A_987 : i32 to index
      %get3A_989 = tpu.vector_load %arg11[%get3A_988] {strides = array<i32>} : memref<12288xi32, #tpu.memory_space<vmem>>, vector<16xi32>,
      %max3A_990 = arith.maxsi %max3A_983, %get3A_989 : vector<16xi32>
      %mul3A_991 = arith.constant 16 : i32
      %mul3A_992 = arith.muli %scan3A_800, %mul3A_991 : i32
      %add3A_993 = arith.constant 10368 : i32
      %add3A_994 = arith.addi %add3A_993, %mul3A_992 : i32
      %get3A_995 = arith.index_cast %add3A_994 : i32 to index
      %get3A_996 = tpu.vector_load %arg11[%get3A_995] {strides = array<i32>} : memref<12288xi32, #tpu.memory_space<vmem>>, vector<16xi32>,
      %max3A_997 = arith.maxsi %max3A_990, %get3A_996 : vector<16xi32>
      %mul3A_998 = arith.constant 16 : i32
      %mul3A_999 = arith.muli %scan3A_800, %mul3A_998 : i32
      %add3A_1000 = arith.constant 10752 : i32
      %add3A_1001 = arith.addi %add3A_1000, %mul3A_999 : i32
      %get3A_1002 = arith.index_cast %add3A_1001 : i32 to index
      %get3A_1003 = tpu.vector_load %arg11[%get3A_1002] {strides = array<i32>} : memref<12288xi32, #tpu.memory_space<vmem>>, vector<16xi32>,
      %max3A_1004 = arith.maxsi %max3A_997, %get3A_1003 : vector<16xi32>
      %mul3A_1005 = arith.constant 16 : i32
      %mul3A_1006 = arith.muli %scan3A_800, %mul3A_1005 : i32
      %add3A_1007 = arith.constant 11136 : i32
      %add3A_1008 = arith.addi %add3A_1007, %mul3A_1006 : i32
      %get3A_1009 = arith.index_cast %add3A_1008 : i32 to index
      %get3A_1010 = tpu.vector_load %arg11[%get3A_1009] {strides = array<i32>} : memref<12288xi32, #tpu.memory_space<vmem>>, vector<16xi32>,
      %max3A_1011 = arith.maxsi %max3A_1004, %get3A_1010 : vector<16xi32>
      %mul3A_1012 = arith.constant 16 : i32
      %mul3A_1013 = arith.muli %scan3A_800, %mul3A_1012 : i32
      %add3A_1014 = arith.constant 11520 : i32
      %add3A_1015 = arith.addi %add3A_1014, %mul3A_1013 : i32
      %get3A_1016 = arith.index_cast %add3A_1015 : i32 to index
      %get3A_1017 = tpu.vector_load %arg11[%get3A_1016] {strides = array<i32>} : memref<12288xi32, #tpu.memory_space<vmem>>, vector<16xi32>,
      %max3A_1018 = arith.maxsi %max3A_1011, %get3A_1017 : vector<16xi32>
      %mul3A_1019 = arith.constant 16 : i32
      %mul3A_1020 = arith.muli %scan3A_800, %mul3A_1019 : i32
      %add3A_1021 = arith.constant 11904 : i32
      %add3A_1022 = arith.addi %add3A_1021, %mul3A_1020 : i32
      %get3A_1023 = arith.index_cast %add3A_1022 : i32 to index
      %get3A_1024 = tpu.vector_load %arg11[%get3A_1023] {strides = array<i32>} : memref<12288xi32, #tpu.memory_space<vmem>>, vector<16xi32>,
      %max3A_1025 = arith.maxsi %max3A_1018, %get3A_1024 : vector<16xi32>
      %mul3A_1026 = arith.constant 16 : i32
      %mul3A_1027 = arith.muli %scan3A_800, %mul3A_1026 : i32
      %swap3A = arith.index_cast %mul3A_1027 : i32 to index
      %swap3A_1028 = tpu.vector_load %arg12[%swap3A] {strides = array<i32>} : memref<384xi32, #tpu.memory_space<vmem>>, vector<16xi32>,
      tpu.vector_store %arg12[%swap3A], %max3A_1025 {strides = array<i32>} : memref<384xi32, #tpu.memory_space<vmem>>, vector<16xi32>,
      %max3A_1029 = arith.constant 0 : i32
      %max3A_1030 = vector.broadcast %max3A_1029 : i32 to vector<16xi32>
      %max3A_1031 = arith.maxsi %max3A_1025, %max3A_1030 : vector<16xi32>
      %mul3A_1032 = arith.constant 16 : i32
      %mul3A_1033 = arith.muli %scan3A_800, %mul3A_1032 : i32
      %swap3A_1034 = arith.index_cast %mul3A_1033 : i32 to index
      %swap3A_1035 = tpu.vector_load %arg13[%swap3A_1034] {strides = array<i32>} : memref<384xi32, #tpu.memory_space<vmem>>, vector<16xi32>,
      tpu.vector_store %arg13[%swap3A_1034], %max3A_1031 {strides = array<i32>} : memref<384xi32, #tpu.memory_space<vmem>>, vector<16xi32>,
      %scan3A_1036 = arith.constant 0 : i32
      scf.yield %scan3A_1036 : i32
    }
    %scan3A_473 = arith.constant 24 : i32
    %dma_start3A_474 = arith.constant 0 : i32
    %dma_start3A_475 = tpu.memref_slice %arg14[%dma_start3A_474] : memref<384xi32, #tpu.memory_space<vmem>> -> memref<128xi32, #tpu.memory_space<vmem>>
    %dma_start3A_476 = arith.constant 0 : i32
    %dma_start3A_477 = tpu.memref_slice %arg13[%dma_start3A_476] : memref<384xi32, #tpu.memory_space<vmem>> -> memref<128xi32, #tpu.memory_space<vmem>>
    %dma_start3A_478 = arith.constant 0 : i32
    %dma_start3A_479 = tpu.memref_slice %arg3[%dma_start3A_478] : memref<320000xi32, #tpu.memory_space<hbm>> -> memref<320000xi32, #tpu.memory_space<hbm>>
    tpu.enqueue_indirect_dma source(%dma_start3A_479 : memref<320000xi32, #tpu.memory_space<hbm>>) target(%dma_start3A_475 : memref<128xi32, #tpu.memory_space<vmem>>) offsets(%dma_start3A_477 : memref<128xi32, #tpu.memory_space<vmem>>) semaphore(%arg29 : memref<!tpu.dma_semaphore, #tpu.memory_space<semaphore_mem>>)
    %dma_start3A_480 = arith.constant 0 : i32
    %dma_start3A_481 = tpu.memref_slice %arg15[%dma_start3A_480] : memref<384xi32, #tpu.memory_space<vmem>> -> memref<128xi32, #tpu.memory_space<vmem>>
    %dma_start3A_482 = arith.constant 0 : i32
    %dma_start3A_483 = tpu.memref_slice %arg13[%dma_start3A_482] : memref<384xi32, #tpu.memory_space<vmem>> -> memref<128xi32, #tpu.memory_space<vmem>>
    %dma_start3A_484 = arith.constant 0 : i32
    %dma_start3A_485 = tpu.memref_slice %arg4[%dma_start3A_484] : memref<320000xi32, #tpu.memory_space<hbm>> -> memref<320000xi32, #tpu.memory_space<hbm>>
    tpu.enqueue_indirect_dma source(%dma_start3A_485 : memref<320000xi32, #tpu.memory_space<hbm>>) target(%dma_start3A_481 : memref<128xi32, #tpu.memory_space<vmem>>) offsets(%dma_start3A_483 : memref<128xi32, #tpu.memory_space<vmem>>) semaphore(%arg29 : memref<!tpu.dma_semaphore, #tpu.memory_space<semaphore_mem>>)
    %dma_start3A_486 = arith.constant 128 : i32
    %dma_start3A_487 = tpu.memref_slice %arg14[%dma_start3A_486] : memref<384xi32, #tpu.memory_space<vmem>> -> memref<128xi32, #tpu.memory_space<vmem>>
    %dma_start3A_488 = arith.constant 128 : i32
    %dma_start3A_489 = tpu.memref_slice %arg13[%dma_start3A_488] : memref<384xi32, #tpu.memory_space<vmem>> -> memref<128xi32, #tpu.memory_space<vmem>>
    %dma_start3A_490 = arith.constant 0 : i32
    %dma_start3A_491 = tpu.memref_slice %arg3[%dma_start3A_490] : memref<320000xi32, #tpu.memory_space<hbm>> -> memref<320000xi32, #tpu.memory_space<hbm>>
    tpu.enqueue_indirect_dma source(%dma_start3A_491 : memref<320000xi32, #tpu.memory_space<hbm>>) target(%dma_start3A_487 : memref<128xi32, #tpu.memory_space<vmem>>) offsets(%dma_start3A_489 : memref<128xi32, #tpu.memory_space<vmem>>) semaphore(%arg29 : memref<!tpu.dma_semaphore, #tpu.memory_space<semaphore_mem>>)
    %dma_start3A_492 = arith.constant 128 : i32
    %dma_start3A_493 = tpu.memref_slice %arg15[%dma_start3A_492] : memref<384xi32, #tpu.memory_space<vmem>> -> memref<128xi32, #tpu.memory_space<vmem>>
    %dma_start3A_494 = arith.constant 128 : i32
    %dma_start3A_495 = tpu.memref_slice %arg13[%dma_start3A_494] : memref<384xi32, #tpu.memory_space<vmem>> -> memref<128xi32, #tpu.memory_space<vmem>>
    %dma_start3A_496 = arith.constant 0 : i32
    %dma_start3A_497 = tpu.memref_slice %arg4[%dma_start3A_496] : memref<320000xi32, #tpu.memory_space<hbm>> -> memref<320000xi32, #tpu.memory_space<hbm>>
    tpu.enqueue_indirect_dma source(%dma_start3A_497 : memref<320000xi32, #tpu.memory_space<hbm>>) target(%dma_start3A_493 : memref<128xi32, #tpu.memory_space<vmem>>) offsets(%dma_start3A_495 : memref<128xi32, #tpu.memory_space<vmem>>) semaphore(%arg29 : memref<!tpu.dma_semaphore, #tpu.memory_space<semaphore_mem>>)
    %dma_start3A_498 = arith.constant 256 : i32
    %dma_start3A_499 = tpu.memref_slice %arg14[%dma_start3A_498] : memref<384xi32, #tpu.memory_space<vmem>> -> memref<128xi32, #tpu.memory_space<vmem>>
    %dma_start3A_500 = arith.constant 256 : i32
    %dma_start3A_501 = tpu.memref_slice %arg13[%dma_start3A_500] : memref<384xi32, #tpu.memory_space<vmem>> -> memref<128xi32, #tpu.memory_space<vmem>>
    %dma_start3A_502 = arith.constant 0 : i32
    %dma_start3A_503 = tpu.memref_slice %arg3[%dma_start3A_502] : memref<320000xi32, #tpu.memory_space<hbm>> -> memref<320000xi32, #tpu.memory_space<hbm>>
    tpu.enqueue_indirect_dma source(%dma_start3A_503 : memref<320000xi32, #tpu.memory_space<hbm>>) target(%dma_start3A_499 : memref<128xi32, #tpu.memory_space<vmem>>) offsets(%dma_start3A_501 : memref<128xi32, #tpu.memory_space<vmem>>) semaphore(%arg29 : memref<!tpu.dma_semaphore, #tpu.memory_space<semaphore_mem>>)
    %dma_start3A_504 = arith.constant 256 : i32
    %dma_start3A_505 = tpu.memref_slice %arg15[%dma_start3A_504] : memref<384xi32, #tpu.memory_space<vmem>> -> memref<128xi32, #tpu.memory_space<vmem>>
    %dma_start3A_506 = arith.constant 256 : i32
    %dma_start3A_507 = tpu.memref_slice %arg13[%dma_start3A_506] : memref<384xi32, #tpu.memory_space<vmem>> -> memref<128xi32, #tpu.memory_space<vmem>>
    %dma_start3A_508 = arith.constant 0 : i32
    %dma_start3A_509 = tpu.memref_slice %arg4[%dma_start3A_508] : memref<320000xi32, #tpu.memory_space<hbm>> -> memref<320000xi32, #tpu.memory_space<hbm>>
    tpu.enqueue_indirect_dma source(%dma_start3A_509 : memref<320000xi32, #tpu.memory_space<hbm>>) target(%dma_start3A_505 : memref<128xi32, #tpu.memory_space<vmem>>) offsets(%dma_start3A_507 : memref<128xi32, #tpu.memory_space<vmem>>) semaphore(%arg29 : memref<!tpu.dma_semaphore, #tpu.memory_space<semaphore_mem>>)
    %dma_wait3A_510 = arith.constant 0 : i32
    %dma_wait3A_511 = tpu.memref_slice %arg14[%dma_wait3A_510] : memref<384xi32, #tpu.memory_space<vmem>> -> memref<128xi32, #tpu.memory_space<vmem>>
    %dma_wait3A_512 = arith.constant 0 : i32
    %dma_wait3A_513 = tpu.memref_slice %arg13[%dma_wait3A_512] : memref<384xi32, #tpu.memory_space<vmem>> -> memref<128xi32, #tpu.memory_space<vmem>>
    %dma_wait3A_514 = arith.constant 0 : i32
    %dma_wait3A_515 = tpu.memref_slice %arg3[%dma_wait3A_514] : memref<320000xi32, #tpu.memory_space<hbm>> -> memref<320000xi32, #tpu.memory_space<hbm>>
    tpu.wait_indirect_dma semaphore(%arg29 : memref<!tpu.dma_semaphore, #tpu.memory_space<semaphore_mem>>) src(%dma_wait3A_515 : memref<320000xi32, #tpu.memory_space<hbm>>) dst(%dma_wait3A_511 : memref<128xi32, #tpu.memory_space<vmem>>)
    %dma_wait3A_516 = arith.constant 0 : i32
    %dma_wait3A_517 = tpu.memref_slice %arg15[%dma_wait3A_516] : memref<384xi32, #tpu.memory_space<vmem>> -> memref<128xi32, #tpu.memory_space<vmem>>
    %dma_wait3A_518 = arith.constant 0 : i32
    %dma_wait3A_519 = tpu.memref_slice %arg13[%dma_wait3A_518] : memref<384xi32, #tpu.memory_space<vmem>> -> memref<128xi32, #tpu.memory_space<vmem>>
    %dma_wait3A_520 = arith.constant 0 : i32
    %dma_wait3A_521 = tpu.memref_slice %arg4[%dma_wait3A_520] : memref<320000xi32, #tpu.memory_space<hbm>> -> memref<320000xi32, #tpu.memory_space<hbm>>
    tpu.wait_indirect_dma semaphore(%arg29 : memref<!tpu.dma_semaphore, #tpu.memory_space<semaphore_mem>>) src(%dma_wait3A_521 : memref<320000xi32, #tpu.memory_space<hbm>>) dst(%dma_wait3A_517 : memref<128xi32, #tpu.memory_space<vmem>>)
    %dma_wait3A_522 = arith.constant 128 : i32
    %dma_wait3A_523 = tpu.memref_slice %arg14[%dma_wait3A_522] : memref<384xi32, #tpu.memory_space<vmem>> -> memref<128xi32, #tpu.memory_space<vmem>>
    %dma_wait3A_524 = arith.constant 128 : i32
    %dma_wait3A_525 = tpu.memref_slice %arg13[%dma_wait3A_524] : memref<384xi32, #tpu.memory_space<vmem>> -> memref<128xi32, #tpu.memory_space<vmem>>
    %dma_wait3A_526 = arith.constant 0 : i32
    %dma_wait3A_527 = tpu.memref_slice %arg3[%dma_wait3A_526] : memref<320000xi32, #tpu.memory_space<hbm>> -> memref<320000xi32, #tpu.memory_space<hbm>>
    tpu.wait_indirect_dma semaphore(%arg29 : memref<!tpu.dma_semaphore, #tpu.memory_space<semaphore_mem>>) src(%dma_wait3A_527 : memref<320000xi32, #tpu.memory_space<hbm>>) dst(%dma_wait3A_523 : memref<128xi32, #tpu.memory_space<vmem>>)
    %dma_wait3A_528 = arith.constant 128 : i32
    %dma_wait3A_529 = tpu.memref_slice %arg15[%dma_wait3A_528] : memref<384xi32, #tpu.memory_space<vmem>> -> memref<128xi32, #tpu.memory_space<vmem>>
    %dma_wait3A_530 = arith.constant 128 : i32
    %dma_wait3A_531 = tpu.memref_slice %arg13[%dma_wait3A_530] : memref<384xi32, #tpu.memory_space<vmem>> -> memref<128xi32, #tpu.memory_space<vmem>>
    %dma_wait3A_532 = arith.constant 0 : i32
    %dma_wait3A_533 = tpu.memref_slice %arg4[%dma_wait3A_532] : memref<320000xi32, #tpu.memory_space<hbm>> -> memref<320000xi32, #tpu.memory_space<hbm>>
    tpu.wait_indirect_dma semaphore(%arg29 : memref<!tpu.dma_semaphore, #tpu.memory_space<semaphore_mem>>) src(%dma_wait3A_533 : memref<320000xi32, #tpu.memory_space<hbm>>) dst(%dma_wait3A_529 : memref<128xi32, #tpu.memory_space<vmem>>)
    %dma_wait3A_534 = arith.constant 256 : i32
    %dma_wait3A_535 = tpu.memref_slice %arg14[%dma_wait3A_534] : memref<384xi32, #tpu.memory_space<vmem>> -> memref<128xi32, #tpu.memory_space<vmem>>
    %dma_wait3A_536 = arith.constant 256 : i32
    %dma_wait3A_537 = tpu.memref_slice %arg13[%dma_wait3A_536] : memref<384xi32, #tpu.memory_space<vmem>> -> memref<128xi32, #tpu.memory_space<vmem>>
    %dma_wait3A_538 = arith.constant 0 : i32
    %dma_wait3A_539 = tpu.memref_slice %arg3[%dma_wait3A_538] : memref<320000xi32, #tpu.memory_space<hbm>> -> memref<320000xi32, #tpu.memory_space<hbm>>
    tpu.wait_indirect_dma semaphore(%arg29 : memref<!tpu.dma_semaphore, #tpu.memory_space<semaphore_mem>>) src(%dma_wait3A_539 : memref<320000xi32, #tpu.memory_space<hbm>>) dst(%dma_wait3A_535 : memref<128xi32, #tpu.memory_space<vmem>>)
    %dma_wait3A_540 = arith.constant 256 : i32
    %dma_wait3A_541 = tpu.memref_slice %arg15[%dma_wait3A_540] : memref<384xi32, #tpu.memory_space<vmem>> -> memref<128xi32, #tpu.memory_space<vmem>>
    %dma_wait3A_542 = arith.constant 256 : i32
    %dma_wait3A_543 = tpu.memref_slice %arg13[%dma_wait3A_542] : memref<384xi32, #tpu.memory_space<vmem>> -> memref<128xi32, #tpu.memory_space<vmem>>
    %dma_wait3A_544 = arith.constant 0 : i32
    %dma_wait3A_545 = tpu.memref_slice %arg4[%dma_wait3A_544] : memref<320000xi32, #tpu.memory_space<hbm>> -> memref<320000xi32, #tpu.memory_space<hbm>>
    tpu.wait_indirect_dma semaphore(%arg29 : memref<!tpu.dma_semaphore, #tpu.memory_space<semaphore_mem>>) src(%dma_wait3A_545 : memref<320000xi32, #tpu.memory_space<hbm>>) dst(%dma_wait3A_541 : memref<128xi32, #tpu.memory_space<vmem>>)
    %dma_start3A_546 = arith.constant 0 : i32
    %dma_start3A_547 = tpu.memref_slice %arg16[%dma_start3A_546] : memref<384xf32, #tpu.memory_space<vmem>> -> memref<128xf32, #tpu.memory_space<vmem>>
    %dma_start3A_548 = arith.constant 0 : i32
    %dma_start3A_549 = tpu.memref_slice %arg14[%dma_start3A_548] : memref<384xi32, #tpu.memory_space<vmem>> -> memref<128xi32, #tpu.memory_space<vmem>>
    %dma_start3A_550 = arith.constant 0 : i32
    %dma_start3A_551 = tpu.memref_slice %arg5[%dma_start3A_550] : memref<110000xf32, #tpu.memory_space<hbm>> -> memref<110000xf32, #tpu.memory_space<hbm>>
    tpu.enqueue_indirect_dma source(%dma_start3A_551 : memref<110000xf32, #tpu.memory_space<hbm>>) target(%dma_start3A_547 : memref<128xf32, #tpu.memory_space<vmem>>) offsets(%dma_start3A_549 : memref<128xi32, #tpu.memory_space<vmem>>) semaphore(%arg30 : memref<!tpu.dma_semaphore, #tpu.memory_space<semaphore_mem>>)
    %dma_start3A_552 = arith.constant 0 : i32
    %dma_start3A_553 = tpu.memref_slice %arg19[%dma_start3A_552] : memref<384xf32, #tpu.memory_space<vmem>> -> memref<128xf32, #tpu.memory_space<vmem>>
    %dma_start3A_554 = arith.constant 0 : i32
    %dma_start3A_555 = tpu.memref_slice %arg15[%dma_start3A_554] : memref<384xi32, #tpu.memory_space<vmem>> -> memref<128xi32, #tpu.memory_space<vmem>>
    %dma_start3A_556 = arith.constant 0 : i32
    %dma_start3A_557 = tpu.memref_slice %arg5[%dma_start3A_556] : memref<110000xf32, #tpu.memory_space<hbm>> -> memref<110000xf32, #tpu.memory_space<hbm>>
    tpu.enqueue_indirect_dma source(%dma_start3A_557 : memref<110000xf32, #tpu.memory_space<hbm>>) target(%dma_start3A_553 : memref<128xf32, #tpu.memory_space<vmem>>) offsets(%dma_start3A_555 : memref<128xi32, #tpu.memory_space<vmem>>) semaphore(%arg30 : memref<!tpu.dma_semaphore, #tpu.memory_space<semaphore_mem>>)
    %dma_start3A_558 = arith.constant 0 : i32
    %dma_start3A_559 = tpu.memref_slice %arg17[%dma_start3A_558] : memref<384xf32, #tpu.memory_space<vmem>> -> memref<128xf32, #tpu.memory_space<vmem>>
    %dma_start3A_560 = arith.constant 0 : i32
    %dma_start3A_561 = tpu.memref_slice %arg14[%dma_start3A_560] : memref<384xi32, #tpu.memory_space<vmem>> -> memref<128xi32, #tpu.memory_space<vmem>>
    %dma_start3A_562 = arith.constant 0 : i32
    %dma_start3A_563 = tpu.memref_slice %arg6[%dma_start3A_562] : memref<110000xf32, #tpu.memory_space<hbm>> -> memref<110000xf32, #tpu.memory_space<hbm>>
    tpu.enqueue_indirect_dma source(%dma_start3A_563 : memref<110000xf32, #tpu.memory_space<hbm>>) target(%dma_start3A_559 : memref<128xf32, #tpu.memory_space<vmem>>) offsets(%dma_start3A_561 : memref<128xi32, #tpu.memory_space<vmem>>) semaphore(%arg30 : memref<!tpu.dma_semaphore, #tpu.memory_space<semaphore_mem>>)
    %dma_start3A_564 = arith.constant 0 : i32
    %dma_start3A_565 = tpu.memref_slice %arg20[%dma_start3A_564] : memref<384xf32, #tpu.memory_space<vmem>> -> memref<128xf32, #tpu.memory_space<vmem>>
    %dma_start3A_566 = arith.constant 0 : i32
    %dma_start3A_567 = tpu.memref_slice %arg15[%dma_start3A_566] : memref<384xi32, #tpu.memory_space<vmem>> -> memref<128xi32, #tpu.memory_space<vmem>>
    %dma_start3A_568 = arith.constant 0 : i32
    %dma_start3A_569 = tpu.memref_slice %arg6[%dma_start3A_568] : memref<110000xf32, #tpu.memory_space<hbm>> -> memref<110000xf32, #tpu.memory_space<hbm>>
    tpu.enqueue_indirect_dma source(%dma_start3A_569 : memref<110000xf32, #tpu.memory_space<hbm>>) target(%dma_start3A_565 : memref<128xf32, #tpu.memory_space<vmem>>) offsets(%dma_start3A_567 : memref<128xi32, #tpu.memory_space<vmem>>) semaphore(%arg30 : memref<!tpu.dma_semaphore, #tpu.memory_space<semaphore_mem>>)
    %dma_start3A_570 = arith.constant 0 : i32
    %dma_start3A_571 = tpu.memref_slice %arg18[%dma_start3A_570] : memref<384xf32, #tpu.memory_space<vmem>> -> memref<128xf32, #tpu.memory_space<vmem>>
    %dma_start3A_572 = arith.constant 0 : i32
    %dma_start3A_573 = tpu.memref_slice %arg14[%dma_start3A_572] : memref<384xi32, #tpu.memory_space<vmem>> -> memref<128xi32, #tpu.memory_space<vmem>>
    %dma_start3A_574 = arith.constant 0 : i32
    %dma_start3A_575 = tpu.memref_slice %arg7[%dma_start3A_574] : memref<110000xf32, #tpu.memory_space<hbm>> -> memref<110000xf32, #tpu.memory_space<hbm>>
    tpu.enqueue_indirect_dma source(%dma_start3A_575 : memref<110000xf32, #tpu.memory_space<hbm>>) target(%dma_start3A_571 : memref<128xf32, #tpu.memory_space<vmem>>) offsets(%dma_start3A_573 : memref<128xi32, #tpu.memory_space<vmem>>) semaphore(%arg30 : memref<!tpu.dma_semaphore, #tpu.memory_space<semaphore_mem>>)
    %dma_start3A_576 = arith.constant 0 : i32
    %dma_start3A_577 = tpu.memref_slice %arg21[%dma_start3A_576] : memref<384xf32, #tpu.memory_space<vmem>> -> memref<128xf32, #tpu.memory_space<vmem>>
    %dma_start3A_578 = arith.constant 0 : i32
    %dma_start3A_579 = tpu.memref_slice %arg15[%dma_start3A_578] : memref<384xi32, #tpu.memory_space<vmem>> -> memref<128xi32, #tpu.memory_space<vmem>>
    %dma_start3A_580 = arith.constant 0 : i32
    %dma_start3A_581 = tpu.memref_slice %arg7[%dma_start3A_580] : memref<110000xf32, #tpu.memory_space<hbm>> -> memref<110000xf32, #tpu.memory_space<hbm>>
    tpu.enqueue_indirect_dma source(%dma_start3A_581 : memref<110000xf32, #tpu.memory_space<hbm>>) target(%dma_start3A_577 : memref<128xf32, #tpu.memory_space<vmem>>) offsets(%dma_start3A_579 : memref<128xi32, #tpu.memory_space<vmem>>) semaphore(%arg30 : memref<!tpu.dma_semaphore, #tpu.memory_space<semaphore_mem>>)
    %dma_start3A_582 = arith.constant 128 : i32
    %dma_start3A_583 = tpu.memref_slice %arg16[%dma_start3A_582] : memref<384xf32, #tpu.memory_space<vmem>> -> memref<128xf32, #tpu.memory_space<vmem>>
    %dma_start3A_584 = arith.constant 128 : i32
    %dma_start3A_585 = tpu.memref_slice %arg14[%dma_start3A_584] : memref<384xi32, #tpu.memory_space<vmem>> -> memref<128xi32, #tpu.memory_space<vmem>>
    %dma_start3A_586 = arith.constant 0 : i32
    %dma_start3A_587 = tpu.memref_slice %arg5[%dma_start3A_586] : memref<110000xf32, #tpu.memory_space<hbm>> -> memref<110000xf32, #tpu.memory_space<hbm>>
    tpu.enqueue_indirect_dma source(%dma_start3A_587 : memref<110000xf32, #tpu.memory_space<hbm>>) target(%dma_start3A_583 : memref<128xf32, #tpu.memory_space<vmem>>) offsets(%dma_start3A_585 : memref<128xi32, #tpu.memory_space<vmem>>) semaphore(%arg30 : memref<!tpu.dma_semaphore, #tpu.memory_space<semaphore_mem>>)
    %dma_start3A_588 = arith.constant 128 : i32
    %dma_start3A_589 = tpu.memref_slice %arg19[%dma_start3A_588] : memref<384xf32, #tpu.memory_space<vmem>> -> memref<128xf32, #tpu.memory_space<vmem>>
    %dma_start3A_590 = arith.constant 128 : i32
    %dma_start3A_591 = tpu.memref_slice %arg15[%dma_start3A_590] : memref<384xi32, #tpu.memory_space<vmem>> -> memref<128xi32, #tpu.memory_space<vmem>>
    %dma_start3A_592 = arith.constant 0 : i32
    %dma_start3A_593 = tpu.memref_slice %arg5[%dma_start3A_592] : memref<110000xf32, #tpu.memory_space<hbm>> -> memref<110000xf32, #tpu.memory_space<hbm>>
    tpu.enqueue_indirect_dma source(%dma_start3A_593 : memref<110000xf32, #tpu.memory_space<hbm>>) target(%dma_start3A_589 : memref<128xf32, #tpu.memory_space<vmem>>) offsets(%dma_start3A_591 : memref<128xi32, #tpu.memory_space<vmem>>) semaphore(%arg30 : memref<!tpu.dma_semaphore, #tpu.memory_space<semaphore_mem>>)
    %dma_start3A_594 = arith.constant 128 : i32
    %dma_start3A_595 = tpu.memref_slice %arg17[%dma_start3A_594] : memref<384xf32, #tpu.memory_space<vmem>> -> memref<128xf32, #tpu.memory_space<vmem>>
    %dma_start3A_596 = arith.constant 128 : i32
    %dma_start3A_597 = tpu.memref_slice %arg14[%dma_start3A_596] : memref<384xi32, #tpu.memory_space<vmem>> -> memref<128xi32, #tpu.memory_space<vmem>>
    %dma_start3A_598 = arith.constant 0 : i32
    %dma_start3A_599 = tpu.memref_slice %arg6[%dma_start3A_598] : memref<110000xf32, #tpu.memory_space<hbm>> -> memref<110000xf32, #tpu.memory_space<hbm>>
    tpu.enqueue_indirect_dma source(%dma_start3A_599 : memref<110000xf32, #tpu.memory_space<hbm>>) target(%dma_start3A_595 : memref<128xf32, #tpu.memory_space<vmem>>) offsets(%dma_start3A_597 : memref<128xi32, #tpu.memory_space<vmem>>) semaphore(%arg30 : memref<!tpu.dma_semaphore, #tpu.memory_space<semaphore_mem>>)
    %dma_start3A_600 = arith.constant 128 : i32
    %dma_start3A_601 = tpu.memref_slice %arg20[%dma_start3A_600] : memref<384xf32, #tpu.memory_space<vmem>> -> memref<128xf32, #tpu.memory_space<vmem>>
    %dma_start3A_602 = arith.constant 128 : i32
    %dma_start3A_603 = tpu.memref_slice %arg15[%dma_start3A_602] : memref<384xi32, #tpu.memory_space<vmem>> -> memref<128xi32, #tpu.memory_space<vmem>>
    %dma_start3A_604 = arith.constant 0 : i32
    %dma_start3A_605 = tpu.memref_slice %arg6[%dma_start3A_604] : memref<110000xf32, #tpu.memory_space<hbm>> -> memref<110000xf32, #tpu.memory_space<hbm>>
    tpu.enqueue_indirect_dma source(%dma_start3A_605 : memref<110000xf32, #tpu.memory_space<hbm>>) target(%dma_start3A_601 : memref<128xf32, #tpu.memory_space<vmem>>) offsets(%dma_start3A_603 : memref<128xi32, #tpu.memory_space<vmem>>) semaphore(%arg30 : memref<!tpu.dma_semaphore, #tpu.memory_space<semaphore_mem>>)
    %dma_start3A_606 = arith.constant 128 : i32
    %dma_start3A_607 = tpu.memref_slice %arg18[%dma_start3A_606] : memref<384xf32, #tpu.memory_space<vmem>> -> memref<128xf32, #tpu.memory_space<vmem>>
    %dma_start3A_608 = arith.constant 128 : i32
    %dma_start3A_609 = tpu.memref_slice %arg14[%dma_start3A_608] : memref<384xi32, #tpu.memory_space<vmem>> -> memref<128xi32, #tpu.memory_space<vmem>>
    %dma_start3A_610 = arith.constant 0 : i32
    %dma_start3A_611 = tpu.memref_slice %arg7[%dma_start3A_610] : memref<110000xf32, #tpu.memory_space<hbm>> -> memref<110000xf32, #tpu.memory_space<hbm>>
    tpu.enqueue_indirect_dma source(%dma_start3A_611 : memref<110000xf32, #tpu.memory_space<hbm>>) target(%dma_start3A_607 : memref<128xf32, #tpu.memory_space<vmem>>) offsets(%dma_start3A_609 : memref<128xi32, #tpu.memory_space<vmem>>) semaphore(%arg30 : memref<!tpu.dma_semaphore, #tpu.memory_space<semaphore_mem>>)
    %dma_start3A_612 = arith.constant 128 : i32
    %dma_start3A_613 = tpu.memref_slice %arg21[%dma_start3A_612] : memref<384xf32, #tpu.memory_space<vmem>> -> memref<128xf32, #tpu.memory_space<vmem>>
    %dma_start3A_614 = arith.constant 128 : i32
    %dma_start3A_615 = tpu.memref_slice %arg15[%dma_start3A_614] : memref<384xi32, #tpu.memory_space<vmem>> -> memref<128xi32, #tpu.memory_space<vmem>>
    %dma_start3A_616 = arith.constant 0 : i32
    %dma_start3A_617 = tpu.memref_slice %arg7[%dma_start3A_616] : memref<110000xf32, #tpu.memory_space<hbm>> -> memref<110000xf32, #tpu.memory_space<hbm>>
    tpu.enqueue_indirect_dma source(%dma_start3A_617 : memref<110000xf32, #tpu.memory_space<hbm>>) target(%dma_start3A_613 : memref<128xf32, #tpu.memory_space<vmem>>) offsets(%dma_start3A_615 : memref<128xi32, #tpu.memory_space<vmem>>) semaphore(%arg30 : memref<!tpu.dma_semaphore, #tpu.memory_space<semaphore_mem>>)
    %dma_start3A_618 = arith.constant 256 : i32
    %dma_start3A_619 = tpu.memref_slice %arg16[%dma_start3A_618] : memref<384xf32, #tpu.memory_space<vmem>> -> memref<128xf32, #tpu.memory_space<vmem>>
    %dma_start3A_620 = arith.constant 256 : i32
    %dma_start3A_621 = tpu.memref_slice %arg14[%dma_start3A_620] : memref<384xi32, #tpu.memory_space<vmem>> -> memref<128xi32, #tpu.memory_space<vmem>>
    %dma_start3A_622 = arith.constant 0 : i32
    %dma_start3A_623 = tpu.memref_slice %arg5[%dma_start3A_622] : memref<110000xf32, #tpu.memory_space<hbm>> -> memref<110000xf32, #tpu.memory_space<hbm>>
    tpu.enqueue_indirect_dma source(%dma_start3A_623 : memref<110000xf32, #tpu.memory_space<hbm>>) target(%dma_start3A_619 : memref<128xf32, #tpu.memory_space<vmem>>) offsets(%dma_start3A_621 : memref<128xi32, #tpu.memory_space<vmem>>) semaphore(%arg30 : memref<!tpu.dma_semaphore, #tpu.memory_space<semaphore_mem>>)
    %dma_start3A_624 = arith.constant 256 : i32
    %dma_start3A_625 = tpu.memref_slice %arg19[%dma_start3A_624] : memref<384xf32, #tpu.memory_space<vmem>> -> memref<128xf32, #tpu.memory_space<vmem>>
    %dma_start3A_626 = arith.constant 256 : i32
    %dma_start3A_627 = tpu.memref_slice %arg15[%dma_start3A_626] : memref<384xi32, #tpu.memory_space<vmem>> -> memref<128xi32, #tpu.memory_space<vmem>>
    %dma_start3A_628 = arith.constant 0 : i32
    %dma_start3A_629 = tpu.memref_slice %arg5[%dma_start3A_628] : memref<110000xf32, #tpu.memory_space<hbm>> -> memref<110000xf32, #tpu.memory_space<hbm>>
    tpu.enqueue_indirect_dma source(%dma_start3A_629 : memref<110000xf32, #tpu.memory_space<hbm>>) target(%dma_start3A_625 : memref<128xf32, #tpu.memory_space<vmem>>) offsets(%dma_start3A_627 : memref<128xi32, #tpu.memory_space<vmem>>) semaphore(%arg30 : memref<!tpu.dma_semaphore, #tpu.memory_space<semaphore_mem>>)
    %dma_start3A_630 = arith.constant 256 : i32
    %dma_start3A_631 = tpu.memref_slice %arg17[%dma_start3A_630] : memref<384xf32, #tpu.memory_space<vmem>> -> memref<128xf32, #tpu.memory_space<vmem>>
    %dma_start3A_632 = arith.constant 256 : i32
    %dma_start3A_633 = tpu.memref_slice %arg14[%dma_start3A_632] : memref<384xi32, #tpu.memory_space<vmem>> -> memref<128xi32, #tpu.memory_space<vmem>>
    %dma_start3A_634 = arith.constant 0 : i32
    %dma_start3A_635 = tpu.memref_slice %arg6[%dma_start3A_634] : memref<110000xf32, #tpu.memory_space<hbm>> -> memref<110000xf32, #tpu.memory_space<hbm>>
    tpu.enqueue_indirect_dma source(%dma_start3A_635 : memref<110000xf32, #tpu.memory_space<hbm>>) target(%dma_start3A_631 : memref<128xf32, #tpu.memory_space<vmem>>) offsets(%dma_start3A_633 : memref<128xi32, #tpu.memory_space<vmem>>) semaphore(%arg30 : memref<!tpu.dma_semaphore, #tpu.memory_space<semaphore_mem>>)
    %dma_start3A_636 = arith.constant 256 : i32
    %dma_start3A_637 = tpu.memref_slice %arg20[%dma_start3A_636] : memref<384xf32, #tpu.memory_space<vmem>> -> memref<128xf32, #tpu.memory_space<vmem>>
    %dma_start3A_638 = arith.constant 256 : i32
    %dma_start3A_639 = tpu.memref_slice %arg15[%dma_start3A_638] : memref<384xi32, #tpu.memory_space<vmem>> -> memref<128xi32, #tpu.memory_space<vmem>>
    %dma_start3A_640 = arith.constant 0 : i32
    %dma_start3A_641 = tpu.memref_slice %arg6[%dma_start3A_640] : memref<110000xf32, #tpu.memory_space<hbm>> -> memref<110000xf32, #tpu.memory_space<hbm>>
    tpu.enqueue_indirect_dma source(%dma_start3A_641 : memref<110000xf32, #tpu.memory_space<hbm>>) target(%dma_start3A_637 : memref<128xf32, #tpu.memory_space<vmem>>) offsets(%dma_start3A_639 : memref<128xi32, #tpu.memory_space<vmem>>) semaphore(%arg30 : memref<!tpu.dma_semaphore, #tpu.memory_space<semaphore_mem>>)
    %dma_start3A_642 = arith.constant 256 : i32
    %dma_start3A_643 = tpu.memref_slice %arg18[%dma_start3A_642] : memref<384xf32, #tpu.memory_space<vmem>> -> memref<128xf32, #tpu.memory_space<vmem>>
    %dma_start3A_644 = arith.constant 256 : i32
    %dma_start3A_645 = tpu.memref_slice %arg14[%dma_start3A_644] : memref<384xi32, #tpu.memory_space<vmem>> -> memref<128xi32, #tpu.memory_space<vmem>>
    %dma_start3A_646 = arith.constant 0 : i32
    %dma_start3A_647 = tpu.memref_slice %arg7[%dma_start3A_646] : memref<110000xf32, #tpu.memory_space<hbm>> -> memref<110000xf32, #tpu.memory_space<hbm>>
    tpu.enqueue_indirect_dma source(%dma_start3A_647 : memref<110000xf32, #tpu.memory_space<hbm>>) target(%dma_start3A_643 : memref<128xf32, #tpu.memory_space<vmem>>) offsets(%dma_start3A_645 : memref<128xi32, #tpu.memory_space<vmem>>) semaphore(%arg30 : memref<!tpu.dma_semaphore, #tpu.memory_space<semaphore_mem>>)
    %dma_start3A_648 = arith.constant 256 : i32
    %dma_start3A_649 = tpu.memref_slice %arg21[%dma_start3A_648] : memref<384xf32, #tpu.memory_space<vmem>> -> memref<128xf32, #tpu.memory_space<vmem>>
    %dma_start3A_650 = arith.constant 256 : i32
    %dma_start3A_651 = tpu.memref_slice %arg15[%dma_start3A_650] : memref<384xi32, #tpu.memory_space<vmem>> -> memref<128xi32, #tpu.memory_space<vmem>>
    %dma_start3A_652 = arith.constant 0 : i32
    %dma_start3A_653 = tpu.memref_slice %arg7[%dma_start3A_652] : memref<110000xf32, #tpu.memory_space<hbm>> -> memref<110000xf32, #tpu.memory_space<hbm>>
    tpu.enqueue_indirect_dma source(%dma_start3A_653 : memref<110000xf32, #tpu.memory_space<hbm>>) target(%dma_start3A_649 : memref<128xf32, #tpu.memory_space<vmem>>) offsets(%dma_start3A_651 : memref<128xi32, #tpu.memory_space<vmem>>) semaphore(%arg30 : memref<!tpu.dma_semaphore, #tpu.memory_space<semaphore_mem>>)
    %get3A = arith.constant 0 : index
    %get3A_654 = tpu.vector_load %arg27[%get3A] {strides = array<i32>} : memref<16xf32, #tpu.memory_space<vmem>>, vector<16xf32>,
    %slice3A = vector.extract_strided_slice %get3A_654 {offsets = [0], sizes = [1], strides = [1]} : vector<16xf32> to vector<1xf32>
    %squeeze3A = vector.extract %slice3A[0] : f32 from vector<1xf32>
    %slice3A_655 = vector.extract_strided_slice %get3A_654 {offsets = [1], sizes = [1], strides = [1]} : vector<16xf32> to vector<1xf32>
    %squeeze3A_656 = vector.extract %slice3A_655[0] : f32 from vector<1xf32>
    %slice3A_657 = vector.extract_strided_slice %get3A_654 {offsets = [2], sizes = [1], strides = [1]} : vector<16xf32> to vector<1xf32>
    %squeeze3A_658 = vector.extract %slice3A_657[0] : f32 from vector<1xf32>
    %slice3A_659 = vector.extract_strided_slice %get3A_654 {offsets = [3], sizes = [1], strides = [1]} : vector<16xf32> to vector<1xf32>
    %squeeze3A_660 = vector.extract %slice3A_659[0] : f32 from vector<1xf32>
    %slice3A_661 = vector.extract_strided_slice %get3A_654 {offsets = [4], sizes = [1], strides = [1]} : vector<16xf32> to vector<1xf32>
    %squeeze3A_662 = vector.extract %slice3A_661[0] : f32 from vector<1xf32>
    %slice3A_663 = vector.extract_strided_slice %get3A_654 {offsets = [5], sizes = [1], strides = [1]} : vector<16xf32> to vector<1xf32>
    %squeeze3A_664 = vector.extract %slice3A_663[0] : f32 from vector<1xf32>
    %slice3A_665 = vector.extract_strided_slice %get3A_654 {offsets = [6], sizes = [1], strides = [1]} : vector<16xf32> to vector<1xf32>
    %squeeze3A_666 = vector.extract %slice3A_665[0] : f32 from vector<1xf32>
    %slice3A_667 = vector.extract_strided_slice %get3A_654 {offsets = [7], sizes = [1], strides = [1]} : vector<16xf32> to vector<1xf32>
    %squeeze3A_668 = vector.extract %slice3A_667[0] : f32 from vector<1xf32>
    %slice3A_669 = vector.extract_strided_slice %get3A_654 {offsets = [8], sizes = [1], strides = [1]} : vector<16xf32> to vector<1xf32>
    %squeeze3A_670 = vector.extract %slice3A_669[0] : f32 from vector<1xf32>
    %iota3A = tpu.iota {dimensions = array<i32: 0>} : vector<16xi32>
    %dma_wait3A_671 = arith.constant 0 : i32
    %dma_wait3A_672 = tpu.memref_slice %arg16[%dma_wait3A_671] : memref<384xf32, #tpu.memory_space<vmem>> -> memref<128xf32, #tpu.memory_space<vmem>>
    %dma_wait3A_673 = arith.constant 0 : i32
    %dma_wait3A_674 = tpu.memref_slice %arg14[%dma_wait3A_673] : memref<384xi32, #tpu.memory_space<vmem>> -> memref<128xi32, #tpu.memory_space<vmem>>
    %dma_wait3A_675 = arith.constant 0 : i32
    %dma_wait3A_676 = tpu.memref_slice %arg5[%dma_wait3A_675] : memref<110000xf32, #tpu.memory_space<hbm>> -> memref<110000xf32, #tpu.memory_space<hbm>>
    tpu.wait_indirect_dma semaphore(%arg30 : memref<!tpu.dma_semaphore, #tpu.memory_space<semaphore_mem>>) src(%dma_wait3A_676 : memref<110000xf32, #tpu.memory_space<hbm>>) dst(%dma_wait3A_672 : memref<128xf32, #tpu.memory_space<vmem>>)
    %dma_wait3A_677 = arith.constant 0 : i32
    %dma_wait3A_678 = tpu.memref_slice %arg19[%dma_wait3A_677] : memref<384xf32, #tpu.memory_space<vmem>> -> memref<128xf32, #tpu.memory_space<vmem>>
    %dma_wait3A_679 = arith.constant 0 : i32
    %dma_wait3A_680 = tpu.memref_slice %arg15[%dma_wait3A_679] : memref<384xi32, #tpu.memory_space<vmem>> -> memref<128xi32, #tpu.memory_space<vmem>>
    %dma_wait3A_681 = arith.constant 0 : i32
    %dma_wait3A_682 = tpu.memref_slice %arg5[%dma_wait3A_681] : memref<110000xf32, #tpu.memory_space<hbm>> -> memref<110000xf32, #tpu.memory_space<hbm>>
    tpu.wait_indirect_dma semaphore(%arg30 : memref<!tpu.dma_semaphore, #tpu.memory_space<semaphore_mem>>) src(%dma_wait3A_682 : memref<110000xf32, #tpu.memory_space<hbm>>) dst(%dma_wait3A_678 : memref<128xf32, #tpu.memory_space<vmem>>)
    %dma_wait3A_683 = arith.constant 0 : i32
    %dma_wait3A_684 = tpu.memref_slice %arg17[%dma_wait3A_683] : memref<384xf32, #tpu.memory_space<vmem>> -> memref<128xf32, #tpu.memory_space<vmem>>
    %dma_wait3A_685 = arith.constant 0 : i32
    %dma_wait3A_686 = tpu.memref_slice %arg14[%dma_wait3A_685] : memref<384xi32, #tpu.memory_space<vmem>> -> memref<128xi32, #tpu.memory_space<vmem>>
    %dma_wait3A_687 = arith.constant 0 : i32
    %dma_wait3A_688 = tpu.memref_slice %arg6[%dma_wait3A_687] : memref<110000xf32, #tpu.memory_space<hbm>> -> memref<110000xf32, #tpu.memory_space<hbm>>
    tpu.wait_indirect_dma semaphore(%arg30 : memref<!tpu.dma_semaphore, #tpu.memory_space<semaphore_mem>>) src(%dma_wait3A_688 : memref<110000xf32, #tpu.memory_space<hbm>>) dst(%dma_wait3A_684 : memref<128xf32, #tpu.memory_space<vmem>>)
    %dma_wait3A_689 = arith.constant 0 : i32
    %dma_wait3A_690 = tpu.memref_slice %arg20[%dma_wait3A_689] : memref<384xf32, #tpu.memory_space<vmem>> -> memref<128xf32, #tpu.memory_space<vmem>>
    %dma_wait3A_691 = arith.constant 0 : i32
    %dma_wait3A_692 = tpu.memref_slice %arg15[%dma_wait3A_691] : memref<384xi32, #tpu.memory_space<vmem>> -> memref<128xi32, #tpu.memory_space<vmem>>
    %dma_wait3A_693 = arith.constant 0 : i32
    %dma_wait3A_694 = tpu.memref_slice %arg6[%dma_wait3A_693] : memref<110000xf32, #tpu.memory_space<hbm>> -> memref<110000xf32, #tpu.memory_space<hbm>>
    tpu.wait_indirect_dma semaphore(%arg30 : memref<!tpu.dma_semaphore, #tpu.memory_space<semaphore_mem>>) src(%dma_wait3A_694 : memref<110000xf32, #tpu.memory_space<hbm>>) dst(%dma_wait3A_690 : memref<128xf32, #tpu.memory_space<vmem>>)
    %dma_wait3A_695 = arith.constant 0 : i32
    %dma_wait3A_696 = tpu.memref_slice %arg18[%dma_wait3A_695] : memref<384xf32, #tpu.memory_space<vmem>> -> memref<128xf32, #tpu.memory_space<vmem>>
    %dma_wait3A_697 = arith.constant 0 : i32
    %dma_wait3A_698 = tpu.memref_slice %arg14[%dma_wait3A_697] : memref<384xi32, #tpu.memory_space<vmem>> -> memref<128xi32, #tpu.memory_space<vmem>>
    %dma_wait3A_699 = arith.constant 0 : i32
    %dma_wait3A_700 = tpu.memref_slice %arg7[%dma_wait3A_699] : memref<110000xf32, #tpu.memory_space<hbm>> -> memref<110000xf32, #tpu.memory_space<hbm>>
    tpu.wait_indirect_dma semaphore(%arg30 : memref<!tpu.dma_semaphore, #tpu.memory_space<semaphore_mem>>) src(%dma_wait3A_700 : memref<110000xf32, #tpu.memory_space<hbm>>) dst(%dma_wait3A_696 : memref<128xf32, #tpu.memory_space<vmem>>)
    %dma_wait3A_701 = arith.constant 0 : i32
    %dma_wait3A_702 = tpu.memref_slice %arg21[%dma_wait3A_701] : memref<384xf32, #tpu.memory_space<vmem>> -> memref<128xf32, #tpu.memory_space<vmem>>
    %dma_wait3A_703 = arith.constant 0 : i32
    %dma_wait3A_704 = tpu.memref_slice %arg15[%dma_wait3A_703] : memref<384xi32, #tpu.memory_space<vmem>> -> memref<128xi32, #tpu.memory_space<vmem>>
    %dma_wait3A_705 = arith.constant 0 : i32
    %dma_wait3A_706 = tpu.memref_slice %arg7[%dma_wait3A_705] : memref<110000xf32, #tpu.memory_space<hbm>> -> memref<110000xf32, #tpu.memory_space<hbm>>
    tpu.wait_indirect_dma semaphore(%arg30 : memref<!tpu.dma_semaphore, #tpu.memory_space<semaphore_mem>>) src(%dma_wait3A_706 : memref<110000xf32, #tpu.memory_space<hbm>>) dst(%dma_wait3A_702 : memref<128xf32, #tpu.memory_space<vmem>>)
    %scan3A_707 = arith.constant 0 : i32
    %scan3A_708 = arith.constant 0 : i32
    %scan3A_709 = arith.constant 8 : i32
    %scan3A_710 = arith.addi %scan3A_708, %scan3A_709 : i32
    %scan3A_711 = arith.constant 1 : i32
    %scan3A_712 = scf.for %scan3A_800 = %scan3A_708 to %scan3A_710 step %scan3A_711 iter_args(%scan3A_801 = %scan3A_707) -> (i32)  : i32 {
      %mul3A_802 = arith.constant 16 : i32
      %mul3A_803 = arith.muli %scan3A_800, %mul3A_802 : i32
      %mul3A_804 = arith.constant 16 : i32
      %mul3A_805 = arith.muli %scan3A_800, %mul3A_804 : i32
      %add3A_806 = vector.broadcast %mul3A_805 : i32 to vector<16xi32>
      %add3A_807 = arith.addi %add3A_806, %iota3A : vector<16xi32>
      %get3A_808 = arith.index_cast %mul3A_803 : i32 to index
      %get3A_809 = tpu.vector_load %arg12[%get3A_808] {strides = array<i32>} : memref<384xi32, #tpu.memory_space<vmem>>, vector<16xi32>,
      %ge3A = arith.constant 0 : i32
      %ge3A_810 = vector.broadcast %ge3A : i32 to vector<16xi32>
      %ge3A_811 = arith.cmpi sge, %get3A_809, %ge3A_810 : vector<16xi32>
      %get3A_812 = arith.index_cast %mul3A_803 : i32 to index
      %get3A_813 = tpu.vector_load %arg16[%get3A_812] {strides = array<i32>} : memref<384xf32, #tpu.memory_space<vmem>>, vector<16xf32>,
      %get3A_814 = arith.index_cast %mul3A_803 : i32 to index
      %get3A_815 = tpu.vector_load %arg17[%get3A_814] {strides = array<i32>} : memref<384xf32, #tpu.memory_space<vmem>>, vector<16xf32>,
      %get3A_816 = arith.index_cast %mul3A_803 : i32 to index
      %get3A_817 = tpu.vector_load %arg18[%get3A_816] {strides = array<i32>} : memref<384xf32, #tpu.memory_space<vmem>>, vector<16xf32>,
      %get3A_818 = arith.index_cast %mul3A_803 : i32 to index
      %get3A_819 = tpu.vector_load %arg19[%get3A_818] {strides = array<i32>} : memref<384xf32, #tpu.memory_space<vmem>>, vector<16xf32>,
      %get3A_820 = arith.index_cast %mul3A_803 : i32 to index
      %get3A_821 = tpu.vector_load %arg20[%get3A_820] {strides = array<i32>} : memref<384xf32, #tpu.memory_space<vmem>>, vector<16xf32>,
      %get3A_822 = arith.index_cast %mul3A_803 : i32 to index
      %get3A_823 = tpu.vector_load %arg21[%get3A_822] {strides = array<i32>} : memref<384xf32, #tpu.memory_space<vmem>>, vector<16xf32>,
      %get3A_824 = arith.index_cast %mul3A_803 : i32 to index
      %get3A_825 = tpu.vector_load %arg22[%get3A_824] {strides = array<i32>} : memref<384xf32, #tpu.memory_space<vmem>>, vector<16xf32>,
      %get3A_826 = arith.index_cast %mul3A_803 : i32 to index
      %get3A_827 = tpu.vector_load %arg23[%get3A_826] {strides = array<i32>} : memref<384xf32, #tpu.memory_space<vmem>>, vector<16xf32>,
      %get3A_828 = arith.index_cast %mul3A_803 : i32 to index
      %get3A_829 = tpu.vector_load %arg24[%get3A_828] {strides = array<i32>} : memref<384xf32, #tpu.memory_space<vmem>>, vector<16xf32>,
      %neg3A = arith.constant 0.000000e+00 : f32
      %neg3A_830 = vector.broadcast %neg3A : f32 to vector<16xf32>
      %neg3A_831 = arith.subf %neg3A_830, %get3A_813 : vector<16xf32>
      %neg3A_832 = arith.constant 0.000000e+00 : f32
      %neg3A_833 = vector.broadcast %neg3A_832 : f32 to vector<16xf32>
      %neg3A_834 = arith.subf %neg3A_833, %get3A_819 : vector<16xf32>
      %ge3A_835 = arith.cmpf oge, %neg3A_831, %neg3A_834 : vector<16xf32>
      %ge3A_836 = arith.cmpf oge, %neg3A_831, %get3A_825 : vector<16xf32>
      %and3A = arith.andi %ge3A_835, %ge3A_836 : vector<16xi1>
      %not3A = arith.constant dense<true> : vector<16xi1>
      %not3A_837 = arith.xori %and3A, %not3A : vector<16xi1>
      %ge3A_838 = arith.cmpf oge, %neg3A_834, %get3A_825 : vector<16xf32>
      %and3A_839 = arith.andi %not3A_837, %ge3A_838 : vector<16xi1>
      %or3A = arith.ori %and3A, %and3A_839 : vector<16xi1>
      %not3A_840 = arith.constant dense<true> : vector<16xi1>
      %not3A_841 = arith.xori %or3A, %not3A_840 : vector<16xi1>
      %jit3A = arith.constant 0.000000e+00 : f32
      %broadcast_in_dim3A = vector.broadcast %squeeze3A : f32 to vector<16xf32>
      %broadcast_in_dim3A_842 = vector.broadcast %jit3A : f32 to vector<16xf32>
      %select_n3A = arith.select %and3A, %broadcast_in_dim3A, %broadcast_in_dim3A_842 : vector<16xi1>, vector<16xf32>
      %sub3A = arith.subf %get3A_813, %select_n3A : vector<16xf32>
      %jit3A_843 = arith.constant 0.000000e+00 : f32
      %broadcast_in_dim3A_844 = vector.broadcast %squeeze3A : f32 to vector<16xf32>
      %broadcast_in_dim3A_845 = vector.broadcast %jit3A_843 : f32 to vector<16xf32>
      %select_n3A_846 = arith.select %and3A_839, %broadcast_in_dim3A_844, %broadcast_in_dim3A_845 : vector<16xi1>, vector<16xf32>
      %sub3A_847 = arith.subf %get3A_819, %select_n3A_846 : vector<16xf32>
      %jit3A_848 = arith.constant 0.000000e+00 : f32
      %broadcast_in_dim3A_849 = vector.broadcast %squeeze3A : f32 to vector<16xf32>
      %broadcast_in_dim3A_850 = vector.broadcast %jit3A_848 : f32 to vector<16xf32>
      %select_n3A_851 = arith.select %not3A_841, %broadcast_in_dim3A_849, %broadcast_in_dim3A_850 : vector<16xi1>, vector<16xf32>
      %add3A_852 = arith.addf %get3A_825, %select_n3A_851 : vector<16xf32>
      %neg3A_853 = arith.constant 0.000000e+00 : f32
      %neg3A_854 = vector.broadcast %neg3A_853 : f32 to vector<16xf32>
      %neg3A_855 = arith.subf %neg3A_854, %get3A_815 : vector<16xf32>
      %neg3A_856 = arith.constant 0.000000e+00 : f32
      %neg3A_857 = vector.broadcast %neg3A_856 : f32 to vector<16xf32>
      %neg3A_858 = arith.subf %neg3A_857, %get3A_821 : vector<16xf32>
      %ge3A_859 = arith.cmpf oge, %neg3A_855, %neg3A_858 : vector<16xf32>
      %ge3A_860 = arith.cmpf oge, %neg3A_855, %get3A_827 : vector<16xf32>
      %and3A_861 = arith.andi %ge3A_859, %ge3A_860 : vector<16xi1>
      %not3A_862 = arith.constant dense<true> : vector<16xi1>
      %not3A_863 = arith.xori %and3A_861, %not3A_862 : vector<16xi1>
      %ge3A_864 = arith.cmpf oge, %neg3A_858, %get3A_827 : vector<16xf32>
      %and3A_865 = arith.andi %not3A_863, %ge3A_864 : vector<16xi1>
      %or3A_866 = arith.ori %and3A_861, %and3A_865 : vector<16xi1>
      %not3A_867 = arith.constant dense<true> : vector<16xi1>
      %not3A_868 = arith.xori %or3A_866, %not3A_867 : vector<16xi1>
      %jit3A_869 = arith.constant 0.000000e+00 : f32
      %broadcast_in_dim3A_870 = vector.broadcast %squeeze3A_656 : f32 to vector<16xf32>
      %broadcast_in_dim3A_871 = vector.broadcast %jit3A_869 : f32 to vector<16xf32>
      %select_n3A_872 = arith.select %and3A_861, %broadcast_in_dim3A_870, %broadcast_in_dim3A_871 : vector<16xi1>, vector<16xf32>
      %sub3A_873 = arith.subf %get3A_815, %select_n3A_872 : vector<16xf32>
      %jit3A_874 = arith.constant 0.000000e+00 : f32
      %broadcast_in_dim3A_875 = vector.broadcast %squeeze3A_656 : f32 to vector<16xf32>
      %broadcast_in_dim3A_876 = vector.broadcast %jit3A_874 : f32 to vector<16xf32>
      %select_n3A_877 = arith.select %and3A_865, %broadcast_in_dim3A_875, %broadcast_in_dim3A_876 : vector<16xi1>, vector<16xf32>
      %sub3A_878 = arith.subf %get3A_821, %select_n3A_877 : vector<16xf32>
      %jit3A_879 = arith.constant 0.000000e+00 : f32
      %broadcast_in_dim3A_880 = vector.broadcast %squeeze3A_656 : f32 to vector<16xf32>
      %broadcast_in_dim3A_881 = vector.broadcast %jit3A_879 : f32 to vector<16xf32>
      %select_n3A_882 = arith.select %not3A_868, %broadcast_in_dim3A_880, %broadcast_in_dim3A_881 : vector<16xi1>, vector<16xf32>
      %add3A_883 = arith.addf %get3A_827, %select_n3A_882 : vector<16xf32>
      %neg3A_884 = arith.constant 0.000000e+00 : f32
      %neg3A_885 = vector.broadcast %neg3A_884 : f32 to vector<16xf32>
      %neg3A_886 = arith.subf %neg3A_885, %get3A_817 : vector<16xf32>
      %neg3A_887 = arith.constant 0.000000e+00 : f32
      %neg3A_888 = vector.broadcast %neg3A_887 : f32 to vector<16xf32>
      %neg3A_889 = arith.subf %neg3A_888, %get3A_823 : vector<16xf32>
      %ge3A_890 = arith.cmpf oge, %neg3A_886, %neg3A_889 : vector<16xf32>
      %ge3A_891 = arith.cmpf oge, %neg3A_886, %get3A_829 : vector<16xf32>
      %and3A_892 = arith.andi %ge3A_890, %ge3A_891 : vector<16xi1>
      %not3A_893 = arith.constant dense<true> : vector<16xi1>
      %not3A_894 = arith.xori %and3A_892, %not3A_893 : vector<16xi1>
      %ge3A_895 = arith.cmpf oge, %neg3A_889, %get3A_829 : vector<16xf32>
      %and3A_896 = arith.andi %not3A_894, %ge3A_895 : vector<16xi1>
      %or3A_897 = arith.ori %and3A_892, %and3A_896 : vector<16xi1>
      %not3A_898 = arith.constant dense<true> : vector<16xi1>
      %not3A_899 = arith.xori %or3A_897, %not3A_898 : vector<16xi1>
      %jit3A_900 = arith.constant 0.000000e+00 : f32
      %broadcast_in_dim3A_901 = vector.broadcast %squeeze3A_658 : f32 to vector<16xf32>
      %broadcast_in_dim3A_902 = vector.broadcast %jit3A_900 : f32 to vector<16xf32>
      %select_n3A_903 = arith.select %and3A_892, %broadcast_in_dim3A_901, %broadcast_in_dim3A_902 : vector<16xi1>, vector<16xf32>
      %sub3A_904 = arith.subf %get3A_817, %select_n3A_903 : vector<16xf32>
      %jit3A_905 = arith.constant 0.000000e+00 : f32
      %broadcast_in_dim3A_906 = vector.broadcast %squeeze3A_658 : f32 to vector<16xf32>
      %broadcast_in_dim3A_907 = vector.broadcast %jit3A_905 : f32 to vector<16xf32>
      %select_n3A_908 = arith.select %and3A_896, %broadcast_in_dim3A_906, %broadcast_in_dim3A_907 : vector<16xi1>, vector<16xf32>
      %sub3A_909 = arith.subf %get3A_823, %select_n3A_908 : vector<16xf32>
      %jit3A_910 = arith.constant 0.000000e+00 : f32
      %broadcast_in_dim3A_911 = vector.broadcast %squeeze3A_658 : f32 to vector<16xf32>
      %broadcast_in_dim3A_912 = vector.broadcast %jit3A_910 : f32 to vector<16xf32>
      %select_n3A_913 = arith.select %not3A_899, %broadcast_in_dim3A_911, %broadcast_in_dim3A_912 : vector<16xi1>, vector<16xf32>
      %add3A_914 = arith.addf %get3A_829, %select_n3A_913 : vector<16xf32>
      %neg3A_915 = arith.constant 0.000000e+00 : f32
      %neg3A_916 = vector.broadcast %neg3A_915 : f32 to vector<16xf32>
      %neg3A_917 = arith.subf %neg3A_916, %sub3A : vector<16xf32>
      %neg3A_918 = arith.constant 0.000000e+00 : f32
      %neg3A_919 = vector.broadcast %neg3A_918 : f32 to vector<16xf32>
      %neg3A_920 = arith.subf %neg3A_919, %sub3A_847 : vector<16xf32>
      %ge3A_921 = arith.cmpf oge, %neg3A_917, %neg3A_920 : vector<16xf32>
      %ge3A_922 = arith.cmpf oge, %neg3A_917, %add3A_852 : vector<16xf32>
      %and3A_923 = arith.andi %ge3A_921, %ge3A_922 : vector<16xi1>
      %not3A_924 = arith.constant dense<true> : vector<16xi1>
      %not3A_925 = arith.xori %and3A_923, %not3A_924 : vector<16xi1>
      %ge3A_926 = arith.cmpf oge, %neg3A_920, %add3A_852 : vector<16xf32>
      %and3A_927 = arith.andi %not3A_925, %ge3A_926 : vector<16xi1>
      %or3A_928 = arith.ori %and3A_923, %and3A_927 : vector<16xi1>
      %not3A_929 = arith.constant dense<true> : vector<16xi1>
      %not3A_930 = arith.xori %or3A_928, %not3A_929 : vector<16xi1>
      %jit3A_931 = arith.constant 0.000000e+00 : f32
      %broadcast_in_dim3A_932 = vector.broadcast %squeeze3A_660 : f32 to vector<16xf32>
      %broadcast_in_dim3A_933 = vector.broadcast %jit3A_931 : f32 to vector<16xf32>
      %select_n3A_934 = arith.select %and3A_923, %broadcast_in_dim3A_932, %broadcast_in_dim3A_933 : vector<16xi1>, vector<16xf32>
      %sub3A_935 = arith.subf %sub3A, %select_n3A_934 : vector<16xf32>
      %jit3A_936 = arith.constant 0.000000e+00 : f32
      %broadcast_in_dim3A_937 = vector.broadcast %squeeze3A_660 : f32 to vector<16xf32>
      %broadcast_in_dim3A_938 = vector.broadcast %jit3A_936 : f32 to vector<16xf32>
      %select_n3A_939 = arith.select %and3A_927, %broadcast_in_dim3A_937, %broadcast_in_dim3A_938 : vector<16xi1>, vector<16xf32>
      %sub3A_940 = arith.subf %sub3A_847, %select_n3A_939 : vector<16xf32>
      %jit3A_941 = arith.constant 0.000000e+00 : f32
      %broadcast_in_dim3A_942 = vector.broadcast %squeeze3A_660 : f32 to vector<16xf32>
      %broadcast_in_dim3A_943 = vector.broadcast %jit3A_941 : f32 to vector<16xf32>
      %select_n3A_944 = arith.select %not3A_930, %broadcast_in_dim3A_942, %broadcast_in_dim3A_943 : vector<16xi1>, vector<16xf32>
      %add3A_945 = arith.addf %add3A_852, %select_n3A_944 : vector<16xf32>
      %neg3A_946 = arith.constant 0.000000e+00 : f32
      %neg3A_947 = vector.broadcast %neg3A_946 : f32 to vector<16xf32>
      %neg3A_948 = arith.subf %neg3A_947, %sub3A_873 : vector<16xf32>
      %neg3A_949 = arith.constant 0.000000e+00 : f32
      %neg3A_950 = vector.broadcast %neg3A_949 : f32 to vector<16xf32>
      %neg3A_951 = arith.subf %neg3A_950, %sub3A_878 : vector<16xf32>
      %ge3A_952 = arith.cmpf oge, %neg3A_948, %neg3A_951 : vector<16xf32>
      %ge3A_953 = arith.cmpf oge, %neg3A_948, %add3A_883 : vector<16xf32>
      %and3A_954 = arith.andi %ge3A_952, %ge3A_953 : vector<16xi1>
      %not3A_955 = arith.constant dense<true> : vector<16xi1>
      %not3A_956 = arith.xori %and3A_954, %not3A_955 : vector<16xi1>
      %ge3A_957 = arith.cmpf oge, %neg3A_951, %add3A_883 : vector<16xf32>
      %and3A_958 = arith.andi %not3A_956, %ge3A_957 : vector<16xi1>
      %or3A_959 = arith.ori %and3A_954, %and3A_958 : vector<16xi1>
      %not3A_960 = arith.constant dense<true> : vector<16xi1>
      %not3A_961 = arith.xori %or3A_959, %not3A_960 : vector<16xi1>
      %jit3A_962 = arith.constant 0.000000e+00 : f32
      %broadcast_in_dim3A_963 = vector.broadcast %squeeze3A_662 : f32 to vector<16xf32>
      %broadcast_in_dim3A_964 = vector.broadcast %jit3A_962 : f32 to vector<16xf32>
      %select_n3A_965 = arith.select %and3A_954, %broadcast_in_dim3A_963, %broadcast_in_dim3A_964 : vector<16xi1>, vector<16xf32>
      %sub3A_966 = arith.subf %sub3A_873, %select_n3A_965 : vector<16xf32>
      %jit3A_967 = arith.constant 0.000000e+00 : f32
      %broadcast_in_dim3A_968 = vector.broadcast %squeeze3A_662 : f32 to vector<16xf32>
      %broadcast_in_dim3A_969 = vector.broadcast %jit3A_967 : f32 to vector<16xf32>
      %select_n3A_970 = arith.select %and3A_958, %broadcast_in_dim3A_968, %broadcast_in_dim3A_969 : vector<16xi1>, vector<16xf32>
      %sub3A_971 = arith.subf %sub3A_878, %select_n3A_970 : vector<16xf32>
      %jit3A_972 = arith.constant 0.000000e+00 : f32
      %broadcast_in_dim3A_973 = vector.broadcast %squeeze3A_662 : f32 to vector<16xf32>
      %broadcast_in_dim3A_974 = vector.broadcast %jit3A_972 : f32 to vector<16xf32>
      %select_n3A_975 = arith.select %not3A_961, %broadcast_in_dim3A_973, %broadcast_in_dim3A_974 : vector<16xi1>, vector<16xf32>
      %add3A_976 = arith.addf %add3A_883, %select_n3A_975 : vector<16xf32>
      %neg3A_977 = arith.constant 0.000000e+00 : f32
      %neg3A_978 = vector.broadcast %neg3A_977 : f32 to vector<16xf32>
      %neg3A_979 = arith.subf %neg3A_978, %sub3A_904 : vector<16xf32>
      %neg3A_980 = arith.constant 0.000000e+00 : f32
      %neg3A_981 = vector.broadcast %neg3A_980 : f32 to vector<16xf32>
      %neg3A_982 = arith.subf %neg3A_981, %sub3A_909 : vector<16xf32>
      %ge3A_983 = arith.cmpf oge, %neg3A_979, %neg3A_982 : vector<16xf32>
      %ge3A_984 = arith.cmpf oge, %neg3A_979, %add3A_914 : vector<16xf32>
      %and3A_985 = arith.andi %ge3A_983, %ge3A_984 : vector<16xi1>
      %not3A_986 = arith.constant dense<true> : vector<16xi1>
      %not3A_987 = arith.xori %and3A_985, %not3A_986 : vector<16xi1>
      %ge3A_988 = arith.cmpf oge, %neg3A_982, %add3A_914 : vector<16xf32>
      %and3A_989 = arith.andi %not3A_987, %ge3A_988 : vector<16xi1>
      %or3A_990 = arith.ori %and3A_985, %and3A_989 : vector<16xi1>
      %not3A_991 = arith.constant dense<true> : vector<16xi1>
      %not3A_992 = arith.xori %or3A_990, %not3A_991 : vector<16xi1>
      %jit3A_993 = arith.constant 0.000000e+00 : f32
      %broadcast_in_dim3A_994 = vector.broadcast %squeeze3A_664 : f32 to vector<16xf32>
      %broadcast_in_dim3A_995 = vector.broadcast %jit3A_993 : f32 to vector<16xf32>
      %select_n3A_996 = arith.select %and3A_985, %broadcast_in_dim3A_994, %broadcast_in_dim3A_995 : vector<16xi1>, vector<16xf32>
      %sub3A_997 = arith.subf %sub3A_904, %select_n3A_996 : vector<16xf32>
      %jit3A_998 = arith.constant 0.000000e+00 : f32
      %broadcast_in_dim3A_999 = vector.broadcast %squeeze3A_664 : f32 to vector<16xf32>
      %broadcast_in_dim3A_1000 = vector.broadcast %jit3A_998 : f32 to vector<16xf32>
      %select_n3A_1001 = arith.select %and3A_989, %broadcast_in_dim3A_999, %broadcast_in_dim3A_1000 : vector<16xi1>, vector<16xf32>
      %sub3A_1002 = arith.subf %sub3A_909, %select_n3A_1001 : vector<16xf32>
      %jit3A_1003 = arith.constant 0.000000e+00 : f32
      %broadcast_in_dim3A_1004 = vector.broadcast %squeeze3A_664 : f32 to vector<16xf32>
      %broadcast_in_dim3A_1005 = vector.broadcast %jit3A_1003 : f32 to vector<16xf32>
      %select_n3A_1006 = arith.select %not3A_992, %broadcast_in_dim3A_1004, %broadcast_in_dim3A_1005 : vector<16xi1>, vector<16xf32>
      %add3A_1007 = arith.addf %add3A_914, %select_n3A_1006 : vector<16xf32>
      %neg3A_1008 = arith.constant 0.000000e+00 : f32
      %neg3A_1009 = vector.broadcast %neg3A_1008 : f32 to vector<16xf32>
      %neg3A_1010 = arith.subf %neg3A_1009, %sub3A_935 : vector<16xf32>
      %neg3A_1011 = arith.constant 0.000000e+00 : f32
      %neg3A_1012 = vector.broadcast %neg3A_1011 : f32 to vector<16xf32>
      %neg3A_1013 = arith.subf %neg3A_1012, %sub3A_940 : vector<16xf32>
      %ge3A_1014 = arith.cmpf oge, %neg3A_1010, %neg3A_1013 : vector<16xf32>
      %ge3A_1015 = arith.cmpf oge, %neg3A_1010, %add3A_945 : vector<16xf32>
      %and3A_1016 = arith.andi %ge3A_1014, %ge3A_1015 : vector<16xi1>
      %not3A_1017 = arith.constant dense<true> : vector<16xi1>
      %not3A_1018 = arith.xori %and3A_1016, %not3A_1017 : vector<16xi1>
      %ge3A_1019 = arith.cmpf oge, %neg3A_1013, %add3A_945 : vector<16xf32>
      %and3A_1020 = arith.andi %not3A_1018, %ge3A_1019 : vector<16xi1>
      %or3A_1021 = arith.ori %and3A_1016, %and3A_1020 : vector<16xi1>
      %not3A_1022 = arith.constant dense<true> : vector<16xi1>
      %not3A_1023 = arith.xori %or3A_1021, %not3A_1022 : vector<16xi1>
      %jit3A_1024 = arith.constant 0.000000e+00 : f32
      %broadcast_in_dim3A_1025 = vector.broadcast %squeeze3A_666 : f32 to vector<16xf32>
      %broadcast_in_dim3A_1026 = vector.broadcast %jit3A_1024 : f32 to vector<16xf32>
      %select_n3A_1027 = arith.select %and3A_1016, %broadcast_in_dim3A_1025, %broadcast_in_dim3A_1026 : vector<16xi1>, vector<16xf32>
      %sub3A_1028 = arith.subf %sub3A_935, %select_n3A_1027 : vector<16xf32>
      %jit3A_1029 = arith.constant 0.000000e+00 : f32
      %broadcast_in_dim3A_1030 = vector.broadcast %squeeze3A_666 : f32 to vector<16xf32>
      %broadcast_in_dim3A_1031 = vector.broadcast %jit3A_1029 : f32 to vector<16xf32>
      %select_n3A_1032 = arith.select %and3A_1020, %broadcast_in_dim3A_1030, %broadcast_in_dim3A_1031 : vector<16xi1>, vector<16xf32>
      %sub3A_1033 = arith.subf %sub3A_940, %select_n3A_1032 : vector<16xf32>
      %jit3A_1034 = arith.constant 0.000000e+00 : f32
      %broadcast_in_dim3A_1035 = vector.broadcast %squeeze3A_666 : f32 to vector<16xf32>
      %broadcast_in_dim3A_1036 = vector.broadcast %jit3A_1034 : f32 to vector<16xf32>
      %select_n3A_1037 = arith.select %not3A_1023, %broadcast_in_dim3A_1035, %broadcast_in_dim3A_1036 : vector<16xi1>, vector<16xf32>
      %add3A_1038 = arith.addf %add3A_945, %select_n3A_1037 : vector<16xf32>
      %neg3A_1039 = arith.constant 0.000000e+00 : f32
      %neg3A_1040 = vector.broadcast %neg3A_1039 : f32 to vector<16xf32>
      %neg3A_1041 = arith.subf %neg3A_1040, %sub3A_966 : vector<16xf32>
      %neg3A_1042 = arith.constant 0.000000e+00 : f32
      %neg3A_1043 = vector.broadcast %neg3A_1042 : f32 to vector<16xf32>
      %neg3A_1044 = arith.subf %neg3A_1043, %sub3A_971 : vector<16xf32>
      %ge3A_1045 = arith.cmpf oge, %neg3A_1041, %neg3A_1044 : vector<16xf32>
      %ge3A_1046 = arith.cmpf oge, %neg3A_1041, %add3A_976 : vector<16xf32>
      %and3A_1047 = arith.andi %ge3A_1045, %ge3A_1046 : vector<16xi1>
      %not3A_1048 = arith.constant dense<true> : vector<16xi1>
      %not3A_1049 = arith.xori %and3A_1047, %not3A_1048 : vector<16xi1>
      %ge3A_1050 = arith.cmpf oge, %neg3A_1044, %add3A_976 : vector<16xf32>
      %and3A_1051 = arith.andi %not3A_1049, %ge3A_1050 : vector<16xi1>
      %or3A_1052 = arith.ori %and3A_1047, %and3A_1051 : vector<16xi1>
      %not3A_1053 = arith.constant dense<true> : vector<16xi1>
      %not3A_1054 = arith.xori %or3A_1052, %not3A_1053 : vector<16xi1>
      %jit3A_1055 = arith.constant 0.000000e+00 : f32
      %broadcast_in_dim3A_1056 = vector.broadcast %squeeze3A_668 : f32 to vector<16xf32>
      %broadcast_in_dim3A_1057 = vector.broadcast %jit3A_1055 : f32 to vector<16xf32>
      %select_n3A_1058 = arith.select %and3A_1047, %broadcast_in_dim3A_1056, %broadcast_in_dim3A_1057 : vector<16xi1>, vector<16xf32>
      %sub3A_1059 = arith.subf %sub3A_966, %select_n3A_1058 : vector<16xf32>
      %jit3A_1060 = arith.constant 0.000000e+00 : f32
      %broadcast_in_dim3A_1061 = vector.broadcast %squeeze3A_668 : f32 to vector<16xf32>
      %broadcast_in_dim3A_1062 = vector.broadcast %jit3A_1060 : f32 to vector<16xf32>
      %select_n3A_1063 = arith.select %and3A_1051, %broadcast_in_dim3A_1061, %broadcast_in_dim3A_1062 : vector<16xi1>, vector<16xf32>
      %sub3A_1064 = arith.subf %sub3A_971, %select_n3A_1063 : vector<16xf32>
      %jit3A_1065 = arith.constant 0.000000e+00 : f32
      %broadcast_in_dim3A_1066 = vector.broadcast %squeeze3A_668 : f32 to vector<16xf32>
      %broadcast_in_dim3A_1067 = vector.broadcast %jit3A_1065 : f32 to vector<16xf32>
      %select_n3A_1068 = arith.select %not3A_1054, %broadcast_in_dim3A_1066, %broadcast_in_dim3A_1067 : vector<16xi1>, vector<16xf32>
      %add3A_1069 = arith.addf %add3A_976, %select_n3A_1068 : vector<16xf32>
      %neg3A_1070 = arith.constant 0.000000e+00 : f32
      %neg3A_1071 = vector.broadcast %neg3A_1070 : f32 to vector<16xf32>
      %neg3A_1072 = arith.subf %neg3A_1071, %sub3A_997 : vector<16xf32>
      %neg3A_1073 = arith.constant 0.000000e+00 : f32
      %neg3A_1074 = vector.broadcast %neg3A_1073 : f32 to vector<16xf32>
      %neg3A_1075 = arith.subf %neg3A_1074, %sub3A_1002 : vector<16xf32>
      %ge3A_1076 = arith.cmpf oge, %neg3A_1072, %neg3A_1075 : vector<16xf32>
      %ge3A_1077 = arith.cmpf oge, %neg3A_1072, %add3A_1007 : vector<16xf32>
      %and3A_1078 = arith.andi %ge3A_1076, %ge3A_1077 : vector<16xi1>
      %not3A_1079 = arith.constant dense<true> : vector<16xi1>
      %not3A_1080 = arith.xori %and3A_1078, %not3A_1079 : vector<16xi1>
      %ge3A_1081 = arith.cmpf oge, %neg3A_1075, %add3A_1007 : vector<16xf32>
      %and3A_1082 = arith.andi %not3A_1080, %ge3A_1081 : vector<16xi1>
      %or3A_1083 = arith.ori %and3A_1078, %and3A_1082 : vector<16xi1>
      %not3A_1084 = arith.constant dense<true> : vector<16xi1>
      %not3A_1085 = arith.xori %or3A_1083, %not3A_1084 : vector<16xi1>
      %jit3A_1086 = arith.constant 0.000000e+00 : f32
      %broadcast_in_dim3A_1087 = vector.broadcast %squeeze3A_670 : f32 to vector<16xf32>
      %broadcast_in_dim3A_1088 = vector.broadcast %jit3A_1086 : f32 to vector<16xf32>
      %select_n3A_1089 = arith.select %and3A_1078, %broadcast_in_dim3A_1087, %broadcast_in_dim3A_1088 : vector<16xi1>, vector<16xf32>
      %sub3A_1090 = arith.subf %sub3A_997, %select_n3A_1089 : vector<16xf32>
      %jit3A_1091 = arith.constant 0.000000e+00 : f32
      %broadcast_in_dim3A_1092 = vector.broadcast %squeeze3A_670 : f32 to vector<16xf32>
      %broadcast_in_dim3A_1093 = vector.broadcast %jit3A_1091 : f32 to vector<16xf32>
      %select_n3A_1094 = arith.select %and3A_1082, %broadcast_in_dim3A_1092, %broadcast_in_dim3A_1093 : vector<16xi1>, vector<16xf32>
      %sub3A_1095 = arith.subf %sub3A_1002, %select_n3A_1094 : vector<16xf32>
      %jit3A_1096 = arith.constant 0.000000e+00 : f32
      %broadcast_in_dim3A_1097 = vector.broadcast %squeeze3A_670 : f32 to vector<16xf32>
      %broadcast_in_dim3A_1098 = vector.broadcast %jit3A_1096 : f32 to vector<16xf32>
      %select_n3A_1099 = arith.select %not3A_1085, %broadcast_in_dim3A_1097, %broadcast_in_dim3A_1098 : vector<16xi1>, vector<16xf32>
      %add3A_1100 = arith.addf %add3A_1007, %select_n3A_1099 : vector<16xf32>
      %select_n3A_1101 = arith.select %ge3A_811, %add3A_1038, %get3A_825 : vector<16xi1>, vector<16xf32>
      %select_n3A_1102 = arith.select %ge3A_811, %add3A_1069, %get3A_827 : vector<16xi1>, vector<16xf32>
      %select_n3A_1103 = arith.select %ge3A_811, %add3A_1100, %get3A_829 : vector<16xi1>, vector<16xf32>
      %max3A = arith.maximumf %select_n3A_1101, %select_n3A_1102 : vector<16xf32>
      %max3A_1104 = arith.maximumf %max3A, %select_n3A_1103 : vector<16xf32>
      %sub3A_1105 = arith.subf %select_n3A_1101, %max3A_1104 : vector<16xf32>
      %exp3A = math.exp %sub3A_1105 : vector<16xf32>
      %sub3A_1106 = arith.subf %select_n3A_1102, %max3A_1104 : vector<16xf32>
      %exp3A_1107 = math.exp %sub3A_1106 : vector<16xf32>
      %sub3A_1108 = arith.subf %select_n3A_1103, %max3A_1104 : vector<16xf32>
      %exp3A_1109 = math.exp %sub3A_1108 : vector<16xf32>
      %add3A_1110 = arith.addf %exp3A, %exp3A_1107 : vector<16xf32>
      %add3A_1111 = arith.addf %add3A_1110, %exp3A_1109 : vector<16xf32>
      %broadcast_in_dim3A_1112 = arith.constant 0 : i32
      %broadcast_in_dim3A_1113 = vector.broadcast %broadcast_in_dim3A_1112 : i32 to vector<16xi32>
      tpu.vector_store_idx %arg25[%add3A_807, %broadcast_in_dim3A_1113], %select_n3A_1101 : memref<384x3xf32, #tpu.memory_space<vmem>>[vector<16xi32>, vector<16xi32>], vector<16xf32>,
      %div3A = arith.divf %exp3A, %add3A_1111 : vector<16xf32>
      tpu.vector_store_idx %arg26[%add3A_807, %broadcast_in_dim3A_1113], %div3A : memref<384x3xf32, #tpu.memory_space<vmem>>[vector<16xi32>, vector<16xi32>], vector<16xf32>,
      %broadcast_in_dim3A_1114 = arith.constant 1 : i32
      %broadcast_in_dim3A_1115 = vector.broadcast %broadcast_in_dim3A_1114 : i32 to vector<16xi32>
      tpu.vector_store_idx %arg25[%add3A_807, %broadcast_in_dim3A_1115], %select_n3A_1102 : memref<384x3xf32, #tpu.memory_space<vmem>>[vector<16xi32>, vector<16xi32>], vector<16xf32>,
      %div3A_1116 = arith.divf %exp3A_1107, %add3A_1111 : vector<16xf32>
      tpu.vector_store_idx %arg26[%add3A_807, %broadcast_in_dim3A_1115], %div3A_1116 : memref<384x3xf32, #tpu.memory_space<vmem>>[vector<16xi32>, vector<16xi32>], vector<16xf32>,
      %broadcast_in_dim3A_1117 = arith.constant 2 : i32
      %broadcast_in_dim3A_1118 = vector.broadcast %broadcast_in_dim3A_1117 : i32 to vector<16xi32>
      tpu.vector_store_idx %arg25[%add3A_807, %broadcast_in_dim3A_1118], %select_n3A_1103 : memref<384x3xf32, #tpu.memory_space<vmem>>[vector<16xi32>, vector<16xi32>], vector<16xf32>,
      %div3A_1119 = arith.divf %exp3A_1109, %add3A_1111 : vector<16xf32>
      tpu.vector_store_idx %arg26[%add3A_807, %broadcast_in_dim3A_1118], %div3A_1119 : memref<384x3xf32, #tpu.memory_space<vmem>>[vector<16xi32>, vector<16xi32>], vector<16xf32>,
      %scan3A_1120 = arith.constant 0 : i32
      scf.yield %scan3A_1120 : i32
    }
    %scan3A_713 = arith.constant 8 : i32
    %dma_wait3A_714 = arith.constant 128 : i32
    %dma_wait3A_715 = tpu.memref_slice %arg16[%dma_wait3A_714] : memref<384xf32, #tpu.memory_space<vmem>> -> memref<128xf32, #tpu.memory_space<vmem>>
    %dma_wait3A_716 = arith.constant 128 : i32
    %dma_wait3A_717 = tpu.memref_slice %arg14[%dma_wait3A_716] : memref<384xi32, #tpu.memory_space<vmem>> -> memref<128xi32, #tpu.memory_space<vmem>>
    %dma_wait3A_718 = arith.constant 0 : i32
    %dma_wait3A_719 = tpu.memref_slice %arg5[%dma_wait3A_718] : memref<110000xf32, #tpu.memory_space<hbm>> -> memref<110000xf32, #tpu.memory_space<hbm>>
    tpu.wait_indirect_dma semaphore(%arg30 : memref<!tpu.dma_semaphore, #tpu.memory_space<semaphore_mem>>) src(%dma_wait3A_719 : memref<110000xf32, #tpu.memory_space<hbm>>) dst(%dma_wait3A_715 : memref<128xf32, #tpu.memory_space<vmem>>)
    %dma_wait3A_720 = arith.constant 128 : i32
    %dma_wait3A_721 = tpu.memref_slice %arg19[%dma_wait3A_720] : memref<384xf32, #tpu.memory_space<vmem>> -> memref<128xf32, #tpu.memory_space<vmem>>
    %dma_wait3A_722 = arith.constant 128 : i32
    %dma_wait3A_723 = tpu.memref_slice %arg15[%dma_wait3A_722] : memref<384xi32, #tpu.memory_space<vmem>> -> memref<128xi32, #tpu.memory_space<vmem>>
    %dma_wait3A_724 = arith.constant 0 : i32
    %dma_wait3A_725 = tpu.memref_slice %arg5[%dma_wait3A_724] : memref<110000xf32, #tpu.memory_space<hbm>> -> memref<110000xf32, #tpu.memory_space<hbm>>
    tpu.wait_indirect_dma semaphore(%arg30 : memref<!tpu.dma_semaphore, #tpu.memory_space<semaphore_mem>>) src(%dma_wait3A_725 : memref<110000xf32, #tpu.memory_space<hbm>>) dst(%dma_wait3A_721 : memref<128xf32, #tpu.memory_space<vmem>>)
    %dma_wait3A_726 = arith.constant 128 : i32
    %dma_wait3A_727 = tpu.memref_slice %arg17[%dma_wait3A_726] : memref<384xf32, #tpu.memory_space<vmem>> -> memref<128xf32, #tpu.memory_space<vmem>>
    %dma_wait3A_728 = arith.constant 128 : i32
    %dma_wait3A_729 = tpu.memref_slice %arg14[%dma_wait3A_728] : memref<384xi32, #tpu.memory_space<vmem>> -> memref<128xi32, #tpu.memory_space<vmem>>
    %dma_wait3A_730 = arith.constant 0 : i32
    %dma_wait3A_731 = tpu.memref_slice %arg6[%dma_wait3A_730] : memref<110000xf32, #tpu.memory_space<hbm>> -> memref<110000xf32, #tpu.memory_space<hbm>>
    tpu.wait_indirect_dma semaphore(%arg30 : memref<!tpu.dma_semaphore, #tpu.memory_space<semaphore_mem>>) src(%dma_wait3A_731 : memref<110000xf32, #tpu.memory_space<hbm>>) dst(%dma_wait3A_727 : memref<128xf32, #tpu.memory_space<vmem>>)
    %dma_wait3A_732 = arith.constant 128 : i32
    %dma_wait3A_733 = tpu.memref_slice %arg20[%dma_wait3A_732] : memref<384xf32, #tpu.memory_space<vmem>> -> memref<128xf32, #tpu.memory_space<vmem>>
    %dma_wait3A_734 = arith.constant 128 : i32
    %dma_wait3A_735 = tpu.memref_slice %arg15[%dma_wait3A_734] : memref<384xi32, #tpu.memory_space<vmem>> -> memref<128xi32, #tpu.memory_space<vmem>>
    %dma_wait3A_736 = arith.constant 0 : i32
    %dma_wait3A_737 = tpu.memref_slice %arg6[%dma_wait3A_736] : memref<110000xf32, #tpu.memory_space<hbm>> -> memref<110000xf32, #tpu.memory_space<hbm>>
    tpu.wait_indirect_dma semaphore(%arg30 : memref<!tpu.dma_semaphore, #tpu.memory_space<semaphore_mem>>) src(%dma_wait3A_737 : memref<110000xf32, #tpu.memory_space<hbm>>) dst(%dma_wait3A_733 : memref<128xf32, #tpu.memory_space<vmem>>)
    %dma_wait3A_738 = arith.constant 128 : i32
    %dma_wait3A_739 = tpu.memref_slice %arg18[%dma_wait3A_738] : memref<384xf32, #tpu.memory_space<vmem>> -> memref<128xf32, #tpu.memory_space<vmem>>
    %dma_wait3A_740 = arith.constant 128 : i32
    %dma_wait3A_741 = tpu.memref_slice %arg14[%dma_wait3A_740] : memref<384xi32, #tpu.memory_space<vmem>> -> memref<128xi32, #tpu.memory_space<vmem>>
    %dma_wait3A_742 = arith.constant 0 : i32
    %dma_wait3A_743 = tpu.memref_slice %arg7[%dma_wait3A_742] : memref<110000xf32, #tpu.memory_space<hbm>> -> memref<110000xf32, #tpu.memory_space<hbm>>
    tpu.wait_indirect_dma semaphore(%arg30 : memref<!tpu.dma_semaphore, #tpu.memory_space<semaphore_mem>>) src(%dma_wait3A_743 : memref<110000xf32, #tpu.memory_space<hbm>>) dst(%dma_wait3A_739 : memref<128xf32, #tpu.memory_space<vmem>>)
    %dma_wait3A_744 = arith.constant 128 : i32
    %dma_wait3A_745 = tpu.memref_slice %arg21[%dma_wait3A_744] : memref<384xf32, #tpu.memory_space<vmem>> -> memref<128xf32, #tpu.memory_space<vmem>>
    %dma_wait3A_746 = arith.constant 128 : i32
    %dma_wait3A_747 = tpu.memref_slice %arg15[%dma_wait3A_746] : memref<384xi32, #tpu.memory_space<vmem>> -> memref<128xi32, #tpu.memory_space<vmem>>
    %dma_wait3A_748 = arith.constant 0 : i32
    %dma_wait3A_749 = tpu.memref_slice %arg7[%dma_wait3A_748] : memref<110000xf32, #tpu.memory_space<hbm>> -> memref<110000xf32, #tpu.memory_space<hbm>>
    tpu.wait_indirect_dma semaphore(%arg30 : memref<!tpu.dma_semaphore, #tpu.memory_space<semaphore_mem>>) src(%dma_wait3A_749 : memref<110000xf32, #tpu.memory_space<hbm>>) dst(%dma_wait3A_745 : memref<128xf32, #tpu.memory_space<vmem>>)
    %scan3A_750 = arith.constant 0 : i32
    %scan3A_751 = arith.constant 8 : i32
    %scan3A_752 = arith.constant 8 : i32
    %scan3A_753 = arith.addi %scan3A_751, %scan3A_752 : i32
    %scan3A_754 = arith.constant 1 : i32
    %scan3A_755 = scf.for %scan3A_800 = %scan3A_751 to %scan3A_753 step %scan3A_754 iter_args(%scan3A_801 = %scan3A_750) -> (i32)  : i32 {
      %mul3A_802 = arith.constant 16 : i32
      %mul3A_803 = arith.muli %scan3A_800, %mul3A_802 : i32
      %mul3A_804 = arith.constant 16 : i32
      %mul3A_805 = arith.muli %scan3A_800, %mul3A_804 : i32
      %add3A_806 = vector.broadcast %mul3A_805 : i32 to vector<16xi32>
      %add3A_807 = arith.addi %add3A_806, %iota3A : vector<16xi32>
      %get3A_808 = arith.index_cast %mul3A_803 : i32 to index
      %get3A_809 = tpu.vector_load %arg12[%get3A_808] {strides = array<i32>} : memref<384xi32, #tpu.memory_space<vmem>>, vector<16xi32>,
      %ge3A = arith.constant 0 : i32
      %ge3A_810 = vector.broadcast %ge3A : i32 to vector<16xi32>
      %ge3A_811 = arith.cmpi sge, %get3A_809, %ge3A_810 : vector<16xi32>
      %get3A_812 = arith.index_cast %mul3A_803 : i32 to index
      %get3A_813 = tpu.vector_load %arg16[%get3A_812] {strides = array<i32>} : memref<384xf32, #tpu.memory_space<vmem>>, vector<16xf32>,
      %get3A_814 = arith.index_cast %mul3A_803 : i32 to index
      %get3A_815 = tpu.vector_load %arg17[%get3A_814] {strides = array<i32>} : memref<384xf32, #tpu.memory_space<vmem>>, vector<16xf32>,
      %get3A_816 = arith.index_cast %mul3A_803 : i32 to index
      %get3A_817 = tpu.vector_load %arg18[%get3A_816] {strides = array<i32>} : memref<384xf32, #tpu.memory_space<vmem>>, vector<16xf32>,
      %get3A_818 = arith.index_cast %mul3A_803 : i32 to index
      %get3A_819 = tpu.vector_load %arg19[%get3A_818] {strides = array<i32>} : memref<384xf32, #tpu.memory_space<vmem>>, vector<16xf32>,
      %get3A_820 = arith.index_cast %mul3A_803 : i32 to index
      %get3A_821 = tpu.vector_load %arg20[%get3A_820] {strides = array<i32>} : memref<384xf32, #tpu.memory_space<vmem>>, vector<16xf32>,
      %get3A_822 = arith.index_cast %mul3A_803 : i32 to index
      %get3A_823 = tpu.vector_load %arg21[%get3A_822] {strides = array<i32>} : memref<384xf32, #tpu.memory_space<vmem>>, vector<16xf32>,
      %get3A_824 = arith.index_cast %mul3A_803 : i32 to index
      %get3A_825 = tpu.vector_load %arg22[%get3A_824] {strides = array<i32>} : memref<384xf32, #tpu.memory_space<vmem>>, vector<16xf32>,
      %get3A_826 = arith.index_cast %mul3A_803 : i32 to index
      %get3A_827 = tpu.vector_load %arg23[%get3A_826] {strides = array<i32>} : memref<384xf32, #tpu.memory_space<vmem>>, vector<16xf32>,
      %get3A_828 = arith.index_cast %mul3A_803 : i32 to index
      %get3A_829 = tpu.vector_load %arg24[%get3A_828] {strides = array<i32>} : memref<384xf32, #tpu.memory_space<vmem>>, vector<16xf32>,
      %neg3A = arith.constant 0.000000e+00 : f32
      %neg3A_830 = vector.broadcast %neg3A : f32 to vector<16xf32>
      %neg3A_831 = arith.subf %neg3A_830, %get3A_813 : vector<16xf32>
      %neg3A_832 = arith.constant 0.000000e+00 : f32
      %neg3A_833 = vector.broadcast %neg3A_832 : f32 to vector<16xf32>
      %neg3A_834 = arith.subf %neg3A_833, %get3A_819 : vector<16xf32>
      %ge3A_835 = arith.cmpf oge, %neg3A_831, %neg3A_834 : vector<16xf32>
      %ge3A_836 = arith.cmpf oge, %neg3A_831, %get3A_825 : vector<16xf32>
      %and3A = arith.andi %ge3A_835, %ge3A_836 : vector<16xi1>
      %not3A = arith.constant dense<true> : vector<16xi1>
      %not3A_837 = arith.xori %and3A, %not3A : vector<16xi1>
      %ge3A_838 = arith.cmpf oge, %neg3A_834, %get3A_825 : vector<16xf32>
      %and3A_839 = arith.andi %not3A_837, %ge3A_838 : vector<16xi1>
      %or3A = arith.ori %and3A, %and3A_839 : vector<16xi1>
      %not3A_840 = arith.constant dense<true> : vector<16xi1>
      %not3A_841 = arith.xori %or3A, %not3A_840 : vector<16xi1>
      %jit3A = arith.constant 0.000000e+00 : f32
      %broadcast_in_dim3A = vector.broadcast %squeeze3A : f32 to vector<16xf32>
      %broadcast_in_dim3A_842 = vector.broadcast %jit3A : f32 to vector<16xf32>
      %select_n3A = arith.select %and3A, %broadcast_in_dim3A, %broadcast_in_dim3A_842 : vector<16xi1>, vector<16xf32>
      %sub3A = arith.subf %get3A_813, %select_n3A : vector<16xf32>
      %jit3A_843 = arith.constant 0.000000e+00 : f32
      %broadcast_in_dim3A_844 = vector.broadcast %squeeze3A : f32 to vector<16xf32>
      %broadcast_in_dim3A_845 = vector.broadcast %jit3A_843 : f32 to vector<16xf32>
      %select_n3A_846 = arith.select %and3A_839, %broadcast_in_dim3A_844, %broadcast_in_dim3A_845 : vector<16xi1>, vector<16xf32>
      %sub3A_847 = arith.subf %get3A_819, %select_n3A_846 : vector<16xf32>
      %jit3A_848 = arith.constant 0.000000e+00 : f32
      %broadcast_in_dim3A_849 = vector.broadcast %squeeze3A : f32 to vector<16xf32>
      %broadcast_in_dim3A_850 = vector.broadcast %jit3A_848 : f32 to vector<16xf32>
      %select_n3A_851 = arith.select %not3A_841, %broadcast_in_dim3A_849, %broadcast_in_dim3A_850 : vector<16xi1>, vector<16xf32>
      %add3A_852 = arith.addf %get3A_825, %select_n3A_851 : vector<16xf32>
      %neg3A_853 = arith.constant 0.000000e+00 : f32
      %neg3A_854 = vector.broadcast %neg3A_853 : f32 to vector<16xf32>
      %neg3A_855 = arith.subf %neg3A_854, %get3A_815 : vector<16xf32>
      %neg3A_856 = arith.constant 0.000000e+00 : f32
      %neg3A_857 = vector.broadcast %neg3A_856 : f32 to vector<16xf32>
      %neg3A_858 = arith.subf %neg3A_857, %get3A_821 : vector<16xf32>
      %ge3A_859 = arith.cmpf oge, %neg3A_855, %neg3A_858 : vector<16xf32>
      %ge3A_860 = arith.cmpf oge, %neg3A_855, %get3A_827 : vector<16xf32>
      %and3A_861 = arith.andi %ge3A_859, %ge3A_860 : vector<16xi1>
      %not3A_862 = arith.constant dense<true> : vector<16xi1>
      %not3A_863 = arith.xori %and3A_861, %not3A_862 : vector<16xi1>
      %ge3A_864 = arith.cmpf oge, %neg3A_858, %get3A_827 : vector<16xf32>
      %and3A_865 = arith.andi %not3A_863, %ge3A_864 : vector<16xi1>
      %or3A_866 = arith.ori %and3A_861, %and3A_865 : vector<16xi1>
      %not3A_867 = arith.constant dense<true> : vector<16xi1>
      %not3A_868 = arith.xori %or3A_866, %not3A_867 : vector<16xi1>
      %jit3A_869 = arith.constant 0.000000e+00 : f32
      %broadcast_in_dim3A_870 = vector.broadcast %squeeze3A_656 : f32 to vector<16xf32>
      %broadcast_in_dim3A_871 = vector.broadcast %jit3A_869 : f32 to vector<16xf32>
      %select_n3A_872 = arith.select %and3A_861, %broadcast_in_dim3A_870, %broadcast_in_dim3A_871 : vector<16xi1>, vector<16xf32>
      %sub3A_873 = arith.subf %get3A_815, %select_n3A_872 : vector<16xf32>
      %jit3A_874 = arith.constant 0.000000e+00 : f32
      %broadcast_in_dim3A_875 = vector.broadcast %squeeze3A_656 : f32 to vector<16xf32>
      %broadcast_in_dim3A_876 = vector.broadcast %jit3A_874 : f32 to vector<16xf32>
      %select_n3A_877 = arith.select %and3A_865, %broadcast_in_dim3A_875, %broadcast_in_dim3A_876 : vector<16xi1>, vector<16xf32>
      %sub3A_878 = arith.subf %get3A_821, %select_n3A_877 : vector<16xf32>
      %jit3A_879 = arith.constant 0.000000e+00 : f32
      %broadcast_in_dim3A_880 = vector.broadcast %squeeze3A_656 : f32 to vector<16xf32>
      %broadcast_in_dim3A_881 = vector.broadcast %jit3A_879 : f32 to vector<16xf32>
      %select_n3A_882 = arith.select %not3A_868, %broadcast_in_dim3A_880, %broadcast_in_dim3A_881 : vector<16xi1>, vector<16xf32>
      %add3A_883 = arith.addf %get3A_827, %select_n3A_882 : vector<16xf32>
      %neg3A_884 = arith.constant 0.000000e+00 : f32
      %neg3A_885 = vector.broadcast %neg3A_884 : f32 to vector<16xf32>
      %neg3A_886 = arith.subf %neg3A_885, %get3A_817 : vector<16xf32>
      %neg3A_887 = arith.constant 0.000000e+00 : f32
      %neg3A_888 = vector.broadcast %neg3A_887 : f32 to vector<16xf32>
      %neg3A_889 = arith.subf %neg3A_888, %get3A_823 : vector<16xf32>
      %ge3A_890 = arith.cmpf oge, %neg3A_886, %neg3A_889 : vector<16xf32>
      %ge3A_891 = arith.cmpf oge, %neg3A_886, %get3A_829 : vector<16xf32>
      %and3A_892 = arith.andi %ge3A_890, %ge3A_891 : vector<16xi1>
      %not3A_893 = arith.constant dense<true> : vector<16xi1>
      %not3A_894 = arith.xori %and3A_892, %not3A_893 : vector<16xi1>
      %ge3A_895 = arith.cmpf oge, %neg3A_889, %get3A_829 : vector<16xf32>
      %and3A_896 = arith.andi %not3A_894, %ge3A_895 : vector<16xi1>
      %or3A_897 = arith.ori %and3A_892, %and3A_896 : vector<16xi1>
      %not3A_898 = arith.constant dense<true> : vector<16xi1>
      %not3A_899 = arith.xori %or3A_897, %not3A_898 : vector<16xi1>
      %jit3A_900 = arith.constant 0.000000e+00 : f32
      %broadcast_in_dim3A_901 = vector.broadcast %squeeze3A_658 : f32 to vector<16xf32>
      %broadcast_in_dim3A_902 = vector.broadcast %jit3A_900 : f32 to vector<16xf32>
      %select_n3A_903 = arith.select %and3A_892, %broadcast_in_dim3A_901, %broadcast_in_dim3A_902 : vector<16xi1>, vector<16xf32>
      %sub3A_904 = arith.subf %get3A_817, %select_n3A_903 : vector<16xf32>
      %jit3A_905 = arith.constant 0.000000e+00 : f32
      %broadcast_in_dim3A_906 = vector.broadcast %squeeze3A_658 : f32 to vector<16xf32>
      %broadcast_in_dim3A_907 = vector.broadcast %jit3A_905 : f32 to vector<16xf32>
      %select_n3A_908 = arith.select %and3A_896, %broadcast_in_dim3A_906, %broadcast_in_dim3A_907 : vector<16xi1>, vector<16xf32>
      %sub3A_909 = arith.subf %get3A_823, %select_n3A_908 : vector<16xf32>
      %jit3A_910 = arith.constant 0.000000e+00 : f32
      %broadcast_in_dim3A_911 = vector.broadcast %squeeze3A_658 : f32 to vector<16xf32>
      %broadcast_in_dim3A_912 = vector.broadcast %jit3A_910 : f32 to vector<16xf32>
      %select_n3A_913 = arith.select %not3A_899, %broadcast_in_dim3A_911, %broadcast_in_dim3A_912 : vector<16xi1>, vector<16xf32>
      %add3A_914 = arith.addf %get3A_829, %select_n3A_913 : vector<16xf32>
      %neg3A_915 = arith.constant 0.000000e+00 : f32
      %neg3A_916 = vector.broadcast %neg3A_915 : f32 to vector<16xf32>
      %neg3A_917 = arith.subf %neg3A_916, %sub3A : vector<16xf32>
      %neg3A_918 = arith.constant 0.000000e+00 : f32
      %neg3A_919 = vector.broadcast %neg3A_918 : f32 to vector<16xf32>
      %neg3A_920 = arith.subf %neg3A_919, %sub3A_847 : vector<16xf32>
      %ge3A_921 = arith.cmpf oge, %neg3A_917, %neg3A_920 : vector<16xf32>
      %ge3A_922 = arith.cmpf oge, %neg3A_917, %add3A_852 : vector<16xf32>
      %and3A_923 = arith.andi %ge3A_921, %ge3A_922 : vector<16xi1>
      %not3A_924 = arith.constant dense<true> : vector<16xi1>
      %not3A_925 = arith.xori %and3A_923, %not3A_924 : vector<16xi1>
      %ge3A_926 = arith.cmpf oge, %neg3A_920, %add3A_852 : vector<16xf32>
      %and3A_927 = arith.andi %not3A_925, %ge3A_926 : vector<16xi1>
      %or3A_928 = arith.ori %and3A_923, %and3A_927 : vector<16xi1>
      %not3A_929 = arith.constant dense<true> : vector<16xi1>
      %not3A_930 = arith.xori %or3A_928, %not3A_929 : vector<16xi1>
      %jit3A_931 = arith.constant 0.000000e+00 : f32
      %broadcast_in_dim3A_932 = vector.broadcast %squeeze3A_660 : f32 to vector<16xf32>
      %broadcast_in_dim3A_933 = vector.broadcast %jit3A_931 : f32 to vector<16xf32>
      %select_n3A_934 = arith.select %and3A_923, %broadcast_in_dim3A_932, %broadcast_in_dim3A_933 : vector<16xi1>, vector<16xf32>
      %sub3A_935 = arith.subf %sub3A, %select_n3A_934 : vector<16xf32>
      %jit3A_936 = arith.constant 0.000000e+00 : f32
      %broadcast_in_dim3A_937 = vector.broadcast %squeeze3A_660 : f32 to vector<16xf32>
      %broadcast_in_dim3A_938 = vector.broadcast %jit3A_936 : f32 to vector<16xf32>
      %select_n3A_939 = arith.select %and3A_927, %broadcast_in_dim3A_937, %broadcast_in_dim3A_938 : vector<16xi1>, vector<16xf32>
      %sub3A_940 = arith.subf %sub3A_847, %select_n3A_939 : vector<16xf32>
      %jit3A_941 = arith.constant 0.000000e+00 : f32
      %broadcast_in_dim3A_942 = vector.broadcast %squeeze3A_660 : f32 to vector<16xf32>
      %broadcast_in_dim3A_943 = vector.broadcast %jit3A_941 : f32 to vector<16xf32>
      %select_n3A_944 = arith.select %not3A_930, %broadcast_in_dim3A_942, %broadcast_in_dim3A_943 : vector<16xi1>, vector<16xf32>
      %add3A_945 = arith.addf %add3A_852, %select_n3A_944 : vector<16xf32>
      %neg3A_946 = arith.constant 0.000000e+00 : f32
      %neg3A_947 = vector.broadcast %neg3A_946 : f32 to vector<16xf32>
      %neg3A_948 = arith.subf %neg3A_947, %sub3A_873 : vector<16xf32>
      %neg3A_949 = arith.constant 0.000000e+00 : f32
      %neg3A_950 = vector.broadcast %neg3A_949 : f32 to vector<16xf32>
      %neg3A_951 = arith.subf %neg3A_950, %sub3A_878 : vector<16xf32>
      %ge3A_952 = arith.cmpf oge, %neg3A_948, %neg3A_951 : vector<16xf32>
      %ge3A_953 = arith.cmpf oge, %neg3A_948, %add3A_883 : vector<16xf32>
      %and3A_954 = arith.andi %ge3A_952, %ge3A_953 : vector<16xi1>
      %not3A_955 = arith.constant dense<true> : vector<16xi1>
      %not3A_956 = arith.xori %and3A_954, %not3A_955 : vector<16xi1>
      %ge3A_957 = arith.cmpf oge, %neg3A_951, %add3A_883 : vector<16xf32>
      %and3A_958 = arith.andi %not3A_956, %ge3A_957 : vector<16xi1>
      %or3A_959 = arith.ori %and3A_954, %and3A_958 : vector<16xi1>
      %not3A_960 = arith.constant dense<true> : vector<16xi1>
      %not3A_961 = arith.xori %or3A_959, %not3A_960 : vector<16xi1>
      %jit3A_962 = arith.constant 0.000000e+00 : f32
      %broadcast_in_dim3A_963 = vector.broadcast %squeeze3A_662 : f32 to vector<16xf32>
      %broadcast_in_dim3A_964 = vector.broadcast %jit3A_962 : f32 to vector<16xf32>
      %select_n3A_965 = arith.select %and3A_954, %broadcast_in_dim3A_963, %broadcast_in_dim3A_964 : vector<16xi1>, vector<16xf32>
      %sub3A_966 = arith.subf %sub3A_873, %select_n3A_965 : vector<16xf32>
      %jit3A_967 = arith.constant 0.000000e+00 : f32
      %broadcast_in_dim3A_968 = vector.broadcast %squeeze3A_662 : f32 to vector<16xf32>
      %broadcast_in_dim3A_969 = vector.broadcast %jit3A_967 : f32 to vector<16xf32>
      %select_n3A_970 = arith.select %and3A_958, %broadcast_in_dim3A_968, %broadcast_in_dim3A_969 : vector<16xi1>, vector<16xf32>
      %sub3A_971 = arith.subf %sub3A_878, %select_n3A_970 : vector<16xf32>
      %jit3A_972 = arith.constant 0.000000e+00 : f32
      %broadcast_in_dim3A_973 = vector.broadcast %squeeze3A_662 : f32 to vector<16xf32>
      %broadcast_in_dim3A_974 = vector.broadcast %jit3A_972 : f32 to vector<16xf32>
      %select_n3A_975 = arith.select %not3A_961, %broadcast_in_dim3A_973, %broadcast_in_dim3A_974 : vector<16xi1>, vector<16xf32>
      %add3A_976 = arith.addf %add3A_883, %select_n3A_975 : vector<16xf32>
      %neg3A_977 = arith.constant 0.000000e+00 : f32
      %neg3A_978 = vector.broadcast %neg3A_977 : f32 to vector<16xf32>
      %neg3A_979 = arith.subf %neg3A_978, %sub3A_904 : vector<16xf32>
      %neg3A_980 = arith.constant 0.000000e+00 : f32
      %neg3A_981 = vector.broadcast %neg3A_980 : f32 to vector<16xf32>
      %neg3A_982 = arith.subf %neg3A_981, %sub3A_909 : vector<16xf32>
      %ge3A_983 = arith.cmpf oge, %neg3A_979, %neg3A_982 : vector<16xf32>
      %ge3A_984 = arith.cmpf oge, %neg3A_979, %add3A_914 : vector<16xf32>
      %and3A_985 = arith.andi %ge3A_983, %ge3A_984 : vector<16xi1>
      %not3A_986 = arith.constant dense<true> : vector<16xi1>
      %not3A_987 = arith.xori %and3A_985, %not3A_986 : vector<16xi1>
      %ge3A_988 = arith.cmpf oge, %neg3A_982, %add3A_914 : vector<16xf32>
      %and3A_989 = arith.andi %not3A_987, %ge3A_988 : vector<16xi1>
      %or3A_990 = arith.ori %and3A_985, %and3A_989 : vector<16xi1>
      %not3A_991 = arith.constant dense<true> : vector<16xi1>
      %not3A_992 = arith.xori %or3A_990, %not3A_991 : vector<16xi1>
      %jit3A_993 = arith.constant 0.000000e+00 : f32
      %broadcast_in_dim3A_994 = vector.broadcast %squeeze3A_664 : f32 to vector<16xf32>
      %broadcast_in_dim3A_995 = vector.broadcast %jit3A_993 : f32 to vector<16xf32>
      %select_n3A_996 = arith.select %and3A_985, %broadcast_in_dim3A_994, %broadcast_in_dim3A_995 : vector<16xi1>, vector<16xf32>
      %sub3A_997 = arith.subf %sub3A_904, %select_n3A_996 : vector<16xf32>
      %jit3A_998 = arith.constant 0.000000e+00 : f32
      %broadcast_in_dim3A_999 = vector.broadcast %squeeze3A_664 : f32 to vector<16xf32>
      %broadcast_in_dim3A_1000 = vector.broadcast %jit3A_998 : f32 to vector<16xf32>
      %select_n3A_1001 = arith.select %and3A_989, %broadcast_in_dim3A_999, %broadcast_in_dim3A_1000 : vector<16xi1>, vector<16xf32>
      %sub3A_1002 = arith.subf %sub3A_909, %select_n3A_1001 : vector<16xf32>
      %jit3A_1003 = arith.constant 0.000000e+00 : f32
      %broadcast_in_dim3A_1004 = vector.broadcast %squeeze3A_664 : f32 to vector<16xf32>
      %broadcast_in_dim3A_1005 = vector.broadcast %jit3A_1003 : f32 to vector<16xf32>
      %select_n3A_1006 = arith.select %not3A_992, %broadcast_in_dim3A_1004, %broadcast_in_dim3A_1005 : vector<16xi1>, vector<16xf32>
      %add3A_1007 = arith.addf %add3A_914, %select_n3A_1006 : vector<16xf32>
      %neg3A_1008 = arith.constant 0.000000e+00 : f32
      %neg3A_1009 = vector.broadcast %neg3A_1008 : f32 to vector<16xf32>
      %neg3A_1010 = arith.subf %neg3A_1009, %sub3A_935 : vector<16xf32>
      %neg3A_1011 = arith.constant 0.000000e+00 : f32
      %neg3A_1012 = vector.broadcast %neg3A_1011 : f32 to vector<16xf32>
      %neg3A_1013 = arith.subf %neg3A_1012, %sub3A_940 : vector<16xf32>
      %ge3A_1014 = arith.cmpf oge, %neg3A_1010, %neg3A_1013 : vector<16xf32>
      %ge3A_1015 = arith.cmpf oge, %neg3A_1010, %add3A_945 : vector<16xf32>
      %and3A_1016 = arith.andi %ge3A_1014, %ge3A_1015 : vector<16xi1>
      %not3A_1017 = arith.constant dense<true> : vector<16xi1>
      %not3A_1018 = arith.xori %and3A_1016, %not3A_1017 : vector<16xi1>
      %ge3A_1019 = arith.cmpf oge, %neg3A_1013, %add3A_945 : vector<16xf32>
      %and3A_1020 = arith.andi %not3A_1018, %ge3A_1019 : vector<16xi1>
      %or3A_1021 = arith.ori %and3A_1016, %and3A_1020 : vector<16xi1>
      %not3A_1022 = arith.constant dense<true> : vector<16xi1>
      %not3A_1023 = arith.xori %or3A_1021, %not3A_1022 : vector<16xi1>
      %jit3A_1024 = arith.constant 0.000000e+00 : f32
      %broadcast_in_dim3A_1025 = vector.broadcast %squeeze3A_666 : f32 to vector<16xf32>
      %broadcast_in_dim3A_1026 = vector.broadcast %jit3A_1024 : f32 to vector<16xf32>
      %select_n3A_1027 = arith.select %and3A_1016, %broadcast_in_dim3A_1025, %broadcast_in_dim3A_1026 : vector<16xi1>, vector<16xf32>
      %sub3A_1028 = arith.subf %sub3A_935, %select_n3A_1027 : vector<16xf32>
      %jit3A_1029 = arith.constant 0.000000e+00 : f32
      %broadcast_in_dim3A_1030 = vector.broadcast %squeeze3A_666 : f32 to vector<16xf32>
      %broadcast_in_dim3A_1031 = vector.broadcast %jit3A_1029 : f32 to vector<16xf32>
      %select_n3A_1032 = arith.select %and3A_1020, %broadcast_in_dim3A_1030, %broadcast_in_dim3A_1031 : vector<16xi1>, vector<16xf32>
      %sub3A_1033 = arith.subf %sub3A_940, %select_n3A_1032 : vector<16xf32>
      %jit3A_1034 = arith.constant 0.000000e+00 : f32
      %broadcast_in_dim3A_1035 = vector.broadcast %squeeze3A_666 : f32 to vector<16xf32>
      %broadcast_in_dim3A_1036 = vector.broadcast %jit3A_1034 : f32 to vector<16xf32>
      %select_n3A_1037 = arith.select %not3A_1023, %broadcast_in_dim3A_1035, %broadcast_in_dim3A_1036 : vector<16xi1>, vector<16xf32>
      %add3A_1038 = arith.addf %add3A_945, %select_n3A_1037 : vector<16xf32>
      %neg3A_1039 = arith.constant 0.000000e+00 : f32
      %neg3A_1040 = vector.broadcast %neg3A_1039 : f32 to vector<16xf32>
      %neg3A_1041 = arith.subf %neg3A_1040, %sub3A_966 : vector<16xf32>
      %neg3A_1042 = arith.constant 0.000000e+00 : f32
      %neg3A_1043 = vector.broadcast %neg3A_1042 : f32 to vector<16xf32>
      %neg3A_1044 = arith.subf %neg3A_1043, %sub3A_971 : vector<16xf32>
      %ge3A_1045 = arith.cmpf oge, %neg3A_1041, %neg3A_1044 : vector<16xf32>
      %ge3A_1046 = arith.cmpf oge, %neg3A_1041, %add3A_976 : vector<16xf32>
      %and3A_1047 = arith.andi %ge3A_1045, %ge3A_1046 : vector<16xi1>
      %not3A_1048 = arith.constant dense<true> : vector<16xi1>
      %not3A_1049 = arith.xori %and3A_1047, %not3A_1048 : vector<16xi1>
      %ge3A_1050 = arith.cmpf oge, %neg3A_1044, %add3A_976 : vector<16xf32>
      %and3A_1051 = arith.andi %not3A_1049, %ge3A_1050 : vector<16xi1>
      %or3A_1052 = arith.ori %and3A_1047, %and3A_1051 : vector<16xi1>
      %not3A_1053 = arith.constant dense<true> : vector<16xi1>
      %not3A_1054 = arith.xori %or3A_1052, %not3A_1053 : vector<16xi1>
      %jit3A_1055 = arith.constant 0.000000e+00 : f32
      %broadcast_in_dim3A_1056 = vector.broadcast %squeeze3A_668 : f32 to vector<16xf32>
      %broadcast_in_dim3A_1057 = vector.broadcast %jit3A_1055 : f32 to vector<16xf32>
      %select_n3A_1058 = arith.select %and3A_1047, %broadcast_in_dim3A_1056, %broadcast_in_dim3A_1057 : vector<16xi1>, vector<16xf32>
      %sub3A_1059 = arith.subf %sub3A_966, %select_n3A_1058 : vector<16xf32>
      %jit3A_1060 = arith.constant 0.000000e+00 : f32
      %broadcast_in_dim3A_1061 = vector.broadcast %squeeze3A_668 : f32 to vector<16xf32>
      %broadcast_in_dim3A_1062 = vector.broadcast %jit3A_1060 : f32 to vector<16xf32>
      %select_n3A_1063 = arith.select %and3A_1051, %broadcast_in_dim3A_1061, %broadcast_in_dim3A_1062 : vector<16xi1>, vector<16xf32>
      %sub3A_1064 = arith.subf %sub3A_971, %select_n3A_1063 : vector<16xf32>
      %jit3A_1065 = arith.constant 0.000000e+00 : f32
      %broadcast_in_dim3A_1066 = vector.broadcast %squeeze3A_668 : f32 to vector<16xf32>
      %broadcast_in_dim3A_1067 = vector.broadcast %jit3A_1065 : f32 to vector<16xf32>
      %select_n3A_1068 = arith.select %not3A_1054, %broadcast_in_dim3A_1066, %broadcast_in_dim3A_1067 : vector<16xi1>, vector<16xf32>
      %add3A_1069 = arith.addf %add3A_976, %select_n3A_1068 : vector<16xf32>
      %neg3A_1070 = arith.constant 0.000000e+00 : f32
      %neg3A_1071 = vector.broadcast %neg3A_1070 : f32 to vector<16xf32>
      %neg3A_1072 = arith.subf %neg3A_1071, %sub3A_997 : vector<16xf32>
      %neg3A_1073 = arith.constant 0.000000e+00 : f32
      %neg3A_1074 = vector.broadcast %neg3A_1073 : f32 to vector<16xf32>
      %neg3A_1075 = arith.subf %neg3A_1074, %sub3A_1002 : vector<16xf32>
      %ge3A_1076 = arith.cmpf oge, %neg3A_1072, %neg3A_1075 : vector<16xf32>
      %ge3A_1077 = arith.cmpf oge, %neg3A_1072, %add3A_1007 : vector<16xf32>
      %and3A_1078 = arith.andi %ge3A_1076, %ge3A_1077 : vector<16xi1>
      %not3A_1079 = arith.constant dense<true> : vector<16xi1>
      %not3A_1080 = arith.xori %and3A_1078, %not3A_1079 : vector<16xi1>
      %ge3A_1081 = arith.cmpf oge, %neg3A_1075, %add3A_1007 : vector<16xf32>
      %and3A_1082 = arith.andi %not3A_1080, %ge3A_1081 : vector<16xi1>
      %or3A_1083 = arith.ori %and3A_1078, %and3A_1082 : vector<16xi1>
      %not3A_1084 = arith.constant dense<true> : vector<16xi1>
      %not3A_1085 = arith.xori %or3A_1083, %not3A_1084 : vector<16xi1>
      %jit3A_1086 = arith.constant 0.000000e+00 : f32
      %broadcast_in_dim3A_1087 = vector.broadcast %squeeze3A_670 : f32 to vector<16xf32>
      %broadcast_in_dim3A_1088 = vector.broadcast %jit3A_1086 : f32 to vector<16xf32>
      %select_n3A_1089 = arith.select %and3A_1078, %broadcast_in_dim3A_1087, %broadcast_in_dim3A_1088 : vector<16xi1>, vector<16xf32>
      %sub3A_1090 = arith.subf %sub3A_997, %select_n3A_1089 : vector<16xf32>
      %jit3A_1091 = arith.constant 0.000000e+00 : f32
      %broadcast_in_dim3A_1092 = vector.broadcast %squeeze3A_670 : f32 to vector<16xf32>
      %broadcast_in_dim3A_1093 = vector.broadcast %jit3A_1091 : f32 to vector<16xf32>
      %select_n3A_1094 = arith.select %and3A_1082, %broadcast_in_dim3A_1092, %broadcast_in_dim3A_1093 : vector<16xi1>, vector<16xf32>
      %sub3A_1095 = arith.subf %sub3A_1002, %select_n3A_1094 : vector<16xf32>
      %jit3A_1096 = arith.constant 0.000000e+00 : f32
      %broadcast_in_dim3A_1097 = vector.broadcast %squeeze3A_670 : f32 to vector<16xf32>
      %broadcast_in_dim3A_1098 = vector.broadcast %jit3A_1096 : f32 to vector<16xf32>
      %select_n3A_1099 = arith.select %not3A_1085, %broadcast_in_dim3A_1097, %broadcast_in_dim3A_1098 : vector<16xi1>, vector<16xf32>
      %add3A_1100 = arith.addf %add3A_1007, %select_n3A_1099 : vector<16xf32>
      %select_n3A_1101 = arith.select %ge3A_811, %add3A_1038, %get3A_825 : vector<16xi1>, vector<16xf32>
      %select_n3A_1102 = arith.select %ge3A_811, %add3A_1069, %get3A_827 : vector<16xi1>, vector<16xf32>
      %select_n3A_1103 = arith.select %ge3A_811, %add3A_1100, %get3A_829 : vector<16xi1>, vector<16xf32>
      %max3A = arith.maximumf %select_n3A_1101, %select_n3A_1102 : vector<16xf32>
      %max3A_1104 = arith.maximumf %max3A, %select_n3A_1103 : vector<16xf32>
      %sub3A_1105 = arith.subf %select_n3A_1101, %max3A_1104 : vector<16xf32>
      %exp3A = math.exp %sub3A_1105 : vector<16xf32>
      %sub3A_1106 = arith.subf %select_n3A_1102, %max3A_1104 : vector<16xf32>
      %exp3A_1107 = math.exp %sub3A_1106 : vector<16xf32>
      %sub3A_1108 = arith.subf %select_n3A_1103, %max3A_1104 : vector<16xf32>
      %exp3A_1109 = math.exp %sub3A_1108 : vector<16xf32>
      %add3A_1110 = arith.addf %exp3A, %exp3A_1107 : vector<16xf32>
      %add3A_1111 = arith.addf %add3A_1110, %exp3A_1109 : vector<16xf32>
      %broadcast_in_dim3A_1112 = arith.constant 0 : i32
      %broadcast_in_dim3A_1113 = vector.broadcast %broadcast_in_dim3A_1112 : i32 to vector<16xi32>
      tpu.vector_store_idx %arg25[%add3A_807, %broadcast_in_dim3A_1113], %select_n3A_1101 : memref<384x3xf32, #tpu.memory_space<vmem>>[vector<16xi32>, vector<16xi32>], vector<16xf32>,
      %div3A = arith.divf %exp3A, %add3A_1111 : vector<16xf32>
      tpu.vector_store_idx %arg26[%add3A_807, %broadcast_in_dim3A_1113], %div3A : memref<384x3xf32, #tpu.memory_space<vmem>>[vector<16xi32>, vector<16xi32>], vector<16xf32>,
      %broadcast_in_dim3A_1114 = arith.constant 1 : i32
      %broadcast_in_dim3A_1115 = vector.broadcast %broadcast_in_dim3A_1114 : i32 to vector<16xi32>
      tpu.vector_store_idx %arg25[%add3A_807, %broadcast_in_dim3A_1115], %select_n3A_1102 : memref<384x3xf32, #tpu.memory_space<vmem>>[vector<16xi32>, vector<16xi32>], vector<16xf32>,
      %div3A_1116 = arith.divf %exp3A_1107, %add3A_1111 : vector<16xf32>
      tpu.vector_store_idx %arg26[%add3A_807, %broadcast_in_dim3A_1115], %div3A_1116 : memref<384x3xf32, #tpu.memory_space<vmem>>[vector<16xi32>, vector<16xi32>], vector<16xf32>,
      %broadcast_in_dim3A_1117 = arith.constant 2 : i32
      %broadcast_in_dim3A_1118 = vector.broadcast %broadcast_in_dim3A_1117 : i32 to vector<16xi32>
      tpu.vector_store_idx %arg25[%add3A_807, %broadcast_in_dim3A_1118], %select_n3A_1103 : memref<384x3xf32, #tpu.memory_space<vmem>>[vector<16xi32>, vector<16xi32>], vector<16xf32>,
      %div3A_1119 = arith.divf %exp3A_1109, %add3A_1111 : vector<16xf32>
      tpu.vector_store_idx %arg26[%add3A_807, %broadcast_in_dim3A_1118], %div3A_1119 : memref<384x3xf32, #tpu.memory_space<vmem>>[vector<16xi32>, vector<16xi32>], vector<16xf32>,
      %scan3A_1120 = arith.constant 0 : i32
      scf.yield %scan3A_1120 : i32
    }
    %scan3A_756 = arith.constant 8 : i32
    %dma_wait3A_757 = arith.constant 256 : i32
    %dma_wait3A_758 = tpu.memref_slice %arg16[%dma_wait3A_757] : memref<384xf32, #tpu.memory_space<vmem>> -> memref<128xf32, #tpu.memory_space<vmem>>
    %dma_wait3A_759 = arith.constant 256 : i32
    %dma_wait3A_760 = tpu.memref_slice %arg14[%dma_wait3A_759] : memref<384xi32, #tpu.memory_space<vmem>> -> memref<128xi32, #tpu.memory_space<vmem>>
    %dma_wait3A_761 = arith.constant 0 : i32
    %dma_wait3A_762 = tpu.memref_slice %arg5[%dma_wait3A_761] : memref<110000xf32, #tpu.memory_space<hbm>> -> memref<110000xf32, #tpu.memory_space<hbm>>
    tpu.wait_indirect_dma semaphore(%arg30 : memref<!tpu.dma_semaphore, #tpu.memory_space<semaphore_mem>>) src(%dma_wait3A_762 : memref<110000xf32, #tpu.memory_space<hbm>>) dst(%dma_wait3A_758 : memref<128xf32, #tpu.memory_space<vmem>>)
    %dma_wait3A_763 = arith.constant 256 : i32
    %dma_wait3A_764 = tpu.memref_slice %arg19[%dma_wait3A_763] : memref<384xf32, #tpu.memory_space<vmem>> -> memref<128xf32, #tpu.memory_space<vmem>>
    %dma_wait3A_765 = arith.constant 256 : i32
    %dma_wait3A_766 = tpu.memref_slice %arg15[%dma_wait3A_765] : memref<384xi32, #tpu.memory_space<vmem>> -> memref<128xi32, #tpu.memory_space<vmem>>
    %dma_wait3A_767 = arith.constant 0 : i32
    %dma_wait3A_768 = tpu.memref_slice %arg5[%dma_wait3A_767] : memref<110000xf32, #tpu.memory_space<hbm>> -> memref<110000xf32, #tpu.memory_space<hbm>>
    tpu.wait_indirect_dma semaphore(%arg30 : memref<!tpu.dma_semaphore, #tpu.memory_space<semaphore_mem>>) src(%dma_wait3A_768 : memref<110000xf32, #tpu.memory_space<hbm>>) dst(%dma_wait3A_764 : memref<128xf32, #tpu.memory_space<vmem>>)
    %dma_wait3A_769 = arith.constant 256 : i32
    %dma_wait3A_770 = tpu.memref_slice %arg17[%dma_wait3A_769] : memref<384xf32, #tpu.memory_space<vmem>> -> memref<128xf32, #tpu.memory_space<vmem>>
    %dma_wait3A_771 = arith.constant 256 : i32
    %dma_wait3A_772 = tpu.memref_slice %arg14[%dma_wait3A_771] : memref<384xi32, #tpu.memory_space<vmem>> -> memref<128xi32, #tpu.memory_space<vmem>>
    %dma_wait3A_773 = arith.constant 0 : i32
    %dma_wait3A_774 = tpu.memref_slice %arg6[%dma_wait3A_773] : memref<110000xf32, #tpu.memory_space<hbm>> -> memref<110000xf32, #tpu.memory_space<hbm>>
    tpu.wait_indirect_dma semaphore(%arg30 : memref<!tpu.dma_semaphore, #tpu.memory_space<semaphore_mem>>) src(%dma_wait3A_774 : memref<110000xf32, #tpu.memory_space<hbm>>) dst(%dma_wait3A_770 : memref<128xf32, #tpu.memory_space<vmem>>)
    %dma_wait3A_775 = arith.constant 256 : i32
    %dma_wait3A_776 = tpu.memref_slice %arg20[%dma_wait3A_775] : memref<384xf32, #tpu.memory_space<vmem>> -> memref<128xf32, #tpu.memory_space<vmem>>
    %dma_wait3A_777 = arith.constant 256 : i32
    %dma_wait3A_778 = tpu.memref_slice %arg15[%dma_wait3A_777] : memref<384xi32, #tpu.memory_space<vmem>> -> memref<128xi32, #tpu.memory_space<vmem>>
    %dma_wait3A_779 = arith.constant 0 : i32
    %dma_wait3A_780 = tpu.memref_slice %arg6[%dma_wait3A_779] : memref<110000xf32, #tpu.memory_space<hbm>> -> memref<110000xf32, #tpu.memory_space<hbm>>
    tpu.wait_indirect_dma semaphore(%arg30 : memref<!tpu.dma_semaphore, #tpu.memory_space<semaphore_mem>>) src(%dma_wait3A_780 : memref<110000xf32, #tpu.memory_space<hbm>>) dst(%dma_wait3A_776 : memref<128xf32, #tpu.memory_space<vmem>>)
    %dma_wait3A_781 = arith.constant 256 : i32
    %dma_wait3A_782 = tpu.memref_slice %arg18[%dma_wait3A_781] : memref<384xf32, #tpu.memory_space<vmem>> -> memref<128xf32, #tpu.memory_space<vmem>>
    %dma_wait3A_783 = arith.constant 256 : i32
    %dma_wait3A_784 = tpu.memref_slice %arg14[%dma_wait3A_783] : memref<384xi32, #tpu.memory_space<vmem>> -> memref<128xi32, #tpu.memory_space<vmem>>
    %dma_wait3A_785 = arith.constant 0 : i32
    %dma_wait3A_786 = tpu.memref_slice %arg7[%dma_wait3A_785] : memref<110000xf32, #tpu.memory_space<hbm>> -> memref<110000xf32, #tpu.memory_space<hbm>>
    tpu.wait_indirect_dma semaphore(%arg30 : memref<!tpu.dma_semaphore, #tpu.memory_space<semaphore_mem>>) src(%dma_wait3A_786 : memref<110000xf32, #tpu.memory_space<hbm>>) dst(%dma_wait3A_782 : memref<128xf32, #tpu.memory_space<vmem>>)
    %dma_wait3A_787 = arith.constant 256 : i32
    %dma_wait3A_788 = tpu.memref_slice %arg21[%dma_wait3A_787] : memref<384xf32, #tpu.memory_space<vmem>> -> memref<128xf32, #tpu.memory_space<vmem>>
    %dma_wait3A_789 = arith.constant 256 : i32
    %dma_wait3A_790 = tpu.memref_slice %arg15[%dma_wait3A_789] : memref<384xi32, #tpu.memory_space<vmem>> -> memref<128xi32, #tpu.memory_space<vmem>>
    %dma_wait3A_791 = arith.constant 0 : i32
    %dma_wait3A_792 = tpu.memref_slice %arg7[%dma_wait3A_791] : memref<110000xf32, #tpu.memory_space<hbm>> -> memref<110000xf32, #tpu.memory_space<hbm>>
    tpu.wait_indirect_dma semaphore(%arg30 : memref<!tpu.dma_semaphore, #tpu.memory_space<semaphore_mem>>) src(%dma_wait3A_792 : memref<110000xf32, #tpu.memory_space<hbm>>) dst(%dma_wait3A_788 : memref<128xf32, #tpu.memory_space<vmem>>)
    %scan3A_793 = arith.constant 0 : i32
    %scan3A_794 = arith.constant 16 : i32
    %scan3A_795 = arith.constant 8 : i32
    %scan3A_796 = arith.addi %scan3A_794, %scan3A_795 : i32
    %scan3A_797 = arith.constant 1 : i32
    %scan3A_798 = scf.for %scan3A_800 = %scan3A_794 to %scan3A_796 step %scan3A_797 iter_args(%scan3A_801 = %scan3A_793) -> (i32)  : i32 {
      %mul3A_802 = arith.constant 16 : i32
      %mul3A_803 = arith.muli %scan3A_800, %mul3A_802 : i32
      %mul3A_804 = arith.constant 16 : i32
      %mul3A_805 = arith.muli %scan3A_800, %mul3A_804 : i32
      %add3A_806 = vector.broadcast %mul3A_805 : i32 to vector<16xi32>
      %add3A_807 = arith.addi %add3A_806, %iota3A : vector<16xi32>
      %get3A_808 = arith.index_cast %mul3A_803 : i32 to index
      %get3A_809 = tpu.vector_load %arg12[%get3A_808] {strides = array<i32>} : memref<384xi32, #tpu.memory_space<vmem>>, vector<16xi32>,
      %ge3A = arith.constant 0 : i32
      %ge3A_810 = vector.broadcast %ge3A : i32 to vector<16xi32>
      %ge3A_811 = arith.cmpi sge, %get3A_809, %ge3A_810 : vector<16xi32>
      %get3A_812 = arith.index_cast %mul3A_803 : i32 to index
      %get3A_813 = tpu.vector_load %arg16[%get3A_812] {strides = array<i32>} : memref<384xf32, #tpu.memory_space<vmem>>, vector<16xf32>,
      %get3A_814 = arith.index_cast %mul3A_803 : i32 to index
      %get3A_815 = tpu.vector_load %arg17[%get3A_814] {strides = array<i32>} : memref<384xf32, #tpu.memory_space<vmem>>, vector<16xf32>,
      %get3A_816 = arith.index_cast %mul3A_803 : i32 to index
      %get3A_817 = tpu.vector_load %arg18[%get3A_816] {strides = array<i32>} : memref<384xf32, #tpu.memory_space<vmem>>, vector<16xf32>,
      %get3A_818 = arith.index_cast %mul3A_803 : i32 to index
      %get3A_819 = tpu.vector_load %arg19[%get3A_818] {strides = array<i32>} : memref<384xf32, #tpu.memory_space<vmem>>, vector<16xf32>,
      %get3A_820 = arith.index_cast %mul3A_803 : i32 to index
      %get3A_821 = tpu.vector_load %arg20[%get3A_820] {strides = array<i32>} : memref<384xf32, #tpu.memory_space<vmem>>, vector<16xf32>,
      %get3A_822 = arith.index_cast %mul3A_803 : i32 to index
      %get3A_823 = tpu.vector_load %arg21[%get3A_822] {strides = array<i32>} : memref<384xf32, #tpu.memory_space<vmem>>, vector<16xf32>,
      %get3A_824 = arith.index_cast %mul3A_803 : i32 to index
      %get3A_825 = tpu.vector_load %arg22[%get3A_824] {strides = array<i32>} : memref<384xf32, #tpu.memory_space<vmem>>, vector<16xf32>,
      %get3A_826 = arith.index_cast %mul3A_803 : i32 to index
      %get3A_827 = tpu.vector_load %arg23[%get3A_826] {strides = array<i32>} : memref<384xf32, #tpu.memory_space<vmem>>, vector<16xf32>,
      %get3A_828 = arith.index_cast %mul3A_803 : i32 to index
      %get3A_829 = tpu.vector_load %arg24[%get3A_828] {strides = array<i32>} : memref<384xf32, #tpu.memory_space<vmem>>, vector<16xf32>,
      %neg3A = arith.constant 0.000000e+00 : f32
      %neg3A_830 = vector.broadcast %neg3A : f32 to vector<16xf32>
      %neg3A_831 = arith.subf %neg3A_830, %get3A_813 : vector<16xf32>
      %neg3A_832 = arith.constant 0.000000e+00 : f32
      %neg3A_833 = vector.broadcast %neg3A_832 : f32 to vector<16xf32>
      %neg3A_834 = arith.subf %neg3A_833, %get3A_819 : vector<16xf32>
      %ge3A_835 = arith.cmpf oge, %neg3A_831, %neg3A_834 : vector<16xf32>
      %ge3A_836 = arith.cmpf oge, %neg3A_831, %get3A_825 : vector<16xf32>
      %and3A = arith.andi %ge3A_835, %ge3A_836 : vector<16xi1>
      %not3A = arith.constant dense<true> : vector<16xi1>
      %not3A_837 = arith.xori %and3A, %not3A : vector<16xi1>
      %ge3A_838 = arith.cmpf oge, %neg3A_834, %get3A_825 : vector<16xf32>
      %and3A_839 = arith.andi %not3A_837, %ge3A_838 : vector<16xi1>
      %or3A = arith.ori %and3A, %and3A_839 : vector<16xi1>
      %not3A_840 = arith.constant dense<true> : vector<16xi1>
      %not3A_841 = arith.xori %or3A, %not3A_840 : vector<16xi1>
      %jit3A = arith.constant 0.000000e+00 : f32
      %broadcast_in_dim3A = vector.broadcast %squeeze3A : f32 to vector<16xf32>
      %broadcast_in_dim3A_842 = vector.broadcast %jit3A : f32 to vector<16xf32>
      %select_n3A = arith.select %and3A, %broadcast_in_dim3A, %broadcast_in_dim3A_842 : vector<16xi1>, vector<16xf32>
      %sub3A = arith.subf %get3A_813, %select_n3A : vector<16xf32>
      %jit3A_843 = arith.constant 0.000000e+00 : f32
      %broadcast_in_dim3A_844 = vector.broadcast %squeeze3A : f32 to vector<16xf32>
      %broadcast_in_dim3A_845 = vector.broadcast %jit3A_843 : f32 to vector<16xf32>
      %select_n3A_846 = arith.select %and3A_839, %broadcast_in_dim3A_844, %broadcast_in_dim3A_845 : vector<16xi1>, vector<16xf32>
      %sub3A_847 = arith.subf %get3A_819, %select_n3A_846 : vector<16xf32>
      %jit3A_848 = arith.constant 0.000000e+00 : f32
      %broadcast_in_dim3A_849 = vector.broadcast %squeeze3A : f32 to vector<16xf32>
      %broadcast_in_dim3A_850 = vector.broadcast %jit3A_848 : f32 to vector<16xf32>
      %select_n3A_851 = arith.select %not3A_841, %broadcast_in_dim3A_849, %broadcast_in_dim3A_850 : vector<16xi1>, vector<16xf32>
      %add3A_852 = arith.addf %get3A_825, %select_n3A_851 : vector<16xf32>
      %neg3A_853 = arith.constant 0.000000e+00 : f32
      %neg3A_854 = vector.broadcast %neg3A_853 : f32 to vector<16xf32>
      %neg3A_855 = arith.subf %neg3A_854, %get3A_815 : vector<16xf32>
      %neg3A_856 = arith.constant 0.000000e+00 : f32
      %neg3A_857 = vector.broadcast %neg3A_856 : f32 to vector<16xf32>
      %neg3A_858 = arith.subf %neg3A_857, %get3A_821 : vector<16xf32>
      %ge3A_859 = arith.cmpf oge, %neg3A_855, %neg3A_858 : vector<16xf32>
      %ge3A_860 = arith.cmpf oge, %neg3A_855, %get3A_827 : vector<16xf32>
      %and3A_861 = arith.andi %ge3A_859, %ge3A_860 : vector<16xi1>
      %not3A_862 = arith.constant dense<true> : vector<16xi1>
      %not3A_863 = arith.xori %and3A_861, %not3A_862 : vector<16xi1>
      %ge3A_864 = arith.cmpf oge, %neg3A_858, %get3A_827 : vector<16xf32>
      %and3A_865 = arith.andi %not3A_863, %ge3A_864 : vector<16xi1>
      %or3A_866 = arith.ori %and3A_861, %and3A_865 : vector<16xi1>
      %not3A_867 = arith.constant dense<true> : vector<16xi1>
      %not3A_868 = arith.xori %or3A_866, %not3A_867 : vector<16xi1>
      %jit3A_869 = arith.constant 0.000000e+00 : f32
      %broadcast_in_dim3A_870 = vector.broadcast %squeeze3A_656 : f32 to vector<16xf32>
      %broadcast_in_dim3A_871 = vector.broadcast %jit3A_869 : f32 to vector<16xf32>
      %select_n3A_872 = arith.select %and3A_861, %broadcast_in_dim3A_870, %broadcast_in_dim3A_871 : vector<16xi1>, vector<16xf32>
      %sub3A_873 = arith.subf %get3A_815, %select_n3A_872 : vector<16xf32>
      %jit3A_874 = arith.constant 0.000000e+00 : f32
      %broadcast_in_dim3A_875 = vector.broadcast %squeeze3A_656 : f32 to vector<16xf32>
      %broadcast_in_dim3A_876 = vector.broadcast %jit3A_874 : f32 to vector<16xf32>
      %select_n3A_877 = arith.select %and3A_865, %broadcast_in_dim3A_875, %broadcast_in_dim3A_876 : vector<16xi1>, vector<16xf32>
      %sub3A_878 = arith.subf %get3A_821, %select_n3A_877 : vector<16xf32>
      %jit3A_879 = arith.constant 0.000000e+00 : f32
      %broadcast_in_dim3A_880 = vector.broadcast %squeeze3A_656 : f32 to vector<16xf32>
      %broadcast_in_dim3A_881 = vector.broadcast %jit3A_879 : f32 to vector<16xf32>
      %select_n3A_882 = arith.select %not3A_868, %broadcast_in_dim3A_880, %broadcast_in_dim3A_881 : vector<16xi1>, vector<16xf32>
      %add3A_883 = arith.addf %get3A_827, %select_n3A_882 : vector<16xf32>
      %neg3A_884 = arith.constant 0.000000e+00 : f32
      %neg3A_885 = vector.broadcast %neg3A_884 : f32 to vector<16xf32>
      %neg3A_886 = arith.subf %neg3A_885, %get3A_817 : vector<16xf32>
      %neg3A_887 = arith.constant 0.000000e+00 : f32
      %neg3A_888 = vector.broadcast %neg3A_887 : f32 to vector<16xf32>
      %neg3A_889 = arith.subf %neg3A_888, %get3A_823 : vector<16xf32>
      %ge3A_890 = arith.cmpf oge, %neg3A_886, %neg3A_889 : vector<16xf32>
      %ge3A_891 = arith.cmpf oge, %neg3A_886, %get3A_829 : vector<16xf32>
      %and3A_892 = arith.andi %ge3A_890, %ge3A_891 : vector<16xi1>
      %not3A_893 = arith.constant dense<true> : vector<16xi1>
      %not3A_894 = arith.xori %and3A_892, %not3A_893 : vector<16xi1>
      %ge3A_895 = arith.cmpf oge, %neg3A_889, %get3A_829 : vector<16xf32>
      %and3A_896 = arith.andi %not3A_894, %ge3A_895 : vector<16xi1>
      %or3A_897 = arith.ori %and3A_892, %and3A_896 : vector<16xi1>
      %not3A_898 = arith.constant dense<true> : vector<16xi1>
      %not3A_899 = arith.xori %or3A_897, %not3A_898 : vector<16xi1>
      %jit3A_900 = arith.constant 0.000000e+00 : f32
      %broadcast_in_dim3A_901 = vector.broadcast %squeeze3A_658 : f32 to vector<16xf32>
      %broadcast_in_dim3A_902 = vector.broadcast %jit3A_900 : f32 to vector<16xf32>
      %select_n3A_903 = arith.select %and3A_892, %broadcast_in_dim3A_901, %broadcast_in_dim3A_902 : vector<16xi1>, vector<16xf32>
      %sub3A_904 = arith.subf %get3A_817, %select_n3A_903 : vector<16xf32>
      %jit3A_905 = arith.constant 0.000000e+00 : f32
      %broadcast_in_dim3A_906 = vector.broadcast %squeeze3A_658 : f32 to vector<16xf32>
      %broadcast_in_dim3A_907 = vector.broadcast %jit3A_905 : f32 to vector<16xf32>
      %select_n3A_908 = arith.select %and3A_896, %broadcast_in_dim3A_906, %broadcast_in_dim3A_907 : vector<16xi1>, vector<16xf32>
      %sub3A_909 = arith.subf %get3A_823, %select_n3A_908 : vector<16xf32>
      %jit3A_910 = arith.constant 0.000000e+00 : f32
      %broadcast_in_dim3A_911 = vector.broadcast %squeeze3A_658 : f32 to vector<16xf32>
      %broadcast_in_dim3A_912 = vector.broadcast %jit3A_910 : f32 to vector<16xf32>
      %select_n3A_913 = arith.select %not3A_899, %broadcast_in_dim3A_911, %broadcast_in_dim3A_912 : vector<16xi1>, vector<16xf32>
      %add3A_914 = arith.addf %get3A_829, %select_n3A_913 : vector<16xf32>
      %neg3A_915 = arith.constant 0.000000e+00 : f32
      %neg3A_916 = vector.broadcast %neg3A_915 : f32 to vector<16xf32>
      %neg3A_917 = arith.subf %neg3A_916, %sub3A : vector<16xf32>
      %neg3A_918 = arith.constant 0.000000e+00 : f32
      %neg3A_919 = vector.broadcast %neg3A_918 : f32 to vector<16xf32>
      %neg3A_920 = arith.subf %neg3A_919, %sub3A_847 : vector<16xf32>
      %ge3A_921 = arith.cmpf oge, %neg3A_917, %neg3A_920 : vector<16xf32>
      %ge3A_922 = arith.cmpf oge, %neg3A_917, %add3A_852 : vector<16xf32>
      %and3A_923 = arith.andi %ge3A_921, %ge3A_922 : vector<16xi1>
      %not3A_924 = arith.constant dense<true> : vector<16xi1>
      %not3A_925 = arith.xori %and3A_923, %not3A_924 : vector<16xi1>
      %ge3A_926 = arith.cmpf oge, %neg3A_920, %add3A_852 : vector<16xf32>
      %and3A_927 = arith.andi %not3A_925, %ge3A_926 : vector<16xi1>
      %or3A_928 = arith.ori %and3A_923, %and3A_927 : vector<16xi1>
      %not3A_929 = arith.constant dense<true> : vector<16xi1>
      %not3A_930 = arith.xori %or3A_928, %not3A_929 : vector<16xi1>
      %jit3A_931 = arith.constant 0.000000e+00 : f32
      %broadcast_in_dim3A_932 = vector.broadcast %squeeze3A_660 : f32 to vector<16xf32>
      %broadcast_in_dim3A_933 = vector.broadcast %jit3A_931 : f32 to vector<16xf32>
      %select_n3A_934 = arith.select %and3A_923, %broadcast_in_dim3A_932, %broadcast_in_dim3A_933 : vector<16xi1>, vector<16xf32>
      %sub3A_935 = arith.subf %sub3A, %select_n3A_934 : vector<16xf32>
      %jit3A_936 = arith.constant 0.000000e+00 : f32
      %broadcast_in_dim3A_937 = vector.broadcast %squeeze3A_660 : f32 to vector<16xf32>
      %broadcast_in_dim3A_938 = vector.broadcast %jit3A_936 : f32 to vector<16xf32>
      %select_n3A_939 = arith.select %and3A_927, %broadcast_in_dim3A_937, %broadcast_in_dim3A_938 : vector<16xi1>, vector<16xf32>
      %sub3A_940 = arith.subf %sub3A_847, %select_n3A_939 : vector<16xf32>
      %jit3A_941 = arith.constant 0.000000e+00 : f32
      %broadcast_in_dim3A_942 = vector.broadcast %squeeze3A_660 : f32 to vector<16xf32>
      %broadcast_in_dim3A_943 = vector.broadcast %jit3A_941 : f32 to vector<16xf32>
      %select_n3A_944 = arith.select %not3A_930, %broadcast_in_dim3A_942, %broadcast_in_dim3A_943 : vector<16xi1>, vector<16xf32>
      %add3A_945 = arith.addf %add3A_852, %select_n3A_944 : vector<16xf32>
      %neg3A_946 = arith.constant 0.000000e+00 : f32
      %neg3A_947 = vector.broadcast %neg3A_946 : f32 to vector<16xf32>
      %neg3A_948 = arith.subf %neg3A_947, %sub3A_873 : vector<16xf32>
      %neg3A_949 = arith.constant 0.000000e+00 : f32
      %neg3A_950 = vector.broadcast %neg3A_949 : f32 to vector<16xf32>
      %neg3A_951 = arith.subf %neg3A_950, %sub3A_878 : vector<16xf32>
      %ge3A_952 = arith.cmpf oge, %neg3A_948, %neg3A_951 : vector<16xf32>
      %ge3A_953 = arith.cmpf oge, %neg3A_948, %add3A_883 : vector<16xf32>
      %and3A_954 = arith.andi %ge3A_952, %ge3A_953 : vector<16xi1>
      %not3A_955 = arith.constant dense<true> : vector<16xi1>
      %not3A_956 = arith.xori %and3A_954, %not3A_955 : vector<16xi1>
      %ge3A_957 = arith.cmpf oge, %neg3A_951, %add3A_883 : vector<16xf32>
      %and3A_958 = arith.andi %not3A_956, %ge3A_957 : vector<16xi1>
      %or3A_959 = arith.ori %and3A_954, %and3A_958 : vector<16xi1>
      %not3A_960 = arith.constant dense<true> : vector<16xi1>
      %not3A_961 = arith.xori %or3A_959, %not3A_960 : vector<16xi1>
      %jit3A_962 = arith.constant 0.000000e+00 : f32
      %broadcast_in_dim3A_963 = vector.broadcast %squeeze3A_662 : f32 to vector<16xf32>
      %broadcast_in_dim3A_964 = vector.broadcast %jit3A_962 : f32 to vector<16xf32>
      %select_n3A_965 = arith.select %and3A_954, %broadcast_in_dim3A_963, %broadcast_in_dim3A_964 : vector<16xi1>, vector<16xf32>
      %sub3A_966 = arith.subf %sub3A_873, %select_n3A_965 : vector<16xf32>
      %jit3A_967 = arith.constant 0.000000e+00 : f32
      %broadcast_in_dim3A_968 = vector.broadcast %squeeze3A_662 : f32 to vector<16xf32>
      %broadcast_in_dim3A_969 = vector.broadcast %jit3A_967 : f32 to vector<16xf32>
      %select_n3A_970 = arith.select %and3A_958, %broadcast_in_dim3A_968, %broadcast_in_dim3A_969 : vector<16xi1>, vector<16xf32>
      %sub3A_971 = arith.subf %sub3A_878, %select_n3A_970 : vector<16xf32>
      %jit3A_972 = arith.constant 0.000000e+00 : f32
      %broadcast_in_dim3A_973 = vector.broadcast %squeeze3A_662 : f32 to vector<16xf32>
      %broadcast_in_dim3A_974 = vector.broadcast %jit3A_972 : f32 to vector<16xf32>
      %select_n3A_975 = arith.select %not3A_961, %broadcast_in_dim3A_973, %broadcast_in_dim3A_974 : vector<16xi1>, vector<16xf32>
      %add3A_976 = arith.addf %add3A_883, %select_n3A_975 : vector<16xf32>
      %neg3A_977 = arith.constant 0.000000e+00 : f32
      %neg3A_978 = vector.broadcast %neg3A_977 : f32 to vector<16xf32>
      %neg3A_979 = arith.subf %neg3A_978, %sub3A_904 : vector<16xf32>
      %neg3A_980 = arith.constant 0.000000e+00 : f32
      %neg3A_981 = vector.broadcast %neg3A_980 : f32 to vector<16xf32>
      %neg3A_982 = arith.subf %neg3A_981, %sub3A_909 : vector<16xf32>
      %ge3A_983 = arith.cmpf oge, %neg3A_979, %neg3A_982 : vector<16xf32>
      %ge3A_984 = arith.cmpf oge, %neg3A_979, %add3A_914 : vector<16xf32>
      %and3A_985 = arith.andi %ge3A_983, %ge3A_984 : vector<16xi1>
      %not3A_986 = arith.constant dense<true> : vector<16xi1>
      %not3A_987 = arith.xori %and3A_985, %not3A_986 : vector<16xi1>
      %ge3A_988 = arith.cmpf oge, %neg3A_982, %add3A_914 : vector<16xf32>
      %and3A_989 = arith.andi %not3A_987, %ge3A_988 : vector<16xi1>
      %or3A_990 = arith.ori %and3A_985, %and3A_989 : vector<16xi1>
      %not3A_991 = arith.constant dense<true> : vector<16xi1>
      %not3A_992 = arith.xori %or3A_990, %not3A_991 : vector<16xi1>
      %jit3A_993 = arith.constant 0.000000e+00 : f32
      %broadcast_in_dim3A_994 = vector.broadcast %squeeze3A_664 : f32 to vector<16xf32>
      %broadcast_in_dim3A_995 = vector.broadcast %jit3A_993 : f32 to vector<16xf32>
      %select_n3A_996 = arith.select %and3A_985, %broadcast_in_dim3A_994, %broadcast_in_dim3A_995 : vector<16xi1>, vector<16xf32>
      %sub3A_997 = arith.subf %sub3A_904, %select_n3A_996 : vector<16xf32>
      %jit3A_998 = arith.constant 0.000000e+00 : f32
      %broadcast_in_dim3A_999 = vector.broadcast %squeeze3A_664 : f32 to vector<16xf32>
      %broadcast_in_dim3A_1000 = vector.broadcast %jit3A_998 : f32 to vector<16xf32>
      %select_n3A_1001 = arith.select %and3A_989, %broadcast_in_dim3A_999, %broadcast_in_dim3A_1000 : vector<16xi1>, vector<16xf32>
      %sub3A_1002 = arith.subf %sub3A_909, %select_n3A_1001 : vector<16xf32>
      %jit3A_1003 = arith.constant 0.000000e+00 : f32
      %broadcast_in_dim3A_1004 = vector.broadcast %squeeze3A_664 : f32 to vector<16xf32>
      %broadcast_in_dim3A_1005 = vector.broadcast %jit3A_1003 : f32 to vector<16xf32>
      %select_n3A_1006 = arith.select %not3A_992, %broadcast_in_dim3A_1004, %broadcast_in_dim3A_1005 : vector<16xi1>, vector<16xf32>
      %add3A_1007 = arith.addf %add3A_914, %select_n3A_1006 : vector<16xf32>
      %neg3A_1008 = arith.constant 0.000000e+00 : f32
      %neg3A_1009 = vector.broadcast %neg3A_1008 : f32 to vector<16xf32>
      %neg3A_1010 = arith.subf %neg3A_1009, %sub3A_935 : vector<16xf32>
      %neg3A_1011 = arith.constant 0.000000e+00 : f32
      %neg3A_1012 = vector.broadcast %neg3A_1011 : f32 to vector<16xf32>
      %neg3A_1013 = arith.subf %neg3A_1012, %sub3A_940 : vector<16xf32>
      %ge3A_1014 = arith.cmpf oge, %neg3A_1010, %neg3A_1013 : vector<16xf32>
      %ge3A_1015 = arith.cmpf oge, %neg3A_1010, %add3A_945 : vector<16xf32>
      %and3A_1016 = arith.andi %ge3A_1014, %ge3A_1015 : vector<16xi1>
      %not3A_1017 = arith.constant dense<true> : vector<16xi1>
      %not3A_1018 = arith.xori %and3A_1016, %not3A_1017 : vector<16xi1>
      %ge3A_1019 = arith.cmpf oge, %neg3A_1013, %add3A_945 : vector<16xf32>
      %and3A_1020 = arith.andi %not3A_1018, %ge3A_1019 : vector<16xi1>
      %or3A_1021 = arith.ori %and3A_1016, %and3A_1020 : vector<16xi1>
      %not3A_1022 = arith.constant dense<true> : vector<16xi1>
      %not3A_1023 = arith.xori %or3A_1021, %not3A_1022 : vector<16xi1>
      %jit3A_1024 = arith.constant 0.000000e+00 : f32
      %broadcast_in_dim3A_1025 = vector.broadcast %squeeze3A_666 : f32 to vector<16xf32>
      %broadcast_in_dim3A_1026 = vector.broadcast %jit3A_1024 : f32 to vector<16xf32>
      %select_n3A_1027 = arith.select %and3A_1016, %broadcast_in_dim3A_1025, %broadcast_in_dim3A_1026 : vector<16xi1>, vector<16xf32>
      %sub3A_1028 = arith.subf %sub3A_935, %select_n3A_1027 : vector<16xf32>
      %jit3A_1029 = arith.constant 0.000000e+00 : f32
      %broadcast_in_dim3A_1030 = vector.broadcast %squeeze3A_666 : f32 to vector<16xf32>
      %broadcast_in_dim3A_1031 = vector.broadcast %jit3A_1029 : f32 to vector<16xf32>
      %select_n3A_1032 = arith.select %and3A_1020, %broadcast_in_dim3A_1030, %broadcast_in_dim3A_1031 : vector<16xi1>, vector<16xf32>
      %sub3A_1033 = arith.subf %sub3A_940, %select_n3A_1032 : vector<16xf32>
      %jit3A_1034 = arith.constant 0.000000e+00 : f32
      %broadcast_in_dim3A_1035 = vector.broadcast %squeeze3A_666 : f32 to vector<16xf32>
      %broadcast_in_dim3A_1036 = vector.broadcast %jit3A_1034 : f32 to vector<16xf32>
      %select_n3A_1037 = arith.select %not3A_1023, %broadcast_in_dim3A_1035, %broadcast_in_dim3A_1036 : vector<16xi1>, vector<16xf32>
      %add3A_1038 = arith.addf %add3A_945, %select_n3A_1037 : vector<16xf32>
      %neg3A_1039 = arith.constant 0.000000e+00 : f32
      %neg3A_1040 = vector.broadcast %neg3A_1039 : f32 to vector<16xf32>
      %neg3A_1041 = arith.subf %neg3A_1040, %sub3A_966 : vector<16xf32>
      %neg3A_1042 = arith.constant 0.000000e+00 : f32
      %neg3A_1043 = vector.broadcast %neg3A_1042 : f32 to vector<16xf32>
      %neg3A_1044 = arith.subf %neg3A_1043, %sub3A_971 : vector<16xf32>
      %ge3A_1045 = arith.cmpf oge, %neg3A_1041, %neg3A_1044 : vector<16xf32>
      %ge3A_1046 = arith.cmpf oge, %neg3A_1041, %add3A_976 : vector<16xf32>
      %and3A_1047 = arith.andi %ge3A_1045, %ge3A_1046 : vector<16xi1>
      %not3A_1048 = arith.constant dense<true> : vector<16xi1>
      %not3A_1049 = arith.xori %and3A_1047, %not3A_1048 : vector<16xi1>
      %ge3A_1050 = arith.cmpf oge, %neg3A_1044, %add3A_976 : vector<16xf32>
      %and3A_1051 = arith.andi %not3A_1049, %ge3A_1050 : vector<16xi1>
      %or3A_1052 = arith.ori %and3A_1047, %and3A_1051 : vector<16xi1>
      %not3A_1053 = arith.constant dense<true> : vector<16xi1>
      %not3A_1054 = arith.xori %or3A_1052, %not3A_1053 : vector<16xi1>
      %jit3A_1055 = arith.constant 0.000000e+00 : f32
      %broadcast_in_dim3A_1056 = vector.broadcast %squeeze3A_668 : f32 to vector<16xf32>
      %broadcast_in_dim3A_1057 = vector.broadcast %jit3A_1055 : f32 to vector<16xf32>
      %select_n3A_1058 = arith.select %and3A_1047, %broadcast_in_dim3A_1056, %broadcast_in_dim3A_1057 : vector<16xi1>, vector<16xf32>
      %sub3A_1059 = arith.subf %sub3A_966, %select_n3A_1058 : vector<16xf32>
      %jit3A_1060 = arith.constant 0.000000e+00 : f32
      %broadcast_in_dim3A_1061 = vector.broadcast %squeeze3A_668 : f32 to vector<16xf32>
      %broadcast_in_dim3A_1062 = vector.broadcast %jit3A_1060 : f32 to vector<16xf32>
      %select_n3A_1063 = arith.select %and3A_1051, %broadcast_in_dim3A_1061, %broadcast_in_dim3A_1062 : vector<16xi1>, vector<16xf32>
      %sub3A_1064 = arith.subf %sub3A_971, %select_n3A_1063 : vector<16xf32>
      %jit3A_1065 = arith.constant 0.000000e+00 : f32
      %broadcast_in_dim3A_1066 = vector.broadcast %squeeze3A_668 : f32 to vector<16xf32>
      %broadcast_in_dim3A_1067 = vector.broadcast %jit3A_1065 : f32 to vector<16xf32>
      %select_n3A_1068 = arith.select %not3A_1054, %broadcast_in_dim3A_1066, %broadcast_in_dim3A_1067 : vector<16xi1>, vector<16xf32>
      %add3A_1069 = arith.addf %add3A_976, %select_n3A_1068 : vector<16xf32>
      %neg3A_1070 = arith.constant 0.000000e+00 : f32
      %neg3A_1071 = vector.broadcast %neg3A_1070 : f32 to vector<16xf32>
      %neg3A_1072 = arith.subf %neg3A_1071, %sub3A_997 : vector<16xf32>
      %neg3A_1073 = arith.constant 0.000000e+00 : f32
      %neg3A_1074 = vector.broadcast %neg3A_1073 : f32 to vector<16xf32>
      %neg3A_1075 = arith.subf %neg3A_1074, %sub3A_1002 : vector<16xf32>
      %ge3A_1076 = arith.cmpf oge, %neg3A_1072, %neg3A_1075 : vector<16xf32>
      %ge3A_1077 = arith.cmpf oge, %neg3A_1072, %add3A_1007 : vector<16xf32>
      %and3A_1078 = arith.andi %ge3A_1076, %ge3A_1077 : vector<16xi1>
      %not3A_1079 = arith.constant dense<true> : vector<16xi1>
      %not3A_1080 = arith.xori %and3A_1078, %not3A_1079 : vector<16xi1>
      %ge3A_1081 = arith.cmpf oge, %neg3A_1075, %add3A_1007 : vector<16xf32>
      %and3A_1082 = arith.andi %not3A_1080, %ge3A_1081 : vector<16xi1>
      %or3A_1083 = arith.ori %and3A_1078, %and3A_1082 : vector<16xi1>
      %not3A_1084 = arith.constant dense<true> : vector<16xi1>
      %not3A_1085 = arith.xori %or3A_1083, %not3A_1084 : vector<16xi1>
      %jit3A_1086 = arith.constant 0.000000e+00 : f32
      %broadcast_in_dim3A_1087 = vector.broadcast %squeeze3A_670 : f32 to vector<16xf32>
      %broadcast_in_dim3A_1088 = vector.broadcast %jit3A_1086 : f32 to vector<16xf32>
      %select_n3A_1089 = arith.select %and3A_1078, %broadcast_in_dim3A_1087, %broadcast_in_dim3A_1088 : vector<16xi1>, vector<16xf32>
      %sub3A_1090 = arith.subf %sub3A_997, %select_n3A_1089 : vector<16xf32>
      %jit3A_1091 = arith.constant 0.000000e+00 : f32
      %broadcast_in_dim3A_1092 = vector.broadcast %squeeze3A_670 : f32 to vector<16xf32>
      %broadcast_in_dim3A_1093 = vector.broadcast %jit3A_1091 : f32 to vector<16xf32>
      %select_n3A_1094 = arith.select %and3A_1082, %broadcast_in_dim3A_1092, %broadcast_in_dim3A_1093 : vector<16xi1>, vector<16xf32>
      %sub3A_1095 = arith.subf %sub3A_1002, %select_n3A_1094 : vector<16xf32>
      %jit3A_1096 = arith.constant 0.000000e+00 : f32
      %broadcast_in_dim3A_1097 = vector.broadcast %squeeze3A_670 : f32 to vector<16xf32>
      %broadcast_in_dim3A_1098 = vector.broadcast %jit3A_1096 : f32 to vector<16xf32>
      %select_n3A_1099 = arith.select %not3A_1085, %broadcast_in_dim3A_1097, %broadcast_in_dim3A_1098 : vector<16xi1>, vector<16xf32>
      %add3A_1100 = arith.addf %add3A_1007, %select_n3A_1099 : vector<16xf32>
      %select_n3A_1101 = arith.select %ge3A_811, %add3A_1038, %get3A_825 : vector<16xi1>, vector<16xf32>
      %select_n3A_1102 = arith.select %ge3A_811, %add3A_1069, %get3A_827 : vector<16xi1>, vector<16xf32>
      %select_n3A_1103 = arith.select %ge3A_811, %add3A_1100, %get3A_829 : vector<16xi1>, vector<16xf32>
      %max3A = arith.maximumf %select_n3A_1101, %select_n3A_1102 : vector<16xf32>
      %max3A_1104 = arith.maximumf %max3A, %select_n3A_1103 : vector<16xf32>
      %sub3A_1105 = arith.subf %select_n3A_1101, %max3A_1104 : vector<16xf32>
      %exp3A = math.exp %sub3A_1105 : vector<16xf32>
      %sub3A_1106 = arith.subf %select_n3A_1102, %max3A_1104 : vector<16xf32>
      %exp3A_1107 = math.exp %sub3A_1106 : vector<16xf32>
      %sub3A_1108 = arith.subf %select_n3A_1103, %max3A_1104 : vector<16xf32>
      %exp3A_1109 = math.exp %sub3A_1108 : vector<16xf32>
      %add3A_1110 = arith.addf %exp3A, %exp3A_1107 : vector<16xf32>
      %add3A_1111 = arith.addf %add3A_1110, %exp3A_1109 : vector<16xf32>
      %broadcast_in_dim3A_1112 = arith.constant 0 : i32
      %broadcast_in_dim3A_1113 = vector.broadcast %broadcast_in_dim3A_1112 : i32 to vector<16xi32>
      tpu.vector_store_idx %arg25[%add3A_807, %broadcast_in_dim3A_1113], %select_n3A_1101 : memref<384x3xf32, #tpu.memory_space<vmem>>[vector<16xi32>, vector<16xi32>], vector<16xf32>,
      %div3A = arith.divf %exp3A, %add3A_1111 : vector<16xf32>
      tpu.vector_store_idx %arg26[%add3A_807, %broadcast_in_dim3A_1113], %div3A : memref<384x3xf32, #tpu.memory_space<vmem>>[vector<16xi32>, vector<16xi32>], vector<16xf32>,
      %broadcast_in_dim3A_1114 = arith.constant 1 : i32
      %broadcast_in_dim3A_1115 = vector.broadcast %broadcast_in_dim3A_1114 : i32 to vector<16xi32>
      tpu.vector_store_idx %arg25[%add3A_807, %broadcast_in_dim3A_1115], %select_n3A_1102 : memref<384x3xf32, #tpu.memory_space<vmem>>[vector<16xi32>, vector<16xi32>], vector<16xf32>,
      %div3A_1116 = arith.divf %exp3A_1107, %add3A_1111 : vector<16xf32>
      tpu.vector_store_idx %arg26[%add3A_807, %broadcast_in_dim3A_1115], %div3A_1116 : memref<384x3xf32, #tpu.memory_space<vmem>>[vector<16xi32>, vector<16xi32>], vector<16xf32>,
      %broadcast_in_dim3A_1117 = arith.constant 2 : i32
      %broadcast_in_dim3A_1118 = vector.broadcast %broadcast_in_dim3A_1117 : i32 to vector<16xi32>
      tpu.vector_store_idx %arg25[%add3A_807, %broadcast_in_dim3A_1118], %select_n3A_1103 : memref<384x3xf32, #tpu.memory_space<vmem>>[vector<16xi32>, vector<16xi32>], vector<16xf32>,
      %div3A_1119 = arith.divf %exp3A_1109, %add3A_1111 : vector<16xf32>
      tpu.vector_store_idx %arg26[%add3A_807, %broadcast_in_dim3A_1118], %div3A_1119 : memref<384x3xf32, #tpu.memory_space<vmem>>[vector<16xi32>, vector<16xi32>], vector<16xf32>,
      %scan3A_1120 = arith.constant 0 : i32
      scf.yield %scan3A_1120 : i32
    }
    %scan3A_799 = arith.constant 8 : i32
    "tpu.region"() ({
      %run_scoped3A = tpu.sem_alloc : memref<!tpu.dma_semaphore, #tpu.memory_space<semaphore_mem>>
      %dma_start3A_800 = arith.constant 0 : i32
      %dma_start3A_801 = tpu.memref_slice %arg9[%min3A_3, %dma_start3A_800] : memref<10000x3xf32, #tpu.memory_space<hbm>> -> memref<384x3xf32, #tpu.memory_space<hbm>>
      %dma_start3A_802 = arith.constant 0 : i32
      %dma_start3A_803 = tpu.memref_slice %arg9[%min3A_3, %dma_start3A_802] : memref<10000x3xf32, #tpu.memory_space<hbm>> -> memref<384x3xf32, #tpu.memory_space<hbm>>
      tpu.enqueue_dma source(%arg25 : memref<384x3xf32, #tpu.memory_space<vmem>>) target(%dma_start3A_803 : memref<384x3xf32, #tpu.memory_space<hbm>>) target_semaphore(%run_scoped3A : memref<!tpu.dma_semaphore, #tpu.memory_space<semaphore_mem>>)
      %dma_wait3A_804 = arith.constant 0 : i32
      %dma_wait3A_805 = tpu.memref_slice %arg9[%min3A_3, %dma_wait3A_804] : memref<10000x3xf32, #tpu.memory_space<hbm>> -> memref<384x3xf32, #tpu.memory_space<hbm>>
      %dma_wait3A_806 = arith.constant 0 : i32
      %dma_wait3A_807 = tpu.memref_slice %arg9[%min3A_3, %dma_wait3A_806] : memref<10000x3xf32, #tpu.memory_space<hbm>> -> memref<384x3xf32, #tpu.memory_space<hbm>>
      tpu.wait_dma2 semaphore(%run_scoped3A : memref<!tpu.dma_semaphore, #tpu.memory_space<semaphore_mem>>) src(%arg25 : memref<384x3xf32, #tpu.memory_space<vmem>>) dst(%dma_wait3A_807 : memref<384x3xf32, #tpu.memory_space<hbm>>)
      tpu.yield
    }) : () -> ()
    "tpu.region"() ({
      %run_scoped3A = tpu.sem_alloc : memref<!tpu.dma_semaphore, #tpu.memory_space<semaphore_mem>>
      %dma_start3A_800 = arith.constant 0 : i32
      %dma_start3A_801 = tpu.memref_slice %arg10[%min3A_3, %dma_start3A_800] : memref<10000x3xf32, #tpu.memory_space<hbm>> -> memref<384x3xf32, #tpu.memory_space<hbm>>
      %dma_start3A_802 = arith.constant 0 : i32
      %dma_start3A_803 = tpu.memref_slice %arg10[%min3A_3, %dma_start3A_802] : memref<10000x3xf32, #tpu.memory_space<hbm>> -> memref<384x3xf32, #tpu.memory_space<hbm>>
      tpu.enqueue_dma source(%arg26 : memref<384x3xf32, #tpu.memory_space<vmem>>) target(%dma_start3A_803 : memref<384x3xf32, #tpu.memory_space<hbm>>) target_semaphore(%run_scoped3A : memref<!tpu.dma_semaphore, #tpu.memory_space<semaphore_mem>>)
      %dma_wait3A_804 = arith.constant 0 : i32
      %dma_wait3A_805 = tpu.memref_slice %arg10[%min3A_3, %dma_wait3A_804] : memref<10000x3xf32, #tpu.memory_space<hbm>> -> memref<384x3xf32, #tpu.memory_space<hbm>>
      %dma_wait3A_806 = arith.constant 0 : i32
      %dma_wait3A_807 = tpu.memref_slice %arg10[%min3A_3, %dma_wait3A_806] : memref<10000x3xf32, #tpu.memory_space<hbm>> -> memref<384x3xf32, #tpu.memory_space<hbm>>
      tpu.wait_dma2 semaphore(%run_scoped3A : memref<!tpu.dma_semaphore, #tpu.memory_space<semaphore_mem>>) src(%arg26 : memref<384x3xf32, #tpu.memory_space<vmem>>) dst(%dma_wait3A_807 : memref<384x3xf32, #tpu.memory_space<hbm>>)
      tpu.yield
    }) : () -> ()
    return
  }
}

module attributes {stable_mosaic.version = 14 : i64} {
  func.func @_mlp_body(%arg0: i32, %arg1: memref<1024x128xf32, #tpu.memory_space<vmem>>, %arg2: memref<128x1024xf32, #tpu.memory_space<vmem>>, %arg3: memref<1x1024xf32, #tpu.memory_space<vmem>>, %arg4: memref<1024x3xf32, #tpu.memory_space<vmem>>, %arg5: memref<3x1xf32, #tpu.memory_space<vmem>>, %arg6: memref<1024xf32, #tpu.memory_space<vmem>>, %arg7: memref<1024xf32, #tpu.memory_space<vmem>>, %arg8: memref<1024xf32, #tpu.memory_space<vmem>>) attributes {dimension_semantics = [#tpu.dimension_semantics<arbitrary>], iteration_bounds = array<i64: 10>, scalar_prefetch = 0 : i64, scratch_operands = 0 : i64, tpu.core_type = #tpu.core_type<tc>, window_params = [{transform_indices = @transform_0, window_bounds = array<i64: 1024, 128>}, {pipeline_mode = #tpu.pipeline_mode<synchronous>, transform_indices = @transform_1, window_bounds = array<i64: 128, 1024>}, {pipeline_mode = #tpu.pipeline_mode<synchronous>, transform_indices = @transform_2, window_bounds = array<i64: 1, 1024>}, {pipeline_mode = #tpu.pipeline_mode<synchronous>, transform_indices = @transform_3, window_bounds = array<i64: 1024, 3>}, {pipeline_mode = #tpu.pipeline_mode<synchronous>, transform_indices = @transform_4, window_bounds = array<i64: 3, 1>}, {transform_indices = @transform_5, window_bounds = array<i64: 1024>}, {transform_indices = @transform_6, window_bounds = array<i64: 1024>}, {transform_indices = @transform_7, window_bounds = array<i64: 1024>}]} {
    %get3A = arith.constant 0 : index
    %get3A_0 = arith.constant 0 : index
    %get3A_1 = vector.load %arg1[%get3A, %get3A_0] : memref<1024x128xf32, #tpu.memory_space<vmem>>, vector<1024x128xf32>
    %get3A_2 = arith.constant 0 : index
    %get3A_3 = arith.constant 0 : index
    %get3A_4 = vector.load %arg2[%get3A_2, %get3A_3] : memref<128x1024xf32, #tpu.memory_space<vmem>>, vector<128x1024xf32>
    %dot_general3A = arith.constant dense<0.000000e+00> : vector<1024x1024xf32>
    %dot_general3A_5 = tpu.matmul %get3A_1, %get3A_4, %dot_general3A {dimension_numbers = #tpu.dot_dimension_numbers<[1], [0], [0], [1], [0, 0, 1, 1], [], []>, transpose_lhs_hint = false} : vector<1024x128xf32>, vector<128x1024xf32>, vector<1024x1024xf32> -> vector<1024x1024xf32>
    %get3A_6 = arith.constant 0 : index
    %get3A_7 = arith.constant 0 : index
    %get3A_8 = vector.load %arg3[%get3A_6, %get3A_7] : memref<1x1024xf32, #tpu.memory_space<vmem>>, vector<1x1024xf32>
    %add3A = vector.broadcast %get3A_8 : vector<1x1024xf32> to vector<1024x1024xf32>
    %add3A_9 = arith.addf %dot_general3A_5, %add3A : vector<1024x1024xf32>
    %max3A = arith.constant 0.000000e+00 : f32
    %max3A_10 = vector.broadcast %max3A : f32 to vector<1024x1024xf32>
    %max3A_11 = arith.maximumf %add3A_9, %max3A_10 : vector<1024x1024xf32>
    %get3A_12 = arith.constant 0 : index
    %get3A_13 = arith.constant 0 : index
    %get3A_14 = vector.load %arg4[%get3A_12, %get3A_13] : memref<1024x3xf32, #tpu.memory_space<vmem>>, vector<1024x3xf32>
    %dot_general3A_15 = arith.constant dense<0.000000e+00> : vector<3x1024xf32>
    %dot_general3A_16 = tpu.matmul %get3A_14, %max3A_11, %dot_general3A_15 {dimension_numbers = #tpu.dot_dimension_numbers<[0], [1], [1], [0], [0, 1, 1, 0], [], []>, transpose_lhs_hint = false} : vector<1024x3xf32>, vector<1024x1024xf32>, vector<3x1024xf32> -> vector<3x1024xf32>
    %get3A_17 = arith.constant 0 : index
    %get3A_18 = arith.constant 0 : index
    %get3A_19 = vector.load %arg5[%get3A_17, %get3A_18] : memref<3x1xf32, #tpu.memory_space<vmem>>, vector<3x1xf32>
    %add3A_20 = vector.broadcast %get3A_19 : vector<3x1xf32> to vector<3x1024xf32>
    %add3A_21 = arith.addf %dot_general3A_16, %add3A_20 : vector<3x1024xf32>
    %slice3A = vector.extract_strided_slice %add3A_21 {offsets = [0, 0], sizes = [1, 1024], strides = [1, 1]} : vector<3x1024xf32> to vector<1x1024xf32>
    %squeeze3A = vector.shape_cast %slice3A : vector<1x1024xf32> to vector<1024xf32>
    %swap3A = arith.constant 0 : index
    %swap3A_22 = vector.load %arg6[%swap3A] : memref<1024xf32, #tpu.memory_space<vmem>>, vector<1024xf32>
    tpu.vector_store %arg6[%swap3A], %squeeze3A {strides = array<i32>} : memref<1024xf32, #tpu.memory_space<vmem>>, vector<1024xf32>,
    %slice3A_23 = vector.extract_strided_slice %add3A_21 {offsets = [1, 0], sizes = [1, 1024], strides = [1, 1]} : vector<3x1024xf32> to vector<1x1024xf32>
    %squeeze3A_24 = vector.shape_cast %slice3A_23 : vector<1x1024xf32> to vector<1024xf32>
    %swap3A_25 = arith.constant 0 : index
    %swap3A_26 = vector.load %arg7[%swap3A_25] : memref<1024xf32, #tpu.memory_space<vmem>>, vector<1024xf32>
    tpu.vector_store %arg7[%swap3A_25], %squeeze3A_24 {strides = array<i32>} : memref<1024xf32, #tpu.memory_space<vmem>>, vector<1024xf32>,
    %slice3A_27 = vector.extract_strided_slice %add3A_21 {offsets = [2, 0], sizes = [1, 1024], strides = [1, 1]} : vector<3x1024xf32> to vector<1x1024xf32>
    %squeeze3A_28 = vector.shape_cast %slice3A_27 : vector<1x1024xf32> to vector<1024xf32>
    %swap3A_29 = arith.constant 0 : index
    %swap3A_30 = vector.load %arg8[%swap3A_29] : memref<1024xf32, #tpu.memory_space<vmem>>, vector<1024xf32>
    tpu.vector_store %arg8[%swap3A_29], %squeeze3A_28 {strides = array<i32>} : memref<1024xf32, #tpu.memory_space<vmem>>, vector<1024xf32>,
    return
  }
  func.func @transform_0(%arg0: i32) -> (i32, i32) {
    %c0_i32 = arith.constant 0 : i32
    %c0_i32_0 = arith.constant 0 : i32
    return %arg0, %c0_i32 : i32, i32
  }
  func.func @transform_1(%arg0: i32) -> (i32, i32) {
    %c0_i32 = arith.constant 0 : i32
    %c0_i32_0 = arith.constant 0 : i32
    %c0_i32_1 = arith.constant 0 : i32
    return %c0_i32, %c0_i32_0 : i32, i32
  }
  func.func @transform_2(%arg0: i32) -> (i32, i32) {
    %c0_i32 = arith.constant 0 : i32
    %c0_i32_0 = arith.constant 0 : i32
    %c0_i32_1 = arith.constant 0 : i32
    return %c0_i32, %c0_i32_0 : i32, i32
  }
  func.func @transform_3(%arg0: i32) -> (i32, i32) {
    %c0_i32 = arith.constant 0 : i32
    %c0_i32_0 = arith.constant 0 : i32
    %c0_i32_1 = arith.constant 0 : i32
    return %c0_i32, %c0_i32_0 : i32, i32
  }
  func.func @transform_4(%arg0: i32) -> (i32, i32) {
    %c0_i32 = arith.constant 0 : i32
    %c0_i32_0 = arith.constant 0 : i32
    %c0_i32_1 = arith.constant 0 : i32
    return %c0_i32, %c0_i32_0 : i32, i32
  }
  func.func @transform_5(%arg0: i32) -> i32 {
    %c0_i32 = arith.constant 0 : i32
    return %arg0 : i32
  }
  func.func @transform_6(%arg0: i32) -> i32 {
    %c0_i32 = arith.constant 0 : i32
    return %arg0 : i32
  }
  func.func @transform_7(%arg0: i32) -> i32 {
    %c0_i32 = arith.constant 0 : i32
    return %arg0 : i32
  }
}

</mosaic_0001>

<sc_bundles>
// kernel: kernel.5.cloned.1.call-start
scs
__scs_entry_jumppad:
0x0: {  	(pc) =	sbr.rel $0x88, $3  }
0x1: {  	(tag) =	ssettag $0x0;
	lr =	simm.s32 $0x1  }
0x2: {  	[smem:$0x3F97] =	sst lr;
	_ =	strace $0xD0000000  }
0x3: {  	_ = 	snop  }
0x4: {  	_ = 	snop  }
0x5: {  	_ = 	snop  }
0x6: {  	_ = 	snop  }
0x7: {  	_ = 	snop  }
__scs_overlays_trampoline_lowered:
0x8: {  	[smem:$0x3FA6] =	sst s0  }
0x9: {  	[smem:$0x3FA7] =	sst s1  }
0xa: {  	[smem:$0x3FA8] =	sst s2  }
0xb: {  	[smem:$0x3FA9] =	sst s3  }
0xc: {  	[smem:$0x3FAA] =	sst s4  }
0xd: {  	[smem:$0x3FAB] =	sst s5  }
0xe: {  	[smem:$0x3FAC] =	sst s6  }
0xf: {  	[smem:$0x3FAD] =	sst s7  }
0x10: {  	[smem:$0x3FAE] =	sst s8  }
0x11: {  	[smem:$0x3FAF] =	sst s9;
	s0 =	simm.s32 @!p0 $0x0  }
0x12: {  	s1 =	sld [smem:$0x3F95];
	s0 =	simm.s32 @p0 $0x1  }
0x13: {  	[smem:$0x3FB0] =	sst s0;
	s0 =	simm.s32 @!p1 $0x0  }
0x14: {  	s2 =	sld [smem:$0x3F94];
	s0 =	simm.s32 @p1 $0x1  }
0x15: {  	[smem:$0x3FB1] =	sst s0;
	s0 =	simm.s32 @!p2 $0x0  }
0x16: {  	s3 =	sld [smem:$0x3FDB];
	s0 =	simm.s32 @p2 $0x1  }
0x17: {  	s4 =	simm.s32 $0x1BF5;
	[smem:$0x3FB3] =	sst s0  }
0x18: {  	s0 =	sld [smem:$0x3F96];
	_ =	swait.ge [sflag:s4], $0x0  }
0x19: {  	s7 =	sld [smem:$0x3F97]  }
0x1a: {  	s8 =	sadd.s32 $0xFFFFE003, lr  }
0x1b: {  	s9 =	sadd.s32 $0xFFFFFEF7, lr;
	s5 =	simm.s32 $0xFFFFFFFF;
	p2 =	slt.u32 s8, $0xFFFFF086  }
0x1c: {  	p1 =	slt.u32 s9, $0xF7A;
	s5 =	simm.s32 @!p2 $0x0  }
0x1d: {  	s5 =	simm.s32 @p1 $0x1;
	p0 =	seq.s32 s7, s2  }
0x1e: {  	s7 =	smul.u32 @!p0 $0xF7A, s2;
	p2 =	seq.s32 @!p0 s5, $0x0  }
0x1f: {  	s9 =	smul.u32 $0xF7A, s1;
	s8 =	simm.s32 @!p0 $0x1BF5;
	p2 =	por !p2, p0  }
0x20: {  	[sflag:s8] =	ssyncset.s32 @!p0 $0xFFFFF086;
	s6 =	sadd.s32 @!p0 s3, s7;
	s7 =	simm.s32 @!p0 $0x108  }
0x21: {  	s3 =	sadd.s32 s3, s9;
	s6 =	sadd.s32 @!p0 $0x88, s6;
	s7 =	simm.s32 @p2 $0x1082  }
0x22: {  	[simem:s7], [sflag:s8] =	dma.local @!p0 [hbm:s6], $0xF7A  }
0x23: {  	s9 =	sor.u32 $0xD0000000, s2;
	s6 =	simm.s32 $0x108;
	_ =	swait.ge @!p0 [sflag:s8], $0x0  }
0x24: {  	s3 =	sadd.s32 $0x88, s3;
	s6 =	simm.s32 @!p1 $0x1082;
	[sflag:s4] =	ssyncset.s32 $0xFFFFF086  }
0x25: {  	[simem:s6], [sflag:s4] =	dma.local [hbm:s3], $0xF7A  }
0x26: {  	[smem:$0x3F97] =	sst s1;
	(tag) =	ssettag s2;
	_ =	strace s9  }
0x27: {  	s1 =	sld [smem:$0x3FA7]  }
0x28: {  	s2 =	sld [smem:$0x3FA8]  }
0x29: {  	s4 =	sld [smem:$0x3FAA]  }
0x2a: {  	p0 =	seq.s32 s5, $0x0;
	s5 =	sld [smem:$0x3FAB]  }
0x2b: {  	s6 =	sld [smem:$0x3FAC]  }
0x2c: {  	s7 =	sld [smem:$0x3FAD]  }
0x2d: {  	s3 =	simm.s32 $0x108;
	s8 =	sld [smem:$0x3FAE]  }
0x2e: {  	s3 =	simm.s32 @!p0 $0x1082;
	s9 =	sld [smem:$0x3FAF]  }
0x2f: {  	lr =	sadd.s32 s0, s3;
	s0 =	sld [smem:$0x3FA6]  }
0x30: {  	s3 =	sld [smem:$0x3FA9]  }
0x31: {  	[smem:$0x3FB2] =	sst s10  }
0x32: {  	s10 =	sld [smem:$0x3FB0];
	_ =	sdelay $0x3  }
0x33: {  	p0 =	seq.s32 s10, $0x1;
	s10 =	sld [smem:$0x3FB2];
	_ =	sdelay $0x3  }
0x34: {  	[smem:$0x3FB2] =	sst s10  }
0x35: {  	s10 =	sld [smem:$0x3FB1];
	_ =	sdelay $0x3  }
0x36: {  	p1 =	seq.s32 s10, $0x1;
	s10 =	sld [smem:$0x3FB2];
	_ =	sdelay $0x3  }
0x37: {  	[smem:$0x3FB2] =	sst s10  }
0x38: {  	s10 =	sld [smem:$0x3FB3]  }
0x39: {  	_ = 	snop;
	(pc) =	sbr.ind lr, $3  }
0x3a: {  	_ = 	snop  }
0x3b: {  	_ = 	snop  }
0x3c: {  	p2 =	seq.s32 s10, $0x1;
	s10 =	sld [smem:$0x3FB2]  }
0x3d: {  	_ =	shalt  }
0x3e: {  	_ =	shalt  }
0x3f: {  	_ =	shalt  }
0x40: {  	_ =	shalt  }
0x41: {  	_ =	shalt  }
0x42: {  	_ =	shalt  }
0x43: {  	_ =	shalt  }
0x44: {  	_ =	shalt  }
0x45: {  	_ =	shalt  }
0x46: {  	_ =	shalt  }
0x47: {  	_ =	shalt  }
0x48: {  	_ =	shalt  }
0x49: {  	_ =	shalt  }
0x4a: {  	_ =	shalt  }
0x4b: {  	_ =	shalt  }
0x4c: {  	_ =	shalt  }
0x4d: {  	_ =	shalt  }
0x4e: {  	_ =	shalt  }
0x4f: {  	_ =	shalt  }
0x50: {  	_ =	shalt  }
0x51: {  	_ =	shalt  }
0x52: {  	_ =	shalt  }
0x53: {  	_ =	shalt  }
0x54: {  	_ =	shalt  }
0x55: {  	_ =	shalt  }
0x56: {  	_ =	shalt  }
0x57: {  	_ =	shalt  }
0x58: {  	_ =	shalt  }
0x59: {  	_ =	shalt  }
0x5a: {  	_ =	shalt  }
0x5b: {  	_ =	shalt  }
0x5c: {  	_ =	shalt  }
0x5d: {  	_ =	shalt  }
0x5e: {  	_ =	shalt  }
0x5f: {  	_ =	shalt  }
0x60: {  	_ =	shalt  }
0x61: {  	_ =	shalt  }
0x62: {  	_ =	shalt  }
0x63: {  	_ =	shalt  }
0x64: {  	_ =	shalt  }
0x65: {  	_ =	shalt  }
0x66: {  	_ =	shalt  }
0x67: {  	_ =	shalt  }
0x68: {  	_ =	shalt  }
0x69: {  	_ =	shalt  }
0x6a: {  	_ =	shalt  }
0x6b: {  	_ =	shalt  }
0x6c: {  	_ =	shalt  }
0x6d: {  	_ =	shalt  }
0x6e: {  	_ =	shalt  }
0x6f: {  	_ =	shalt  }
0x70: {  	_ =	shalt  }
0x71: {  	_ =	shalt  }
0x72: {  	_ =	shalt  }
0x73: {  	_ =	shalt  }
0x74: {  	_ =	shalt  }
0x75: {  	_ =	shalt  }
0x76: {  	_ =	shalt  }
0x77: {  	_ =	shalt  }
0x78: {  	_ =	shalt  }
0x79: {  	_ =	shalt  }
0x7a: {  	_ =	shalt  }
0x7b: {  	_ =	shalt  }
0x7c: {  	_ =	shalt  }
0x7d: {  	_ =	shalt  }
0x7e: {  	_ =	shalt  }
0x7f: {  	_ =	shalt  }
0x80: {  	_ =	shalt  }
0x81: {  	_ =	shalt  }
0x82: {  	_ =	shalt  }
0x83: {  	_ =	shalt  }
0x84: {  	_ =	shalt  }
0x85: {  	_ =	shalt  }
0x86: {  	_ =	shalt  }
0x87: {  	_ =	shalt  }
.Lfunc_end0:
.L_simem_size_0:
called_computation_lowered:
.L_overlay_start_0:
0x88: {  	s2 =	sld [smem:$0x3FD9]  }
0x89: {  	s3 =	sld [smem:$0x3FFE];
	_ =	sdelay $0x1  }
0x8a: {  	s1 =	srdreg.scid  }
0x8b: {  	s0 =	sand.u32 $0x1, s1  }
0x8c: {  	s17 =	sshll.u32 s0, $0xA;
	s2 =	sadd.s32 s3, s2  }
0x8d: {  	s2 =	sadd.s32 s2, s17  }
0x8e: {  	[smem:$0x3FBE] =	sst s2  }
0x8f: {  	_ = 	snop  }
0x90: {  	s2 =	sld [smem:$0x3FC5];
	(tm) =	ssettm $0x1  }
0x91: {  	s18 =	sld [smem:$0x3FFB];
	_ =	sdelay $0x3  }
0x92: {  	_ =	strace s18  }
0x93: {  	s3 =	sld [smem:$0x3FFC];
	_ =	sdelay $0x3  }
0x94: {  	_ =	strace s3  }
0x95: {  	s3 =	sld [smem:$0x3FFD];
	_ =	sdelay $0x3  }
0x96: {  	_ =	strace s3  }
0x97: {  	_ =	strace $0x8FFFFFFF  }
0x98: {  	s19 =	sld [smem:$0x3FDB];
	_ =	sdelay $0x1  }
0x99: {  	s4 =	simm.s32 $_scs_section_size  }
0x9a: {  	s5 =	simm.s32 $_size__tile_overlayer_lowered;
	s6 =	simm.s32 $_tile_overlayer_lowered  }
0x9b: {  	s22 =	simm.s32 $0x1BFF;
	s21 =	sshll.u32 s6, $0x1;
	s3 =	sadd.s32 s4, s19  }
0x9c: {  	s7 =	simm.s32 $0x0;
	s20 =	sshll.u32 s5, $0x1;
	s5 =	sadd.s32 s21, s3  }
0x9d: {  	[timem:s7], [sflag:s22] =	dma.local [hbm:s5], s20  }
0x9e: {  	_ =	swait.ge [sflag:s22], s20  }
0x9f: {  	s4 =	ssub.s32 $0x0, s20;
	[sflag:s22] =	ssyncset.done $0x0  }
0xa0: {  	[sflag:s22] =	ssyncadd.s32 s4;
	_ =	sdelay $0x1  }
0xa1: {  	s23 =	simm.s32 $0x1B8B  }
0xa2: {  	_ =	swait.ge [sflag:s23], $0x1  }
0xa3: {  	[sflag:s23] =	ssyncset.done $0x0  }
0xa4: {  	s25 =	simm.s32 $0x1B8E;
	s24 =	sld [smem:$0x3FFE];
	[sflag:s23] =	ssyncadd.s32 $0xFFFFFFFF  }
0xa5: {  	s26 =	simm.s32 $execute0_lowered;
	[smem:$0x3FD2] =	sst s25  }
0xa6: {  	s5 =	sshll.u32 s26, $0x1;
	_ =	strace $0x80000046;
	[dreg:$0x1] =	wrdreg $0xFFFFFFFF  }
0xa7: {  	s28 =	simm.s32 $_size_execute0_lowered;
	s3 =	sadd.s32 s3, s5;
	[dreg:$0x0] =	wrdreg $0x0  }
0xa8: {  	s5 =	sshll.u32 s28, $0x1;
	[dreg:$0x2] =	wrdreg s3  }
0xa9: {  	[dreg:$0x3] =	wrdreg s5  }
0xaa: {  	[dreg:$0x4] =	wrdreg $0xC0  }
0xab: {  	_ =	task [dreg:s7], $0x5FFFF  }
0xac: {  	[dreg:$0x1] =	wrdreg $0xFFFFFFFF  }
0xad: {  	[dreg:$0x0] =	wrdreg $0x60  }
0xae: {  	[dreg:$0x2] =	wrdreg s2  }
0xaf: {  	[dreg:$0x3] =	wrdreg s24  }
0xb0: {  	[dreg:$0x4] =	wrdreg $0x9  }
0xb1: {  	_ =	task.clear_ibuf [dreg:s7], $0x5FFFF;
	_ =	strace $0x90000046  }
0xb2: {  	s29 =	simm.s32 $0x9;
	_ =	strace $0x80000048  }
0xb3: {  	_ =	swait.ge [sflag:s29], $0x1  }
0xb4: {  	[sflag:s29] =	ssyncadd.s32 $0xFFFFFFFF  }
0xb5: {  	_ =	strace $0x90000048  }
0xb6: {  	_ =	sfence  }
0xb7: {  	s30 =	sld [smem:$0x0];
	_ =	sdelay $0x2  }
0xb8: {  	s31 =	sshll.u32 s1, $0xD;
	s1 =	sshrl.u32 s1, $0x2  }
0xb9: {  	s3 =	sand.u32 $0x4000, s31;
	s1 =	sadd.s32 s1, s30  }
0xba: {  	s0 =	sor.u32 s3, s0;
	s1 =	sshll.u32 s1, $0x11  }
0xbb: {  	s0 =	sor.u32 s1, s0  }
0xbc: {  	s0 =	sadd.s32 $0x8F2B, s0  }
0xbd: {  	[sflag:s0] =	ssyncadd.remote.s32 $0x1  }
0xbe: {  	_ =	sfence.sel $0xFFFF  }
0xbf: {  	[dreg:$0x0] =	wrdreg $0xFFFFFFFF;
	(pc) =	sbr.abs _section_cstart, $3  }
0xc0: {  	[dreg:$0x1] =	wrdreg $0xFFFFFFFF  }
0xc1: {  	_ =	task.clear_ibuf [dreg:s7], $0x2FFFF;
	_ =	strace $0x9FFFFFFF  }
0xc2: {  	(tm) =	ssettm $0x7FFFFFFF  }
0xc3: {  	_ =	shalt  }
tec
execute0_lowered:
.L_overlay_start_1:
0x0: {  	(tag) =	ssettag $0x1  }
0x1: {  	s3 =	rddreg [dreg:$0x0];
	s1 =	srdreg.scid  }
0x2: {  	s0 =	stileid.u32;
	s4 =	rddreg [dreg:$0x1]  }
0x3: {  	s2 =	simm.s32 $0x0;
	s5 =	sand.u32 $0x1, s1;
	s6 =	sshll.u32 s0, $0x1  }
0x4: {  	s1 =	rddreg [dreg:$0x2];
	s8 =	smul.u32 $0x4E20, s0;
	s6 =	sor.u32 s5, s6  }
0x5: {  	[smem:$0x7FF] =	sst s2;
	s7 =	ssub.s32 $0x2, s5;
	s6 =	smul.u32 $0x2710, s6  }
.Ltmp0:
0x6: {  	_ =	strace $0x80000047;
	s9 =	sshrl.u32 s7, $0x1;
	(pc) =	sbr.rel .LBB2_1-.Ltmp0, $4  }
0x7: {  	s10 =	smul.u32 $0x2710, s5;
	s31 =	ssub.s32 s7, s9;
	s7 =	simm.s32 $0x1  }
0x8: {  	s9 =	simm.s32 $0x2;
	s6 =	sshrl.u32 s6, $0x3;
	s5 =	smax.u32 s31, $0x1  }
0x9: {  	s4 =	sadd.s32 s6, s4;
	s3 =	sadd.s32 s3, s6;
	s6 =	sadd.s32 s10, s8  }
0xa: {  	v0 =	vimm.s32 $0xFFFFFFFF;
	v1 =	vlaneseq.u32;
	v2 =	vimm.s32 $0x0;
	s8 =	simm.s32 $0x2780;
	s10 =	simm.s32 $0x0;
	s4 =	sadd.s32 $0x1800, s4  }
.LBB2_10:
0xb: {  	s10 =	sadd.s32 $0x1, s10  }
0xc: {  	p0 =	sne.s32 s10, s5  }
.Ltmp1:
0xd: {  	_ = 	snop;
	(pc) =	sbr.rel @!p0 .LBB2_11-.Ltmp1, $4  }
0xe: {  	[hbm4b:s4+s2] =	stream.linear.scatter [tilespmem:s8], [sflag:$0x2], $0x2710, $0x38;
	[tilespmem:$0x9E00] =	vst v63  }
0xf: {  	_ =	swait.ge [sflag:s9], $0x2710  }
0x10: {  	[sflag:s9] =	ssyncset.done $0x0  }
0x11: {  	[sflag:s9] =	ssyncadd.s32 $0xFFFFD8F0  }
.LBB2_1:
0x12: {  	[tilespmem:s2], [sflag:$0x1] =	stream.linear.gather [hbm4b:s3+s2], $0x2710, $0x38;
	[tilespmem:$0x9E00] =	vst v63  }
0x13: {  	_ =	swait.ge [sflag:s7], $0x2710  }
0x14: {  	[sflag:s7] =	ssyncset.done $0x0  }
0x15: {  	s11 =	simm.s32 $0x0;
	[sflag:s7] =	ssyncadd.s32 $0xFFFFD8F0  }
.LBB2_2:
0x16: {  	p0 =	sne.s32 s11, $0x9C00  }
.Ltmp2:
0x17: {  	_ = 	snop;
	(pc) =	sbr.rel @p0 .LBB2_2-.Ltmp2, $3  }
0x18: {  	_ =	sdelay $0x1  }
0x19: {  	s12 =	sshra.s32 s11, $0x2  }
0x1a: {  	s11 =	sadd.s32 $0x40, s11;
	[tilespmem:s12+$0x2780] =	vst v0  }
0x1b: {  	s11 =	simm.s32 $0x0  }
0x1c: {  	v3 =	vld [tilespmem:s11+$0x0];
	_ =	sdelay $0x4  }
0x1d: {  	vm0 =	vgt.s32 v3, $0x1869F  }
0x1e: {  	v4 =	vmpcnt.ones.xlane vm0;
	_ =	sdelay $0x1  }
0x1f: {  	(v2sf) =	vpush v4, $0x0;
	_ =	sdelay $0x4  }
0x20: {  	s12 =	simm.s32 $0x0;
	v3 =	vadd.s32 $0xFFFE7960, v3  }
0x21: {  	v5 =	vor.u32 s6, v1;
	[tilespmem:s12+$0x4F00] =	vst.msk vm0, v3  }
0x22: {  	s14 =	simm.s32 $0x10;
	s13 =	simm.s32 $0x80;
	s11 =	smov.u32 s6;
	[tilespmem:s12+$0x7680] =	vst.msk vm0, v5  }
.LBB2_4:
0x23: {  	p0 =	sne.s32 s13, $0x9C00;
	v3 =	vld [tilespmem:s14+$0x0];
	_ =	sdelay $0x4  }
0x24: {  	vm0 =	vgt.s32 v3, $0x1869F;
	v3 =	vadd.s32 $0xFFFE7960, v3  }
0x25: {  	v4 =	vmpcnt.ones.xlane vm0  }
0x26: {  	s14 =	spop (v2sf)  }
0x27: {  	s11 =	sadd.s32 $0x10, s11;
	(v2sf) =	vpush v4, $0x0;
	s12 =	sadd.s32 s12, s14  }
0x28: {  	v4 =	vor.u32 s11, v1;
	[tilespmem:s12+$0x4F00] =	vst.msk vm0, v3  }
0x29: {  	[tilespmem:s12+$0x7680] =	vst.msk vm0, v4  }
.Ltmp3:
0x2a: {  	(pc) =	sbr.rel @p0 .LBB2_4-.Ltmp3, $2  }
0x2b: {  	_ =	sdelay $0x2  }
0x2c: {  	s14 =	sshra.s32 s13, $0x2;
	s13 =	sadd.s32 $0x40, s13  }
0x2d: {  	v3 =	vld [tilespmem:s14+$0x0];
	_ =	sdelay $0x4  }
0x2e: {  	vm0 =	vgt.s32 v3, $0x1869F  }
0x2f: {  	v4 =	vmpcnt.ones.xlane vm0;
	_ =	sdelay $0x1  }
0x30: {  	(v2sf) =	vpush v4, $0x0;
	_ =	sdelay $0xd  }
0x31: {  	s13 =	spop (v2sf)  }
0x32: {  	s29 =	sadd.s32 s12, s13;
	s30 =	spop (v2sf)  }
0x33: {  	s13 =	sadd.s32 s29, s30  }
0x34: {  	s12 =	sadd.s32 $0xF, s13  }
0x35: {  	s15 =	sand.u32 $0xF, s12  }
0x36: {  	s31 =	sshra.s32 s12, $0x1F;
	p1 =	slt.s32 s12, $0x1;
	p0 =	sne.s32 s15, $0x0  }
0x37: {  	s15 =	sshrl.u32 s31, $0x1C;
	p0 =	por !p1, !p0  }
0x38: {  	s12 =	sadd.s32 s15, s12;
	s15 =	simm.s32 $0x1;
	p0 =	por !p0, !p0  }
0x39: {  	s12 =	sshra.s32 s12, $0x4;
	s15 =	simm.s32 @!p0 $0x0  }
0x3a: {  	s12 =	ssub.s32 s12, s15  }
0x3b: {  	p0 =	slt.s32 s12, $0x1  }
.Ltmp4:
0x3c: {  	_ = 	snop;
	(pc) =	sbr.rel @p0 .LBB2_10-.Ltmp4, $4  }
0x3d: {  	_ = 	snop  }
0x3e: {  	s11 =	sadd.s32 $0x10, s11;
	v3 =	vadd.s32 $0xFFFE7960, v3  }
0x3f: {  	v63 =	vor.u32 s11, v1;
	[tilespmem:s29+$0x4F00] =	vst.msk vm0, v3  }
0x40: {  	[tilespmem:s29+$0x7680] =	vst.msk vm0, v63  }
.Ltmp5:
0x41: {  	(pc) =	sbr.rel .LBB2_7-.Ltmp5, $2  }
0x42: {  	_ =	sdelay $0x2  }
0x43: {  	v3 =	vmov s13;
	s11 =	simm.s32 $0x0  }
.LBB2_9:
0x44: {  	s11 =	sadd.s32 $0x1, s11  }
0x45: {  	p0 =	sne.s32 s11, s12  }
.Ltmp6:
0x46: {  	_ = 	snop;
	(pc) =	sbr.rel @!p0 .LBB2_10-.Ltmp6, $1  }
0x47: {  	_ =	sdelay $0x3  }
.LBB2_7:
0x48: {  	s13 =	sshll.u32 s11, $0x4  }
0x49: {  	v4 =	vor.u32 s13, v1  }
0x4a: {  	vm0 =	vlt.s32 v4, v3  }
0x4b: {  	v4 =	vsel vm0, $0x1, v2  }
0x4c: {  	v4 =	vor.u32 $0x80000000, v4  }
0x4d: {  	(xrf0) =	vmax.scan.msk.u32 $0xffff, v4;
	_ =	sdelay $0x5  }
0x4e: {  	v4, _, _ =	vpop (xrf0)  }
0x4f: {  	(v2sf) =	vpush v4, $0xF;
	_ =	sdelay $0xd  }
0x50: {  	v4 =	vld [tilespmem:s13+$0x4F00]  }
0x51: {  	s14 =	spop (v2sf)  }
0x52: {  	vm1 =	vmmov vm0;
	p0 =	slt.u32 s14, $0x80000001  }
.Ltmp7:
0x53: {  	v5 =	vld [tilespmem:s13+$0x7680];
	(pc) =	sbr.rel @p0 .LBB2_9-.Ltmp7, $1  }
0x54: {  	_ =	sdelay $0x3  }
.LBB2_8:
0x55: {  	[tilespmem:v4+s8+$0x0] =	vst.idx.msk vm1, v5  }
0x56: {  	v6 =	vld.idx.msk [tilespmem:v4+s8+$0x0], vm0;
	_ =	sdelay $0x4  }
0x57: {  	vm1 =	vlt.s32 v6, v5  }
0x58: {  	vm1 =	vmand vm0, vm1  }
0x59: {  	v6 =	vsel vm1, $0x1, v2  }
0x5a: {  	v6 =	vor.u32 $0x80000000, v6  }
0x5b: {  	(xrf0) =	vmax.scan.msk.u32 $0xffff, v6;
	_ =	sdelay $0x5  }
0x5c: {  	v6, _, _ =	vpop (xrf0)  }
0x5d: {  	(v2sf) =	vpush v6, $0xF;
	_ =	sdelay $0xe  }
0x5e: {  	s13 =	spop (v2sf)  }
0x5f: {  	p0 =	sgt.u32 s13, $0x80000000  }
.Ltmp8:
0x60: {  	_ = 	snop;
	(pc) =	sbr.rel @p0 .LBB2_8-.Ltmp8, $1  }
0x61: {  	_ =	sdelay $0x3  }
.Ltmp9:
0x62: {  	_ = 	snop;
	(pc) =	sbr.rel .LBB2_9-.Ltmp9, $1  }
0x63: {  	_ =	sdelay $0x3  }
.LBB2_11:
0x64: {  	_ =	sfence.sel $0x180000  }
0x65: {  	[bflag:$0x0] =	sbarrier.arrive $0xFFFF  }
0x66: {  	p0 =	sne.s32 s0, $0x0;
	_ =	strace $0x90000047  }
0x67: {  	s0 =	sadd.s32 @!p0 $0x100000, s1;
	[bflag:$0x2] =	sbarrier.arrive $0xFFFF  }
0x68: {  	[sflag:s0] =	ssyncadd.tile.s32 @!p0 $0x1;
	_ =	shalt  }
.Lfunc_end2:
_tile_overlayer_lowered:
.L_overlay_start_2:
0x69: {  	(tag) =	ssettag $0x2  }
0x6a: {  	s0 =	rddreg [dreg:$0x0];
	s2 =	stileid.u32  }
0x6b: {  	s1 =	rddreg [dreg:$0x1];
	p0 =	sne.s32 s2, $0x0  }
0x6c: {  	s3 =	rddreg [dreg:$0x2];
	[bflag:$0x3] =	sbarrier.arrive $0xFFFF;
	s2 =	simm.s32 @!p0 $0x1C02  }
0x6d: {  	[timem:s3], [sflag:s2] =	dma.local @!p0 [hbm:s0], s1  }
0x6e: {  	s0 =	simm.s32 @!p0 $0x2  }
0x6f: {  	_ =	swait.ge @!p0 [sflag:s0], s1  }
0x70: {  	s1 =	ssub.s32 @!p0 $0x0, s1;
	[sflag:s0] =	ssyncset.done @!p0 $0x0  }
0x71: {  	[sflag:s0] =	ssyncadd.s32 @!p0 s1  }
0x72: {  	[bflag:$0x3] =	sbarrier.arrive $0xFFFF  }
0x73: {  	_ =	shalt  }

// kernel: kernel.8.cloned.1.call-start
scs
__scs_entry_jumppad:
0x0: {  	(pc) =	sbr.rel $0x88, $3  }
0x1: {  	(tag) =	ssettag $0x0;
	lr =	simm.s32 $0x1  }
0x2: {  	[smem:$0x3F97] =	sst lr;
	_ =	strace $0xD0000000  }
0x3: {  	_ = 	snop  }
0x4: {  	_ = 	snop  }
0x5: {  	_ = 	snop  }
0x6: {  	_ = 	snop  }
0x7: {  	_ = 	snop  }
__scs_overlays_trampoline_lowered:
0x8: {  	[smem:$0x3FA6] =	sst s0  }
0x9: {  	[smem:$0x3FA7] =	sst s1  }
0xa: {  	[smem:$0x3FA8] =	sst s2  }
0xb: {  	[smem:$0x3FA9] =	sst s3  }
0xc: {  	[smem:$0x3FAA] =	sst s4  }
0xd: {  	[smem:$0x3FAB] =	sst s5  }
0xe: {  	[smem:$0x3FAC] =	sst s6  }
0xf: {  	[smem:$0x3FAD] =	sst s7  }
0x10: {  	[smem:$0x3FAE] =	sst s8  }
0x11: {  	[smem:$0x3FAF] =	sst s9;
	s0 =	simm.s32 @!p0 $0x0  }
0x12: {  	s1 =	sld [smem:$0x3F95];
	s0 =	simm.s32 @p0 $0x1  }
0x13: {  	[smem:$0x3FB0] =	sst s0;
	s0 =	simm.s32 @!p1 $0x0  }
0x14: {  	s2 =	sld [smem:$0x3F94];
	s0 =	simm.s32 @p1 $0x1  }
0x15: {  	[smem:$0x3FB1] =	sst s0;
	s0 =	simm.s32 @!p2 $0x0  }
0x16: {  	s3 =	sld [smem:$0x3FDB];
	s0 =	simm.s32 @p2 $0x1  }
0x17: {  	s4 =	simm.s32 $0x1BF5;
	[smem:$0x3FB3] =	sst s0  }
0x18: {  	s0 =	sld [smem:$0x3F96];
	_ =	swait.ge [sflag:s4], $0x0  }
0x19: {  	s7 =	sld [smem:$0x3F97]  }
0x1a: {  	s8 =	sadd.s32 $0xFFFFE003, lr  }
0x1b: {  	s9 =	sadd.s32 $0xFFFFFEF7, lr;
	s5 =	simm.s32 $0xFFFFFFFF;
	p2 =	slt.u32 s8, $0xFFFFF086  }
0x1c: {  	p1 =	slt.u32 s9, $0xF7A;
	s5 =	simm.s32 @!p2 $0x0  }
0x1d: {  	s5 =	simm.s32 @p1 $0x1;
	p0 =	seq.s32 s7, s2  }
0x1e: {  	s7 =	smul.u32 @!p0 $0xF7A, s2;
	p2 =	seq.s32 @!p0 s5, $0x0  }
0x1f: {  	s9 =	smul.u32 $0xF7A, s1;
	s8 =	simm.s32 @!p0 $0x1BF5;
	p2 =	por !p2, p0  }
0x20: {  	[sflag:s8] =	ssyncset.s32 @!p0 $0xFFFFF086;
	s6 =	sadd.s32 @!p0 s3, s7;
	s7 =	simm.s32 @!p0 $0x108  }
0x21: {  	s3 =	sadd.s32 s3, s9;
	s6 =	sadd.s32 @!p0 $0x88, s6;
	s7 =	simm.s32 @p2 $0x1082  }
0x22: {  	[simem:s7], [sflag:s8] =	dma.local @!p0 [hbm:s6], $0xF7A  }
0x23: {  	s9 =	sor.u32 $0xD0000000, s2;
	s6 =	simm.s32 $0x108;
	_ =	swait.ge @!p0 [sflag:s8], $0x0  }
0x24: {  	s3 =	sadd.s32 $0x88, s3;
	s6 =	simm.s32 @!p1 $0x1082;
	[sflag:s4] =	ssyncset.s32 $0xFFFFF086  }
0x25: {  	[simem:s6], [sflag:s4] =	dma.local [hbm:s3], $0xF7A  }
0x26: {  	[smem:$0x3F97] =	sst s1;
	(tag) =	ssettag s2;
	_ =	strace s9  }
0x27: {  	s1 =	sld [smem:$0x3FA7]  }
0x28: {  	s2 =	sld [smem:$0x3FA8]  }
0x29: {  	s4 =	sld [smem:$0x3FAA]  }
0x2a: {  	p0 =	seq.s32 s5, $0x0;
	s5 =	sld [smem:$0x3FAB]  }
0x2b: {  	s6 =	sld [smem:$0x3FAC]  }
0x2c: {  	s7 =	sld [smem:$0x3FAD]  }
0x2d: {  	s3 =	simm.s32 $0x108;
	s8 =	sld [smem:$0x3FAE]  }
0x2e: {  	s3 =	simm.s32 @!p0 $0x1082;
	s9 =	sld [smem:$0x3FAF]  }
0x2f: {  	lr =	sadd.s32 s0, s3;
	s0 =	sld [smem:$0x3FA6]  }
0x30: {  	s3 =	sld [smem:$0x3FA9]  }
0x31: {  	[smem:$0x3FB2] =	sst s10  }
0x32: {  	s10 =	sld [smem:$0x3FB0];
	_ =	sdelay $0x3  }
0x33: {  	p0 =	seq.s32 s10, $0x1;
	s10 =	sld [smem:$0x3FB2];
	_ =	sdelay $0x3  }
0x34: {  	[smem:$0x3FB2] =	sst s10  }
0x35: {  	s10 =	sld [smem:$0x3FB1];
	_ =	sdelay $0x3  }
0x36: {  	p1 =	seq.s32 s10, $0x1;
	s10 =	sld [smem:$0x3FB2];
	_ =	sdelay $0x3  }
0x37: {  	[smem:$0x3FB2] =	sst s10  }
0x38: {  	s10 =	sld [smem:$0x3FB3]  }
0x39: {  	_ = 	snop;
	(pc) =	sbr.ind lr, $3  }
0x3a: {  	_ = 	snop  }
0x3b: {  	_ = 	snop  }
0x3c: {  	p2 =	seq.s32 s10, $0x1;
	s10 =	sld [smem:$0x3FB2]  }
0x3d: {  	_ =	shalt  }
0x3e: {  	_ =	shalt  }
0x3f: {  	_ =	shalt  }
0x40: {  	_ =	shalt  }
0x41: {  	_ =	shalt  }
0x42: {  	_ =	shalt  }
0x43: {  	_ =	shalt  }
0x44: {  	_ =	shalt  }
0x45: {  	_ =	shalt  }
0x46: {  	_ =	shalt  }
0x47: {  	_ =	shalt  }
0x48: {  	_ =	shalt  }
0x49: {  	_ =	shalt  }
0x4a: {  	_ =	shalt  }
0x4b: {  	_ =	shalt  }
0x4c: {  	_ =	shalt  }
0x4d: {  	_ =	shalt  }
0x4e: {  	_ =	shalt  }
0x4f: {  	_ =	shalt  }
0x50: {  	_ =	shalt  }
0x51: {  	_ =	shalt  }
0x52: {  	_ =	shalt  }
0x53: {  	_ =	shalt  }
0x54: {  	_ =	shalt  }
0x55: {  	_ =	shalt  }
0x56: {  	_ =	shalt  }
0x57: {  	_ =	shalt  }
0x58: {  	_ =	shalt  }
0x59: {  	_ =	shalt  }
0x5a: {  	_ =	shalt  }
0x5b: {  	_ =	shalt  }
0x5c: {  	_ =	shalt  }
0x5d: {  	_ =	shalt  }
0x5e: {  	_ =	shalt  }
0x5f: {  	_ =	shalt  }
0x60: {  	_ =	shalt  }
0x61: {  	_ =	shalt  }
0x62: {  	_ =	shalt  }
0x63: {  	_ =	shalt  }
0x64: {  	_ =	shalt  }
0x65: {  	_ =	shalt  }
0x66: {  	_ =	shalt  }
0x67: {  	_ =	shalt  }
0x68: {  	_ =	shalt  }
0x69: {  	_ =	shalt  }
0x6a: {  	_ =	shalt  }
0x6b: {  	_ =	shalt  }
0x6c: {  	_ =	shalt  }
0x6d: {  	_ =	shalt  }
0x6e: {  	_ =	shalt  }
0x6f: {  	_ =	shalt  }
0x70: {  	_ =	shalt  }
0x71: {  	_ =	shalt  }
0x72: {  	_ =	shalt  }
0x73: {  	_ =	shalt  }
0x74: {  	_ =	shalt  }
0x75: {  	_ =	shalt  }
0x76: {  	_ =	shalt  }
0x77: {  	_ =	shalt  }
0x78: {  	_ =	shalt  }
0x79: {  	_ =	shalt  }
0x7a: {  	_ =	shalt  }
0x7b: {  	_ =	shalt  }
0x7c: {  	_ =	shalt  }
0x7d: {  	_ =	shalt  }
0x7e: {  	_ =	shalt  }
0x7f: {  	_ =	shalt  }
0x80: {  	_ =	shalt  }
0x81: {  	_ =	shalt  }
0x82: {  	_ =	shalt  }
0x83: {  	_ =	shalt  }
0x84: {  	_ =	shalt  }
0x85: {  	_ =	shalt  }
0x86: {  	_ =	shalt  }
0x87: {  	_ =	shalt  }
.Lfunc_end0:
.L_simem_size_0:
called_computation.1_lowered:
.L_overlay_start_0:
0x88: {  	s2 =	sld [smem:$0x3FD9]  }
0x89: {  	s3 =	sld [smem:$0x3FFE];
	_ =	sdelay $0x1  }
0x8a: {  	s1 =	srdreg.scid  }
0x8b: {  	s0 =	sand.u32 $0x1, s1  }
0x8c: {  	s14 =	sshll.u32 s0, $0xA;
	s2 =	sadd.s32 s3, s2  }
0x8d: {  	s2 =	sadd.s32 s2, s14  }
0x8e: {  	[smem:$0x3FBE] =	sst s2  }
0x8f: {  	_ = 	snop  }
0x90: {  	s2 =	sld [smem:$0x3FD0];
	_ =	sdelay $0x1  }
0x91: {  	s15 =	sld [smem:$0x3FC7]  }
0x92: {  	s5 =	simm.s32 $0xA;
	s6 =	simm.s32 $0x10;
	s4 =	sld [smem:$0x3FC6]  }
0x93: {  	[smem:s6], [sflag:s5] =	dma.local [hbm:s2], $0x1  }
0x94: {  	_ =	swait.eq [sflag:s5], $0x1  }
0x95: {  	[sflag:s5] =	ssyncset.done $0x0  }
0x96: {  	[sflag:s5] =	ssyncadd.s32 $0xFFFFFFFF  }
0x97: {  	s16 =	sld [smem:$0x11];
	(tm) =	ssettm $0x1  }
0x98: {  	s17 =	sld [smem:$0x3FFB];
	_ =	sdelay $0x3  }
0x99: {  	_ =	strace s17  }
0x9a: {  	s5 =	sld [smem:$0x3FFC];
	_ =	sdelay $0x3  }
0x9b: {  	_ =	strace s5  }
0x9c: {  	s5 =	sld [smem:$0x3FFD];
	_ =	sdelay $0x3  }
0x9d: {  	_ =	strace s5  }
0x9e: {  	_ =	strace $0x8FFFFFFF  }
0x9f: {  	s18 =	sld [smem:$0x3FDB];
	_ =	sdelay $0x1  }
0xa0: {  	s19 =	simm.s32 $_scs_section_size  }
0xa1: {  	s7 =	simm.s32 $_size__tile_overlayer_lowered;
	s8 =	simm.s32 $_tile_overlayer_lowered  }
0xa2: {  	s22 =	simm.s32 $0x1BFF;
	s21 =	sshll.u32 s8, $0x1;
	s5 =	sadd.s32 s19, s18  }
0xa3: {  	s9 =	simm.s32 $0x0;
	s20 =	sshll.u32 s7, $0x1;
	s7 =	sadd.s32 s21, s5  }
0xa4: {  	[timem:s9], [sflag:s22] =	dma.local [hbm:s7], s20  }
0xa5: {  	_ =	swait.ge [sflag:s22], s20  }
0xa6: {  	s6 =	ssub.s32 $0x0, s20;
	[sflag:s22] =	ssyncset.done $0x0  }
0xa7: {  	[sflag:s22] =	ssyncadd.s32 s6;
	_ =	sdelay $0x1  }
0xa8: {  	s23 =	simm.s32 $0x1B8B  }
0xa9: {  	_ =	swait.ge [sflag:s23], $0x1  }
0xaa: {  	[sflag:s23] =	ssyncset.done $0x0  }
0xab: {  	s25 =	simm.s32 $0x1B8E;
	s24 =	sld [smem:$0x3FFE];
	[sflag:s23] =	ssyncadd.s32 $0xFFFFFFFF  }
0xac: {  	s26 =	simm.s32 $execute0_lowered;
	[smem:$0x3FD2] =	sst s25  }
0xad: {  	s7 =	sshll.u32 s26, $0x1;
	_ =	strace $0x80000049;
	[dreg:$0x1] =	wrdreg $0xFFFFFFFF  }
0xae: {  	s28 =	simm.s32 $_size_execute0_lowered;
	s5 =	sadd.s32 s5, s7;
	[dreg:$0x0] =	wrdreg $0x0  }
0xaf: {  	s7 =	sshll.u32 s28, $0x1;
	[dreg:$0x2] =	wrdreg s5  }
0xb0: {  	[dreg:$0x3] =	wrdreg s7  }
0xb1: {  	[dreg:$0x4] =	wrdreg $0xC0  }
0xb2: {  	_ =	task [dreg:s9], $0x5FFFF  }
0xb3: {  	[dreg:$0x1] =	wrdreg $0xFFFFFFFF  }
0xb4: {  	[dreg:$0x0] =	wrdreg $0x60  }
0xb5: {  	[dreg:$0x2] =	wrdreg s24  }
0xb6: {  	[dreg:$0x3] =	wrdreg s15  }
0xb7: {  	[dreg:$0x4] =	wrdreg s4  }
0xb8: {  	[dreg:$0x5] =	wrdreg s16  }
0xb9: {  	[dreg:$0x6] =	wrdreg $0x9  }
0xba: {  	_ =	task.clear_ibuf [dreg:s9], $0x7FFFF;
	_ =	strace $0x90000049  }
0xbb: {  	s29 =	simm.s32 $0x9;
	_ =	strace $0x8000004B  }
0xbc: {  	_ =	swait.ge [sflag:s29], $0x1  }
0xbd: {  	[sflag:s29] =	ssyncadd.s32 $0xFFFFFFFF  }
0xbe: {  	_ =	strace $0x9000004B  }
0xbf: {  	_ =	sfence  }
0xc0: {  	s30 =	sld [smem:$0x0];
	_ =	sdelay $0x2  }
0xc1: {  	s31 =	sshll.u32 s1, $0xD;
	s1 =	sshrl.u32 s1, $0x2  }
0xc2: {  	s3 =	sand.u32 $0x4000, s31;
	s1 =	sadd.s32 s1, s30  }
0xc3: {  	s0 =	sor.u32 s3, s0;
	s1 =	sshll.u32 s1, $0x11  }
0xc4: {  	s0 =	sor.u32 s1, s0  }
0xc5: {  	s0 =	sadd.s32 $0x8F2B, s0  }
0xc6: {  	[sflag:s0] =	ssyncadd.remote.s32 $0x1  }
0xc7: {  	_ =	sfence.sel $0xFFFF  }
0xc8: {  	[dreg:$0x0] =	wrdreg $0xFFFFFFFF;
	(pc) =	sbr.abs _section_cstart, $3  }
0xc9: {  	[dreg:$0x1] =	wrdreg $0xFFFFFFFF  }
0xca: {  	_ =	task.clear_ibuf [dreg:s9], $0x2FFFF;
	_ =	strace $0x9FFFFFFF  }
0xcb: {  	(tm) =	ssettm $0x7FFFFFFF  }
tec
execute0_lowered:
.L_overlay_start_1:
0x0: {  	(tag) =	ssettag $0x1  }
0x1: {  	s0 =	rddreg [dreg:$0x0]  }
0x2: {  	s2 =	srdreg.scid;
	s4 =	stileid.u32  }
0x3: {  	s1 =	rddreg [dreg:$0x1];
	s2 =	sand.u32 $0x1, s2;
	s4 =	sshll.u32 s4, $0x1  }
0x4: {  	s3 =	rddreg [dreg:$0x2];
	s5 =	simm.s32 $0x0;
	s4 =	sor.u32 s2, s4  }
0x5: {  	[smem:$0x7FF] =	sst s5;
	s10 =	sadd.s32 $0x1800, s0;
	s4 =	smul.u32 $0x180, s4  }
0x6: {  	s6 =	sadd.s32 $0xEC00, s0;
	s7 =	sadd.s32 $0x12200, s0;
	s2 =	ssub.s32 $0x2, s2  }
0x7: {  	s8 =	sadd.s32 $0xB600, s0;
	s11 =	sshrl.u32 s2, $0x1;
	s4 =	smin.u32 s4, $0x2590  }
0x8: {  	s2 =	ssub.s32 s2, s11;
	s9 =	sshll.u32 s4, $0x4;
	s4 =	sshrl.u32 s4, $0x3  }
0x9: {  	s26 =	smax.u32 s2, $0x1;
	s0 =	sadd.s32 s9, s0;
	s9 =	sadd.s32 s10, s4  }
0xa: {  	_ =	strace $0x8000004A;
	[dreg:$0x14] =	wrdreg s26;
	s14 =	sadd.s32 $0x4E2, s9  }
0xb: {  	s15 =	sadd.s32 $0x9C4, s9;
	[dreg:$0x5] =	wrdreg s14  }
0xc: {  	s16 =	sadd.s32 $0xEA6, s9;
	[dreg:$0x6] =	wrdreg s15  }
0xd: {  	s17 =	sadd.s32 $0x1388, s9;
	[dreg:$0x7] =	wrdreg s16  }
0xe: {  	s18 =	sadd.s32 $0x186A, s9;
	[dreg:$0x8] =	wrdreg s17  }
0xf: {  	s19 =	sadd.s32 $0x1D4C, s9;
	[dreg:$0x9] =	wrdreg s18  }
0x10: {  	s20 =	sadd.s32 $0x222E, s9;
	[dreg:$0xa] =	wrdreg s19  }
0x11: {  	s21 =	sadd.s32 $0x2710, s9;
	[dreg:$0xb] =	wrdreg s20  }
0x12: {  	s4 =	sadd.s32 $0x30D4, s4;
	s22 =	sadd.s32 $0x2BF2, s9;
	[dreg:$0xc] =	wrdreg s21  }
0x13: {  	s10 =	sadd.s32 s10, s4;
	[dreg:$0xd] =	wrdreg s22  }
0x14: {  	s23 =	sadd.s32 s6, s4;
	[dreg:$0xe] =	wrdreg s10  }
0x15: {  	s24 =	sadd.s32 s7, s4;
	[dreg:$0xf] =	wrdreg s23  }
0x16: {  	s4 =	sadd.s32 s8, s4;
	[dreg:$0x10] =	wrdreg s24  }
0x17: {  	s25 =	sadd.s32 $0x15800, s0;
	[dreg:$0x11] =	wrdreg s4  }
0x18: {  	s0 =	sadd.s32 $0x3CA00, s0;
	[dreg:$0x12] =	wrdreg s25  }
0x19: {  	s2 =	sadd.s32 $0x35B6, s9;
	[dreg:$0x13] =	wrdreg s0  }
0x1a: {  	s11 =	sadd.s32 $0x445C, s9;
	[dreg:$0x15] =	wrdreg s2  }
0x1b: {  	s12 =	sadd.s32 $0x493E, s9;
	[dreg:$0x18] =	wrdreg s11  }
0x1c: {  	s13 =	sadd.s32 $0x4E20, s9;
	[dreg:$0x19] =	wrdreg s12  }
0x1d: {  	s26 =	sadd.s32 $0x8D9A, s9;
	[dreg:$0x1a] =	wrdreg s13  }
0x1e: {  	s4 =	sadd.s32 $0x3A98, s9;
	[smem:$0x7FD] =	sst s26  }
0x1f: {  	s10 =	sadd.s32 $0x3F7A, s9;
	[dreg:$0x16] =	wrdreg s4  }
0x20: {  	s14 =	sadd.s32 $0x5302, s9;
	[dreg:$0x17] =	wrdreg s10  }
0x21: {  	s15 =	sadd.s32 $0x57E4, s9;
	[dreg:$0x1b] =	wrdreg s14  }
0x22: {  	s16 =	sadd.s32 $0x5CC6, s9;
	[dreg:$0x1c] =	wrdreg s15  }
0x23: {  	s17 =	sadd.s32 $0x61A8, s9;
	[dreg:$0x1d] =	wrdreg s16  }
0x24: {  	s28 =	simm.s32 $0x3480;
	s18 =	sadd.s32 $0x668A, s9;
	[dreg:$0x1e] =	wrdreg s17  }
0x25: {  	s29 =	simm.s32 $0x3200;
	s19 =	sadd.s32 $0x6B6C, s9;
	[dreg:$0x1f] =	wrdreg s18  }
0x26: {  	s30 =	simm.s32 $0x3380;
	s20 =	sadd.s32 $0x704E, s9;
	[smem:$0x7F6] =	sst s19  }
0x27: {  	s31 =	simm.s32 $0x3500;
	s21 =	sadd.s32 $0x7530, s9;
	[smem:$0x7F7] =	sst s20  }
0x28: {  	s22 =	sadd.s32 $0x7A12, s9;
	s23 =	sadd.s32 $0x7EF4, s9;
	[smem:$0x7F8] =	sst s21  }
0x29: {  	s24 =	sadd.s32 $0x83D6, s9;
	s25 =	sadd.s32 $0x88B8, s9;
	[smem:$0x7F9] =	sst s22  }
0x2a: {  	s26 =	simm.s32 $0x3300;
	s0 =	simm.s32 $0x3280;
	[smem:$0x7FA] =	sst s23  }
0x2b: {  	s2 =	simm.s32 $0x3400;
	s11 =	simm.s32 $0x3;
	[smem:$0x7FB] =	sst s24  }
0x2c: {  	s12 =	simm.s32 $0x4380;
	s13 =	simm.s32 $0x10380;
	[smem:$0x7FC] =	sst s25  }
0x2d: {  	s21 =	sadd.s32 $0x927C, s9;
	s22 =	sadd.s32 $0x975E, s9;
	s23 =	simm.s32 $0x1  }
0x2e: {  	v0 =	vlaneseq.u32;
	s24 =	simm.s32 $0x80;
	s25 =	simm.s32 $0x3180;
	s4 =	simm.s32 $0x3580  }
0x2f: {  	v0 =	vmul.u32 $0x80, v0;
	s10 =	simm.s32 $0x2;
	s14 =	simm.s32 $0x4;
	s15 =	simm.s32 $0x0  }
.LBB2_1:
0x30: {  	[tilespmem:s5], [sflag:$0x1] =	stream.linear.gather [hbm4b:s9+s5], $0x180, $0x38;
	[tilespmem:$0x1C400] =	vst v63  }
0x31: {  	s16 =	rddreg [dreg:$0x5]  }
0x32: {  	s17 =	simm.s32 $0x180;
	s19 =	rddreg [dreg:$0x7]  }
0x33: {  	[tilespmem:s17], [sflag:$0x1] =	stream.linear.gather [hbm4b:s16+s5], $0x180, $0x38;
	[tilespmem:$0x1C400] =	vst v63  }
0x34: {  	s18 =	simm.s32 $0x300;
	s17 =	rddreg [dreg:$0x6]  }
0x35: {  	[tilespmem:s18], [sflag:$0x1] =	stream.linear.gather [hbm4b:s17+s5], $0x180, $0x38;
	[tilespmem:$0x1C400] =	vst v63  }
0x36: {  	s20 =	simm.s32 $0x480;
	s17 =	rddreg [dreg:$0x8]  }
0x37: {  	[tilespmem:s20], [sflag:$0x1] =	stream.linear.gather [hbm4b:s19+s5], $0x180, $0x38;
	[tilespmem:$0x1C400] =	vst v63  }
0x38: {  	s18 =	simm.s32 $0x600;
	s19 =	rddreg [dreg:$0x9]  }
0x39: {  	[tilespmem:s18], [sflag:$0x1] =	stream.linear.gather [hbm4b:s17+s5], $0x180, $0x38;
	[tilespmem:$0x1C400] =	vst v63  }
0x3a: {  	s20 =	simm.s32 $0x780;
	s17 =	rddreg [dreg:$0xa]  }
0x3b: {  	[tilespmem:s20], [sflag:$0x1] =	stream.linear.gather [hbm4b:s19+s5], $0x180, $0x38;
	[tilespmem:$0x1C400] =	vst v63  }
0x3c: {  	s18 =	simm.s32 $0x900;
	s19 =	rddreg [dreg:$0xb]  }
0x3d: {  	[tilespmem:s18], [sflag:$0x1] =	stream.linear.gather [hbm4b:s17+s5], $0x180, $0x38;
	[tilespmem:$0x1C400] =	vst v63  }
0x3e: {  	s20 =	simm.s32 $0xA80;
	s17 =	rddreg [dreg:$0xc]  }
0x3f: {  	[tilespmem:s20], [sflag:$0x1] =	stream.linear.gather [hbm4b:s19+s5], $0x180, $0x38;
	[tilespmem:$0x1C400] =	vst v63  }
0x40: {  	s18 =	simm.s32 $0xC00;
	s19 =	rddreg [dreg:$0xd]  }
0x41: {  	[tilespmem:s18], [sflag:$0x1] =	stream.linear.gather [hbm4b:s17+s5], $0x180, $0x38;
	[tilespmem:$0x1C400] =	vst v63  }
0x42: {  	s20 =	simm.s32 $0xD80;
	s17 =	rddreg [dreg:$0xe]  }
0x43: {  	[tilespmem:s20], [sflag:$0x1] =	stream.linear.gather [hbm4b:s19+s5], $0x180, $0x38;
	[tilespmem:$0x1C400] =	vst v63  }
0x44: {  	s18 =	simm.s32 $0xF00;
	s19 =	rddreg [dreg:$0x15]  }
0x45: {  	[tilespmem:s18], [sflag:$0x1] =	stream.linear.gather [hbm4b:s17+s5], $0x180, $0x38;
	[tilespmem:$0x1C400] =	vst v63  }
0x46: {  	s20 =	simm.s32 $0x1080;
	s17 =	rddreg [dreg:$0x16]  }
0x47: {  	[tilespmem:s20], [sflag:$0x1] =	stream.linear.gather [hbm4b:s19+s5], $0x180, $0x38;
	[tilespmem:$0x1C400] =	vst v63  }
0x48: {  	s18 =	simm.s32 $0x1200;
	s19 =	rddreg [dreg:$0x17]  }
0x49: {  	[tilespmem:s18], [sflag:$0x1] =	stream.linear.gather [hbm4b:s17+s5], $0x180, $0x38;
	[tilespmem:$0x1C400] =	vst v63  }
0x4a: {  	s20 =	simm.s32 $0x1380;
	s17 =	rddreg [dreg:$0x18]  }
0x4b: {  	[tilespmem:s20], [sflag:$0x1] =	stream.linear.gather [hbm4b:s19+s5], $0x180, $0x38;
	[tilespmem:$0x1C400] =	vst v63  }
0x4c: {  	s18 =	simm.s32 $0x1500;
	s19 =	rddreg [dreg:$0x19]  }
0x4d: {  	[tilespmem:s18], [sflag:$0x1] =	stream.linear.gather [hbm4b:s17+s5], $0x180, $0x38;
	[tilespmem:$0x1C400] =	vst v63  }
0x4e: {  	s20 =	simm.s32 $0x1680;
	s17 =	rddreg [dreg:$0x1a]  }
0x4f: {  	[tilespmem:s20], [sflag:$0x1] =	stream.linear.gather [hbm4b:s19+s5], $0x180, $0x38;
	[tilespmem:$0x1C400] =	vst v63  }
0x50: {  	s18 =	simm.s32 $0x1800;
	s19 =	rddreg [dreg:$0x1b]  }
0x51: {  	[tilespmem:s18], [sflag:$0x1] =	stream.linear.gather [hbm4b:s17+s5], $0x180, $0x38;
	[tilespmem:$0x1C400] =	vst v63  }
0x52: {  	s20 =	simm.s32 $0x1980;
	s17 =	rddreg [dreg:$0x1c]  }
0x53: {  	[tilespmem:s20], [sflag:$0x1] =	stream.linear.gather [hbm4b:s19+s5], $0x180, $0x38;
	[tilespmem:$0x1C400] =	vst v63  }
0x54: {  	s18 =	simm.s32 $0x1B00;
	s19 =	rddreg [dreg:$0x1d]  }
0x55: {  	[tilespmem:s18], [sflag:$0x1] =	stream.linear.gather [hbm4b:s17+s5], $0x180, $0x38;
	[tilespmem:$0x1C400] =	vst v63  }
0x56: {  	s20 =	simm.s32 $0x1C80;
	s17 =	rddreg [dreg:$0x1e]  }
0x57: {  	[tilespmem:s20], [sflag:$0x1] =	stream.linear.gather [hbm4b:s19+s5], $0x180, $0x38;
	[tilespmem:$0x1C400] =	vst v63  }
0x58: {  	s18 =	simm.s32 $0x1E00;
	s19 =	rddreg [dreg:$0x1f]  }
0x59: {  	[tilespmem:s18], [sflag:$0x1] =	stream.linear.gather [hbm4b:s17+s5], $0x180, $0x38;
	[tilespmem:$0x1C400] =	vst v63  }
0x5a: {  	s20 =	simm.s32 $0x1F80;
	s17 =	sld [smem:$0x7F6]  }
0x5b: {  	[tilespmem:s20], [sflag:$0x1] =	stream.linear.gather [hbm4b:s19+s5], $0x180, $0x38;
	[tilespmem:$0x1C400] =	vst v63  }
0x5c: {  	s18 =	simm.s32 $0x2100;
	s19 =	sld [smem:$0x7F7]  }
0x5d: {  	[tilespmem:s18], [sflag:$0x1] =	stream.linear.gather [hbm4b:s17+s5], $0x180, $0x38;
	[tilespmem:$0x1C400] =	vst v63  }
0x5e: {  	s20 =	simm.s32 $0x2280;
	s17 =	sld [smem:$0x7F8]  }
0x5f: {  	[tilespmem:s20], [sflag:$0x1] =	stream.linear.gather [hbm4b:s19+s5], $0x180, $0x38;
	[tilespmem:$0x1C400] =	vst v63  }
0x60: {  	s18 =	simm.s32 $0x2400;
	s19 =	sld [smem:$0x7F9]  }
0x61: {  	[tilespmem:s18], [sflag:$0x1] =	stream.linear.gather [hbm4b:s17+s5], $0x180, $0x38;
	[tilespmem:$0x1C400] =	vst v63  }
0x62: {  	s20 =	simm.s32 $0x2580;
	s17 =	sld [smem:$0x7FA]  }
0x63: {  	[tilespmem:s20], [sflag:$0x1] =	stream.linear.gather [hbm4b:s19+s5], $0x180, $0x38;
	[tilespmem:$0x1C400] =	vst v63  }
0x64: {  	s18 =	simm.s32 $0x2700;
	s19 =	sld [smem:$0x7FB]  }
0x65: {  	[tilespmem:s18], [sflag:$0x1] =	stream.linear.gather [hbm4b:s17+s5], $0x180, $0x38;
	[tilespmem:$0x1C400] =	vst v63  }
0x66: {  	s20 =	simm.s32 $0x2880;
	s17 =	sld [smem:$0x7FC]  }
0x67: {  	[tilespmem:s20], [sflag:$0x1] =	stream.linear.gather [hbm4b:s19+s5], $0x180, $0x38;
	[tilespmem:$0x1C400] =	vst v63  }
0x68: {  	s18 =	simm.s32 $0x2A00;
	s19 =	sld [smem:$0x7FD]  }
0x69: {  	[tilespmem:s18], [sflag:$0x1] =	stream.linear.gather [hbm4b:s17+s5], $0x180, $0x38;
	[tilespmem:$0x1C400] =	vst v63  }
0x6a: {  	s20 =	simm.s32 $0x2B80  }
0x6b: {  	[tilespmem:s20], [sflag:$0x1] =	stream.linear.gather [hbm4b:s19+s5], $0x180, $0x38;
	[tilespmem:$0x1C400] =	vst v63  }
0x6c: {  	s17 =	simm.s32 $0x2D00  }
0x6d: {  	[tilespmem:s17], [sflag:$0x1] =	stream.linear.gather [hbm4b:s21+s5], $0x180, $0x38;
	[tilespmem:$0x1C400] =	vst v63  }
0x6e: {  	s18 =	simm.s32 $0x2E80  }
0x6f: {  	[tilespmem:s18], [sflag:$0x1] =	stream.linear.gather [hbm4b:s22+s5], $0x180, $0x38;
	[tilespmem:$0x1C400] =	vst v63  }
0x70: {  	s19 =	rddreg [dreg:$0x3];
	s20 =	simm.s32 $0x1C380  }
0x71: {  	[tilespmem:s20], [sflag:$0x1] =	stream.linear.gather [hbm4b:s19+s5], $0x80, $0x38;
	[tilespmem:$0x1C400] =	vst v63  }
0x72: {  	s17 =	rddreg [dreg:$0xf];
	s18 =	simm.s32 $0x3F00  }
0x73: {  	[tilespmem:s18], [sflag:$0x1] =	stream.linear.gather [hbm4b:s17+s5], $0x180, $0x38;
	[tilespmem:$0x1C400] =	vst v63  }
0x74: {  	s19 =	rddreg [dreg:$0x10];
	s20 =	simm.s32 $0x4080  }
0x75: {  	[tilespmem:s20], [sflag:$0x1] =	stream.linear.gather [hbm4b:s19+s5], $0x180, $0x38;
	[tilespmem:$0x1C400] =	vst v63  }
0x76: {  	s18 =	rddreg [dreg:$0x11];
	s19 =	simm.s32 $0x4200  }
0x77: {  	[tilespmem:s19], [sflag:$0x1] =	stream.linear.gather [hbm4b:s18+s5], $0x180, $0x38;
	[tilespmem:$0x1C400] =	vst v63  }
0x78: {  	_ =	swait.ge [sflag:s23], $0x180  }
0x79: {  	[sflag:s23] =	ssyncset.done $0x0  }
0x7a: {  	[sflag:s23] =	ssyncadd.s32 $0xFFFFFE80  }
0x7b: {  	_ =	swait.ge [sflag:s23], $0x180  }
0x7c: {  	[sflag:s23] =	ssyncset.done $0x0  }
0x7d: {  	[sflag:s23] =	ssyncadd.s32 $0xFFFFFE80  }
0x7e: {  	_ =	swait.ge [sflag:s23], $0x180  }
0x7f: {  	[sflag:s23] =	ssyncset.done $0x0  }
0x80: {  	[sflag:s23] =	ssyncadd.s32 $0xFFFFFE80  }
0x81: {  	_ =	swait.ge [sflag:s23], $0x180  }
0x82: {  	[sflag:s23] =	ssyncset.done $0x0  }
0x83: {  	[sflag:s23] =	ssyncadd.s32 $0xFFFFFE80  }
0x84: {  	_ =	swait.ge [sflag:s23], $0x180  }
0x85: {  	[sflag:s23] =	ssyncset.done $0x0  }
0x86: {  	[sflag:s23] =	ssyncadd.s32 $0xFFFFFE80  }
0x87: {  	_ =	swait.ge [sflag:s23], $0x180  }
0x88: {  	[sflag:s23] =	ssyncset.done $0x0  }
0x89: {  	[sflag:s23] =	ssyncadd.s32 $0xFFFFFE80  }
0x8a: {  	_ =	swait.ge [sflag:s23], $0x180  }
0x8b: {  	[sflag:s23] =	ssyncset.done $0x0  }
0x8c: {  	[sflag:s23] =	ssyncadd.s32 $0xFFFFFE80  }
0x8d: {  	_ =	swait.ge [sflag:s23], $0x180  }
0x8e: {  	[sflag:s23] =	ssyncset.done $0x0  }
0x8f: {  	[sflag:s23] =	ssyncadd.s32 $0xFFFFFE80  }
0x90: {  	_ =	swait.ge [sflag:s23], $0x180  }
0x91: {  	[sflag:s23] =	ssyncset.done $0x0  }
0x92: {  	[sflag:s23] =	ssyncadd.s32 $0xFFFFFE80  }
0x93: {  	_ =	swait.ge [sflag:s23], $0x180  }
0x94: {  	[sflag:s23] =	ssyncset.done $0x0  }
0x95: {  	[sflag:s23] =	ssyncadd.s32 $0xFFFFFE80  }
0x96: {  	_ =	swait.ge [sflag:s23], $0x180  }
0x97: {  	[sflag:s23] =	ssyncset.done $0x0  }
0x98: {  	[sflag:s23] =	ssyncadd.s32 $0xFFFFFE80  }
0x99: {  	_ =	swait.ge [sflag:s23], $0x180  }
0x9a: {  	[sflag:s23] =	ssyncset.done $0x0  }
0x9b: {  	[sflag:s23] =	ssyncadd.s32 $0xFFFFFE80  }
0x9c: {  	_ =	swait.ge [sflag:s23], $0x180  }
0x9d: {  	[sflag:s23] =	ssyncset.done $0x0  }
0x9e: {  	[sflag:s23] =	ssyncadd.s32 $0xFFFFFE80  }
0x9f: {  	_ =	swait.ge [sflag:s23], $0x180  }
0xa0: {  	[sflag:s23] =	ssyncset.done $0x0  }
0xa1: {  	[sflag:s23] =	ssyncadd.s32 $0xFFFFFE80  }
0xa2: {  	_ =	swait.ge [sflag:s23], $0x180  }
0xa3: {  	[sflag:s23] =	ssyncset.done $0x0  }
0xa4: {  	[sflag:s23] =	ssyncadd.s32 $0xFFFFFE80  }
0xa5: {  	_ =	swait.ge [sflag:s23], $0x180  }
0xa6: {  	[sflag:s23] =	ssyncset.done $0x0  }
0xa7: {  	[sflag:s23] =	ssyncadd.s32 $0xFFFFFE80  }
0xa8: {  	_ =	swait.ge [sflag:s23], $0x180  }
0xa9: {  	[sflag:s23] =	ssyncset.done $0x0  }
0xaa: {  	[sflag:s23] =	ssyncadd.s32 $0xFFFFFE80  }
0xab: {  	_ =	swait.ge [sflag:s23], $0x180  }
0xac: {  	[sflag:s23] =	ssyncset.done $0x0  }
0xad: {  	[sflag:s23] =	ssyncadd.s32 $0xFFFFFE80  }
0xae: {  	_ =	swait.ge [sflag:s23], $0x180  }
0xaf: {  	[sflag:s23] =	ssyncset.done $0x0  }
0xb0: {  	[sflag:s23] =	ssyncadd.s32 $0xFFFFFE80  }
0xb1: {  	_ =	swait.ge [sflag:s23], $0x180  }
0xb2: {  	[sflag:s23] =	ssyncset.done $0x0  }
0xb3: {  	[sflag:s23] =	ssyncadd.s32 $0xFFFFFE80  }
0xb4: {  	_ =	swait.ge [sflag:s23], $0x180  }
0xb5: {  	[sflag:s23] =	ssyncset.done $0x0  }
0xb6: {  	[sflag:s23] =	ssyncadd.s32 $0xFFFFFE80  }
0xb7: {  	_ =	swait.ge [sflag:s23], $0x180  }
0xb8: {  	[sflag:s23] =	ssyncset.done $0x0  }
0xb9: {  	[sflag:s23] =	ssyncadd.s32 $0xFFFFFE80  }
0xba: {  	_ =	swait.ge [sflag:s23], $0x180  }
0xbb: {  	[sflag:s23] =	ssyncset.done $0x0  }
0xbc: {  	[sflag:s23] =	ssyncadd.s32 $0xFFFFFE80  }
0xbd: {  	_ =	swait.ge [sflag:s23], $0x180  }
0xbe: {  	[sflag:s23] =	ssyncset.done $0x0  }
0xbf: {  	[sflag:s23] =	ssyncadd.s32 $0xFFFFFE80  }
0xc0: {  	_ =	swait.ge [sflag:s23], $0x180  }
0xc1: {  	[sflag:s23] =	ssyncset.done $0x0  }
0xc2: {  	[sflag:s23] =	ssyncadd.s32 $0xFFFFFE80  }
0xc3: {  	_ =	swait.ge [sflag:s23], $0x180  }
0xc4: {  	[sflag:s23] =	ssyncset.done $0x0  }
0xc5: {  	[sflag:s23] =	ssyncadd.s32 $0xFFFFFE80  }
0xc6: {  	_ =	swait.ge [sflag:s23], $0x180  }
0xc7: {  	[sflag:s23] =	ssyncset.done $0x0  }
0xc8: {  	[sflag:s23] =	ssyncadd.s32 $0xFFFFFE80  }
0xc9: {  	_ =	swait.ge [sflag:s23], $0x180  }
0xca: {  	[sflag:s23] =	ssyncset.done $0x0  }
0xcb: {  	[sflag:s23] =	ssyncadd.s32 $0xFFFFFE80  }
0xcc: {  	_ =	swait.ge [sflag:s23], $0x180  }
0xcd: {  	[sflag:s23] =	ssyncset.done $0x0  }
0xce: {  	[sflag:s23] =	ssyncadd.s32 $0xFFFFFE80  }
0xcf: {  	_ =	swait.ge [sflag:s23], $0x180  }
0xd0: {  	[sflag:s23] =	ssyncset.done $0x0  }
0xd1: {  	[sflag:s23] =	ssyncadd.s32 $0xFFFFFE80  }
0xd2: {  	_ =	swait.ge [sflag:s23], $0x180  }
0xd3: {  	[sflag:s23] =	ssyncset.done $0x0  }
0xd4: {  	[sflag:s23] =	ssyncadd.s32 $0xFFFFFE80  }
0xd5: {  	_ =	swait.ge [sflag:s23], $0x180  }
0xd6: {  	[sflag:s23] =	ssyncset.done $0x0  }
0xd7: {  	[sflag:s23] =	ssyncadd.s32 $0xFFFFFE80  }
0xd8: {  	_ =	swait.ge [sflag:s23], $0x80  }
0xd9: {  	[sflag:s23] =	ssyncset.done $0x0  }
0xda: {  	[sflag:s23] =	ssyncadd.s32 $0xFFFFFF80  }
0xdb: {  	_ =	swait.ge [sflag:s23], $0x180  }
0xdc: {  	[sflag:s23] =	ssyncset.done $0x0  }
0xdd: {  	[sflag:s23] =	ssyncadd.s32 $0xFFFFFE80  }
0xde: {  	_ =	swait.ge [sflag:s23], $0x180  }
0xdf: {  	[sflag:s23] =	ssyncset.done $0x0  }
0xe0: {  	[sflag:s23] =	ssyncadd.s32 $0xFFFFFE80  }
0xe1: {  	_ =	swait.ge [sflag:s23], $0x180  }
0xe2: {  	[sflag:s23] =	ssyncset.done $0x0  }
0xe3: {  	[sflag:s23] =	ssyncadd.s32 $0xFFFFFE80  }
0xe4: {  	s20 =	sand.u32 $0x1F0, s5;
	v1 =	vld [tilespmem:s5+$0x0]  }
0xe5: {  	v2 =	vld [tilespmem:s20+$0x180];
	_ =	sdelay $0x1  }
0xe6: {  	v3 =	vld [tilespmem:s20+$0x300];
	_ =	sdelay $0x1  }
0xe7: {  	v4 =	vld [tilespmem:s20+$0x480]  }
0xe8: {  	vm0 =	vgt.s32 v1, v2  }
0xe9: {  	v1 =	vsel vm0, v1, v2;
	v2 =	vld [tilespmem:s20+$0x600]  }
0xea: {  	vm0 =	vgt.s32 v1, v3  }
0xeb: {  	v1 =	vsel vm0, v1, v3;
	v3 =	vld [tilespmem:s20+$0x780]  }
0xec: {  	vm0 =	vgt.s32 v1, v4  }
0xed: {  	v55 =	vld [tilespmem:s20+$0x900];
	v1 =	vsel vm0, v1, v4  }
0xee: {  	vm0 =	vgt.s32 v1, v2  }
0xef: {  	v1 =	vsel vm0, v1, v2;
	v2 =	vld [tilespmem:s20+$0xA80]  }
0xf0: {  	vm0 =	vgt.s32 v1, v3  }
0xf1: {  	v1 =	vsel vm0, v1, v3;
	v3 =	vld [tilespmem:s20+$0xC00]  }
0xf2: {  	vm0 =	vgt.s32 v1, v55  }
0xf3: {  	v56 =	vld [tilespmem:s20+$0xD80];
	v1 =	vsel vm0, v1, v55  }
0xf4: {  	vm0 =	vgt.s32 v1, v2  }
0xf5: {  	v1 =	vsel vm0, v1, v2;
	v2 =	vld [tilespmem:s20+$0xF00]  }
0xf6: {  	vm0 =	vgt.s32 v1, v3  }
0xf7: {  	v1 =	vsel vm0, v1, v3;
	v3 =	vld [tilespmem:s20+$0x1080]  }
0xf8: {  	vm0 =	vgt.s32 v1, v56  }
0xf9: {  	v57 =	vld [tilespmem:s20+$0x1200];
	v1 =	vsel vm0, v1, v56  }
0xfa: {  	vm0 =	vgt.s32 v1, v2  }
0xfb: {  	v1 =	vsel vm0, v1, v2;
	v2 =	vld [tilespmem:s20+$0x1380]  }
0xfc: {  	vm0 =	vgt.s32 v1, v3  }
0xfd: {  	v1 =	vsel vm0, v1, v3;
	v3 =	vld [tilespmem:s20+$0x1500]  }
0xfe: {  	vm0 =	vgt.s32 v1, v57  }
0xff: {  	v58 =	vld [tilespmem:s20+$0x1680];
	v1 =	vsel vm0, v1, v57  }
0x100: {  	vm0 =	vgt.s32 v1, v2  }
0x101: {  	v1 =	vsel vm0, v1, v2;
	v2 =	vld [tilespmem:s20+$0x1800]  }
0x102: {  	vm0 =	vgt.s32 v1, v3  }
0x103: {  	v1 =	vsel vm0, v1, v3;
	v3 =	vld [tilespmem:s20+$0x1980]  }
0x104: {  	vm0 =	vgt.s32 v1, v58  }
0x105: {  	v59 =	vld [tilespmem:s20+$0x1B00];
	v1 =	vsel vm0, v1, v58  }
0x106: {  	vm0 =	vgt.s32 v1, v2  }
0x107: {  	v1 =	vsel vm0, v1, v2;
	v2 =	vld [tilespmem:s20+$0x1C80]  }
0x108: {  	vm0 =	vgt.s32 v1, v3  }
0x109: {  	v1 =	vsel vm0, v1, v3;
	v3 =	vld [tilespmem:s20+$0x1E00]  }
0x10a: {  	vm0 =	vgt.s32 v1, v59  }
0x10b: {  	v60 =	vld [tilespmem:s20+$0x1F80];
	v1 =	vsel vm0, v1, v59  }
0x10c: {  	vm0 =	vgt.s32 v1, v2  }
0x10d: {  	v1 =	vsel vm0, v1, v2;
	v2 =	vld [tilespmem:s20+$0x2100]  }
0x10e: {  	vm0 =	vgt.s32 v1, v3  }
0x10f: {  	v1 =	vsel vm0, v1, v3;
	v3 =	vld [tilespmem:s20+$0x2280]  }
0x110: {  	vm0 =	vgt.s32 v1, v60  }
0x111: {  	v61 =	vld [tilespmem:s20+$0x2400];
	v1 =	vsel vm0, v1, v60  }
0x112: {  	vm0 =	vgt.s32 v1, v2  }
0x113: {  	v1 =	vsel vm0, v1, v2;
	v2 =	vld [tilespmem:s20+$0x2580]  }
0x114: {  	vm0 =	vgt.s32 v1, v3  }
0x115: {  	v1 =	vsel vm0, v1, v3;
	v3 =	vld [tilespmem:s20+$0x2700]  }
0x116: {  	vm0 =	vgt.s32 v1, v61  }
0x117: {  	v62 =	vld [tilespmem:s20+$0x2880];
	v1 =	vsel vm0, v1, v61  }
0x118: {  	vm0 =	vgt.s32 v1, v2  }
0x119: {  	v1 =	vsel vm0, v1, v2;
	v2 =	vld [tilespmem:s20+$0x2A00]  }
0x11a: {  	vm0 =	vgt.s32 v1, v3  }
0x11b: {  	v1 =	vsel vm0, v1, v3;
	v3 =	vld [tilespmem:s20+$0x2B80]  }
0x11c: {  	vm0 =	vgt.s32 v1, v62  }
0x11d: {  	v63 =	vld [tilespmem:s20+$0x2D00];
	v1 =	vsel vm0, v1, v62  }
0x11e: {  	vm0 =	vgt.s32 v1, v2  }
0x11f: {  	v1 =	vsel vm0, v1, v2;
	v2 =	vld [tilespmem:s20+$0x2E80]  }
0x120: {  	vm0 =	vgt.s32 v1, v3  }
0x121: {  	v1 =	vsel vm0, v1, v3  }
0x122: {  	vm0 =	vgt.s32 v1, v63  }
0x123: {  	v1 =	vsel vm0, v1, v63  }
0x124: {  	vm0 =	vgt.s32 v1, v2  }
0x125: {  	v1 =	vsel vm0, v1, v2  }
0x126: {  	v2 =	vshra.s32 v1, $0x1F  }
0x127: {  	s16 =	simm.s32 $0x3000;
	vm0 =	vgt.s32 v1, $0x0;
	v2 =	vor.u32 v2, v1  }
0x128: {  	s17 =	simm.s32 $0x10;
	s18 =	simm.s32 $0x3180;
	s19 =	simm.s32 $0x0;
	v1 =	vnsel vm0, $0x0, v1;
	[tilespmem:s16+$0x0] =	vst v2  }
.LBB2_2:
0x129: {  	[tilespmem:s18+$0x0] =	vst v1;
	s19 =	sadd.s32 $0x10, s19;
	s16 =	sadd.s32 $0x10, s16;
	s18 =	sadd.s32 $0x10, s18  }
0x12a: {  	s20 =	sand.u32 $0x1F0, s17;
	p0 =	sne.s32 s17, $0x170;
	s17 =	sadd.s32 $0x10, s17;
	v1 =	vld [tilespmem:s19+$0x0]  }
0x12b: {  	v2 =	vld [tilespmem:s20+$0x180];
	_ =	sdelay $0x1  }
0x12c: {  	v3 =	vld [tilespmem:s20+$0x300];
	_ =	sdelay $0x1  }
0x12d: {  	v4 =	vld [tilespmem:s20+$0x480]  }
0x12e: {  	vm0 =	vgt.s32 v1, v2  }
0x12f: {  	v1 =	vsel vm0, v1, v2;
	v2 =	vld [tilespmem:s20+$0x600]  }
0x130: {  	vm0 =	vgt.s32 v1, v3  }
0x131: {  	v1 =	vsel vm0, v1, v3;
	v3 =	vld [tilespmem:s20+$0x780]  }
0x132: {  	vm0 =	vgt.s32 v1, v4  }
0x133: {  	v1 =	vsel vm0, v1, v4;
	v4 =	vld [tilespmem:s20+$0x900]  }
0x134: {  	vm0 =	vgt.s32 v1, v2  }
0x135: {  	v1 =	vsel vm0, v1, v2;
	v2 =	vld [tilespmem:s20+$0xA80]  }
0x136: {  	vm0 =	vgt.s32 v1, v3  }
0x137: {  	v1 =	vsel vm0, v1, v3;
	v3 =	vld [tilespmem:s20+$0xC00]  }
0x138: {  	vm0 =	vgt.s32 v1, v4  }
0x139: {  	v1 =	vsel vm0, v1, v4;
	v4 =	vld [tilespmem:s20+$0xD80]  }
0x13a: {  	vm0 =	vgt.s32 v1, v2  }
0x13b: {  	v1 =	vsel vm0, v1, v2;
	v2 =	vld [tilespmem:s20+$0xF00]  }
0x13c: {  	vm0 =	vgt.s32 v1, v3  }
0x13d: {  	v1 =	vsel vm0, v1, v3;
	v3 =	vld [tilespmem:s20+$0x1080]  }
0x13e: {  	vm0 =	vgt.s32 v1, v4  }
0x13f: {  	v1 =	vsel vm0, v1, v4;
	v4 =	vld [tilespmem:s20+$0x1200]  }
0x140: {  	vm0 =	vgt.s32 v1, v2  }
0x141: {  	v1 =	vsel vm0, v1, v2;
	v2 =	vld [tilespmem:s20+$0x1380]  }
0x142: {  	vm0 =	vgt.s32 v1, v3  }
0x143: {  	v1 =	vsel vm0, v1, v3;
	v3 =	vld [tilespmem:s20+$0x1500]  }
0x144: {  	vm0 =	vgt.s32 v1, v4  }
0x145: {  	v1 =	vsel vm0, v1, v4;
	v4 =	vld [tilespmem:s20+$0x1680]  }
0x146: {  	vm0 =	vgt.s32 v1, v2  }
0x147: {  	v1 =	vsel vm0, v1, v2;
	v2 =	vld [tilespmem:s20+$0x1800]  }
0x148: {  	vm0 =	vgt.s32 v1, v3  }
0x149: {  	v1 =	vsel vm0, v1, v3;
	v3 =	vld [tilespmem:s20+$0x1980]  }
0x14a: {  	vm0 =	vgt.s32 v1, v4  }
0x14b: {  	v1 =	vsel vm0, v1, v4;
	v4 =	vld [tilespmem:s20+$0x1B00]  }
0x14c: {  	vm0 =	vgt.s32 v1, v2  }
0x14d: {  	v1 =	vsel vm0, v1, v2;
	v2 =	vld [tilespmem:s20+$0x1C80]  }
0x14e: {  	vm0 =	vgt.s32 v1, v3  }
0x14f: {  	v1 =	vsel vm0, v1, v3;
	v3 =	vld [tilespmem:s20+$0x1E00]  }
0x150: {  	vm0 =	vgt.s32 v1, v4  }
0x151: {  	v1 =	vsel vm0, v1, v4;
	v4 =	vld [tilespmem:s20+$0x1F80]  }
0x152: {  	vm0 =	vgt.s32 v1, v2  }
0x153: {  	v1 =	vsel vm0, v1, v2;
	v2 =	vld [tilespmem:s20+$0x2100]  }
0x154: {  	vm0 =	vgt.s32 v1, v3  }
0x155: {  	v1 =	vsel vm0, v1, v3;
	v3 =	vld [tilespmem:s20+$0x2280]  }
0x156: {  	vm0 =	vgt.s32 v1, v4  }
0x157: {  	v1 =	vsel vm0, v1, v4;
	v4 =	vld [tilespmem:s20+$0x2400]  }
0x158: {  	vm0 =	vgt.s32 v1, v2  }
0x159: {  	v1 =	vsel vm0, v1, v2;
	v2 =	vld [tilespmem:s20+$0x2580]  }
0x15a: {  	vm0 =	vgt.s32 v1, v3  }
0x15b: {  	v1 =	vsel vm0, v1, v3;
	v3 =	vld [tilespmem:s20+$0x2700]  }
0x15c: {  	vm0 =	vgt.s32 v1, v4  }
0x15d: {  	v1 =	vsel vm0, v1, v4;
	v4 =	vld [tilespmem:s20+$0x2880]  }
0x15e: {  	vm0 =	vgt.s32 v1, v2  }
0x15f: {  	v1 =	vsel vm0, v1, v2;
	v2 =	vld [tilespmem:s20+$0x2A00]  }
0x160: {  	vm0 =	vgt.s32 v1, v3  }
0x161: {  	v1 =	vsel vm0, v1, v3;
	v3 =	vld [tilespmem:s20+$0x2B80]  }
0x162: {  	vm0 =	vgt.s32 v1, v4  }
0x163: {  	v1 =	vsel vm0, v1, v4;
	v4 =	vld [tilespmem:s20+$0x2D00]  }
0x164: {  	vm0 =	vgt.s32 v1, v2  }
0x165: {  	v1 =	vsel vm0, v1, v2;
	v2 =	vld [tilespmem:s20+$0x2E80]  }
0x166: {  	vm0 =	vgt.s32 v1, v3  }
0x167: {  	v1 =	vsel vm0, v1, v3  }
0x168: {  	vm0 =	vgt.s32 v1, v4  }
0x169: {  	v1 =	vsel vm0, v1, v4  }
.Ltmp0:
0x16a: {  	vm0 =	vgt.s32 v1, v2;
	(pc) =	sbr.rel @p0 .LBB2_2-.Ltmp0, $4  }
0x16b: {  	v1 =	vsel vm0, v1, v2  }
0x16c: {  	v2 =	vshra.s32 v1, $0x1F;
	vm0 =	vgt.s32 v1, $0x0  }
0x16d: {  	v2 =	vor.u32 v2, v1;
	v1 =	vnsel vm0, $0x0, v1  }
0x16e: {  	[tilespmem:s16+$0x0] =	vst v2  }
0x16f: {  	[tilespmem:s18+$0x0] =	vst v1  }
0x170: {  	[tilespmem:s26], [sflag:$0x2] =	stream.indirect.gather [hbm4b:s1+s24], $0x1, s25, s24, $0xb8;
	[tilespmem:$0x1C400] =	vst v63  }
0x171: {  	_ = 	snop  }
0x172: {  	[tilespmem:s28], [sflag:$0x2] =	stream.indirect.gather [hbm4b:s3+s24], $0x1, s25, s24, $0xb8;
	[tilespmem:$0x1C400] =	vst v63  }
0x173: {  	_ = 	snop  }
0x174: {  	[tilespmem:s30], [sflag:$0x2] =	stream.indirect.gather [hbm4b:s1+s24], $0x1, s29, s24, $0xb8;
	[tilespmem:$0x1C400] =	vst v63  }
0x175: {  	_ = 	snop  }
0x176: {  	[tilespmem:s31], [sflag:$0x2] =	stream.indirect.gather [hbm4b:s3+s24], $0x1, s29, s24, $0xb8;
	[tilespmem:$0x1C400] =	vst v63  }
0x177: {  	_ = 	snop  }
0x178: {  	[tilespmem:s2], [sflag:$0x2] =	stream.indirect.gather [hbm4b:s1+s24], $0x1, s0, s24, $0xb8;
	[tilespmem:$0x1C400] =	vst v63  }
0x179: {  	_ = 	snop  }
0x17a: {  	[tilespmem:s4], [sflag:$0x2] =	stream.indirect.gather [hbm4b:s3+s24], $0x1, s0, s24, $0xb8;
	[tilespmem:$0x1C400] =	vst v63  }
0x17b: {  	_ =	swait.ge [sflag:s10], $0x80  }
0x17c: {  	[sflag:s10] =	ssyncset.done $0x0  }
0x17d: {  	[sflag:s10] =	ssyncadd.s32 $0xFFFFFF80  }
0x17e: {  	_ =	swait.ge [sflag:s10], $0x80  }
0x17f: {  	[sflag:s10] =	ssyncset.done $0x0  }
0x180: {  	[sflag:s10] =	ssyncadd.s32 $0xFFFFFF80  }
0x181: {  	_ =	swait.ge [sflag:s10], $0x80  }
0x182: {  	[sflag:s10] =	ssyncset.done $0x0  }
0x183: {  	[sflag:s10] =	ssyncadd.s32 $0xFFFFFF80  }
0x184: {  	_ =	swait.ge [sflag:s10], $0x80  }
0x185: {  	[sflag:s10] =	ssyncset.done $0x0  }
0x186: {  	[sflag:s10] =	ssyncadd.s32 $0xFFFFFF80  }
0x187: {  	_ =	swait.ge [sflag:s10], $0x80  }
0x188: {  	[sflag:s10] =	ssyncset.done $0x0  }
0x189: {  	[sflag:s10] =	ssyncadd.s32 $0xFFFFFF80  }
0x18a: {  	_ =	swait.ge [sflag:s10], $0x80  }
0x18b: {  	[sflag:s10] =	ssyncset.done $0x0  }
0x18c: {  	s16 =	simm.s32 $0x3600;
	[sflag:s10] =	ssyncadd.s32 $0xFFFFFF80  }
0x18d: {  	[tilespmem:s16], [sflag:$0x3] =	stream.indirect.gather [hbm4b:s6+s24], $0x1, s26, s24, $0xb8;
	[tilespmem:$0x1C400] =	vst v63  }
0x18e: {  	s19 =	simm.s32 $0x3A80  }
0x18f: {  	[tilespmem:s19], [sflag:$0x3] =	stream.indirect.gather [hbm4b:s6+s24], $0x1, s28, s24, $0xb8;
	[tilespmem:$0x1C400] =	vst v63  }
0x190: {  	s20 =	simm.s32 $0x3780  }
0x191: {  	[tilespmem:s20], [sflag:$0x3] =	stream.indirect.gather [hbm4b:s7+s24], $0x1, s26, s24, $0xb8;
	[tilespmem:$0x1C400] =	vst v63  }
0x192: {  	s17 =	simm.s32 $0x3C00  }
0x193: {  	[tilespmem:s17], [sflag:$0x3] =	stream.indirect.gather [hbm4b:s7+s24], $0x1, s28, s24, $0xb8;
	[tilespmem:$0x1C400] =	vst v63  }
0x194: {  	s18 =	simm.s32 $0x3900  }
0x195: {  	[tilespmem:s18], [sflag:$0x3] =	stream.indirect.gather [hbm4b:s8+s24], $0x1, s26, s24, $0xb8;
	[tilespmem:$0x1C400] =	vst v63  }
0x196: {  	s19 =	simm.s32 $0x3D80  }
0x197: {  	[tilespmem:s19], [sflag:$0x3] =	stream.indirect.gather [hbm4b:s8+s24], $0x1, s28, s24, $0xb8;
	[tilespmem:$0x1C400] =	vst v63  }
0x198: {  	s20 =	simm.s32 $0x3680  }
0x199: {  	[tilespmem:s20], [sflag:$0x3] =	stream.indirect.gather [hbm4b:s6+s24], $0x1, s30, s24, $0xb8;
	[tilespmem:$0x1C400] =	vst v63  }
0x19a: {  	s17 =	simm.s32 $0x3B00  }
0x19b: {  	[tilespmem:s17], [sflag:$0x3] =	stream.indirect.gather [hbm4b:s6+s24], $0x1, s31, s24, $0xb8;
	[tilespmem:$0x1C400] =	vst v63  }
0x19c: {  	s18 =	simm.s32 $0x3800  }
0x19d: {  	[tilespmem:s18], [sflag:$0x3] =	stream.indirect.gather [hbm4b:s7+s24], $0x1, s30, s24, $0xb8;
	[tilespmem:$0x1C400] =	vst v63  }
0x19e: {  	s19 =	simm.s32 $0x3C80  }
0x19f: {  	[tilespmem:s19], [sflag:$0x3] =	stream.indirect.gather [hbm4b:s7+s24], $0x1, s31, s24, $0xb8;
	[tilespmem:$0x1C400] =	vst v63  }
0x1a0: {  	s20 =	simm.s32 $0x3980  }
0x1a1: {  	[tilespmem:s20], [sflag:$0x3] =	stream.indirect.gather [hbm4b:s8+s24], $0x1, s30, s24, $0xb8;
	[tilespmem:$0x1C400] =	vst v63  }
0x1a2: {  	s17 =	simm.s32 $0x3E00  }
0x1a3: {  	[tilespmem:s17], [sflag:$0x3] =	stream.indirect.gather [hbm4b:s8+s24], $0x1, s31, s24, $0xb8;
	[tilespmem:$0x1C400] =	vst v63  }
0x1a4: {  	s18 =	simm.s32 $0x3700  }
0x1a5: {  	[tilespmem:s18], [sflag:$0x3] =	stream.indirect.gather [hbm4b:s6+s24], $0x1, s2, s24, $0xb8;
	[tilespmem:$0x1C400] =	vst v63  }
0x1a6: {  	s19 =	simm.s32 $0x3B80  }
0x1a7: {  	[tilespmem:s19], [sflag:$0x3] =	stream.indirect.gather [hbm4b:s6+s24], $0x1, s4, s24, $0xb8;
	[tilespmem:$0x1C400] =	vst v63  }
0x1a8: {  	s20 =	simm.s32 $0x3880  }
0x1a9: {  	[tilespmem:s20], [sflag:$0x3] =	stream.indirect.gather [hbm4b:s7+s24], $0x1, s2, s24, $0xb8;
	[tilespmem:$0x1C400] =	vst v63  }
0x1aa: {  	s17 =	simm.s32 $0x3D00  }
0x1ab: {  	[tilespmem:s17], [sflag:$0x3] =	stream.indirect.gather [hbm4b:s7+s24], $0x1, s4, s24, $0xb8;
	[tilespmem:$0x1C400] =	vst v63  }
0x1ac: {  	s18 =	simm.s32 $0x3A00  }
0x1ad: {  	[tilespmem:s18], [sflag:$0x3] =	stream.indirect.gather [hbm4b:s8+s24], $0x1, s2, s24, $0xb8;
	[tilespmem:$0x1C400] =	vst v63  }
0x1ae: {  	s19 =	simm.s32 $0x3E80  }
0x1af: {  	[tilespmem:s19], [sflag:$0x3] =	stream.indirect.gather [hbm4b:s8+s24], $0x1, s4, s24, $0xb8;
	[tilespmem:$0x1C400] =	vst v63  }
0x1b0: {  	v9 =	vld [tilespmem:$0x1C380];
	_ =	swait.ge [sflag:s11], $0x80  }
0x1b1: {  	[sflag:s11] =	ssyncset.done $0x0  }
0x1b2: {  	[sflag:s11] =	ssyncadd.s32 $0xFFFFFF80  }
0x1b3: {  	_ =	swait.ge [sflag:s11], $0x80  }
0x1b4: {  	[sflag:s11] =	ssyncset.done $0x0  }
0x1b5: {  	[sflag:s11] =	ssyncadd.s32 $0xFFFFFF80  }
0x1b6: {  	_ =	swait.ge [sflag:s11], $0x80  }
0x1b7: {  	[sflag:s11] =	ssyncset.done $0x0  }
0x1b8: {  	[sflag:s11] =	ssyncadd.s32 $0xFFFFFF80  }
0x1b9: {  	_ =	swait.ge [sflag:s11], $0x80  }
0x1ba: {  	[sflag:s11] =	ssyncset.done $0x0  }
0x1bb: {  	[sflag:s11] =	ssyncadd.s32 $0xFFFFFF80  }
0x1bc: {  	_ =	swait.ge [sflag:s11], $0x80  }
0x1bd: {  	[sflag:s11] =	ssyncset.done $0x0  }
0x1be: {  	[sflag:s11] =	ssyncadd.s32 $0xFFFFFF80  }
0x1bf: {  	_ =	swait.ge [sflag:s11], $0x80  }
0x1c0: {  	[sflag:s11] =	ssyncset.done $0x0  }
0x1c1: {  	s20 =	simm.s32 $0x0;
	[sflag:s11] =	ssyncadd.s32 $0xFFFFFF80  }
0x1c2: {  	v10 =	vld [tilespmem:s20+$0x4080]  }
0x1c3: {  	v12 =	vld [tilespmem:s20+$0x3C00]  }
0x1c4: {  	v13 =	vld [tilespmem:s20+$0x3A80]  }
0x1c5: {  	v14 =	vld [tilespmem:s20+$0x3780]  }
0x1c6: {  	v15 =	vld [tilespmem:s20+$0x3600]  }
0x1c7: {  	v1 =	vbroadcast v9, $0x0;
	v2 =	vbroadcast v9, $0x1;
	v43 =	vld [tilespmem:s20+$0x3900]  }
0x1c8: {  	v3 =	vbroadcast v9, $0x2;
	v4 =	vbroadcast v9, $0x3;
	v45 =	vld [tilespmem:s20+$0x3D80]  }
0x1c9: {  	v5 =	vbroadcast v9, $0x4;
	v6 =	vbroadcast v9, $0x5;
	v11 =	vld [tilespmem:s20+$0x3F00]  }
0x1ca: {  	v7 =	vbroadcast v9, $0x6;
	v8 =	vbroadcast v9, $0x7;
	v47 =	vld [tilespmem:s20+$0x4200]  }
0x1cb: {  	v9 =	vbroadcast v9, $0x8;
	v16 =	vxor.u32 $0x80000000, v12;
	v17 =	vxor.u32 $0x80000000, v13  }
0x1cc: {  	v18 =	vxor.u32 $0x80000000, v14;
	v19 =	vxor.u32 $0x80000000, v15;
	v22 =	vxor.u32 $0x80000000, v43  }
0x1cd: {  	v25 =	vxor.u32 $0x80000000, v45;
	vm0 =	vge.f32 v16, v10;
	vm1 =	vge.f32 v18, v16  }
0x1ce: {  	vm2 =	vge.f32 v19, v17;
	vm3 =	vge.f32 v19, v11;
	vm4 =	vge.f32 v18, v10  }
0x1cf: {  	vm5 =	vge.f32 v17, v11;
	vm13 =	vge.f32 v25, v47;
	vm2 =	vmand vm2, vm3  }
0x1d0: {  	vm14 =	vge.f32 v22, v25;
	vm1 =	vmand vm1, vm4;
	vm3 =	vmneg vm2  }
0x1d1: {  	v44 =	vnsel vm2, $0x0, v1;
	vm4 =	vmor vm0, vm1;
	vm2 =	vmor vm5, vm2  }
0x1d2: {  	vm9 =	vmneg vm1;
	v49 =	vnsel vm1, $0x0, v2;
	vm3 =	vmand vm5, vm3  }
0x1d3: {  	v15 =	vsub.f32 v15, v44;
	v20 =	vsel vm2, $0x0, v1;
	vm0 =	vmand vm0, vm9  }
0x1d4: {  	v48 =	vsel vm4, $0x0, v2;
	v14 =	vsub.f32 v14, v49;
	v46 =	vnsel vm3, $0x0, v1  }
0x1d5: {  	v20 =	vadd.f32 v20, v11;
	v21 =	vnsel vm0, $0x0, v2;
	v13 =	vsub.f32 v13, v46  }
0x1d6: {  	vm9 =	vge.f32 v22, v47;
	v17 =	vadd.f32 v48, v10;
	v12 =	vsub.f32 v12, v21  }
0x1d7: {  	v23 =	vxor.u32 $0x80000000, v15;
	v57 =	vxor.u32 $0x80000000, v14;
	v24 =	vxor.u32 $0x80000000, v13  }
0x1d8: {  	vm12 =	vge.f32 v23, v20;
	v53 =	vxor.u32 $0x80000000, v12;
	vm10 =	vge.f32 v23, v24  }
0x1d9: {  	vm11 =	vge.f32 v24, v20;
	vm0 =	vmand vm12, vm10;
	vm10 =	vge.f32 v57, v53  }
0x1da: {  	vm15 =	vmneg vm0;
	vm8 =	vmor vm11, vm0;
	v50 =	vnsel vm0, $0x0, v4  }
0x1db: {  	vm0 =	vmand vm14, vm9;
	vm2 =	vmand vm11, vm15;
	v51 =	vsel vm8, $0x0, v4  }
0x1dc: {  	vm1 =	vmneg vm0;
	v26 =	vnsel vm0, $0x0, v3;
	vm0 =	vmor vm13, vm0  }
0x1dd: {  	v15 =	vsub.f32 v50, v15;
	vm11 =	vge.f32 v57, v17;
	v52 =	vnsel vm2, $0x0, v4  }
0x1de: {  	vm1 =	vmand vm13, vm1;
	v20 =	vadd.f32 v51, v20;
	v16 =	vsub.f32 v43, v26  }
0x1df: {  	v55 =	vsel vm0, $0x0, v3;
	vm0 =	vmand vm11, vm10;
	v13 =	vsub.f32 v52, v13  }
0x1e0: {  	v54 =	vnsel vm1, $0x0, v3;
	v56 =	vadd.f32 v55, v47;
	vm1 =	vge.f32 v53, v17  }
0x1e1: {  	vm14 =	vmneg vm0;
	v18 =	vsub.f32 v45, v54;
	vm12 =	vge.f32 v15, v20  }
0x1e2: {  	vm7 =	vmor vm1, vm0;
	vm1 =	vmand vm1, vm14;
	vm2 =	vge.f32 v15, v13  }
0x1e3: {  	v15 =	vxor.u32 $0x80000000, v16;
	vm13 =	vmneg vm12;
	vm6 =	vge.f32 v13, v20  }
0x1e4: {  	v13 =	vnsel vm1, $0x0, v5;
	v59 =	vsel vm7, $0x0, v5;
	v58 =	vxor.u32 $0x80000000, v18  }
0x1e5: {  	vm6 =	vmneg vm6;
	vm9 =	vge.f32 v15, v56;
	vm2 =	vmneg vm2  }
0x1e6: {  	v12 =	vsub.f32 v13, v12;
	v13 =	vnsel vm0, $0x0, v5;
	v17 =	vadd.f32 v59, v17  }
0x1e7: {  	vm15 =	vge.f32 v15, v58;
	vm8 =	vge.f32 v58, v56;
	vm2 =	vmor vm2, vm13  }
0x1e8: {  	v13 =	vsub.f32 v13, v14;
	vm10 =	vmand vm9, vm15;
	vm14 =	vmand vm6, vm2  }
0x1e9: {  	vm11 =	vmneg vm10;
	v15 =	vnsel vm10, $0x0, v6;
	vm13 =	vmor vm8, vm10  }
0x1ea: {  	vm15 =	vge.f32 v13, v12;
	vm9 =	vge.f32 v13, v17;
	vm12 =	vmand vm8, vm11  }
0x1eb: {  	v61 =	vsel vm13, $0x0, v6;
	v15 =	vsub.f32 v15, v16;
	v60 =	vnsel vm12, $0x0, v6  }
0x1ec: {  	vm8 =	vge.f32 v12, v17;
	v62 =	vadd.f32 v61, v56;
	v14 =	vsub.f32 v60, v18  }
0x1ed: {  	vm3 =	vmneg vm9;
	vm1 =	vmneg vm15;
	vm2 =	vmneg vm8  }
0x1ee: {  	v12 =	vld [tilespmem:s20+$0x3000];
	vm1 =	vmor vm1, vm3;
	vm11 =	vge.f32 v15, v62;
	vm10 =	vge.f32 v15, v14  }
0x1ef: {  	vm5 =	vmneg vm11;
	vm12 =	vge.f32 v14, v62;
	vm4 =	vmneg vm10  }
0x1f0: {  	vm1 =	vmand vm2, vm1;
	vm13 =	vmneg vm12;
	vm4 =	vmor vm4, vm5  }
0x1f1: {  	v13 =	vnsel vm14, $0x0, v7;
	v14 =	vnsel vm1, $0x0, v8;
	vm14 =	vmand vm13, vm4  }
0x1f2: {  	v13 =	vadd.f32 v13, v20;
	v14 =	vadd.f32 v14, v17;
	v15 =	vnsel vm14, $0x0, v9  }
0x1f3: {  	vm15 =	vgt.s32 v12, $0xFFFFFFFF;
	v12 =	vadd.f32 v15, v62  }
0x1f4: {  	v15 =	vsel vm15, v13, v11;
	v11 =	vsel vm15, v14, v10  }
0x1f5: {  	v10 =	vsel vm15, v12, v47;
	v12 =	vmax.f32 v15, v11  }
0x1f6: {  	s16 =	simm.s32 $0x0;
	v12 =	vmax.f32 v12, v10  }
0x1f7: {  	v13 =	vmov s16;
	v14 =	vsub.f32 v15, v12  }
0x1f8: {  	v13 =	vshll.u32 v13, $0x7;
	v63 =	vsub.f32 v11, v12  }
0x1f9: {  	v13 =	vor.u32 v0, v13;
	v14 =	vmul.f32 $1.442695020e+00, v14  }
0x1fa: {  	v12 =	vsub.f32 v10, v12;
	v16 =	vmul.f32 $1.442695020e+00, v63  }
0x1fb: {  	(erf) = vpow2.f32 v14  }
0x1fc: {  	v12 =	vmul.f32 $1.442695020e+00, v12;
	(erf) = vpow2.f32 v16;
	_ =	sdelay $0x1  }
0x1fd: {  	s17 =	simm.s32 $0x40;
	[tilespmem:v13+s12+$0x0] =	vst.idx.msk $0xffff, v15;
	(erf) = vpow2.f32 v12  }
.LBB2_4:
0x1fe: {  	_ =	sdelay $0x1  }
0x1ff: {  	p0 =	sne.s32 s17, $0x1C0  }
0x200: {  	s16 =	sadd.s32 $0x10, s16;
	s18 =	smov.u32 s17;
	s17 =	sadd.s32 $0x40, s17  }
0x201: {  	_ = 	snop  }
0x202: {  	v12 =	vpop (erf)  }
0x203: {  	v14 =	vpop (erf)  }
0x204: {  	v15 =	vadd.f32 v14, v12  }
0x205: {  	v16 =	vpop (erf)  }
0x206: {  	v15 =	vadd.f32 v15, v16;
	_ =	sdelay $0x1  }
0x207: {  	(erf) = vrcp.f32 v15;
	_ =	sdelay $0x7  }
0x208: {  	v15 =	vor.u32 $0x1, v13  }
0x209: {  	v17 =	vpop (erf)  }
0x20a: {  	v18 =	vor.u32 $0x2, v13;
	v12 =	vmul.f32 v17, v12;
	v14 =	vmul.f32 v17, v14  }
0x20b: {  	v16 =	vmul.f32 v17, v16  }
0x20c: {  	[tilespmem:v13+s13+$0x0] =	vst.idx.msk $0xffff, v12  }
0x20d: {  	[tilespmem:v15+s12+$0x0] =	vst.idx.msk $0xffff, v11  }
0x20e: {  	[tilespmem:v15+s13+$0x0] =	vst.idx.msk $0xffff, v14  }
0x20f: {  	s18 =	sshra.s32 s18, $0x2;
	[tilespmem:v18+s12+$0x0] =	vst.idx.msk $0xffff, v10  }
0x210: {  	[tilespmem:v18+s13+$0x0] =	vst.idx.msk $0xffff, v16  }
0x211: {  	v10 =	vld [tilespmem:s18+$0x4080]  }
0x212: {  	v13 =	vld [tilespmem:s18+$0x3C00]  }
0x213: {  	v14 =	vld [tilespmem:s18+$0x3A80]  }
0x214: {  	v15 =	vld [tilespmem:s18+$0x3780]  }
0x215: {  	v12 =	vld [tilespmem:s18+$0x3600]  }
0x216: {  	v11 =	vld [tilespmem:s18+$0x3F00];
	_ =	sdelay $0x1  }
0x217: {  	v16 =	vxor.u32 $0x80000000, v13  }
0x218: {  	v17 =	vxor.u32 $0x80000000, v14;
	vm0 =	vge.f32 v16, v10;
	v18 =	vxor.u32 $0x80000000, v15  }
0x219: {  	v19 =	vxor.u32 $0x80000000, v12;
	vm1 =	vge.f32 v18, v16;
	vm2 =	vge.f32 v18, v10  }
0x21a: {  	vm3 =	vge.f32 v19, v17;
	vm4 =	vge.f32 v19, v11;
	vm5 =	vge.f32 v17, v11  }
0x21b: {  	v16 =	vmov s16;
	vm1 =	vmand vm1, vm2;
	v17 =	vld [tilespmem:s18+$0x3900];
	vm3 =	vmand vm3, vm4  }
0x21c: {  	vm4 =	vmor vm0, vm1;
	v18 =	vld [tilespmem:s18+$0x3D80];
	vm2 =	vmneg vm3;
	v19 =	vnsel vm3, $0x0, v1  }
0x21d: {  	vm3 =	vmor vm5, vm3;
	vm2 =	vmand vm5, vm2;
	v19 =	vsub.f32 v12, v19  }
0x21e: {  	v21 =	vsel vm3, $0x0, v1;
	v12 =	vld [tilespmem:s18+$0x4200];
	v20 =	vnsel vm2, $0x0, v1;
	vm2 =	vmneg vm1  }
0x21f: {  	v14 =	vsub.f32 v14, v20;
	vm0 =	vmand vm0, vm2;
	v20 =	vsel vm4, $0x0, v2  }
0x220: {  	v21 =	vadd.f32 v21, v11;
	v22 =	vnsel vm0, $0x0, v2;
	v23 =	vxor.u32 $0x80000000, v17  }
0x221: {  	v25 =	vxor.u32 $0x80000000, v19;
	v24 =	vxor.u32 $0x80000000, v18;
	v26 =	vxor.u32 $0x80000000, v14  }
0x222: {  	v13 =	vsub.f32 v13, v22;
	vm0 =	vge.f32 v25, v26;
	vm2 =	vge.f32 v26, v21  }
0x223: {  	vm3 =	vge.f32 v25, v21;
	v22 =	vnsel vm1, $0x0, v2;
	vm1 =	vge.f32 v24, v12  }
0x224: {  	v20 =	vadd.f32 v20, v10;
	vm4 =	vge.f32 v23, v24;
	vm0 =	vmand vm3, vm0  }
0x225: {  	vm3 =	vmneg vm0;
	vm5 =	vmor vm2, vm0;
	v24 =	vnsel vm0, $0x0, v4  }
0x226: {  	vm0 =	vge.f32 v23, v12;
	vm2 =	vmand vm2, vm3;
	v23 =	vsel vm5, $0x0, v4  }
0x227: {  	v26 =	vxor.u32 $0x80000000, v13;
	vm0 =	vmand vm4, vm0;
	v25 =	vnsel vm2, $0x0, v4  }
0x228: {  	vm2 =	vmneg vm0;
	v27 =	vnsel vm0, $0x0, v3;
	v14 =	vsub.f32 v25, v14  }
0x229: {  	vm0 =	vmor vm1, vm0;
	v21 =	vadd.f32 v23, v21;
	vm2 =	vmand vm1, vm2  }
0x22a: {  	v16 =	vshll.u32 v16, $0x7;
	v15 =	vsub.f32 v15, v22;
	v17 =	vsub.f32 v17, v27  }
0x22b: {  	v19 =	vsub.f32 v24, v19;
	v23 =	vsel vm0, $0x0, v3;
	v22 =	vnsel vm2, $0x0, v3  }
0x22c: {  	v18 =	vsub.f32 v18, v22;
	v22 =	vadd.f32 v23, v12;
	v23 =	vxor.u32 $0x80000000, v15  }
0x22d: {  	vm1 =	vge.f32 v26, v20;
	vm2 =	vge.f32 v19, v14;
	vm0 =	vge.f32 v23, v26  }
0x22e: {  	vm4 =	vge.f32 v19, v21;
	vm3 =	vge.f32 v23, v20;
	v23 =	vxor.u32 $0x80000000, v18  }
0x22f: {  	v19 =	vxor.u32 $0x80000000, v17;
	vm0 =	vmand vm3, vm0;
	vm3 =	vmneg vm4  }
0x230: {  	vm6 =	vge.f32 v14, v21;
	vm4 =	vmneg vm0;
	vm5 =	vge.f32 v19, v23  }
0x231: {  	vm6 =	vmneg vm6;
	vm7 =	vmor vm1, vm0;
	vm8 =	vge.f32 v23, v22  }
0x232: {  	vm2 =	vmneg vm2;
	vm1 =	vmand vm1, vm4;
	vm4 =	vge.f32 v19, v22  }
0x233: {  	vm2 =	vmor vm2, vm3;
	v14 =	vnsel vm1, $0x0, v5;
	vm1 =	vmand vm4, vm5  }
0x234: {  	vm3 =	vmneg vm1;
	v19 =	vnsel vm1, $0x0, v6;
	v14 =	vsub.f32 v14, v13  }
0x235: {  	v23 =	vsel vm7, $0x0, v5;
	v13 =	vnsel vm0, $0x0, v5;
	vm0 =	vmand vm8, vm3  }
0x236: {  	v20 =	vadd.f32 v23, v20;
	v23 =	vnsel vm0, $0x0, v6;
	vm0 =	vmand vm6, vm2  }
0x237: {  	vm1 =	vmor vm8, vm1;
	v15 =	vsub.f32 v13, v15;
	v18 =	vsub.f32 v23, v18  }
0x238: {  	v17 =	vsub.f32 v19, v17;
	v13 =	vor.u32 v0, v16;
	v23 =	vsel vm1, $0x0, v6  }
0x239: {  	vm2 =	vge.f32 v14, v20;
	vm1 =	vge.f32 v15, v14;
	v16 =	vadd.f32 v23, v22  }
0x23a: {  	vm3 =	vge.f32 v15, v20;
	vm2 =	vmneg vm2;
	vm4 =	vge.f32 v17, v18  }
0x23b: {  	vm3 =	vmneg vm3;
	vm4 =	vmneg vm4;
	vm5 =	vge.f32 v17, v16  }
0x23c: {  	v15 =	vnsel vm0, $0x0, v7;
	vm0 =	vmneg vm1;
	vm1 =	vmneg vm5;
	v14 =	vld [tilespmem:s18+$0x3000]  }
0x23d: {  	vm0 =	vmor vm0, vm3;
	vm3 =	vge.f32 v18, v16;
	vm1 =	vmor vm4, vm1  }
0x23e: {  	v15 =	vadd.f32 v15, v21;
	vm0 =	vmand vm2, vm0;
	vm2 =	vmneg vm3  }
0x23f: {  	v17 =	vnsel vm0, $0x0, v8;
	vm0 =	vmand vm2, vm1  }
0x240: {  	v17 =	vadd.f32 v17, v20;
	v18 =	vnsel vm0, $0x0, v9  }
0x241: {  	vm0 =	vgt.s32 v14, $0xFFFFFFFF;
	v14 =	vadd.f32 v18, v16  }
0x242: {  	v15 =	vsel vm0, v15, v11;
	v11 =	vsel vm0, v17, v10  }
0x243: {  	v10 =	vsel vm0, v14, v12;
	v12 =	vmax.f32 v15, v11;
	[tilespmem:v13+s12+$0x0] =	vst.idx.msk $0xffff, v15  }
0x244: {  	v12 =	vmax.f32 v12, v10  }
0x245: {  	v14 =	vsub.f32 v15, v12;
	v15 =	vsub.f32 v11, v12  }
0x246: {  	v12 =	vsub.f32 v10, v12  }
0x247: {  	v14 =	vmul.f32 $1.442695020e+00, v14;
	v15 =	vmul.f32 $1.442695020e+00, v15  }
.Ltmp1:
0x248: {  	v12 =	vmul.f32 $1.442695020e+00, v12;
	(pc) =	sbr.rel @p0 .LBB2_4-.Ltmp1, $3  }
0x249: {  	(erf) = vpow2.f32 v14  }
0x24a: {  	(erf) = vpow2.f32 v15;
	_ =	sdelay $0x1  }
0x24b: {  	(erf) = vpow2.f32 v12  }
0x24c: {  	_ =	sdelay $0x4  }
0x24d: {  	v12 =	vpop (erf)  }
0x24e: {  	v14 =	vpop (erf)  }
0x24f: {  	v15 =	vadd.f32 v14, v12  }
0x250: {  	v16 =	vpop (erf)  }
0x251: {  	v15 =	vadd.f32 v15, v16;
	_ =	sdelay $0x1  }
0x252: {  	(erf) = vrcp.f32 v15;
	_ =	sdelay $0x7  }
0x253: {  	v15 =	vor.u32 $0x1, v13  }
0x254: {  	v17 =	vpop (erf)  }
0x255: {  	v18 =	vor.u32 $0x2, v13;
	v12 =	vmul.f32 v17, v12;
	_ =	sdelay $0x1  }
0x256: {  	v14 =	vmul.f32 v17, v14;
	[tilespmem:v13+s13+$0x0] =	vst.idx.msk $0xffff, v12  }
0x257: {  	[tilespmem:v15+s12+$0x0] =	vst.idx.msk $0xffff, v11  }
0x258: {  	v11 =	vmul.f32 v17, v16;
	[tilespmem:v15+s13+$0x0] =	vst.idx.msk $0xffff, v14  }
0x259: {  	[tilespmem:v18+s12+$0x0] =	vst.idx.msk $0xffff, v10  }
0x25a: {  	[tilespmem:v18+s13+$0x0] =	vst.idx.msk $0xffff, v11  }
0x25b: {  	_ =	swait.ge [sflag:s11], $0x80  }
0x25c: {  	[sflag:s11] =	ssyncset.done $0x0  }
0x25d: {  	[sflag:s11] =	ssyncadd.s32 $0xFFFFFF80  }
0x25e: {  	_ =	swait.ge [sflag:s11], $0x80  }
0x25f: {  	[sflag:s11] =	ssyncset.done $0x0  }
0x260: {  	[sflag:s11] =	ssyncadd.s32 $0xFFFFFF80  }
0x261: {  	_ =	swait.ge [sflag:s11], $0x80  }
0x262: {  	[sflag:s11] =	ssyncset.done $0x0  }
0x263: {  	[sflag:s11] =	ssyncadd.s32 $0xFFFFFF80  }
0x264: {  	_ =	swait.ge [sflag:s11], $0x80  }
0x265: {  	[sflag:s11] =	ssyncset.done $0x0  }
0x266: {  	[sflag:s11] =	ssyncadd.s32 $0xFFFFFF80  }
0x267: {  	_ =	swait.ge [sflag:s11], $0x80  }
0x268: {  	[sflag:s11] =	ssyncset.done $0x0  }
0x269: {  	[sflag:s11] =	ssyncadd.s32 $0xFFFFFF80  }
0x26a: {  	_ =	swait.ge [sflag:s11], $0x80  }
0x26b: {  	[sflag:s11] =	ssyncset.done $0x0  }
0x26c: {  	s16 =	simm.s32 $0x80;
	[sflag:s11] =	ssyncadd.s32 $0xFFFFFF80  }
0x26d: {  	v10 =	vld [tilespmem:s16+$0x4080]  }
0x26e: {  	v11 =	vld [tilespmem:s16+$0x3C00]  }
0x26f: {  	v12 =	vld [tilespmem:s16+$0x3A80]  }
0x270: {  	v13 =	vld [tilespmem:s16+$0x3780]  }
0x271: {  	v14 =	vld [tilespmem:s16+$0x3600]  }
0x272: {  	v43 =	vld [tilespmem:s16+$0x3900]  }
0x273: {  	v45 =	vld [tilespmem:s16+$0x3D80]  }
0x274: {  	v15 =	vld [tilespmem:s16+$0x3F00]  }
0x275: {  	v47 =	vld [tilespmem:s16+$0x4200]  }
0x276: {  	v40 =	vxor.u32 $0x80000000, v11;
	v41 =	vxor.u32 $0x80000000, v12  }
0x277: {  	v42 =	vxor.u32 $0x80000000, v13;
	v19 =	vxor.u32 $0x80000000, v14;
	v22 =	vxor.u32 $0x80000000, v43  }
0x278: {  	v25 =	vxor.u32 $0x80000000, v45;
	vm0 =	vge.f32 v40, v10;
	vm1 =	vge.f32 v42, v40  }
0x279: {  	vm2 =	vge.f32 v19, v41;
	vm3 =	vge.f32 v19, v15;
	vm4 =	vge.f32 v42, v10  }
0x27a: {  	vm5 =	vge.f32 v41, v15;
	vm13 =	vge.f32 v25, v47;
	vm2 =	vmand vm2, vm3  }
0x27b: {  	vm14 =	vge.f32 v22, v25;
	vm1 =	vmand vm1, vm4;
	vm3 =	vmneg vm2  }
0x27c: {  	v44 =	vnsel vm2, $0x0, v1;
	vm4 =	vmor vm0, vm1;
	vm2 =	vmor vm5, vm2  }
0x27d: {  	vm9 =	vmneg vm1;
	v49 =	vnsel vm1, $0x0, v2;
	vm3 =	vmand vm5, vm3  }
0x27e: {  	v14 =	vsub.f32 v14, v44;
	v20 =	vsel vm2, $0x0, v1;
	vm0 =	vmand vm0, vm9  }
0x27f: {  	v48 =	vsel vm4, $0x0, v2;
	v13 =	vsub.f32 v13, v49;
	v46 =	vnsel vm3, $0x0, v1  }
0x280: {  	v20 =	vadd.f32 v20, v15;
	v21 =	vnsel vm0, $0x0, v2;
	v12 =	vsub.f32 v12, v46  }
0x281: {  	vm9 =	vge.f32 v22, v47;
	v17 =	vadd.f32 v48, v10;
	v11 =	vsub.f32 v11, v21  }
0x282: {  	v23 =	vxor.u32 $0x80000000, v14;
	v57 =	vxor.u32 $0x80000000, v13;
	v24 =	vxor.u32 $0x80000000, v12  }
0x283: {  	vm12 =	vge.f32 v23, v20;
	v53 =	vxor.u32 $0x80000000, v11;
	vm10 =	vge.f32 v23, v24  }
0x284: {  	vm11 =	vge.f32 v24, v20;
	vm0 =	vmand vm12, vm10;
	vm10 =	vge.f32 v57, v53  }
0x285: {  	vm15 =	vmneg vm0;
	vm8 =	vmor vm11, vm0;
	v50 =	vnsel vm0, $0x0, v4  }
0x286: {  	vm0 =	vmand vm14, vm9;
	vm2 =	vmand vm11, vm15;
	v51 =	vsel vm8, $0x0, v4  }
0x287: {  	vm1 =	vmneg vm0;
	v26 =	vnsel vm0, $0x0, v3;
	vm0 =	vmor vm13, vm0  }
0x288: {  	v14 =	vsub.f32 v50, v14;
	vm11 =	vge.f32 v57, v17;
	v52 =	vnsel vm2, $0x0, v4  }
0x289: {  	vm1 =	vmand vm13, vm1;
	v20 =	vadd.f32 v51, v20;
	v16 =	vsub.f32 v43, v26  }
0x28a: {  	v55 =	vsel vm0, $0x0, v3;
	vm0 =	vmand vm11, vm10;
	v12 =	vsub.f32 v52, v12  }
0x28b: {  	v54 =	vnsel vm1, $0x0, v3;
	v56 =	vadd.f32 v55, v47;
	vm1 =	vge.f32 v53, v17  }
0x28c: {  	vm14 =	vmneg vm0;
	v18 =	vsub.f32 v45, v54;
	vm12 =	vge.f32 v14, v20  }
0x28d: {  	vm7 =	vmor vm1, vm0;
	vm1 =	vmand vm1, vm14;
	vm2 =	vge.f32 v14, v12  }
0x28e: {  	v14 =	vxor.u32 $0x80000000, v16;
	vm13 =	vmneg vm12;
	vm6 =	vge.f32 v12, v20  }
0x28f: {  	v12 =	vnsel vm1, $0x0, v5;
	v59 =	vsel vm7, $0x0, v5;
	v58 =	vxor.u32 $0x80000000, v18  }
0x290: {  	vm6 =	vmneg vm6;
	vm9 =	vge.f32 v14, v56;
	vm2 =	vmneg vm2  }
0x291: {  	v11 =	vsub.f32 v12, v11;
	v12 =	vnsel vm0, $0x0, v5;
	v17 =	vadd.f32 v59, v17  }
0x292: {  	vm15 =	vge.f32 v14, v58;
	vm8 =	vge.f32 v58, v56;
	vm2 =	vmor vm2, vm13  }
0x293: {  	v12 =	vsub.f32 v12, v13;
	vm10 =	vmand vm9, vm15;
	vm14 =	vmand vm6, vm2  }
0x294: {  	vm11 =	vmneg vm10;
	v14 =	vnsel vm10, $0x0, v6;
	vm13 =	vmor vm8, vm10  }
0x295: {  	vm15 =	vge.f32 v12, v11;
	vm9 =	vge.f32 v12, v17;
	vm12 =	vmand vm8, vm11  }
0x296: {  	v61 =	vsel vm13, $0x0, v6;
	v14 =	vsub.f32 v14, v16;
	v60 =	vnsel vm12, $0x0, v6  }
0x297: {  	vm8 =	vge.f32 v11, v17;
	v62 =	vadd.f32 v61, v56;
	v13 =	vsub.f32 v60, v18  }
0x298: {  	vm3 =	vmneg vm9;
	vm1 =	vmneg vm15;
	vm2 =	vmneg vm8  }
0x299: {  	v11 =	vld [tilespmem:s16+$0x3000];
	vm1 =	vmor vm1, vm3;
	vm11 =	vge.f32 v14, v62;
	vm10 =	vge.f32 v14, v13  }
0x29a: {  	vm5 =	vmneg vm11;
	vm12 =	vge.f32 v13, v62;
	vm4 =	vmneg vm10  }
0x29b: {  	vm1 =	vmand vm2, vm1;
	vm13 =	vmneg vm12;
	vm4 =	vmor vm4, vm5  }
0x29c: {  	v12 =	vnsel vm14, $0x0, v7;
	v13 =	vnsel vm1, $0x0, v8;
	vm14 =	vmand vm13, vm4  }
0x29d: {  	v12 =	vadd.f32 v12, v20;
	v13 =	vadd.f32 v13, v17;
	v14 =	vnsel vm14, $0x0, v9  }
0x29e: {  	vm15 =	vgt.s32 v11, $0xFFFFFFFF;
	v14 =	vadd.f32 v14, v62  }
0x29f: {  	v12 =	vsel vm15, v12, v15;
	v11 =	vsel vm15, v13, v10  }
0x2a0: {  	s16 =	simm.s32 $0x80;
	v13 =	vmax.f32 v12, v11;
	v10 =	vsel vm15, v14, v47  }
0x2a1: {  	v14 =	vmov s16;
	v15 =	vmax.f32 v13, v10  }
0x2a2: {  	v13 =	vshll.u32 v14, $0x7;
	v14 =	vsub.f32 v12, v15  }
0x2a3: {  	v63 =	vsub.f32 v11, v15  }
0x2a4: {  	v13 =	vor.u32 v0, v13;
	v14 =	vmul.f32 $1.442695020e+00, v14  }
0x2a5: {  	v15 =	vsub.f32 v10, v15;
	v16 =	vmul.f32 $1.442695020e+00, v63  }
0x2a6: {  	(erf) = vpow2.f32 v14  }
0x2a7: {  	v15 =	vmul.f32 $1.442695020e+00, v15;
	(erf) = vpow2.f32 v16;
	_ =	sdelay $0x1  }
0x2a8: {  	s17 =	simm.s32 $0x240;
	[tilespmem:v13+s12+$0x0] =	vst.idx.msk $0xffff, v12;
	(erf) = vpow2.f32 v15  }
.LBB2_6:
0x2a9: {  	_ =	sdelay $0x1  }
0x2aa: {  	p0 =	sne.s32 s17, $0x3C0  }
0x2ab: {  	s16 =	sadd.s32 $0x10, s16;
	s18 =	smov.u32 s17;
	s17 =	sadd.s32 $0x40, s17  }
0x2ac: {  	_ = 	snop  }
0x2ad: {  	v12 =	vpop (erf)  }
0x2ae: {  	v14 =	vpop (erf)  }
0x2af: {  	v15 =	vadd.f32 v14, v12  }
0x2b0: {  	v16 =	vpop (erf)  }
0x2b1: {  	v15 =	vadd.f32 v15, v16;
	_ =	sdelay $0x1  }
0x2b2: {  	(erf) = vrcp.f32 v15;
	_ =	sdelay $0x7  }
0x2b3: {  	v15 =	vor.u32 $0x1, v13  }
0x2b4: {  	v17 =	vpop (erf)  }
0x2b5: {  	v18 =	vor.u32 $0x2, v13;
	v12 =	vmul.f32 v17, v12;
	v14 =	vmul.f32 v17, v14  }
0x2b6: {  	v16 =	vmul.f32 v17, v16  }
0x2b7: {  	[tilespmem:v13+s13+$0x0] =	vst.idx.msk $0xffff, v12  }
0x2b8: {  	[tilespmem:v15+s12+$0x0] =	vst.idx.msk $0xffff, v11  }
0x2b9: {  	[tilespmem:v15+s13+$0x0] =	vst.idx.msk $0xffff, v14  }
0x2ba: {  	s18 =	sshra.s32 s18, $0x2;
	[tilespmem:v18+s12+$0x0] =	vst.idx.msk $0xffff, v10  }
0x2bb: {  	[tilespmem:v18+s13+$0x0] =	vst.idx.msk $0xffff, v16  }
0x2bc: {  	v10 =	vld [tilespmem:s18+$0x4080]  }
0x2bd: {  	v13 =	vld [tilespmem:s18+$0x3C00]  }
0x2be: {  	v14 =	vld [tilespmem:s18+$0x3A80]  }
0x2bf: {  	v15 =	vld [tilespmem:s18+$0x3780]  }
0x2c0: {  	v12 =	vld [tilespmem:s18+$0x3600]  }
0x2c1: {  	v11 =	vld [tilespmem:s18+$0x3F00];
	_ =	sdelay $0x1  }
0x2c2: {  	v16 =	vxor.u32 $0x80000000, v13  }
0x2c3: {  	v17 =	vxor.u32 $0x80000000, v14;
	vm0 =	vge.f32 v16, v10;
	v18 =	vxor.u32 $0x80000000, v15  }
0x2c4: {  	v19 =	vxor.u32 $0x80000000, v12;
	vm1 =	vge.f32 v18, v16;
	vm2 =	vge.f32 v18, v10  }
0x2c5: {  	vm3 =	vge.f32 v19, v17;
	vm4 =	vge.f32 v19, v11;
	vm5 =	vge.f32 v17, v11  }
0x2c6: {  	v16 =	vmov s16;
	vm1 =	vmand vm1, vm2;
	v17 =	vld [tilespmem:s18+$0x3900];
	vm3 =	vmand vm3, vm4  }
0x2c7: {  	vm4 =	vmor vm0, vm1;
	v18 =	vld [tilespmem:s18+$0x3D80];
	vm2 =	vmneg vm3;
	v19 =	vnsel vm3, $0x0, v1  }
0x2c8: {  	vm3 =	vmor vm5, vm3;
	vm2 =	vmand vm5, vm2;
	v19 =	vsub.f32 v12, v19  }
0x2c9: {  	v21 =	vsel vm3, $0x0, v1;
	v12 =	vld [tilespmem:s18+$0x4200];
	v20 =	vnsel vm2, $0x0, v1;
	vm2 =	vmneg vm1  }
0x2ca: {  	v14 =	vsub.f32 v14, v20;
	vm0 =	vmand vm0, vm2;
	v20 =	vsel vm4, $0x0, v2  }
0x2cb: {  	v21 =	vadd.f32 v21, v11;
	v22 =	vnsel vm0, $0x0, v2;
	v23 =	vxor.u32 $0x80000000, v17  }
0x2cc: {  	v25 =	vxor.u32 $0x80000000, v19;
	v24 =	vxor.u32 $0x80000000, v18;
	v26 =	vxor.u32 $0x80000000, v14  }
0x2cd: {  	v13 =	vsub.f32 v13, v22;
	vm0 =	vge.f32 v25, v26;
	vm2 =	vge.f32 v26, v21  }
0x2ce: {  	vm3 =	vge.f32 v25, v21;
	v22 =	vnsel vm1, $0x0, v2;
	vm1 =	vge.f32 v24, v12  }
0x2cf: {  	v20 =	vadd.f32 v20, v10;
	vm4 =	vge.f32 v23, v24;
	vm0 =	vmand vm3, vm0  }
0x2d0: {  	vm3 =	vmneg vm0;
	vm5 =	vmor vm2, vm0;
	v24 =	vnsel vm0, $0x0, v4  }
0x2d1: {  	vm0 =	vge.f32 v23, v12;
	vm2 =	vmand vm2, vm3;
	v23 =	vsel vm5, $0x0, v4  }
0x2d2: {  	v26 =	vxor.u32 $0x80000000, v13;
	vm0 =	vmand vm4, vm0;
	v25 =	vnsel vm2, $0x0, v4  }
0x2d3: {  	vm2 =	vmneg vm0;
	v27 =	vnsel vm0, $0x0, v3;
	v14 =	vsub.f32 v25, v14  }
0x2d4: {  	vm0 =	vmor vm1, vm0;
	v21 =	vadd.f32 v23, v21;
	vm2 =	vmand vm1, vm2  }
0x2d5: {  	v16 =	vshll.u32 v16, $0x7;
	v15 =	vsub.f32 v15, v22;
	v17 =	vsub.f32 v17, v27  }
0x2d6: {  	v19 =	vsub.f32 v24, v19;
	v23 =	vsel vm0, $0x0, v3;
	v22 =	vnsel vm2, $0x0, v3  }
0x2d7: {  	v18 =	vsub.f32 v18, v22;
	v22 =	vadd.f32 v23, v12;
	v23 =	vxor.u32 $0x80000000, v15  }
0x2d8: {  	vm1 =	vge.f32 v26, v20;
	vm2 =	vge.f32 v19, v14;
	vm0 =	vge.f32 v23, v26  }
0x2d9: {  	vm4 =	vge.f32 v19, v21;
	vm3 =	vge.f32 v23, v20;
	v23 =	vxor.u32 $0x80000000, v18  }
0x2da: {  	v19 =	vxor.u32 $0x80000000, v17;
	vm0 =	vmand vm3, vm0;
	vm3 =	vmneg vm4  }
0x2db: {  	vm6 =	vge.f32 v14, v21;
	vm4 =	vmneg vm0;
	vm5 =	vge.f32 v19, v23  }
0x2dc: {  	vm6 =	vmneg vm6;
	vm7 =	vmor vm1, vm0;
	vm8 =	vge.f32 v23, v22  }
0x2dd: {  	vm2 =	vmneg vm2;
	vm1 =	vmand vm1, vm4;
	vm4 =	vge.f32 v19, v22  }
0x2de: {  	vm2 =	vmor vm2, vm3;
	v14 =	vnsel vm1, $0x0, v5;
	vm1 =	vmand vm4, vm5  }
0x2df: {  	vm3 =	vmneg vm1;
	v19 =	vnsel vm1, $0x0, v6;
	v14 =	vsub.f32 v14, v13  }
0x2e0: {  	v23 =	vsel vm7, $0x0, v5;
	v13 =	vnsel vm0, $0x0, v5;
	vm0 =	vmand vm8, vm3  }
0x2e1: {  	v20 =	vadd.f32 v23, v20;
	v23 =	vnsel vm0, $0x0, v6;
	vm0 =	vmand vm6, vm2  }
0x2e2: {  	vm1 =	vmor vm8, vm1;
	v15 =	vsub.f32 v13, v15;
	v18 =	vsub.f32 v23, v18  }
0x2e3: {  	v17 =	vsub.f32 v19, v17;
	v13 =	vor.u32 v0, v16;
	v23 =	vsel vm1, $0x0, v6  }
0x2e4: {  	vm2 =	vge.f32 v14, v20;
	vm1 =	vge.f32 v15, v14;
	v16 =	vadd.f32 v23, v22  }
0x2e5: {  	vm3 =	vge.f32 v15, v20;
	vm2 =	vmneg vm2;
	vm4 =	vge.f32 v17, v18  }
0x2e6: {  	vm3 =	vmneg vm3;
	vm4 =	vmneg vm4;
	vm5 =	vge.f32 v17, v16  }
0x2e7: {  	v15 =	vnsel vm0, $0x0, v7;
	vm0 =	vmneg vm1;
	vm1 =	vmneg vm5;
	v14 =	vld [tilespmem:s18+$0x3000]  }
0x2e8: {  	vm0 =	vmor vm0, vm3;
	vm3 =	vge.f32 v18, v16;
	vm1 =	vmor vm4, vm1  }
0x2e9: {  	v15 =	vadd.f32 v15, v21;
	vm0 =	vmand vm2, vm0;
	vm2 =	vmneg vm3  }
0x2ea: {  	v17 =	vnsel vm0, $0x0, v8;
	vm0 =	vmand vm2, vm1  }
0x2eb: {  	v17 =	vadd.f32 v17, v20;
	v18 =	vnsel vm0, $0x0, v9  }
0x2ec: {  	vm0 =	vgt.s32 v14, $0xFFFFFFFF;
	v14 =	vadd.f32 v18, v16  }
0x2ed: {  	v15 =	vsel vm0, v15, v11;
	v11 =	vsel vm0, v17, v10  }
0x2ee: {  	v10 =	vsel vm0, v14, v12;
	v12 =	vmax.f32 v15, v11;
	[tilespmem:v13+s12+$0x0] =	vst.idx.msk $0xffff, v15  }
0x2ef: {  	v12 =	vmax.f32 v12, v10  }
0x2f0: {  	v14 =	vsub.f32 v15, v12;
	v15 =	vsub.f32 v11, v12  }
0x2f1: {  	v12 =	vsub.f32 v10, v12  }
0x2f2: {  	v14 =	vmul.f32 $1.442695020e+00, v14;
	v15 =	vmul.f32 $1.442695020e+00, v15  }
.Ltmp2:
0x2f3: {  	v12 =	vmul.f32 $1.442695020e+00, v12;
	(pc) =	sbr.rel @p0 .LBB2_6-.Ltmp2, $3  }
0x2f4: {  	(erf) = vpow2.f32 v14  }
0x2f5: {  	(erf) = vpow2.f32 v15;
	_ =	sdelay $0x1  }
0x2f6: {  	(erf) = vpow2.f32 v12  }
0x2f7: {  	_ =	sdelay $0x4  }
0x2f8: {  	v12 =	vpop (erf)  }
0x2f9: {  	v14 =	vpop (erf)  }
0x2fa: {  	v15 =	vadd.f32 v14, v12  }
0x2fb: {  	v16 =	vpop (erf)  }
0x2fc: {  	v15 =	vadd.f32 v15, v16;
	_ =	sdelay $0x1  }
0x2fd: {  	(erf) = vrcp.f32 v15;
	_ =	sdelay $0x7  }
0x2fe: {  	v15 =	vor.u32 $0x1, v13  }
0x2ff: {  	v17 =	vpop (erf)  }
0x300: {  	v18 =	vor.u32 $0x2, v13;
	v12 =	vmul.f32 v17, v12;
	_ =	sdelay $0x1  }
0x301: {  	v14 =	vmul.f32 v17, v14;
	[tilespmem:v13+s13+$0x0] =	vst.idx.msk $0xffff, v12  }
0x302: {  	[tilespmem:v15+s12+$0x0] =	vst.idx.msk $0xffff, v11  }
0x303: {  	v11 =	vmul.f32 v17, v16;
	[tilespmem:v15+s13+$0x0] =	vst.idx.msk $0xffff, v14  }
0x304: {  	[tilespmem:v18+s12+$0x0] =	vst.idx.msk $0xffff, v10  }
0x305: {  	[tilespmem:v18+s13+$0x0] =	vst.idx.msk $0xffff, v11  }
0x306: {  	_ =	swait.ge [sflag:s11], $0x80  }
0x307: {  	[sflag:s11] =	ssyncset.done $0x0  }
0x308: {  	[sflag:s11] =	ssyncadd.s32 $0xFFFFFF80  }
0x309: {  	_ =	swait.ge [sflag:s11], $0x80  }
0x30a: {  	[sflag:s11] =	ssyncset.done $0x0  }
0x30b: {  	[sflag:s11] =	ssyncadd.s32 $0xFFFFFF80  }
0x30c: {  	_ =	swait.ge [sflag:s11], $0x80  }
0x30d: {  	[sflag:s11] =	ssyncset.done $0x0  }
0x30e: {  	[sflag:s11] =	ssyncadd.s32 $0xFFFFFF80  }
0x30f: {  	_ =	swait.ge [sflag:s11], $0x80  }
0x310: {  	[sflag:s11] =	ssyncset.done $0x0  }
0x311: {  	[sflag:s11] =	ssyncadd.s32 $0xFFFFFF80  }
0x312: {  	_ =	swait.ge [sflag:s11], $0x80  }
0x313: {  	[sflag:s11] =	ssyncset.done $0x0  }
0x314: {  	[sflag:s11] =	ssyncadd.s32 $0xFFFFFF80  }
0x315: {  	_ =	swait.ge [sflag:s11], $0x80  }
0x316: {  	[sflag:s11] =	ssyncset.done $0x0  }
0x317: {  	s16 =	simm.s32 $0x100;
	[sflag:s11] =	ssyncadd.s32 $0xFFFFFF80  }
0x318: {  	v10 =	vld [tilespmem:s16+$0x4080]  }
0x319: {  	v11 =	vld [tilespmem:s16+$0x3C00]  }
0x31a: {  	v12 =	vld [tilespmem:s16+$0x3A80]  }
0x31b: {  	v13 =	vld [tilespmem:s16+$0x3780]  }
0x31c: {  	v14 =	vld [tilespmem:s16+$0x3600]  }
0x31d: {  	v43 =	vld [tilespmem:s16+$0x3900]  }
0x31e: {  	v45 =	vld [tilespmem:s16+$0x3D80]  }
0x31f: {  	v15 =	vld [tilespmem:s16+$0x3F00]  }
0x320: {  	v47 =	vld [tilespmem:s16+$0x4200]  }
0x321: {  	v40 =	vxor.u32 $0x80000000, v11;
	v41 =	vxor.u32 $0x80000000, v12  }
0x322: {  	v42 =	vxor.u32 $0x80000000, v13;
	v19 =	vxor.u32 $0x80000000, v14;
	v22 =	vxor.u32 $0x80000000, v43  }
0x323: {  	v25 =	vxor.u32 $0x80000000, v45;
	vm0 =	vge.f32 v40, v10;
	vm1 =	vge.f32 v42, v40  }
0x324: {  	vm2 =	vge.f32 v19, v41;
	vm3 =	vge.f32 v19, v15;
	vm4 =	vge.f32 v42, v10  }
0x325: {  	vm5 =	vge.f32 v41, v15;
	vm13 =	vge.f32 v25, v47;
	vm2 =	vmand vm2, vm3  }
0x326: {  	vm14 =	vge.f32 v22, v25;
	vm1 =	vmand vm1, vm4;
	vm3 =	vmneg vm2  }
0x327: {  	v44 =	vnsel vm2, $0x0, v1;
	vm4 =	vmor vm0, vm1;
	vm2 =	vmor vm5, vm2  }
0x328: {  	vm9 =	vmneg vm1;
	v49 =	vnsel vm1, $0x0, v2;
	vm3 =	vmand vm5, vm3  }
0x329: {  	v14 =	vsub.f32 v14, v44;
	v20 =	vsel vm2, $0x0, v1;
	vm0 =	vmand vm0, vm9  }
0x32a: {  	v48 =	vsel vm4, $0x0, v2;
	v13 =	vsub.f32 v13, v49;
	v46 =	vnsel vm3, $0x0, v1  }
0x32b: {  	v20 =	vadd.f32 v20, v15;
	v21 =	vnsel vm0, $0x0, v2;
	v12 =	vsub.f32 v12, v46  }
0x32c: {  	vm9 =	vge.f32 v22, v47;
	v17 =	vadd.f32 v48, v10;
	v11 =	vsub.f32 v11, v21  }
0x32d: {  	v23 =	vxor.u32 $0x80000000, v14;
	v57 =	vxor.u32 $0x80000000, v13;
	v24 =	vxor.u32 $0x80000000, v12  }
0x32e: {  	vm12 =	vge.f32 v23, v20;
	v53 =	vxor.u32 $0x80000000, v11;
	vm10 =	vge.f32 v23, v24  }
0x32f: {  	vm11 =	vge.f32 v24, v20;
	vm0 =	vmand vm12, vm10;
	vm10 =	vge.f32 v57, v53  }
0x330: {  	vm15 =	vmneg vm0;
	vm8 =	vmor vm11, vm0;
	v50 =	vnsel vm0, $0x0, v4  }
0x331: {  	vm0 =	vmand vm14, vm9;
	vm2 =	vmand vm11, vm15;
	v51 =	vsel vm8, $0x0, v4  }
0x332: {  	vm1 =	vmneg vm0;
	v26 =	vnsel vm0, $0x0, v3;
	vm0 =	vmor vm13, vm0  }
0x333: {  	v14 =	vsub.f32 v50, v14;
	vm11 =	vge.f32 v57, v17;
	v52 =	vnsel vm2, $0x0, v4  }
0x334: {  	vm1 =	vmand vm13, vm1;
	v20 =	vadd.f32 v51, v20;
	v16 =	vsub.f32 v43, v26  }
0x335: {  	v55 =	vsel vm0, $0x0, v3;
	vm0 =	vmand vm11, vm10;
	v12 =	vsub.f32 v52, v12  }
0x336: {  	v54 =	vnsel vm1, $0x0, v3;
	v56 =	vadd.f32 v55, v47;
	vm1 =	vge.f32 v53, v17  }
0x337: {  	vm14 =	vmneg vm0;
	v18 =	vsub.f32 v45, v54;
	vm12 =	vge.f32 v14, v20  }
0x338: {  	vm7 =	vmor vm1, vm0;
	vm1 =	vmand vm1, vm14;
	vm2 =	vge.f32 v14, v12  }
0x339: {  	v14 =	vxor.u32 $0x80000000, v16;
	vm13 =	vmneg vm12;
	vm6 =	vge.f32 v12, v20  }
0x33a: {  	v12 =	vnsel vm1, $0x0, v5;
	v59 =	vsel vm7, $0x0, v5;
	v58 =	vxor.u32 $0x80000000, v18  }
0x33b: {  	vm6 =	vmneg vm6;
	vm9 =	vge.f32 v14, v56;
	vm2 =	vmneg vm2  }
0x33c: {  	v11 =	vsub.f32 v12, v11;
	v12 =	vnsel vm0, $0x0, v5;
	v17 =	vadd.f32 v59, v17  }
0x33d: {  	vm15 =	vge.f32 v14, v58;
	vm8 =	vge.f32 v58, v56;
	vm2 =	vmor vm2, vm13  }
0x33e: {  	v12 =	vsub.f32 v12, v13;
	vm10 =	vmand vm9, vm15;
	vm14 =	vmand vm6, vm2  }
0x33f: {  	vm11 =	vmneg vm10;
	v14 =	vnsel vm10, $0x0, v6;
	vm13 =	vmor vm8, vm10  }
0x340: {  	vm15 =	vge.f32 v12, v11;
	vm9 =	vge.f32 v12, v17;
	vm12 =	vmand vm8, vm11  }
0x341: {  	v61 =	vsel vm13, $0x0, v6;
	v14 =	vsub.f32 v14, v16;
	v60 =	vnsel vm12, $0x0, v6  }
0x342: {  	vm8 =	vge.f32 v11, v17;
	v62 =	vadd.f32 v61, v56;
	v13 =	vsub.f32 v60, v18  }
0x343: {  	vm3 =	vmneg vm9;
	vm1 =	vmneg vm15;
	vm2 =	vmneg vm8  }
0x344: {  	v11 =	vld [tilespmem:s16+$0x3000];
	vm1 =	vmor vm1, vm3;
	vm11 =	vge.f32 v14, v62;
	vm10 =	vge.f32 v14, v13  }
0x345: {  	vm5 =	vmneg vm11;
	vm12 =	vge.f32 v13, v62;
	vm4 =	vmneg vm10  }
0x346: {  	vm1 =	vmand vm2, vm1;
	vm13 =	vmneg vm12;
	vm4 =	vmor vm4, vm5  }
0x347: {  	v12 =	vnsel vm14, $0x0, v7;
	v13 =	vnsel vm1, $0x0, v8;
	vm14 =	vmand vm13, vm4  }
0x348: {  	v12 =	vadd.f32 v12, v20;
	v13 =	vadd.f32 v13, v17;
	v14 =	vnsel vm14, $0x0, v9  }
0x349: {  	vm15 =	vgt.s32 v11, $0xFFFFFFFF;
	v14 =	vadd.f32 v14, v62  }
0x34a: {  	v12 =	vsel vm15, v12, v15;
	v11 =	vsel vm15, v13, v10  }
0x34b: {  	s16 =	simm.s32 $0x100;
	v13 =	vmax.f32 v12, v11;
	v10 =	vsel vm15, v14, v47  }
0x34c: {  	v14 =	vmov s16;
	v15 =	vmax.f32 v13, v10  }
0x34d: {  	v13 =	vshll.u32 v14, $0x7;
	v14 =	vsub.f32 v12, v15  }
0x34e: {  	v63 =	vsub.f32 v11, v15  }
0x34f: {  	v13 =	vor.u32 v0, v13;
	v14 =	vmul.f32 $1.442695020e+00, v14  }
0x350: {  	v15 =	vsub.f32 v10, v15;
	v16 =	vmul.f32 $1.442695020e+00, v63  }
0x351: {  	(erf) = vpow2.f32 v14  }
0x352: {  	v15 =	vmul.f32 $1.442695020e+00, v15;
	(erf) = vpow2.f32 v16;
	_ =	sdelay $0x1  }
0x353: {  	s17 =	simm.s32 $0x440;
	[tilespmem:v13+s12+$0x0] =	vst.idx.msk $0xffff, v12;
	(erf) = vpow2.f32 v15  }
.LBB2_8:
0x354: {  	_ =	sdelay $0x1  }
0x355: {  	p0 =	sne.s32 s17, $0x5C0  }
0x356: {  	s16 =	sadd.s32 $0x10, s16;
	s18 =	smov.u32 s17;
	s17 =	sadd.s32 $0x40, s17  }
0x357: {  	_ = 	snop  }
0x358: {  	v12 =	vpop (erf)  }
0x359: {  	v14 =	vpop (erf)  }
0x35a: {  	v15 =	vadd.f32 v14, v12  }
0x35b: {  	v16 =	vpop (erf)  }
0x35c: {  	v15 =	vadd.f32 v15, v16;
	_ =	sdelay $0x1  }
0x35d: {  	(erf) = vrcp.f32 v15;
	_ =	sdelay $0x7  }
0x35e: {  	v15 =	vor.u32 $0x1, v13  }
0x35f: {  	v17 =	vpop (erf)  }
0x360: {  	v18 =	vor.u32 $0x2, v13;
	v12 =	vmul.f32 v17, v12;
	v14 =	vmul.f32 v17, v14  }
0x361: {  	v16 =	vmul.f32 v17, v16  }
0x362: {  	[tilespmem:v13+s13+$0x0] =	vst.idx.msk $0xffff, v12  }
0x363: {  	[tilespmem:v15+s12+$0x0] =	vst.idx.msk $0xffff, v11  }
0x364: {  	[tilespmem:v15+s13+$0x0] =	vst.idx.msk $0xffff, v14  }
0x365: {  	s18 =	sshra.s32 s18, $0x2;
	[tilespmem:v18+s12+$0x0] =	vst.idx.msk $0xffff, v10  }
0x366: {  	[tilespmem:v18+s13+$0x0] =	vst.idx.msk $0xffff, v16  }
0x367: {  	v10 =	vld [tilespmem:s18+$0x4080]  }
0x368: {  	v13 =	vld [tilespmem:s18+$0x3C00]  }
0x369: {  	v14 =	vld [tilespmem:s18+$0x3A80]  }
0x36a: {  	v15 =	vld [tilespmem:s18+$0x3780]  }
0x36b: {  	v12 =	vld [tilespmem:s18+$0x3600]  }
0x36c: {  	v11 =	vld [tilespmem:s18+$0x3F00];
	_ =	sdelay $0x1  }
0x36d: {  	v16 =	vxor.u32 $0x80000000, v13  }
0x36e: {  	v17 =	vxor.u32 $0x80000000, v14;
	vm0 =	vge.f32 v16, v10;
	v18 =	vxor.u32 $0x80000000, v15  }
0x36f: {  	v19 =	vxor.u32 $0x80000000, v12;
	vm1 =	vge.f32 v18, v16;
	vm2 =	vge.f32 v18, v10  }
0x370: {  	vm3 =	vge.f32 v19, v17;
	vm4 =	vge.f32 v19, v11;
	vm5 =	vge.f32 v17, v11  }
0x371: {  	v16 =	vmov s16;
	vm1 =	vmand vm1, vm2;
	v17 =	vld [tilespmem:s18+$0x3900];
	vm3 =	vmand vm3, vm4  }
0x372: {  	vm4 =	vmor vm0, vm1;
	v18 =	vld [tilespmem:s18+$0x3D80];
	vm2 =	vmneg vm3;
	v19 =	vnsel vm3, $0x0, v1  }
0x373: {  	vm3 =	vmor vm5, vm3;
	vm2 =	vmand vm5, vm2;
	v19 =	vsub.f32 v12, v19  }
0x374: {  	v21 =	vsel vm3, $0x0, v1;
	v12 =	vld [tilespmem:s18+$0x4200];
	v20 =	vnsel vm2, $0x0, v1;
	vm2 =	vmneg vm1  }
0x375: {  	v14 =	vsub.f32 v14, v20;
	vm0 =	vmand vm0, vm2;
	v20 =	vsel vm4, $0x0, v2  }
0x376: {  	v21 =	vadd.f32 v21, v11;
	v22 =	vnsel vm0, $0x0, v2;
	v23 =	vxor.u32 $0x80000000, v17  }
0x377: {  	v25 =	vxor.u32 $0x80000000, v19;
	v24 =	vxor.u32 $0x80000000, v18;
	v26 =	vxor.u32 $0x80000000, v14  }
0x378: {  	v13 =	vsub.f32 v13, v22;
	vm0 =	vge.f32 v25, v26;
	vm2 =	vge.f32 v26, v21  }
0x379: {  	vm3 =	vge.f32 v25, v21;
	v22 =	vnsel vm1, $0x0, v2;
	vm1 =	vge.f32 v24, v12  }
0x37a: {  	v20 =	vadd.f32 v20, v10;
	vm4 =	vge.f32 v23, v24;
	vm0 =	vmand vm3, vm0  }
0x37b: {  	vm3 =	vmneg vm0;
	vm5 =	vmor vm2, vm0;
	v24 =	vnsel vm0, $0x0, v4  }
0x37c: {  	vm0 =	vge.f32 v23, v12;
	vm2 =	vmand vm2, vm3;
	v23 =	vsel vm5, $0x0, v4  }
0x37d: {  	v26 =	vxor.u32 $0x80000000, v13;
	vm0 =	vmand vm4, vm0;
	v25 =	vnsel vm2, $0x0, v4  }
0x37e: {  	vm2 =	vmneg vm0;
	v27 =	vnsel vm0, $0x0, v3;
	v14 =	vsub.f32 v25, v14  }
0x37f: {  	vm0 =	vmor vm1, vm0;
	v21 =	vadd.f32 v23, v21;
	vm2 =	vmand vm1, vm2  }
0x380: {  	v16 =	vshll.u32 v16, $0x7;
	v15 =	vsub.f32 v15, v22;
	v17 =	vsub.f32 v17, v27  }
0x381: {  	v19 =	vsub.f32 v24, v19;
	v23 =	vsel vm0, $0x0, v3;
	v22 =	vnsel vm2, $0x0, v3  }
0x382: {  	v18 =	vsub.f32 v18, v22;
	v22 =	vadd.f32 v23, v12;
	v23 =	vxor.u32 $0x80000000, v15  }
0x383: {  	vm1 =	vge.f32 v26, v20;
	vm2 =	vge.f32 v19, v14;
	vm0 =	vge.f32 v23, v26  }
0x384: {  	vm4 =	vge.f32 v19, v21;
	vm3 =	vge.f32 v23, v20;
	v23 =	vxor.u32 $0x80000000, v18  }
0x385: {  	v19 =	vxor.u32 $0x80000000, v17;
	vm0 =	vmand vm3, vm0;
	vm3 =	vmneg vm4  }
0x386: {  	vm6 =	vge.f32 v14, v21;
	vm4 =	vmneg vm0;
	vm5 =	vge.f32 v19, v23  }
0x387: {  	vm6 =	vmneg vm6;
	vm7 =	vmor vm1, vm0;
	vm8 =	vge.f32 v23, v22  }
0x388: {  	vm2 =	vmneg vm2;
	vm1 =	vmand vm1, vm4;
	vm4 =	vge.f32 v19, v22  }
0x389: {  	vm2 =	vmor vm2, vm3;
	v14 =	vnsel vm1, $0x0, v5;
	vm1 =	vmand vm4, vm5  }
0x38a: {  	vm3 =	vmneg vm1;
	v19 =	vnsel vm1, $0x0, v6;
	v14 =	vsub.f32 v14, v13  }
0x38b: {  	v23 =	vsel vm7, $0x0, v5;
	v13 =	vnsel vm0, $0x0, v5;
	vm0 =	vmand vm8, vm3  }
0x38c: {  	v20 =	vadd.f32 v23, v20;
	v23 =	vnsel vm0, $0x0, v6;
	vm0 =	vmand vm6, vm2  }
0x38d: {  	vm1 =	vmor vm8, vm1;
	v15 =	vsub.f32 v13, v15;
	v18 =	vsub.f32 v23, v18  }
0x38e: {  	v17 =	vsub.f32 v19, v17;
	v13 =	vor.u32 v0, v16;
	v23 =	vsel vm1, $0x0, v6  }
0x38f: {  	vm2 =	vge.f32 v14, v20;
	vm1 =	vge.f32 v15, v14;
	v16 =	vadd.f32 v23, v22  }
0x390: {  	vm3 =	vge.f32 v15, v20;
	vm2 =	vmneg vm2;
	vm4 =	vge.f32 v17, v18  }
0x391: {  	vm3 =	vmneg vm3;
	vm4 =	vmneg vm4;
	vm5 =	vge.f32 v17, v16  }
0x392: {  	v15 =	vnsel vm0, $0x0, v7;
	vm0 =	vmneg vm1;
	vm1 =	vmneg vm5;
	v14 =	vld [tilespmem:s18+$0x3000]  }
0x393: {  	vm0 =	vmor vm0, vm3;
	vm3 =	vge.f32 v18, v16;
	vm1 =	vmor vm4, vm1  }
0x394: {  	v15 =	vadd.f32 v15, v21;
	vm0 =	vmand vm2, vm0;
	vm2 =	vmneg vm3  }
0x395: {  	v17 =	vnsel vm0, $0x0, v8;
	vm0 =	vmand vm2, vm1  }
0x396: {  	v17 =	vadd.f32 v17, v20;
	v18 =	vnsel vm0, $0x0, v9  }
0x397: {  	vm0 =	vgt.s32 v14, $0xFFFFFFFF;
	v14 =	vadd.f32 v18, v16  }
0x398: {  	v15 =	vsel vm0, v15, v11;
	v11 =	vsel vm0, v17, v10  }
0x399: {  	v10 =	vsel vm0, v14, v12;
	v12 =	vmax.f32 v15, v11;
	[tilespmem:v13+s12+$0x0] =	vst.idx.msk $0xffff, v15  }
0x39a: {  	v12 =	vmax.f32 v12, v10  }
0x39b: {  	v14 =	vsub.f32 v15, v12;
	v15 =	vsub.f32 v11, v12  }
0x39c: {  	v12 =	vsub.f32 v10, v12  }
0x39d: {  	v14 =	vmul.f32 $1.442695020e+00, v14;
	v15 =	vmul.f32 $1.442695020e+00, v15  }
.Ltmp3:
0x39e: {  	v12 =	vmul.f32 $1.442695020e+00, v12;
	(pc) =	sbr.rel @p0 .LBB2_8-.Ltmp3, $3  }
0x39f: {  	(erf) = vpow2.f32 v14  }
0x3a0: {  	(erf) = vpow2.f32 v15;
	_ =	sdelay $0x1  }
0x3a1: {  	(erf) = vpow2.f32 v12  }
0x3a2: {  	_ =	sdelay $0x4  }
0x3a3: {  	v1 =	vpop (erf)  }
0x3a4: {  	v2 =	vpop (erf)  }
0x3a5: {  	v3 =	vadd.f32 v2, v1  }
0x3a6: {  	v4 =	vpop (erf)  }
0x3a7: {  	v3 =	vadd.f32 v3, v4;
	_ =	sdelay $0x1  }
0x3a8: {  	(erf) = vrcp.f32 v3;
	_ =	sdelay $0x7  }
0x3a9: {  	v3 =	vor.u32 $0x1, v13  }
0x3aa: {  	v5 =	vpop (erf)  }
0x3ab: {  	v6 =	vor.u32 $0x2, v13;
	v1 =	vmul.f32 v5, v1;
	_ =	sdelay $0x1  }
0x3ac: {  	v2 =	vmul.f32 v5, v2;
	[tilespmem:v13+s13+$0x0] =	vst.idx.msk $0xffff, v1  }
0x3ad: {  	[tilespmem:v3+s12+$0x0] =	vst.idx.msk $0xffff, v11  }
0x3ae: {  	v1 =	vmul.f32 v5, v4;
	[tilespmem:v3+s13+$0x0] =	vst.idx.msk $0xffff, v2  }
0x3af: {  	[tilespmem:v6+s12+$0x0] =	vst.idx.msk $0xffff, v10  }
0x3b0: {  	s16 =	rddreg [dreg:$0x12];
	[tilespmem:v6+s13+$0x0] =	vst.idx.msk $0xffff, v1  }
0x3b1: {  	[hbm4b:s16+s5] =	stream.linear.scatter [tilespmem:s12], [sflag:$0x4], $0xC000, $0x38;
	[tilespmem:$0x1C400] =	vst v63  }
0x3b2: {  	_ =	swait.ge [sflag:s14], $0xC000  }
0x3b3: {  	[sflag:s14] =	ssyncset.done $0x0  }
0x3b4: {  	s19 =	rddreg [dreg:$0x13];
	[sflag:s14] =	ssyncadd.s32 $0xFFFF4000  }
0x3b5: {  	[hbm4b:s19+s5] =	stream.linear.scatter [tilespmem:s13], [sflag:$0x4], $0xC000, $0x38;
	[tilespmem:$0x1C400] =	vst v63  }
0x3b6: {  	_ =	swait.ge [sflag:s14], $0xC000  }
0x3b7: {  	s15 =	sadd.s32 $0x1, s15;
	s20 =	rddreg [dreg:$0x14]  }
0x3b8: {  	p0 =	sne.s32 s15, s20  }
.Ltmp4:
0x3b9: {  	_ = 	snop;
	(pc) =	sbr.rel @p0 .LBB2_1-.Ltmp4, $3  }
0x3ba: {  	_ =	sdelay $0x1  }
0x3bb: {  	[sflag:s14] =	ssyncset.done $0x0  }
0x3bc: {  	[sflag:s14] =	ssyncadd.s32 $0xFFFF4000  }
0x3bd: {  	_ =	sfence.sel $0x180000  }
0x3be: {  	[bflag:$0x0] =	sbarrier.arrive $0xFFFF  }
0x3bf: {  	_ =	strace $0x9000004A  }
0x3c0: {  	s0 =	stileid.u32;
	[bflag:$0x2] =	sbarrier.arrive $0xFFFF  }
0x3c1: {  	p0 =	sne.s32 s0, $0x0;
	s0 =	rddreg [dreg:$0x4]  }
0x3c2: {  	s0 =	sadd.s32 @!p0 $0x100000, s0  }
0x3c3: {  	[sflag:s0] =	ssyncadd.tile.s32 @!p0 $0x1;
	_ =	shalt  }
.Lfunc_end2:
_tile_overlayer_lowered:
.L_overlay_start_2:
0x3c4: {  	(tag) =	ssettag $0x2  }
0x3c5: {  	s0 =	rddreg [dreg:$0x0];
	s2 =	stileid.u32  }
0x3c6: {  	s1 =	rddreg [dreg:$0x1];
	p0 =	sne.s32 s2, $0x0  }
0x3c7: {  	s3 =	rddreg [dreg:$0x2];
	[bflag:$0x3] =	sbarrier.arrive $0xFFFF;
	s2 =	simm.s32 @!p0 $0x1C04  }
0x3c8: {  	[timem:s3], [sflag:s2] =	dma.local @!p0 [hbm:s0], s1  }
0x3c9: {  	s0 =	simm.s32 @!p0 $0x4  }
0x3ca: {  	_ =	swait.ge @!p0 [sflag:s0], s1  }
0x3cb: {  	s1 =	ssub.s32 @!p0 $0x0, s1;
	[sflag:s0] =	ssyncset.done @!p0 $0x0  }
0x3cc: {  	[sflag:s0] =	ssyncadd.s32 @!p0 s1  }
0x3cd: {  	[bflag:$0x3] =	sbarrier.arrive $0xFFFF  }
0x3ce: {  	_ =	shalt  }

</sc_bundles>
